<compile_context>
chip_gen: v7x
topology: tpu7x:2x2x1
jax: 0.10.2.dev20260603
libtpu: 0.0.44.dev20260713+nightly
codegen_flags: <defaults>
</compile_context>

<pallas_src>
import jax
import jax.numpy as jnp
from jax import lax
from jax.experimental import pallas as pl
from jax.experimental.pallas import tpu as pltpu
from jax.experimental.pallas import tpu_sc as plsc

_EMB = 32
_WIDE = 128
_BATCH = 16384
_NUM_CORES = 2
_NUM_SUBCORES = 16
_LANES = 16
_NW = _NUM_CORES * _NUM_SUBCORES
_BPW = _BATCH // _NW
_ROUND = 32
_NROUNDS = _BPW // _ROUND
_RCHUNKS = _ROUND // _LANES


def _tec_body(h_idx, r_idx, t_idx, time_idx, ent, rel, tim, out,
              hi_v, ri_v, ti_v, mi_v, rr_v, mr_v,
              h_v, t_v, r_v, m_v, o_v, sem):
  wid = lax.axis_index("s") * _NUM_CORES + lax.axis_index("c")
  base = wid * _BPW

  pltpu.sync_copy(h_idx.at[pl.ds(base, _BPW)], hi_v)
  pltpu.sync_copy(r_idx.at[pl.ds(base, _BPW)], ri_v)
  pltpu.sync_copy(t_idx.at[pl.ds(base, _BPW)], ti_v)
  pltpu.sync_copy(time_idx.at[pl.ds(base, _BPW)], mi_v)

  last_lane = lax.iota(jnp.int32, _LANES) == (_LANES - 1)

  def do_round(rnd, carry):
    rbase = rnd * _ROUND

    def prep(c, carry2):
      s = rbase + c * _LANES
      rr_v[pl.ds(c * _LANES, _LANES)] = lax.shift_right_logical(
          ri_v[pl.ds(s, _LANES)], 2)
      mr_v[pl.ds(c * _LANES, _LANES)] = lax.shift_right_logical(
          mi_v[pl.ds(s, _LANES)], 2)
      return carry2

    lax.fori_loop(0, _RCHUNKS, prep, 0)

    c3 = pltpu.async_copy(rel.at[rr_v], r_v, sem)
    c4 = pltpu.async_copy(tim.at[mr_v], m_v, sem)

    cps = []
    for c in range(_RCHUNKS):
      hv = hi_v[pl.ds(rbase + c * _LANES, _LANES)]
      tv = ti_v[pl.ds(rbase + c * _LANES, _LANES)]
      hb = lax.shift_left(lax.shift_right_logical(hv, 3), 3)
      tb = lax.shift_left(lax.shift_right_logical(tv, 3), 3)
      for j in range(_LANES):
        e = c * _LANES + j
        cps.append(pltpu.async_copy(
            ent.at[pl.ds(pl.multiple_of(hb[j], 8), 8), :],
            h_v.at[pl.ds(e * 8, 8), :], sem))
        cps.append(pltpu.async_copy(
            ent.at[pl.ds(pl.multiple_of(tb[j], 8), 8), :],
            t_v.at[pl.ds(e * 8, 8), :], sem))
    for cp in cps:
      cp.wait()
    c3.wait()
    c4.wait()

    def chunk(c, carry2):
      s = rbase + c * _LANES
      hrow = hi_v[pl.ds(s, _LANES)] & 7
      trow = ti_v[pl.ds(s, _LANES)] & 7
      orr = (ri_v[pl.ds(s, _LANES)] & 3) << 5
      om = (mi_v[pl.ds(s, _LANES)] & 3) << 5
      for j in range(_LANES):
        e = c * _LANES + j
        hr = e * 8 + hrow[j]
        tr = e * 8 + trow[j]
        offr = orr[j]
        offm = om[j]
        h0 = h_v[hr, pl.ds(0, _LANES)]
        h1 = h_v[hr, pl.ds(_LANES, _LANES)]
        t0 = t_v[tr, pl.ds(0, _LANES)]
        t1 = t_v[tr, pl.ds(_LANES, _LANES)]
        r0 = r_v[e, pl.ds(offr, _LANES)]
        r1 = r_v[e, pl.ds(offr + _LANES, _LANES)]
        m0 = m_v[e, pl.ds(offm, _LANES)]
        m1 = m_v[e, pl.ds(offm + _LANES, _LANES)]
        sv = (0.0 - jnp.abs(h0 + r0 + m0 - t0)) - jnp.abs(h1 + r1 + m1 - t1)
        cs = plsc.cumsum(sv)
        plsc.store_scatter(
            o_v, [jnp.full((_LANES,), rbase + e, jnp.int32)], cs,
            mask=last_lane)
      return carry2

    lax.fori_loop(0, _RCHUNKS, chunk, 0)
    return carry

  lax.fori_loop(0, _NROUNDS, do_round, 0)
  pltpu.sync_copy(o_v, out.at[pl.ds(base, _BPW)])


_mesh = plsc.VectorSubcoreMesh(
    core_axis_name="c", subcore_axis_name="s",
    num_cores=_NUM_CORES, num_subcores=_NUM_SUBCORES)

_sc_call = pl.kernel(
    _tec_body,
    out_type=jax.ShapeDtypeStruct((_BATCH,), jnp.float32),
    mesh=_mesh,
    compiler_params=pltpu.CompilerParams(needs_layout_passes=False),
    scratch_types=[
        pltpu.VMEM((_BPW,), jnp.int32),
        pltpu.VMEM((_BPW,), jnp.int32),
        pltpu.VMEM((_BPW,), jnp.int32),
        pltpu.VMEM((_BPW,), jnp.int32),
        pltpu.VMEM((_ROUND,), jnp.int32),
        pltpu.VMEM((_ROUND,), jnp.int32),
        pltpu.VMEM((_ROUND * 8, _EMB), jnp.float32),
        pltpu.VMEM((_ROUND * 8, _EMB), jnp.float32),
        pltpu.VMEM((_ROUND, _WIDE), jnp.float32),
        pltpu.VMEM((_ROUND, _WIDE), jnp.float32),
        pltpu.VMEM((_BPW,), jnp.float32),
        pltpu.SemaphoreType.DMA,
    ],
)


@jax.jit
def kernel(h_idx, r_idx, t_idx, time_idx, entity_emb, relation_emb, time_emb):
  rel128 = relation_emb.reshape(250, _WIDE)
  tim128 = jnp.pad(time_emb.reshape(-1), (0, 96)).reshape(92, _WIDE)
  return _sc_call(
      h_idx.astype(jnp.int32), r_idx.astype(jnp.int32),
      t_idx.astype(jnp.int32), time_idx.astype(jnp.int32),
      entity_emb, rel128, tim128)

# --- scband reference (transcript-rebuilt; emitter-appended) ---
"""Pipeline reference for scband-temporal-trans-elite-41781441855720 (READ-ONLY COPY).

The authoritative reference and input builder live on the scoring server;
editing this copy changes nothing except your own understanding.
"""

import jax, jax.numpy as jnp
import numpy as np

NUM_ENTITIES = 1000000
NUM_RELATIONS = 1000
NUM_TIMES = 365
EMB_DIM = 32
BATCH = 16384


def _xavier_uniform(key, shape):
    fan_in, fan_out = shape[0], shape[1]
    bound = float(np.sqrt(6.0 / (fan_in + fan_out)))
    return jax.random.uniform(key, shape, dtype=jnp.float32, minval=-bound, maxval=bound)


def setup_inputs(seed: int = 0) -> dict:
    key = jax.random.key(seed)
    k1, k2, k3, k4, k5, k6, k7 = jax.random.split(key, 7)
    entity_emb = _xavier_uniform(k1, (NUM_ENTITIES, EMB_DIM))
    relation_emb = _xavier_uniform(k2, (NUM_RELATIONS, EMB_DIM))
    time_emb = _xavier_uniform(k3, (NUM_TIMES, EMB_DIM))
    h_idx = jax.random.randint(k4, (BATCH,), 0, NUM_ENTITIES, dtype=jnp.int64 if jax.config.jax_enable_x64 else jnp.int32)
    r_idx = jax.random.randint(k5, (BATCH,), 0, NUM_RELATIONS, dtype=h_idx.dtype)
    t_idx = jax.random.randint(k6, (BATCH,), 0, NUM_ENTITIES, dtype=h_idx.dtype)
    time_idx = jax.random.randint(k7, (BATCH,), 0, NUM_TIMES, dtype=h_idx.dtype)
    return {
        "h_idx": h_idx,
        "r_idx": r_idx,
        "t_idx": t_idx,
        "time_idx": time_idx,
        "entity_emb": entity_emb,
        "relation_emb": relation_emb,
        "time_emb": time_emb,
    }


def reference(h_idx, r_idx, t_idx, time_idx, entity_emb, relation_emb, time_emb):
    # Faithful translation of TemporalTransELite.score_triples
    h = jnp.take(entity_emb, h_idx, axis=0)
    r = jnp.take(relation_emb, r_idx, axis=0)
    tail = jnp.take(entity_emb, t_idx, axis=0)
    time_vec = jnp.take(time_emb, time_idx, axis=0)
    return -jnp.abs(h + r + time_vec - tail).sum(axis=1)

if __name__ == "__main__":
    import jax
    _d = setup_inputs()
    print(jax.jit(kernel)(*tuple(_d.values())))

</pallas_src>

<mosaic_0001>
#map = affine_map<(d0, d1) -> (0)>
#map1 = affine_map<(d0, d1) -> (0, 0)>
module attributes {stable_mosaic.version = 14 : i64} {
  func.func @_tec_body(%arg0: i32, %arg1: i32, %arg2: memref<16384xi32, #tpu.memory_space<hbm>>, %arg3: memref<16384xi32, #tpu.memory_space<hbm>>, %arg4: memref<16384xi32, #tpu.memory_space<hbm>>, %arg5: memref<16384xi32, #tpu.memory_space<hbm>>, %arg6: memref<1000000x32xf32, #tpu.memory_space<hbm>>, %arg7: memref<250x128xf32, #tpu.memory_space<hbm>>, %arg8: memref<92x128xf32, #tpu.memory_space<hbm>>, %arg9: memref<16384xf32, #tpu.memory_space<hbm>>, %arg10: memref<512xi32, #tpu.memory_space<vmem>>, %arg11: memref<512xi32, #tpu.memory_space<vmem>>, %arg12: memref<512xi32, #tpu.memory_space<vmem>>, %arg13: memref<512xi32, #tpu.memory_space<vmem>>, %arg14: memref<32xi32, #tpu.memory_space<vmem>>, %arg15: memref<32xi32, #tpu.memory_space<vmem>>, %arg16: memref<256x32xf32, #tpu.memory_space<vmem>>, %arg17: memref<256x32xf32, #tpu.memory_space<vmem>>, %arg18: memref<32x128xf32, #tpu.memory_space<vmem>>, %arg19: memref<32x128xf32, #tpu.memory_space<vmem>>, %arg20: memref<512xf32, #tpu.memory_space<vmem>>, %arg21: memref<!tpu.dma_semaphore, #tpu.memory_space<semaphore_mem>>) attributes {dimension_semantics = [#tpu.dimension_semantics<core_parallel>, #tpu.dimension_semantics<subcore_parallel>], iteration_bounds = array<i64: 2, 16>, scalar_prefetch = 0 : i64, scratch_operands = 12 : i64, tpu.core_type = #tpu.core_type<sc_vector_subcore>, window_params = [{transform_indices = #map}, {transform_indices = #map}, {transform_indices = #map}, {transform_indices = #map}, {transform_indices = #map1}, {transform_indices = #map1}, {transform_indices = #map1}, {transform_indices = #map}]} {
    %mul3A = arith.constant 2 : i32
    %mul3A_0 = arith.muli %arg1, %mul3A : i32
    %add3A = arith.addi %mul3A_0, %arg0 : i32
    %mul3A_1 = arith.constant 512 : i32
    %mul3A_2 = arith.muli %add3A, %mul3A_1 : i32
    "tpu.region"() ({
      %run_scoped3A = tpu.sem_alloc : memref<!tpu.dma_semaphore, #tpu.memory_space<semaphore_mem>>
      %dma_start3A = tpu.memref_slice %arg2[%mul3A_2] : memref<16384xi32, #tpu.memory_space<hbm>> -> memref<512xi32, #tpu.memory_space<hbm>>
      %dma_start3A_10 = tpu.memref_slice %arg2[%mul3A_2] : memref<16384xi32, #tpu.memory_space<hbm>> -> memref<512xi32, #tpu.memory_space<hbm>>
      tpu.enqueue_dma source(%dma_start3A_10 : memref<512xi32, #tpu.memory_space<hbm>>) target(%arg10 : memref<512xi32, #tpu.memory_space<vmem>>) target_semaphore(%run_scoped3A : memref<!tpu.dma_semaphore, #tpu.memory_space<semaphore_mem>>)
      %dma_wait3A = tpu.memref_slice %arg2[%mul3A_2] : memref<16384xi32, #tpu.memory_space<hbm>> -> memref<512xi32, #tpu.memory_space<hbm>>
      %dma_wait3A_11 = tpu.memref_slice %arg2[%mul3A_2] : memref<16384xi32, #tpu.memory_space<hbm>> -> memref<512xi32, #tpu.memory_space<hbm>>
      tpu.wait_dma2 semaphore(%run_scoped3A : memref<!tpu.dma_semaphore, #tpu.memory_space<semaphore_mem>>) src(%dma_wait3A_11 : memref<512xi32, #tpu.memory_space<hbm>>) dst(%arg10 : memref<512xi32, #tpu.memory_space<vmem>>)
      tpu.yield
    }) : () -> ()
    "tpu.region"() ({
      %run_scoped3A = tpu.sem_alloc : memref<!tpu.dma_semaphore, #tpu.memory_space<semaphore_mem>>
      %dma_start3A = tpu.memref_slice %arg3[%mul3A_2] : memref<16384xi32, #tpu.memory_space<hbm>> -> memref<512xi32, #tpu.memory_space<hbm>>
      %dma_start3A_10 = tpu.memref_slice %arg3[%mul3A_2] : memref<16384xi32, #tpu.memory_space<hbm>> -> memref<512xi32, #tpu.memory_space<hbm>>
      tpu.enqueue_dma source(%dma_start3A_10 : memref<512xi32, #tpu.memory_space<hbm>>) target(%arg11 : memref<512xi32, #tpu.memory_space<vmem>>) target_semaphore(%run_scoped3A : memref<!tpu.dma_semaphore, #tpu.memory_space<semaphore_mem>>)
      %dma_wait3A = tpu.memref_slice %arg3[%mul3A_2] : memref<16384xi32, #tpu.memory_space<hbm>> -> memref<512xi32, #tpu.memory_space<hbm>>
      %dma_wait3A_11 = tpu.memref_slice %arg3[%mul3A_2] : memref<16384xi32, #tpu.memory_space<hbm>> -> memref<512xi32, #tpu.memory_space<hbm>>
      tpu.wait_dma2 semaphore(%run_scoped3A : memref<!tpu.dma_semaphore, #tpu.memory_space<semaphore_mem>>) src(%dma_wait3A_11 : memref<512xi32, #tpu.memory_space<hbm>>) dst(%arg11 : memref<512xi32, #tpu.memory_space<vmem>>)
      tpu.yield
    }) : () -> ()
    "tpu.region"() ({
      %run_scoped3A = tpu.sem_alloc : memref<!tpu.dma_semaphore, #tpu.memory_space<semaphore_mem>>
      %dma_start3A = tpu.memref_slice %arg4[%mul3A_2] : memref<16384xi32, #tpu.memory_space<hbm>> -> memref<512xi32, #tpu.memory_space<hbm>>
      %dma_start3A_10 = tpu.memref_slice %arg4[%mul3A_2] : memref<16384xi32, #tpu.memory_space<hbm>> -> memref<512xi32, #tpu.memory_space<hbm>>
      tpu.enqueue_dma source(%dma_start3A_10 : memref<512xi32, #tpu.memory_space<hbm>>) target(%arg12 : memref<512xi32, #tpu.memory_space<vmem>>) target_semaphore(%run_scoped3A : memref<!tpu.dma_semaphore, #tpu.memory_space<semaphore_mem>>)
      %dma_wait3A = tpu.memref_slice %arg4[%mul3A_2] : memref<16384xi32, #tpu.memory_space<hbm>> -> memref<512xi32, #tpu.memory_space<hbm>>
      %dma_wait3A_11 = tpu.memref_slice %arg4[%mul3A_2] : memref<16384xi32, #tpu.memory_space<hbm>> -> memref<512xi32, #tpu.memory_space<hbm>>
      tpu.wait_dma2 semaphore(%run_scoped3A : memref<!tpu.dma_semaphore, #tpu.memory_space<semaphore_mem>>) src(%dma_wait3A_11 : memref<512xi32, #tpu.memory_space<hbm>>) dst(%arg12 : memref<512xi32, #tpu.memory_space<vmem>>)
      tpu.yield
    }) : () -> ()
    "tpu.region"() ({
      %run_scoped3A = tpu.sem_alloc : memref<!tpu.dma_semaphore, #tpu.memory_space<semaphore_mem>>
      %dma_start3A = tpu.memref_slice %arg5[%mul3A_2] : memref<16384xi32, #tpu.memory_space<hbm>> -> memref<512xi32, #tpu.memory_space<hbm>>
      %dma_start3A_10 = tpu.memref_slice %arg5[%mul3A_2] : memref<16384xi32, #tpu.memory_space<hbm>> -> memref<512xi32, #tpu.memory_space<hbm>>
      tpu.enqueue_dma source(%dma_start3A_10 : memref<512xi32, #tpu.memory_space<hbm>>) target(%arg13 : memref<512xi32, #tpu.memory_space<vmem>>) target_semaphore(%run_scoped3A : memref<!tpu.dma_semaphore, #tpu.memory_space<semaphore_mem>>)
      %dma_wait3A = tpu.memref_slice %arg5[%mul3A_2] : memref<16384xi32, #tpu.memory_space<hbm>> -> memref<512xi32, #tpu.memory_space<hbm>>
      %dma_wait3A_11 = tpu.memref_slice %arg5[%mul3A_2] : memref<16384xi32, #tpu.memory_space<hbm>> -> memref<512xi32, #tpu.memory_space<hbm>>
      tpu.wait_dma2 semaphore(%run_scoped3A : memref<!tpu.dma_semaphore, #tpu.memory_space<semaphore_mem>>) src(%dma_wait3A_11 : memref<512xi32, #tpu.memory_space<hbm>>) dst(%arg13 : memref<512xi32, #tpu.memory_space<vmem>>)
      tpu.yield
    }) : () -> ()
    %iota3A = tpu.iota {dimensions = array<i32: 0>} : vector<16xi32>
    %eq3A = arith.constant 15 : i32
    %eq3A_3 = vector.broadcast %eq3A : i32 to vector<16xi32>
    %eq3A_4 = arith.cmpi eq, %iota3A, %eq3A_3 : vector<16xi32>
    %scan3A = arith.constant 0 : i32
    %scan3A_5 = arith.constant 0 : i32
    %scan3A_6 = arith.constant 16 : i32
    %scan3A_7 = arith.addi %scan3A_5, %scan3A_6 : i32
    %scan3A_8 = arith.constant 1 : i32
    scf.for %scan3A_10 = %scan3A_5 to %scan3A_7 step %scan3A_8  : i32 {
      %mul3A_11 = arith.constant 32 : i32
      %mul3A_12 = arith.muli %scan3A_10, %mul3A_11 : i32
      %scan3A_13 = arith.constant 0 : i32
      %scan3A_14 = arith.constant 0 : i32
      %scan3A_15 = arith.constant 2 : i32
      %scan3A_16 = arith.addi %scan3A_14, %scan3A_15 : i32
      %scan3A_17 = arith.constant 1 : i32
      scf.for %scan3A_1541 = %scan3A_14 to %scan3A_16 step %scan3A_17  : i32 {
        %mul3A_1542 = arith.constant 16 : i32
        %mul3A_1543 = arith.muli %scan3A_1541, %mul3A_1542 : i32
        %add3A_1544 = arith.addi %mul3A_12, %mul3A_1543 : i32
        %get3A_1545 = arith.index_cast %add3A_1544 : i32 to index
        %get3A_1546 = tpu.vector_load %arg11[%get3A_1545] {strides = array<i32>} : memref<512xi32, #tpu.memory_space<vmem>>, vector<16xi32>,
        %shift_right_logical3A_1547 = arith.constant 2 : i32
        %shift_right_logical3A_1548 = vector.broadcast %shift_right_logical3A_1547 : i32 to vector<16xi32>
        %shift_right_logical3A_1549 = arith.shrui %get3A_1546, %shift_right_logical3A_1548 : vector<16xi32>
        %mul3A_1550 = arith.constant 16 : i32
        %mul3A_1551 = arith.muli %scan3A_1541, %mul3A_1550 : i32
        %swap3A = arith.index_cast %mul3A_1551 : i32 to index
        %swap3A_1552 = tpu.vector_load %arg14[%swap3A] {strides = array<i32>} : memref<32xi32, #tpu.memory_space<vmem>>, vector<16xi32>,
        tpu.vector_store %arg14[%swap3A], %shift_right_logical3A_1549 {strides = array<i32>} : memref<32xi32, #tpu.memory_space<vmem>>, vector<16xi32>,
        %get3A_1553 = arith.index_cast %add3A_1544 : i32 to index
        %get3A_1554 = tpu.vector_load %arg13[%get3A_1553] {strides = array<i32>} : memref<512xi32, #tpu.memory_space<vmem>>, vector<16xi32>,
        %shift_right_logical3A_1555 = arith.constant 2 : i32
        %shift_right_logical3A_1556 = vector.broadcast %shift_right_logical3A_1555 : i32 to vector<16xi32>
        %shift_right_logical3A_1557 = arith.shrui %get3A_1554, %shift_right_logical3A_1556 : vector<16xi32>
        %mul3A_1558 = arith.constant 16 : i32
        %mul3A_1559 = arith.muli %scan3A_1541, %mul3A_1558 : i32
        %swap3A_1560 = arith.index_cast %mul3A_1559 : i32 to index
        %swap3A_1561 = tpu.vector_load %arg15[%swap3A_1560] {strides = array<i32>} : memref<32xi32, #tpu.memory_space<vmem>>, vector<16xi32>,
        tpu.vector_store %arg15[%swap3A_1560], %shift_right_logical3A_1557 {strides = array<i32>} : memref<32xi32, #tpu.memory_space<vmem>>, vector<16xi32>,
      }
      %scan3A_18 = arith.constant 2 : i32
      %dma_start3A = arith.constant 0 : i32
      %dma_start3A_19 = arith.constant 0 : i32
      %dma_start3A_20 = tpu.memref_slice %arg7[%dma_start3A, %dma_start3A_19] : memref<250x128xf32, #tpu.memory_space<hbm>> -> memref<250x128xf32, #tpu.memory_space<hbm>>
      tpu.enqueue_indirect_dma source(%dma_start3A_20 : memref<250x128xf32, #tpu.memory_space<hbm>>) target(%arg18 : memref<32x128xf32, #tpu.memory_space<vmem>>) offsets(%arg14 : memref<32xi32, #tpu.memory_space<vmem>>) semaphore(%arg21 : memref<!tpu.dma_semaphore, #tpu.memory_space<semaphore_mem>>)
      %dma_start3A_21 = arith.constant 0 : i32
      %dma_start3A_22 = arith.constant 0 : i32
      %dma_start3A_23 = tpu.memref_slice %arg8[%dma_start3A_21, %dma_start3A_22] : memref<92x128xf32, #tpu.memory_space<hbm>> -> memref<92x128xf32, #tpu.memory_space<hbm>>
      tpu.enqueue_indirect_dma source(%dma_start3A_23 : memref<92x128xf32, #tpu.memory_space<hbm>>) target(%arg19 : memref<32x128xf32, #tpu.memory_space<vmem>>) offsets(%arg15 : memref<32xi32, #tpu.memory_space<vmem>>) semaphore(%arg21 : memref<!tpu.dma_semaphore, #tpu.memory_space<semaphore_mem>>)
      %add3A_24 = arith.constant 0 : i32
      %add3A_25 = arith.addi %mul3A_12, %add3A_24 : i32
      %get3A = arith.index_cast %add3A_25 : i32 to index
      %get3A_26 = tpu.vector_load %arg10[%get3A] {strides = array<i32>} : memref<512xi32, #tpu.memory_space<vmem>>, vector<16xi32>,
      %add3A_27 = arith.constant 0 : i32
      %add3A_28 = arith.addi %mul3A_12, %add3A_27 : i32
      %get3A_29 = arith.index_cast %add3A_28 : i32 to index
      %get3A_30 = tpu.vector_load %arg12[%get3A_29] {strides = array<i32>} : memref<512xi32, #tpu.memory_space<vmem>>, vector<16xi32>,
      %shift_right_logical3A = arith.constant 3 : i32
      %shift_right_logical3A_31 = vector.broadcast %shift_right_logical3A : i32 to vector<16xi32>
      %shift_right_logical3A_32 = arith.shrui %get3A_26, %shift_right_logical3A_31 : vector<16xi32>
      %shift_left3A = arith.constant 3 : i32
      %shift_left3A_33 = vector.broadcast %shift_left3A : i32 to vector<16xi32>
      %shift_left3A_34 = arith.shli %shift_right_logical3A_32, %shift_left3A_33 : vector<16xi32>
      %shift_right_logical3A_35 = arith.constant 3 : i32
      %shift_right_logical3A_36 = vector.broadcast %shift_right_logical3A_35 : i32 to vector<16xi32>
      %shift_right_logical3A_37 = arith.shrui %get3A_30, %shift_right_logical3A_36 : vector<16xi32>
      %shift_left3A_38 = arith.constant 3 : i32
      %shift_left3A_39 = vector.broadcast %shift_left3A_38 : i32 to vector<16xi32>
      %shift_left3A_40 = arith.shli %shift_right_logical3A_37, %shift_left3A_39 : vector<16xi32>
      %slice3A = vector.extract_strided_slice %shift_left3A_34 {offsets = [0], sizes = [1], strides = [1]} : vector<16xi32> to vector<1xi32>
      %squeeze3A = vector.extract %slice3A[0] : i32 from vector<1xi32>
      %multiple_of3A = tpu.assume_multiple %squeeze3A, 8 : i32
      %dma_start3A_41 = arith.constant 0 : i32
      %dma_start3A_42 = arith.constant 0 : i32
      %dma_start3A_43 = tpu.memref_slice %arg16[%dma_start3A_41, %dma_start3A_42] : memref<256x32xf32, #tpu.memory_space<vmem>> -> memref<8x32xf32, #tpu.memory_space<vmem>>
      %dma_start3A_44 = arith.constant 0 : i32
      %dma_start3A_45 = tpu.memref_slice %arg6[%multiple_of3A, %dma_start3A_44] : memref<1000000x32xf32, #tpu.memory_space<hbm>> -> memref<8x32xf32, #tpu.memory_space<hbm>>
      %dma_start3A_46 = arith.constant 0 : i32
      %dma_start3A_47 = arith.constant 0 : i32
      %dma_start3A_48 = tpu.memref_slice %arg16[%dma_start3A_46, %dma_start3A_47] : memref<256x32xf32, #tpu.memory_space<vmem>> -> memref<8x32xf32, #tpu.memory_space<vmem>>
      %dma_start3A_49 = arith.constant 0 : i32
      %dma_start3A_50 = tpu.memref_slice %arg6[%multiple_of3A, %dma_start3A_49] : memref<1000000x32xf32, #tpu.memory_space<hbm>> -> memref<8x32xf32, #tpu.memory_space<hbm>>
      tpu.enqueue_dma source(%dma_start3A_50 : memref<8x32xf32, #tpu.memory_space<hbm>>) target(%dma_start3A_48 : memref<8x32xf32, #tpu.memory_space<vmem>>) target_semaphore(%arg21 : memref<!tpu.dma_semaphore, #tpu.memory_space<semaphore_mem>>)
      %slice3A_51 = vector.extract_strided_slice %shift_left3A_40 {offsets = [0], sizes = [1], strides = [1]} : vector<16xi32> to vector<1xi32>
      %squeeze3A_52 = vector.extract %slice3A_51[0] : i32 from vector<1xi32>
      %multiple_of3A_53 = tpu.assume_multiple %squeeze3A_52, 8 : i32
      %dma_start3A_54 = arith.constant 0 : i32
      %dma_start3A_55 = arith.constant 0 : i32
      %dma_start3A_56 = tpu.memref_slice %arg17[%dma_start3A_54, %dma_start3A_55] : memref<256x32xf32, #tpu.memory_space<vmem>> -> memref<8x32xf32, #tpu.memory_space<vmem>>
      %dma_start3A_57 = arith.constant 0 : i32
      %dma_start3A_58 = tpu.memref_slice %arg6[%multiple_of3A_53, %dma_start3A_57] : memref<1000000x32xf32, #tpu.memory_space<hbm>> -> memref<8x32xf32, #tpu.memory_space<hbm>>
      %dma_start3A_59 = arith.constant 0 : i32
      %dma_start3A_60 = arith.constant 0 : i32
      %dma_start3A_61 = tpu.memref_slice %arg17[%dma_start3A_59, %dma_start3A_60] : memref<256x32xf32, #tpu.memory_space<vmem>> -> memref<8x32xf32, #tpu.memory_space<vmem>>
      %dma_start3A_62 = arith.constant 0 : i32
      %dma_start3A_63 = tpu.memref_slice %arg6[%multiple_of3A_53, %dma_start3A_62] : memref<1000000x32xf32, #tpu.memory_space<hbm>> -> memref<8x32xf32, #tpu.memory_space<hbm>>
      tpu.enqueue_dma source(%dma_start3A_63 : memref<8x32xf32, #tpu.memory_space<hbm>>) target(%dma_start3A_61 : memref<8x32xf32, #tpu.memory_space<vmem>>) target_semaphore(%arg21 : memref<!tpu.dma_semaphore, #tpu.memory_space<semaphore_mem>>)
      %slice3A_64 = vector.extract_strided_slice %shift_left3A_34 {offsets = [1], sizes = [1], strides = [1]} : vector<16xi32> to vector<1xi32>
      %squeeze3A_65 = vector.extract %slice3A_64[0] : i32 from vector<1xi32>
      %multiple_of3A_66 = tpu.assume_multiple %squeeze3A_65, 8 : i32
      %dma_start3A_67 = arith.constant 8 : i32
      %dma_start3A_68 = arith.constant 0 : i32
      %dma_start3A_69 = tpu.memref_slice %arg16[%dma_start3A_67, %dma_start3A_68] : memref<256x32xf32, #tpu.memory_space<vmem>> -> memref<8x32xf32, #tpu.memory_space<vmem>>
      %dma_start3A_70 = arith.constant 0 : i32
      %dma_start3A_71 = tpu.memref_slice %arg6[%multiple_of3A_66, %dma_start3A_70] : memref<1000000x32xf32, #tpu.memory_space<hbm>> -> memref<8x32xf32, #tpu.memory_space<hbm>>
      %dma_start3A_72 = arith.constant 8 : i32
      %dma_start3A_73 = arith.constant 0 : i32
      %dma_start3A_74 = tpu.memref_slice %arg16[%dma_start3A_72, %dma_start3A_73] : memref<256x32xf32, #tpu.memory_space<vmem>> -> memref<8x32xf32, #tpu.memory_space<vmem>>
      %dma_start3A_75 = arith.constant 0 : i32
      %dma_start3A_76 = tpu.memref_slice %arg6[%multiple_of3A_66, %dma_start3A_75] : memref<1000000x32xf32, #tpu.memory_space<hbm>> -> memref<8x32xf32, #tpu.memory_space<hbm>>
      tpu.enqueue_dma source(%dma_start3A_76 : memref<8x32xf32, #tpu.memory_space<hbm>>) target(%dma_start3A_74 : memref<8x32xf32, #tpu.memory_space<vmem>>) target_semaphore(%arg21 : memref<!tpu.dma_semaphore, #tpu.memory_space<semaphore_mem>>)
      %slice3A_77 = vector.extract_strided_slice %shift_left3A_40 {offsets = [1], sizes = [1], strides = [1]} : vector<16xi32> to vector<1xi32>
      %squeeze3A_78 = vector.extract %slice3A_77[0] : i32 from vector<1xi32>
      %multiple_of3A_79 = tpu.assume_multiple %squeeze3A_78, 8 : i32
      %dma_start3A_80 = arith.constant 8 : i32
      %dma_start3A_81 = arith.constant 0 : i32
      %dma_start3A_82 = tpu.memref_slice %arg17[%dma_start3A_80, %dma_start3A_81] : memref<256x32xf32, #tpu.memory_space<vmem>> -> memref<8x32xf32, #tpu.memory_space<vmem>>
      %dma_start3A_83 = arith.constant 0 : i32
      %dma_start3A_84 = tpu.memref_slice %arg6[%multiple_of3A_79, %dma_start3A_83] : memref<1000000x32xf32, #tpu.memory_space<hbm>> -> memref<8x32xf32, #tpu.memory_space<hbm>>
      %dma_start3A_85 = arith.constant 8 : i32
      %dma_start3A_86 = arith.constant 0 : i32
      %dma_start3A_87 = tpu.memref_slice %arg17[%dma_start3A_85, %dma_start3A_86] : memref<256x32xf32, #tpu.memory_space<vmem>> -> memref<8x32xf32, #tpu.memory_space<vmem>>
      %dma_start3A_88 = arith.constant 0 : i32
      %dma_start3A_89 = tpu.memref_slice %arg6[%multiple_of3A_79, %dma_start3A_88] : memref<1000000x32xf32, #tpu.memory_space<hbm>> -> memref<8x32xf32, #tpu.memory_space<hbm>>
      tpu.enqueue_dma source(%dma_start3A_89 : memref<8x32xf32, #tpu.memory_space<hbm>>) target(%dma_start3A_87 : memref<8x32xf32, #tpu.memory_space<vmem>>) target_semaphore(%arg21 : memref<!tpu.dma_semaphore, #tpu.memory_space<semaphore_mem>>)
      %slice3A_90 = vector.extract_strided_slice %shift_left3A_34 {offsets = [2], sizes = [1], strides = [1]} : vector<16xi32> to vector<1xi32>
      %squeeze3A_91 = vector.extract %slice3A_90[0] : i32 from vector<1xi32>
      %multiple_of3A_92 = tpu.assume_multiple %squeeze3A_91, 8 : i32
      %dma_start3A_93 = arith.constant 16 : i32
      %dma_start3A_94 = arith.constant 0 : i32
      %dma_start3A_95 = tpu.memref_slice %arg16[%dma_start3A_93, %dma_start3A_94] : memref<256x32xf32, #tpu.memory_space<vmem>> -> memref<8x32xf32, #tpu.memory_space<vmem>>
      %dma_start3A_96 = arith.constant 0 : i32
      %dma_start3A_97 = tpu.memref_slice %arg6[%multiple_of3A_92, %dma_start3A_96] : memref<1000000x32xf32, #tpu.memory_space<hbm>> -> memref<8x32xf32, #tpu.memory_space<hbm>>
      %dma_start3A_98 = arith.constant 16 : i32
      %dma_start3A_99 = arith.constant 0 : i32
      %dma_start3A_100 = tpu.memref_slice %arg16[%dma_start3A_98, %dma_start3A_99] : memref<256x32xf32, #tpu.memory_space<vmem>> -> memref<8x32xf32, #tpu.memory_space<vmem>>
      %dma_start3A_101 = arith.constant 0 : i32
      %dma_start3A_102 = tpu.memref_slice %arg6[%multiple_of3A_92, %dma_start3A_101] : memref<1000000x32xf32, #tpu.memory_space<hbm>> -> memref<8x32xf32, #tpu.memory_space<hbm>>
      tpu.enqueue_dma source(%dma_start3A_102 : memref<8x32xf32, #tpu.memory_space<hbm>>) target(%dma_start3A_100 : memref<8x32xf32, #tpu.memory_space<vmem>>) target_semaphore(%arg21 : memref<!tpu.dma_semaphore, #tpu.memory_space<semaphore_mem>>)
      %slice3A_103 = vector.extract_strided_slice %shift_left3A_40 {offsets = [2], sizes = [1], strides = [1]} : vector<16xi32> to vector<1xi32>
      %squeeze3A_104 = vector.extract %slice3A_103[0] : i32 from vector<1xi32>
      %multiple_of3A_105 = tpu.assume_multiple %squeeze3A_104, 8 : i32
      %dma_start3A_106 = arith.constant 16 : i32
      %dma_start3A_107 = arith.constant 0 : i32
      %dma_start3A_108 = tpu.memref_slice %arg17[%dma_start3A_106, %dma_start3A_107] : memref<256x32xf32, #tpu.memory_space<vmem>> -> memref<8x32xf32, #tpu.memory_space<vmem>>
      %dma_start3A_109 = arith.constant 0 : i32
      %dma_start3A_110 = tpu.memref_slice %arg6[%multiple_of3A_105, %dma_start3A_109] : memref<1000000x32xf32, #tpu.memory_space<hbm>> -> memref<8x32xf32, #tpu.memory_space<hbm>>
      %dma_start3A_111 = arith.constant 16 : i32
      %dma_start3A_112 = arith.constant 0 : i32
      %dma_start3A_113 = tpu.memref_slice %arg17[%dma_start3A_111, %dma_start3A_112] : memref<256x32xf32, #tpu.memory_space<vmem>> -> memref<8x32xf32, #tpu.memory_space<vmem>>
      %dma_start3A_114 = arith.constant 0 : i32
      %dma_start3A_115 = tpu.memref_slice %arg6[%multiple_of3A_105, %dma_start3A_114] : memref<1000000x32xf32, #tpu.memory_space<hbm>> -> memref<8x32xf32, #tpu.memory_space<hbm>>
      tpu.enqueue_dma source(%dma_start3A_115 : memref<8x32xf32, #tpu.memory_space<hbm>>) target(%dma_start3A_113 : memref<8x32xf32, #tpu.memory_space<vmem>>) target_semaphore(%arg21 : memref<!tpu.dma_semaphore, #tpu.memory_space<semaphore_mem>>)
      %slice3A_116 = vector.extract_strided_slice %shift_left3A_34 {offsets = [3], sizes = [1], strides = [1]} : vector<16xi32> to vector<1xi32>
      %squeeze3A_117 = vector.extract %slice3A_116[0] : i32 from vector<1xi32>
      %multiple_of3A_118 = tpu.assume_multiple %squeeze3A_117, 8 : i32
      %dma_start3A_119 = arith.constant 24 : i32
      %dma_start3A_120 = arith.constant 0 : i32
      %dma_start3A_121 = tpu.memref_slice %arg16[%dma_start3A_119, %dma_start3A_120] : memref<256x32xf32, #tpu.memory_space<vmem>> -> memref<8x32xf32, #tpu.memory_space<vmem>>
      %dma_start3A_122 = arith.constant 0 : i32
      %dma_start3A_123 = tpu.memref_slice %arg6[%multiple_of3A_118, %dma_start3A_122] : memref<1000000x32xf32, #tpu.memory_space<hbm>> -> memref<8x32xf32, #tpu.memory_space<hbm>>
      %dma_start3A_124 = arith.constant 24 : i32
      %dma_start3A_125 = arith.constant 0 : i32
      %dma_start3A_126 = tpu.memref_slice %arg16[%dma_start3A_124, %dma_start3A_125] : memref<256x32xf32, #tpu.memory_space<vmem>> -> memref<8x32xf32, #tpu.memory_space<vmem>>
      %dma_start3A_127 = arith.constant 0 : i32
      %dma_start3A_128 = tpu.memref_slice %arg6[%multiple_of3A_118, %dma_start3A_127] : memref<1000000x32xf32, #tpu.memory_space<hbm>> -> memref<8x32xf32, #tpu.memory_space<hbm>>
      tpu.enqueue_dma source(%dma_start3A_128 : memref<8x32xf32, #tpu.memory_space<hbm>>) target(%dma_start3A_126 : memref<8x32xf32, #tpu.memory_space<vmem>>) target_semaphore(%arg21 : memref<!tpu.dma_semaphore, #tpu.memory_space<semaphore_mem>>)
      %slice3A_129 = vector.extract_strided_slice %shift_left3A_40 {offsets = [3], sizes = [1], strides = [1]} : vector<16xi32> to vector<1xi32>
      %squeeze3A_130 = vector.extract %slice3A_129[0] : i32 from vector<1xi32>
      %multiple_of3A_131 = tpu.assume_multiple %squeeze3A_130, 8 : i32
      %dma_start3A_132 = arith.constant 24 : i32
      %dma_start3A_133 = arith.constant 0 : i32
      %dma_start3A_134 = tpu.memref_slice %arg17[%dma_start3A_132, %dma_start3A_133] : memref<256x32xf32, #tpu.memory_space<vmem>> -> memref<8x32xf32, #tpu.memory_space<vmem>>
      %dma_start3A_135 = arith.constant 0 : i32
      %dma_start3A_136 = tpu.memref_slice %arg6[%multiple_of3A_131, %dma_start3A_135] : memref<1000000x32xf32, #tpu.memory_space<hbm>> -> memref<8x32xf32, #tpu.memory_space<hbm>>
      %dma_start3A_137 = arith.constant 24 : i32
      %dma_start3A_138 = arith.constant 0 : i32
      %dma_start3A_139 = tpu.memref_slice %arg17[%dma_start3A_137, %dma_start3A_138] : memref<256x32xf32, #tpu.memory_space<vmem>> -> memref<8x32xf32, #tpu.memory_space<vmem>>
      %dma_start3A_140 = arith.constant 0 : i32
      %dma_start3A_141 = tpu.memref_slice %arg6[%multiple_of3A_131, %dma_start3A_140] : memref<1000000x32xf32, #tpu.memory_space<hbm>> -> memref<8x32xf32, #tpu.memory_space<hbm>>
      tpu.enqueue_dma source(%dma_start3A_141 : memref<8x32xf32, #tpu.memory_space<hbm>>) target(%dma_start3A_139 : memref<8x32xf32, #tpu.memory_space<vmem>>) target_semaphore(%arg21 : memref<!tpu.dma_semaphore, #tpu.memory_space<semaphore_mem>>)
      %slice3A_142 = vector.extract_strided_slice %shift_left3A_34 {offsets = [4], sizes = [1], strides = [1]} : vector<16xi32> to vector<1xi32>
      %squeeze3A_143 = vector.extract %slice3A_142[0] : i32 from vector<1xi32>
      %multiple_of3A_144 = tpu.assume_multiple %squeeze3A_143, 8 : i32
      %dma_start3A_145 = arith.constant 32 : i32
      %dma_start3A_146 = arith.constant 0 : i32
      %dma_start3A_147 = tpu.memref_slice %arg16[%dma_start3A_145, %dma_start3A_146] : memref<256x32xf32, #tpu.memory_space<vmem>> -> memref<8x32xf32, #tpu.memory_space<vmem>>
      %dma_start3A_148 = arith.constant 0 : i32
      %dma_start3A_149 = tpu.memref_slice %arg6[%multiple_of3A_144, %dma_start3A_148] : memref<1000000x32xf32, #tpu.memory_space<hbm>> -> memref<8x32xf32, #tpu.memory_space<hbm>>
      %dma_start3A_150 = arith.constant 32 : i32
      %dma_start3A_151 = arith.constant 0 : i32
      %dma_start3A_152 = tpu.memref_slice %arg16[%dma_start3A_150, %dma_start3A_151] : memref<256x32xf32, #tpu.memory_space<vmem>> -> memref<8x32xf32, #tpu.memory_space<vmem>>
      %dma_start3A_153 = arith.constant 0 : i32
      %dma_start3A_154 = tpu.memref_slice %arg6[%multiple_of3A_144, %dma_start3A_153] : memref<1000000x32xf32, #tpu.memory_space<hbm>> -> memref<8x32xf32, #tpu.memory_space<hbm>>
      tpu.enqueue_dma source(%dma_start3A_154 : memref<8x32xf32, #tpu.memory_space<hbm>>) target(%dma_start3A_152 : memref<8x32xf32, #tpu.memory_space<vmem>>) target_semaphore(%arg21 : memref<!tpu.dma_semaphore, #tpu.memory_space<semaphore_mem>>)
      %slice3A_155 = vector.extract_strided_slice %shift_left3A_40 {offsets = [4], sizes = [1], strides = [1]} : vector<16xi32> to vector<1xi32>
      %squeeze3A_156 = vector.extract %slice3A_155[0] : i32 from vector<1xi32>
      %multiple_of3A_157 = tpu.assume_multiple %squeeze3A_156, 8 : i32
      %dma_start3A_158 = arith.constant 32 : i32
      %dma_start3A_159 = arith.constant 0 : i32
      %dma_start3A_160 = tpu.memref_slice %arg17[%dma_start3A_158, %dma_start3A_159] : memref<256x32xf32, #tpu.memory_space<vmem>> -> memref<8x32xf32, #tpu.memory_space<vmem>>
      %dma_start3A_161 = arith.constant 0 : i32
      %dma_start3A_162 = tpu.memref_slice %arg6[%multiple_of3A_157, %dma_start3A_161] : memref<1000000x32xf32, #tpu.memory_space<hbm>> -> memref<8x32xf32, #tpu.memory_space<hbm>>
      %dma_start3A_163 = arith.constant 32 : i32
      %dma_start3A_164 = arith.constant 0 : i32
      %dma_start3A_165 = tpu.memref_slice %arg17[%dma_start3A_163, %dma_start3A_164] : memref<256x32xf32, #tpu.memory_space<vmem>> -> memref<8x32xf32, #tpu.memory_space<vmem>>
      %dma_start3A_166 = arith.constant 0 : i32
      %dma_start3A_167 = tpu.memref_slice %arg6[%multiple_of3A_157, %dma_start3A_166] : memref<1000000x32xf32, #tpu.memory_space<hbm>> -> memref<8x32xf32, #tpu.memory_space<hbm>>
      tpu.enqueue_dma source(%dma_start3A_167 : memref<8x32xf32, #tpu.memory_space<hbm>>) target(%dma_start3A_165 : memref<8x32xf32, #tpu.memory_space<vmem>>) target_semaphore(%arg21 : memref<!tpu.dma_semaphore, #tpu.memory_space<semaphore_mem>>)
      %slice3A_168 = vector.extract_strided_slice %shift_left3A_34 {offsets = [5], sizes = [1], strides = [1]} : vector<16xi32> to vector<1xi32>
      %squeeze3A_169 = vector.extract %slice3A_168[0] : i32 from vector<1xi32>
      %multiple_of3A_170 = tpu.assume_multiple %squeeze3A_169, 8 : i32
      %dma_start3A_171 = arith.constant 40 : i32
      %dma_start3A_172 = arith.constant 0 : i32
      %dma_start3A_173 = tpu.memref_slice %arg16[%dma_start3A_171, %dma_start3A_172] : memref<256x32xf32, #tpu.memory_space<vmem>> -> memref<8x32xf32, #tpu.memory_space<vmem>>
      %dma_start3A_174 = arith.constant 0 : i32
      %dma_start3A_175 = tpu.memref_slice %arg6[%multiple_of3A_170, %dma_start3A_174] : memref<1000000x32xf32, #tpu.memory_space<hbm>> -> memref<8x32xf32, #tpu.memory_space<hbm>>
      %dma_start3A_176 = arith.constant 40 : i32
      %dma_start3A_177 = arith.constant 0 : i32
      %dma_start3A_178 = tpu.memref_slice %arg16[%dma_start3A_176, %dma_start3A_177] : memref<256x32xf32, #tpu.memory_space<vmem>> -> memref<8x32xf32, #tpu.memory_space<vmem>>
      %dma_start3A_179 = arith.constant 0 : i32
      %dma_start3A_180 = tpu.memref_slice %arg6[%multiple_of3A_170, %dma_start3A_179] : memref<1000000x32xf32, #tpu.memory_space<hbm>> -> memref<8x32xf32, #tpu.memory_space<hbm>>
      tpu.enqueue_dma source(%dma_start3A_180 : memref<8x32xf32, #tpu.memory_space<hbm>>) target(%dma_start3A_178 : memref<8x32xf32, #tpu.memory_space<vmem>>) target_semaphore(%arg21 : memref<!tpu.dma_semaphore, #tpu.memory_space<semaphore_mem>>)
      %slice3A_181 = vector.extract_strided_slice %shift_left3A_40 {offsets = [5], sizes = [1], strides = [1]} : vector<16xi32> to vector<1xi32>
      %squeeze3A_182 = vector.extract %slice3A_181[0] : i32 from vector<1xi32>
      %multiple_of3A_183 = tpu.assume_multiple %squeeze3A_182, 8 : i32
      %dma_start3A_184 = arith.constant 40 : i32
      %dma_start3A_185 = arith.constant 0 : i32
      %dma_start3A_186 = tpu.memref_slice %arg17[%dma_start3A_184, %dma_start3A_185] : memref<256x32xf32, #tpu.memory_space<vmem>> -> memref<8x32xf32, #tpu.memory_space<vmem>>
      %dma_start3A_187 = arith.constant 0 : i32
      %dma_start3A_188 = tpu.memref_slice %arg6[%multiple_of3A_183, %dma_start3A_187] : memref<1000000x32xf32, #tpu.memory_space<hbm>> -> memref<8x32xf32, #tpu.memory_space<hbm>>
      %dma_start3A_189 = arith.constant 40 : i32
      %dma_start3A_190 = arith.constant 0 : i32
      %dma_start3A_191 = tpu.memref_slice %arg17[%dma_start3A_189, %dma_start3A_190] : memref<256x32xf32, #tpu.memory_space<vmem>> -> memref<8x32xf32, #tpu.memory_space<vmem>>
      %dma_start3A_192 = arith.constant 0 : i32
      %dma_start3A_193 = tpu.memref_slice %arg6[%multiple_of3A_183, %dma_start3A_192] : memref<1000000x32xf32, #tpu.memory_space<hbm>> -> memref<8x32xf32, #tpu.memory_space<hbm>>
      tpu.enqueue_dma source(%dma_start3A_193 : memref<8x32xf32, #tpu.memory_space<hbm>>) target(%dma_start3A_191 : memref<8x32xf32, #tpu.memory_space<vmem>>) target_semaphore(%arg21 : memref<!tpu.dma_semaphore, #tpu.memory_space<semaphore_mem>>)
      %slice3A_194 = vector.extract_strided_slice %shift_left3A_34 {offsets = [6], sizes = [1], strides = [1]} : vector<16xi32> to vector<1xi32>
      %squeeze3A_195 = vector.extract %slice3A_194[0] : i32 from vector<1xi32>
      %multiple_of3A_196 = tpu.assume_multiple %squeeze3A_195, 8 : i32
      %dma_start3A_197 = arith.constant 48 : i32
      %dma_start3A_198 = arith.constant 0 : i32
      %dma_start3A_199 = tpu.memref_slice %arg16[%dma_start3A_197, %dma_start3A_198] : memref<256x32xf32, #tpu.memory_space<vmem>> -> memref<8x32xf32, #tpu.memory_space<vmem>>
      %dma_start3A_200 = arith.constant 0 : i32
      %dma_start3A_201 = tpu.memref_slice %arg6[%multiple_of3A_196, %dma_start3A_200] : memref<1000000x32xf32, #tpu.memory_space<hbm>> -> memref<8x32xf32, #tpu.memory_space<hbm>>
      %dma_start3A_202 = arith.constant 48 : i32
      %dma_start3A_203 = arith.constant 0 : i32
      %dma_start3A_204 = tpu.memref_slice %arg16[%dma_start3A_202, %dma_start3A_203] : memref<256x32xf32, #tpu.memory_space<vmem>> -> memref<8x32xf32, #tpu.memory_space<vmem>>
      %dma_start3A_205 = arith.constant 0 : i32
      %dma_start3A_206 = tpu.memref_slice %arg6[%multiple_of3A_196, %dma_start3A_205] : memref<1000000x32xf32, #tpu.memory_space<hbm>> -> memref<8x32xf32, #tpu.memory_space<hbm>>
      tpu.enqueue_dma source(%dma_start3A_206 : memref<8x32xf32, #tpu.memory_space<hbm>>) target(%dma_start3A_204 : memref<8x32xf32, #tpu.memory_space<vmem>>) target_semaphore(%arg21 : memref<!tpu.dma_semaphore, #tpu.memory_space<semaphore_mem>>)
      %slice3A_207 = vector.extract_strided_slice %shift_left3A_40 {offsets = [6], sizes = [1], strides = [1]} : vector<16xi32> to vector<1xi32>
      %squeeze3A_208 = vector.extract %slice3A_207[0] : i32 from vector<1xi32>
      %multiple_of3A_209 = tpu.assume_multiple %squeeze3A_208, 8 : i32
      %dma_start3A_210 = arith.constant 48 : i32
      %dma_start3A_211 = arith.constant 0 : i32
      %dma_start3A_212 = tpu.memref_slice %arg17[%dma_start3A_210, %dma_start3A_211] : memref<256x32xf32, #tpu.memory_space<vmem>> -> memref<8x32xf32, #tpu.memory_space<vmem>>
      %dma_start3A_213 = arith.constant 0 : i32
      %dma_start3A_214 = tpu.memref_slice %arg6[%multiple_of3A_209, %dma_start3A_213] : memref<1000000x32xf32, #tpu.memory_space<hbm>> -> memref<8x32xf32, #tpu.memory_space<hbm>>
      %dma_start3A_215 = arith.constant 48 : i32
      %dma_start3A_216 = arith.constant 0 : i32
      %dma_start3A_217 = tpu.memref_slice %arg17[%dma_start3A_215, %dma_start3A_216] : memref<256x32xf32, #tpu.memory_space<vmem>> -> memref<8x32xf32, #tpu.memory_space<vmem>>
      %dma_start3A_218 = arith.constant 0 : i32
      %dma_start3A_219 = tpu.memref_slice %arg6[%multiple_of3A_209, %dma_start3A_218] : memref<1000000x32xf32, #tpu.memory_space<hbm>> -> memref<8x32xf32, #tpu.memory_space<hbm>>
      tpu.enqueue_dma source(%dma_start3A_219 : memref<8x32xf32, #tpu.memory_space<hbm>>) target(%dma_start3A_217 : memref<8x32xf32, #tpu.memory_space<vmem>>) target_semaphore(%arg21 : memref<!tpu.dma_semaphore, #tpu.memory_space<semaphore_mem>>)
      %slice3A_220 = vector.extract_strided_slice %shift_left3A_34 {offsets = [7], sizes = [1], strides = [1]} : vector<16xi32> to vector<1xi32>
      %squeeze3A_221 = vector.extract %slice3A_220[0] : i32 from vector<1xi32>
      %multiple_of3A_222 = tpu.assume_multiple %squeeze3A_221, 8 : i32
      %dma_start3A_223 = arith.constant 56 : i32
      %dma_start3A_224 = arith.constant 0 : i32
      %dma_start3A_225 = tpu.memref_slice %arg16[%dma_start3A_223, %dma_start3A_224] : memref<256x32xf32, #tpu.memory_space<vmem>> -> memref<8x32xf32, #tpu.memory_space<vmem>>
      %dma_start3A_226 = arith.constant 0 : i32
      %dma_start3A_227 = tpu.memref_slice %arg6[%multiple_of3A_222, %dma_start3A_226] : memref<1000000x32xf32, #tpu.memory_space<hbm>> -> memref<8x32xf32, #tpu.memory_space<hbm>>
      %dma_start3A_228 = arith.constant 56 : i32
      %dma_start3A_229 = arith.constant 0 : i32
      %dma_start3A_230 = tpu.memref_slice %arg16[%dma_start3A_228, %dma_start3A_229] : memref<256x32xf32, #tpu.memory_space<vmem>> -> memref<8x32xf32, #tpu.memory_space<vmem>>
      %dma_start3A_231 = arith.constant 0 : i32
      %dma_start3A_232 = tpu.memref_slice %arg6[%multiple_of3A_222, %dma_start3A_231] : memref<1000000x32xf32, #tpu.memory_space<hbm>> -> memref<8x32xf32, #tpu.memory_space<hbm>>
      tpu.enqueue_dma source(%dma_start3A_232 : memref<8x32xf32, #tpu.memory_space<hbm>>) target(%dma_start3A_230 : memref<8x32xf32, #tpu.memory_space<vmem>>) target_semaphore(%arg21 : memref<!tpu.dma_semaphore, #tpu.memory_space<semaphore_mem>>)
      %slice3A_233 = vector.extract_strided_slice %shift_left3A_40 {offsets = [7], sizes = [1], strides = [1]} : vector<16xi32> to vector<1xi32>
      %squeeze3A_234 = vector.extract %slice3A_233[0] : i32 from vector<1xi32>
      %multiple_of3A_235 = tpu.assume_multiple %squeeze3A_234, 8 : i32
      %dma_start3A_236 = arith.constant 56 : i32
      %dma_start3A_237 = arith.constant 0 : i32
      %dma_start3A_238 = tpu.memref_slice %arg17[%dma_start3A_236, %dma_start3A_237] : memref<256x32xf32, #tpu.memory_space<vmem>> -> memref<8x32xf32, #tpu.memory_space<vmem>>
      %dma_start3A_239 = arith.constant 0 : i32
      %dma_start3A_240 = tpu.memref_slice %arg6[%multiple_of3A_235, %dma_start3A_239] : memref<1000000x32xf32, #tpu.memory_space<hbm>> -> memref<8x32xf32, #tpu.memory_space<hbm>>
      %dma_start3A_241 = arith.constant 56 : i32
      %dma_start3A_242 = arith.constant 0 : i32
      %dma_start3A_243 = tpu.memref_slice %arg17[%dma_start3A_241, %dma_start3A_242] : memref<256x32xf32, #tpu.memory_space<vmem>> -> memref<8x32xf32, #tpu.memory_space<vmem>>
      %dma_start3A_244 = arith.constant 0 : i32
      %dma_start3A_245 = tpu.memref_slice %arg6[%multiple_of3A_235, %dma_start3A_244] : memref<1000000x32xf32, #tpu.memory_space<hbm>> -> memref<8x32xf32, #tpu.memory_space<hbm>>
      tpu.enqueue_dma source(%dma_start3A_245 : memref<8x32xf32, #tpu.memory_space<hbm>>) target(%dma_start3A_243 : memref<8x32xf32, #tpu.memory_space<vmem>>) target_semaphore(%arg21 : memref<!tpu.dma_semaphore, #tpu.memory_space<semaphore_mem>>)
      %slice3A_246 = vector.extract_strided_slice %shift_left3A_34 {offsets = [8], sizes = [1], strides = [1]} : vector<16xi32> to vector<1xi32>
      %squeeze3A_247 = vector.extract %slice3A_246[0] : i32 from vector<1xi32>
      %multiple_of3A_248 = tpu.assume_multiple %squeeze3A_247, 8 : i32
      %dma_start3A_249 = arith.constant 64 : i32
      %dma_start3A_250 = arith.constant 0 : i32
      %dma_start3A_251 = tpu.memref_slice %arg16[%dma_start3A_249, %dma_start3A_250] : memref<256x32xf32, #tpu.memory_space<vmem>> -> memref<8x32xf32, #tpu.memory_space<vmem>>
      %dma_start3A_252 = arith.constant 0 : i32
      %dma_start3A_253 = tpu.memref_slice %arg6[%multiple_of3A_248, %dma_start3A_252] : memref<1000000x32xf32, #tpu.memory_space<hbm>> -> memref<8x32xf32, #tpu.memory_space<hbm>>
      %dma_start3A_254 = arith.constant 64 : i32
      %dma_start3A_255 = arith.constant 0 : i32
      %dma_start3A_256 = tpu.memref_slice %arg16[%dma_start3A_254, %dma_start3A_255] : memref<256x32xf32, #tpu.memory_space<vmem>> -> memref<8x32xf32, #tpu.memory_space<vmem>>
      %dma_start3A_257 = arith.constant 0 : i32
      %dma_start3A_258 = tpu.memref_slice %arg6[%multiple_of3A_248, %dma_start3A_257] : memref<1000000x32xf32, #tpu.memory_space<hbm>> -> memref<8x32xf32, #tpu.memory_space<hbm>>
      tpu.enqueue_dma source(%dma_start3A_258 : memref<8x32xf32, #tpu.memory_space<hbm>>) target(%dma_start3A_256 : memref<8x32xf32, #tpu.memory_space<vmem>>) target_semaphore(%arg21 : memref<!tpu.dma_semaphore, #tpu.memory_space<semaphore_mem>>)
      %slice3A_259 = vector.extract_strided_slice %shift_left3A_40 {offsets = [8], sizes = [1], strides = [1]} : vector<16xi32> to vector<1xi32>
      %squeeze3A_260 = vector.extract %slice3A_259[0] : i32 from vector<1xi32>
      %multiple_of3A_261 = tpu.assume_multiple %squeeze3A_260, 8 : i32
      %dma_start3A_262 = arith.constant 64 : i32
      %dma_start3A_263 = arith.constant 0 : i32
      %dma_start3A_264 = tpu.memref_slice %arg17[%dma_start3A_262, %dma_start3A_263] : memref<256x32xf32, #tpu.memory_space<vmem>> -> memref<8x32xf32, #tpu.memory_space<vmem>>
      %dma_start3A_265 = arith.constant 0 : i32
      %dma_start3A_266 = tpu.memref_slice %arg6[%multiple_of3A_261, %dma_start3A_265] : memref<1000000x32xf32, #tpu.memory_space<hbm>> -> memref<8x32xf32, #tpu.memory_space<hbm>>
      %dma_start3A_267 = arith.constant 64 : i32
      %dma_start3A_268 = arith.constant 0 : i32
      %dma_start3A_269 = tpu.memref_slice %arg17[%dma_start3A_267, %dma_start3A_268] : memref<256x32xf32, #tpu.memory_space<vmem>> -> memref<8x32xf32, #tpu.memory_space<vmem>>
      %dma_start3A_270 = arith.constant 0 : i32
      %dma_start3A_271 = tpu.memref_slice %arg6[%multiple_of3A_261, %dma_start3A_270] : memref<1000000x32xf32, #tpu.memory_space<hbm>> -> memref<8x32xf32, #tpu.memory_space<hbm>>
      tpu.enqueue_dma source(%dma_start3A_271 : memref<8x32xf32, #tpu.memory_space<hbm>>) target(%dma_start3A_269 : memref<8x32xf32, #tpu.memory_space<vmem>>) target_semaphore(%arg21 : memref<!tpu.dma_semaphore, #tpu.memory_space<semaphore_mem>>)
      %slice3A_272 = vector.extract_strided_slice %shift_left3A_34 {offsets = [9], sizes = [1], strides = [1]} : vector<16xi32> to vector<1xi32>
      %squeeze3A_273 = vector.extract %slice3A_272[0] : i32 from vector<1xi32>
      %multiple_of3A_274 = tpu.assume_multiple %squeeze3A_273, 8 : i32
      %dma_start3A_275 = arith.constant 72 : i32
      %dma_start3A_276 = arith.constant 0 : i32
      %dma_start3A_277 = tpu.memref_slice %arg16[%dma_start3A_275, %dma_start3A_276] : memref<256x32xf32, #tpu.memory_space<vmem>> -> memref<8x32xf32, #tpu.memory_space<vmem>>
      %dma_start3A_278 = arith.constant 0 : i32
      %dma_start3A_279 = tpu.memref_slice %arg6[%multiple_of3A_274, %dma_start3A_278] : memref<1000000x32xf32, #tpu.memory_space<hbm>> -> memref<8x32xf32, #tpu.memory_space<hbm>>
      %dma_start3A_280 = arith.constant 72 : i32
      %dma_start3A_281 = arith.constant 0 : i32
      %dma_start3A_282 = tpu.memref_slice %arg16[%dma_start3A_280, %dma_start3A_281] : memref<256x32xf32, #tpu.memory_space<vmem>> -> memref<8x32xf32, #tpu.memory_space<vmem>>
      %dma_start3A_283 = arith.constant 0 : i32
      %dma_start3A_284 = tpu.memref_slice %arg6[%multiple_of3A_274, %dma_start3A_283] : memref<1000000x32xf32, #tpu.memory_space<hbm>> -> memref<8x32xf32, #tpu.memory_space<hbm>>
      tpu.enqueue_dma source(%dma_start3A_284 : memref<8x32xf32, #tpu.memory_space<hbm>>) target(%dma_start3A_282 : memref<8x32xf32, #tpu.memory_space<vmem>>) target_semaphore(%arg21 : memref<!tpu.dma_semaphore, #tpu.memory_space<semaphore_mem>>)
      %slice3A_285 = vector.extract_strided_slice %shift_left3A_40 {offsets = [9], sizes = [1], strides = [1]} : vector<16xi32> to vector<1xi32>
      %squeeze3A_286 = vector.extract %slice3A_285[0] : i32 from vector<1xi32>
      %multiple_of3A_287 = tpu.assume_multiple %squeeze3A_286, 8 : i32
      %dma_start3A_288 = arith.constant 72 : i32
      %dma_start3A_289 = arith.constant 0 : i32
      %dma_start3A_290 = tpu.memref_slice %arg17[%dma_start3A_288, %dma_start3A_289] : memref<256x32xf32, #tpu.memory_space<vmem>> -> memref<8x32xf32, #tpu.memory_space<vmem>>
      %dma_start3A_291 = arith.constant 0 : i32
      %dma_start3A_292 = tpu.memref_slice %arg6[%multiple_of3A_287, %dma_start3A_291] : memref<1000000x32xf32, #tpu.memory_space<hbm>> -> memref<8x32xf32, #tpu.memory_space<hbm>>
      %dma_start3A_293 = arith.constant 72 : i32
      %dma_start3A_294 = arith.constant 0 : i32
      %dma_start3A_295 = tpu.memref_slice %arg17[%dma_start3A_293, %dma_start3A_294] : memref<256x32xf32, #tpu.memory_space<vmem>> -> memref<8x32xf32, #tpu.memory_space<vmem>>
      %dma_start3A_296 = arith.constant 0 : i32
      %dma_start3A_297 = tpu.memref_slice %arg6[%multiple_of3A_287, %dma_start3A_296] : memref<1000000x32xf32, #tpu.memory_space<hbm>> -> memref<8x32xf32, #tpu.memory_space<hbm>>
      tpu.enqueue_dma source(%dma_start3A_297 : memref<8x32xf32, #tpu.memory_space<hbm>>) target(%dma_start3A_295 : memref<8x32xf32, #tpu.memory_space<vmem>>) target_semaphore(%arg21 : memref<!tpu.dma_semaphore, #tpu.memory_space<semaphore_mem>>)
      %slice3A_298 = vector.extract_strided_slice %shift_left3A_34 {offsets = [10], sizes = [1], strides = [1]} : vector<16xi32> to vector<1xi32>
      %squeeze3A_299 = vector.extract %slice3A_298[0] : i32 from vector<1xi32>
      %multiple_of3A_300 = tpu.assume_multiple %squeeze3A_299, 8 : i32
      %dma_start3A_301 = arith.constant 80 : i32
      %dma_start3A_302 = arith.constant 0 : i32
      %dma_start3A_303 = tpu.memref_slice %arg16[%dma_start3A_301, %dma_start3A_302] : memref<256x32xf32, #tpu.memory_space<vmem>> -> memref<8x32xf32, #tpu.memory_space<vmem>>
      %dma_start3A_304 = arith.constant 0 : i32
      %dma_start3A_305 = tpu.memref_slice %arg6[%multiple_of3A_300, %dma_start3A_304] : memref<1000000x32xf32, #tpu.memory_space<hbm>> -> memref<8x32xf32, #tpu.memory_space<hbm>>
      %dma_start3A_306 = arith.constant 80 : i32
      %dma_start3A_307 = arith.constant 0 : i32
      %dma_start3A_308 = tpu.memref_slice %arg16[%dma_start3A_306, %dma_start3A_307] : memref<256x32xf32, #tpu.memory_space<vmem>> -> memref<8x32xf32, #tpu.memory_space<vmem>>
      %dma_start3A_309 = arith.constant 0 : i32
      %dma_start3A_310 = tpu.memref_slice %arg6[%multiple_of3A_300, %dma_start3A_309] : memref<1000000x32xf32, #tpu.memory_space<hbm>> -> memref<8x32xf32, #tpu.memory_space<hbm>>
      tpu.enqueue_dma source(%dma_start3A_310 : memref<8x32xf32, #tpu.memory_space<hbm>>) target(%dma_start3A_308 : memref<8x32xf32, #tpu.memory_space<vmem>>) target_semaphore(%arg21 : memref<!tpu.dma_semaphore, #tpu.memory_space<semaphore_mem>>)
      %slice3A_311 = vector.extract_strided_slice %shift_left3A_40 {offsets = [10], sizes = [1], strides = [1]} : vector<16xi32> to vector<1xi32>
      %squeeze3A_312 = vector.extract %slice3A_311[0] : i32 from vector<1xi32>
      %multiple_of3A_313 = tpu.assume_multiple %squeeze3A_312, 8 : i32
      %dma_start3A_314 = arith.constant 80 : i32
      %dma_start3A_315 = arith.constant 0 : i32
      %dma_start3A_316 = tpu.memref_slice %arg17[%dma_start3A_314, %dma_start3A_315] : memref<256x32xf32, #tpu.memory_space<vmem>> -> memref<8x32xf32, #tpu.memory_space<vmem>>
      %dma_start3A_317 = arith.constant 0 : i32
      %dma_start3A_318 = tpu.memref_slice %arg6[%multiple_of3A_313, %dma_start3A_317] : memref<1000000x32xf32, #tpu.memory_space<hbm>> -> memref<8x32xf32, #tpu.memory_space<hbm>>
      %dma_start3A_319 = arith.constant 80 : i32
      %dma_start3A_320 = arith.constant 0 : i32
      %dma_start3A_321 = tpu.memref_slice %arg17[%dma_start3A_319, %dma_start3A_320] : memref<256x32xf32, #tpu.memory_space<vmem>> -> memref<8x32xf32, #tpu.memory_space<vmem>>
      %dma_start3A_322 = arith.constant 0 : i32
      %dma_start3A_323 = tpu.memref_slice %arg6[%multiple_of3A_313, %dma_start3A_322] : memref<1000000x32xf32, #tpu.memory_space<hbm>> -> memref<8x32xf32, #tpu.memory_space<hbm>>
      tpu.enqueue_dma source(%dma_start3A_323 : memref<8x32xf32, #tpu.memory_space<hbm>>) target(%dma_start3A_321 : memref<8x32xf32, #tpu.memory_space<vmem>>) target_semaphore(%arg21 : memref<!tpu.dma_semaphore, #tpu.memory_space<semaphore_mem>>)
      %slice3A_324 = vector.extract_strided_slice %shift_left3A_34 {offsets = [11], sizes = [1], strides = [1]} : vector<16xi32> to vector<1xi32>
      %squeeze3A_325 = vector.extract %slice3A_324[0] : i32 from vector<1xi32>
      %multiple_of3A_326 = tpu.assume_multiple %squeeze3A_325, 8 : i32
      %dma_start3A_327 = arith.constant 88 : i32
      %dma_start3A_328 = arith.constant 0 : i32
      %dma_start3A_329 = tpu.memref_slice %arg16[%dma_start3A_327, %dma_start3A_328] : memref<256x32xf32, #tpu.memory_space<vmem>> -> memref<8x32xf32, #tpu.memory_space<vmem>>
      %dma_start3A_330 = arith.constant 0 : i32
      %dma_start3A_331 = tpu.memref_slice %arg6[%multiple_of3A_326, %dma_start3A_330] : memref<1000000x32xf32, #tpu.memory_space<hbm>> -> memref<8x32xf32, #tpu.memory_space<hbm>>
      %dma_start3A_332 = arith.constant 88 : i32
      %dma_start3A_333 = arith.constant 0 : i32
      %dma_start3A_334 = tpu.memref_slice %arg16[%dma_start3A_332, %dma_start3A_333] : memref<256x32xf32, #tpu.memory_space<vmem>> -> memref<8x32xf32, #tpu.memory_space<vmem>>
      %dma_start3A_335 = arith.constant 0 : i32
      %dma_start3A_336 = tpu.memref_slice %arg6[%multiple_of3A_326, %dma_start3A_335] : memref<1000000x32xf32, #tpu.memory_space<hbm>> -> memref<8x32xf32, #tpu.memory_space<hbm>>
      tpu.enqueue_dma source(%dma_start3A_336 : memref<8x32xf32, #tpu.memory_space<hbm>>) target(%dma_start3A_334 : memref<8x32xf32, #tpu.memory_space<vmem>>) target_semaphore(%arg21 : memref<!tpu.dma_semaphore, #tpu.memory_space<semaphore_mem>>)
      %slice3A_337 = vector.extract_strided_slice %shift_left3A_40 {offsets = [11], sizes = [1], strides = [1]} : vector<16xi32> to vector<1xi32>
      %squeeze3A_338 = vector.extract %slice3A_337[0] : i32 from vector<1xi32>
      %multiple_of3A_339 = tpu.assume_multiple %squeeze3A_338, 8 : i32
      %dma_start3A_340 = arith.constant 88 : i32
      %dma_start3A_341 = arith.constant 0 : i32
      %dma_start3A_342 = tpu.memref_slice %arg17[%dma_start3A_340, %dma_start3A_341] : memref<256x32xf32, #tpu.memory_space<vmem>> -> memref<8x32xf32, #tpu.memory_space<vmem>>
      %dma_start3A_343 = arith.constant 0 : i32
      %dma_start3A_344 = tpu.memref_slice %arg6[%multiple_of3A_339, %dma_start3A_343] : memref<1000000x32xf32, #tpu.memory_space<hbm>> -> memref<8x32xf32, #tpu.memory_space<hbm>>
      %dma_start3A_345 = arith.constant 88 : i32
      %dma_start3A_346 = arith.constant 0 : i32
      %dma_start3A_347 = tpu.memref_slice %arg17[%dma_start3A_345, %dma_start3A_346] : memref<256x32xf32, #tpu.memory_space<vmem>> -> memref<8x32xf32, #tpu.memory_space<vmem>>
      %dma_start3A_348 = arith.constant 0 : i32
      %dma_start3A_349 = tpu.memref_slice %arg6[%multiple_of3A_339, %dma_start3A_348] : memref<1000000x32xf32, #tpu.memory_space<hbm>> -> memref<8x32xf32, #tpu.memory_space<hbm>>
      tpu.enqueue_dma source(%dma_start3A_349 : memref<8x32xf32, #tpu.memory_space<hbm>>) target(%dma_start3A_347 : memref<8x32xf32, #tpu.memory_space<vmem>>) target_semaphore(%arg21 : memref<!tpu.dma_semaphore, #tpu.memory_space<semaphore_mem>>)
      %slice3A_350 = vector.extract_strided_slice %shift_left3A_34 {offsets = [12], sizes = [1], strides = [1]} : vector<16xi32> to vector<1xi32>
      %squeeze3A_351 = vector.extract %slice3A_350[0] : i32 from vector<1xi32>
      %multiple_of3A_352 = tpu.assume_multiple %squeeze3A_351, 8 : i32
      %dma_start3A_353 = arith.constant 96 : i32
      %dma_start3A_354 = arith.constant 0 : i32
      %dma_start3A_355 = tpu.memref_slice %arg16[%dma_start3A_353, %dma_start3A_354] : memref<256x32xf32, #tpu.memory_space<vmem>> -> memref<8x32xf32, #tpu.memory_space<vmem>>
      %dma_start3A_356 = arith.constant 0 : i32
      %dma_start3A_357 = tpu.memref_slice %arg6[%multiple_of3A_352, %dma_start3A_356] : memref<1000000x32xf32, #tpu.memory_space<hbm>> -> memref<8x32xf32, #tpu.memory_space<hbm>>
      %dma_start3A_358 = arith.constant 96 : i32
      %dma_start3A_359 = arith.constant 0 : i32
      %dma_start3A_360 = tpu.memref_slice %arg16[%dma_start3A_358, %dma_start3A_359] : memref<256x32xf32, #tpu.memory_space<vmem>> -> memref<8x32xf32, #tpu.memory_space<vmem>>
      %dma_start3A_361 = arith.constant 0 : i32
      %dma_start3A_362 = tpu.memref_slice %arg6[%multiple_of3A_352, %dma_start3A_361] : memref<1000000x32xf32, #tpu.memory_space<hbm>> -> memref<8x32xf32, #tpu.memory_space<hbm>>
      tpu.enqueue_dma source(%dma_start3A_362 : memref<8x32xf32, #tpu.memory_space<hbm>>) target(%dma_start3A_360 : memref<8x32xf32, #tpu.memory_space<vmem>>) target_semaphore(%arg21 : memref<!tpu.dma_semaphore, #tpu.memory_space<semaphore_mem>>)
      %slice3A_363 = vector.extract_strided_slice %shift_left3A_40 {offsets = [12], sizes = [1], strides = [1]} : vector<16xi32> to vector<1xi32>
      %squeeze3A_364 = vector.extract %slice3A_363[0] : i32 from vector<1xi32>
      %multiple_of3A_365 = tpu.assume_multiple %squeeze3A_364, 8 : i32
      %dma_start3A_366 = arith.constant 96 : i32
      %dma_start3A_367 = arith.constant 0 : i32
      %dma_start3A_368 = tpu.memref_slice %arg17[%dma_start3A_366, %dma_start3A_367] : memref<256x32xf32, #tpu.memory_space<vmem>> -> memref<8x32xf32, #tpu.memory_space<vmem>>
      %dma_start3A_369 = arith.constant 0 : i32
      %dma_start3A_370 = tpu.memref_slice %arg6[%multiple_of3A_365, %dma_start3A_369] : memref<1000000x32xf32, #tpu.memory_space<hbm>> -> memref<8x32xf32, #tpu.memory_space<hbm>>
      %dma_start3A_371 = arith.constant 96 : i32
      %dma_start3A_372 = arith.constant 0 : i32
      %dma_start3A_373 = tpu.memref_slice %arg17[%dma_start3A_371, %dma_start3A_372] : memref<256x32xf32, #tpu.memory_space<vmem>> -> memref<8x32xf32, #tpu.memory_space<vmem>>
      %dma_start3A_374 = arith.constant 0 : i32
      %dma_start3A_375 = tpu.memref_slice %arg6[%multiple_of3A_365, %dma_start3A_374] : memref<1000000x32xf32, #tpu.memory_space<hbm>> -> memref<8x32xf32, #tpu.memory_space<hbm>>
      tpu.enqueue_dma source(%dma_start3A_375 : memref<8x32xf32, #tpu.memory_space<hbm>>) target(%dma_start3A_373 : memref<8x32xf32, #tpu.memory_space<vmem>>) target_semaphore(%arg21 : memref<!tpu.dma_semaphore, #tpu.memory_space<semaphore_mem>>)
      %slice3A_376 = vector.extract_strided_slice %shift_left3A_34 {offsets = [13], sizes = [1], strides = [1]} : vector<16xi32> to vector<1xi32>
      %squeeze3A_377 = vector.extract %slice3A_376[0] : i32 from vector<1xi32>
      %multiple_of3A_378 = tpu.assume_multiple %squeeze3A_377, 8 : i32
      %dma_start3A_379 = arith.constant 104 : i32
      %dma_start3A_380 = arith.constant 0 : i32
      %dma_start3A_381 = tpu.memref_slice %arg16[%dma_start3A_379, %dma_start3A_380] : memref<256x32xf32, #tpu.memory_space<vmem>> -> memref<8x32xf32, #tpu.memory_space<vmem>>
      %dma_start3A_382 = arith.constant 0 : i32
      %dma_start3A_383 = tpu.memref_slice %arg6[%multiple_of3A_378, %dma_start3A_382] : memref<1000000x32xf32, #tpu.memory_space<hbm>> -> memref<8x32xf32, #tpu.memory_space<hbm>>
      %dma_start3A_384 = arith.constant 104 : i32
      %dma_start3A_385 = arith.constant 0 : i32
      %dma_start3A_386 = tpu.memref_slice %arg16[%dma_start3A_384, %dma_start3A_385] : memref<256x32xf32, #tpu.memory_space<vmem>> -> memref<8x32xf32, #tpu.memory_space<vmem>>
      %dma_start3A_387 = arith.constant 0 : i32
      %dma_start3A_388 = tpu.memref_slice %arg6[%multiple_of3A_378, %dma_start3A_387] : memref<1000000x32xf32, #tpu.memory_space<hbm>> -> memref<8x32xf32, #tpu.memory_space<hbm>>
      tpu.enqueue_dma source(%dma_start3A_388 : memref<8x32xf32, #tpu.memory_space<hbm>>) target(%dma_start3A_386 : memref<8x32xf32, #tpu.memory_space<vmem>>) target_semaphore(%arg21 : memref<!tpu.dma_semaphore, #tpu.memory_space<semaphore_mem>>)
      %slice3A_389 = vector.extract_strided_slice %shift_left3A_40 {offsets = [13], sizes = [1], strides = [1]} : vector<16xi32> to vector<1xi32>
      %squeeze3A_390 = vector.extract %slice3A_389[0] : i32 from vector<1xi32>
      %multiple_of3A_391 = tpu.assume_multiple %squeeze3A_390, 8 : i32
      %dma_start3A_392 = arith.constant 104 : i32
      %dma_start3A_393 = arith.constant 0 : i32
      %dma_start3A_394 = tpu.memref_slice %arg17[%dma_start3A_392, %dma_start3A_393] : memref<256x32xf32, #tpu.memory_space<vmem>> -> memref<8x32xf32, #tpu.memory_space<vmem>>
      %dma_start3A_395 = arith.constant 0 : i32
      %dma_start3A_396 = tpu.memref_slice %arg6[%multiple_of3A_391, %dma_start3A_395] : memref<1000000x32xf32, #tpu.memory_space<hbm>> -> memref<8x32xf32, #tpu.memory_space<hbm>>
      %dma_start3A_397 = arith.constant 104 : i32
      %dma_start3A_398 = arith.constant 0 : i32
      %dma_start3A_399 = tpu.memref_slice %arg17[%dma_start3A_397, %dma_start3A_398] : memref<256x32xf32, #tpu.memory_space<vmem>> -> memref<8x32xf32, #tpu.memory_space<vmem>>
      %dma_start3A_400 = arith.constant 0 : i32
      %dma_start3A_401 = tpu.memref_slice %arg6[%multiple_of3A_391, %dma_start3A_400] : memref<1000000x32xf32, #tpu.memory_space<hbm>> -> memref<8x32xf32, #tpu.memory_space<hbm>>
      tpu.enqueue_dma source(%dma_start3A_401 : memref<8x32xf32, #tpu.memory_space<hbm>>) target(%dma_start3A_399 : memref<8x32xf32, #tpu.memory_space<vmem>>) target_semaphore(%arg21 : memref<!tpu.dma_semaphore, #tpu.memory_space<semaphore_mem>>)
      %slice3A_402 = vector.extract_strided_slice %shift_left3A_34 {offsets = [14], sizes = [1], strides = [1]} : vector<16xi32> to vector<1xi32>
      %squeeze3A_403 = vector.extract %slice3A_402[0] : i32 from vector<1xi32>
      %multiple_of3A_404 = tpu.assume_multiple %squeeze3A_403, 8 : i32
      %dma_start3A_405 = arith.constant 112 : i32
      %dma_start3A_406 = arith.constant 0 : i32
      %dma_start3A_407 = tpu.memref_slice %arg16[%dma_start3A_405, %dma_start3A_406] : memref<256x32xf32, #tpu.memory_space<vmem>> -> memref<8x32xf32, #tpu.memory_space<vmem>>
      %dma_start3A_408 = arith.constant 0 : i32
      %dma_start3A_409 = tpu.memref_slice %arg6[%multiple_of3A_404, %dma_start3A_408] : memref<1000000x32xf32, #tpu.memory_space<hbm>> -> memref<8x32xf32, #tpu.memory_space<hbm>>
      %dma_start3A_410 = arith.constant 112 : i32
      %dma_start3A_411 = arith.constant 0 : i32
      %dma_start3A_412 = tpu.memref_slice %arg16[%dma_start3A_410, %dma_start3A_411] : memref<256x32xf32, #tpu.memory_space<vmem>> -> memref<8x32xf32, #tpu.memory_space<vmem>>
      %dma_start3A_413 = arith.constant 0 : i32
      %dma_start3A_414 = tpu.memref_slice %arg6[%multiple_of3A_404, %dma_start3A_413] : memref<1000000x32xf32, #tpu.memory_space<hbm>> -> memref<8x32xf32, #tpu.memory_space<hbm>>
      tpu.enqueue_dma source(%dma_start3A_414 : memref<8x32xf32, #tpu.memory_space<hbm>>) target(%dma_start3A_412 : memref<8x32xf32, #tpu.memory_space<vmem>>) target_semaphore(%arg21 : memref<!tpu.dma_semaphore, #tpu.memory_space<semaphore_mem>>)
      %slice3A_415 = vector.extract_strided_slice %shift_left3A_40 {offsets = [14], sizes = [1], strides = [1]} : vector<16xi32> to vector<1xi32>
      %squeeze3A_416 = vector.extract %slice3A_415[0] : i32 from vector<1xi32>
      %multiple_of3A_417 = tpu.assume_multiple %squeeze3A_416, 8 : i32
      %dma_start3A_418 = arith.constant 112 : i32
      %dma_start3A_419 = arith.constant 0 : i32
      %dma_start3A_420 = tpu.memref_slice %arg17[%dma_start3A_418, %dma_start3A_419] : memref<256x32xf32, #tpu.memory_space<vmem>> -> memref<8x32xf32, #tpu.memory_space<vmem>>
      %dma_start3A_421 = arith.constant 0 : i32
      %dma_start3A_422 = tpu.memref_slice %arg6[%multiple_of3A_417, %dma_start3A_421] : memref<1000000x32xf32, #tpu.memory_space<hbm>> -> memref<8x32xf32, #tpu.memory_space<hbm>>
      %dma_start3A_423 = arith.constant 112 : i32
      %dma_start3A_424 = arith.constant 0 : i32
      %dma_start3A_425 = tpu.memref_slice %arg17[%dma_start3A_423, %dma_start3A_424] : memref<256x32xf32, #tpu.memory_space<vmem>> -> memref<8x32xf32, #tpu.memory_space<vmem>>
      %dma_start3A_426 = arith.constant 0 : i32
      %dma_start3A_427 = tpu.memref_slice %arg6[%multiple_of3A_417, %dma_start3A_426] : memref<1000000x32xf32, #tpu.memory_space<hbm>> -> memref<8x32xf32, #tpu.memory_space<hbm>>
      tpu.enqueue_dma source(%dma_start3A_427 : memref<8x32xf32, #tpu.memory_space<hbm>>) target(%dma_start3A_425 : memref<8x32xf32, #tpu.memory_space<vmem>>) target_semaphore(%arg21 : memref<!tpu.dma_semaphore, #tpu.memory_space<semaphore_mem>>)
      %slice3A_428 = vector.extract_strided_slice %shift_left3A_34 {offsets = [15], sizes = [1], strides = [1]} : vector<16xi32> to vector<1xi32>
      %squeeze3A_429 = vector.extract %slice3A_428[0] : i32 from vector<1xi32>
      %multiple_of3A_430 = tpu.assume_multiple %squeeze3A_429, 8 : i32
      %dma_start3A_431 = arith.constant 120 : i32
      %dma_start3A_432 = arith.constant 0 : i32
      %dma_start3A_433 = tpu.memref_slice %arg16[%dma_start3A_431, %dma_start3A_432] : memref<256x32xf32, #tpu.memory_space<vmem>> -> memref<8x32xf32, #tpu.memory_space<vmem>>
      %dma_start3A_434 = arith.constant 0 : i32
      %dma_start3A_435 = tpu.memref_slice %arg6[%multiple_of3A_430, %dma_start3A_434] : memref<1000000x32xf32, #tpu.memory_space<hbm>> -> memref<8x32xf32, #tpu.memory_space<hbm>>
      %dma_start3A_436 = arith.constant 120 : i32
      %dma_start3A_437 = arith.constant 0 : i32
      %dma_start3A_438 = tpu.memref_slice %arg16[%dma_start3A_436, %dma_start3A_437] : memref<256x32xf32, #tpu.memory_space<vmem>> -> memref<8x32xf32, #tpu.memory_space<vmem>>
      %dma_start3A_439 = arith.constant 0 : i32
      %dma_start3A_440 = tpu.memref_slice %arg6[%multiple_of3A_430, %dma_start3A_439] : memref<1000000x32xf32, #tpu.memory_space<hbm>> -> memref<8x32xf32, #tpu.memory_space<hbm>>
      tpu.enqueue_dma source(%dma_start3A_440 : memref<8x32xf32, #tpu.memory_space<hbm>>) target(%dma_start3A_438 : memref<8x32xf32, #tpu.memory_space<vmem>>) target_semaphore(%arg21 : memref<!tpu.dma_semaphore, #tpu.memory_space<semaphore_mem>>)
      %slice3A_441 = vector.extract_strided_slice %shift_left3A_40 {offsets = [15], sizes = [1], strides = [1]} : vector<16xi32> to vector<1xi32>
      %squeeze3A_442 = vector.extract %slice3A_441[0] : i32 from vector<1xi32>
      %multiple_of3A_443 = tpu.assume_multiple %squeeze3A_442, 8 : i32
      %dma_start3A_444 = arith.constant 120 : i32
      %dma_start3A_445 = arith.constant 0 : i32
      %dma_start3A_446 = tpu.memref_slice %arg17[%dma_start3A_444, %dma_start3A_445] : memref<256x32xf32, #tpu.memory_space<vmem>> -> memref<8x32xf32, #tpu.memory_space<vmem>>
      %dma_start3A_447 = arith.constant 0 : i32
      %dma_start3A_448 = tpu.memref_slice %arg6[%multiple_of3A_443, %dma_start3A_447] : memref<1000000x32xf32, #tpu.memory_space<hbm>> -> memref<8x32xf32, #tpu.memory_space<hbm>>
      %dma_start3A_449 = arith.constant 120 : i32
      %dma_start3A_450 = arith.constant 0 : i32
      %dma_start3A_451 = tpu.memref_slice %arg17[%dma_start3A_449, %dma_start3A_450] : memref<256x32xf32, #tpu.memory_space<vmem>> -> memref<8x32xf32, #tpu.memory_space<vmem>>
      %dma_start3A_452 = arith.constant 0 : i32
      %dma_start3A_453 = tpu.memref_slice %arg6[%multiple_of3A_443, %dma_start3A_452] : memref<1000000x32xf32, #tpu.memory_space<hbm>> -> memref<8x32xf32, #tpu.memory_space<hbm>>
      tpu.enqueue_dma source(%dma_start3A_453 : memref<8x32xf32, #tpu.memory_space<hbm>>) target(%dma_start3A_451 : memref<8x32xf32, #tpu.memory_space<vmem>>) target_semaphore(%arg21 : memref<!tpu.dma_semaphore, #tpu.memory_space<semaphore_mem>>)
      %add3A_454 = arith.constant 16 : i32
      %add3A_455 = arith.addi %mul3A_12, %add3A_454 : i32
      %get3A_456 = arith.index_cast %add3A_455 : i32 to index
      %get3A_457 = tpu.vector_load %arg10[%get3A_456] {strides = array<i32>} : memref<512xi32, #tpu.memory_space<vmem>>, vector<16xi32>,
      %add3A_458 = arith.constant 16 : i32
      %add3A_459 = arith.addi %mul3A_12, %add3A_458 : i32
      %get3A_460 = arith.index_cast %add3A_459 : i32 to index
      %get3A_461 = tpu.vector_load %arg12[%get3A_460] {strides = array<i32>} : memref<512xi32, #tpu.memory_space<vmem>>, vector<16xi32>,
      %shift_right_logical3A_462 = arith.constant 3 : i32
      %shift_right_logical3A_463 = vector.broadcast %shift_right_logical3A_462 : i32 to vector<16xi32>
      %shift_right_logical3A_464 = arith.shrui %get3A_457, %shift_right_logical3A_463 : vector<16xi32>
      %shift_left3A_465 = arith.constant 3 : i32
      %shift_left3A_466 = vector.broadcast %shift_left3A_465 : i32 to vector<16xi32>
      %shift_left3A_467 = arith.shli %shift_right_logical3A_464, %shift_left3A_466 : vector<16xi32>
      %shift_right_logical3A_468 = arith.constant 3 : i32
      %shift_right_logical3A_469 = vector.broadcast %shift_right_logical3A_468 : i32 to vector<16xi32>
      %shift_right_logical3A_470 = arith.shrui %get3A_461, %shift_right_logical3A_469 : vector<16xi32>
      %shift_left3A_471 = arith.constant 3 : i32
      %shift_left3A_472 = vector.broadcast %shift_left3A_471 : i32 to vector<16xi32>
      %shift_left3A_473 = arith.shli %shift_right_logical3A_470, %shift_left3A_472 : vector<16xi32>
      %slice3A_474 = vector.extract_strided_slice %shift_left3A_467 {offsets = [0], sizes = [1], strides = [1]} : vector<16xi32> to vector<1xi32>
      %squeeze3A_475 = vector.extract %slice3A_474[0] : i32 from vector<1xi32>
      %multiple_of3A_476 = tpu.assume_multiple %squeeze3A_475, 8 : i32
      %dma_start3A_477 = arith.constant 128 : i32
      %dma_start3A_478 = arith.constant 0 : i32
      %dma_start3A_479 = tpu.memref_slice %arg16[%dma_start3A_477, %dma_start3A_478] : memref<256x32xf32, #tpu.memory_space<vmem>> -> memref<8x32xf32, #tpu.memory_space<vmem>>
      %dma_start3A_480 = arith.constant 0 : i32
      %dma_start3A_481 = tpu.memref_slice %arg6[%multiple_of3A_476, %dma_start3A_480] : memref<1000000x32xf32, #tpu.memory_space<hbm>> -> memref<8x32xf32, #tpu.memory_space<hbm>>
      %dma_start3A_482 = arith.constant 128 : i32
      %dma_start3A_483 = arith.constant 0 : i32
      %dma_start3A_484 = tpu.memref_slice %arg16[%dma_start3A_482, %dma_start3A_483] : memref<256x32xf32, #tpu.memory_space<vmem>> -> memref<8x32xf32, #tpu.memory_space<vmem>>
      %dma_start3A_485 = arith.constant 0 : i32
      %dma_start3A_486 = tpu.memref_slice %arg6[%multiple_of3A_476, %dma_start3A_485] : memref<1000000x32xf32, #tpu.memory_space<hbm>> -> memref<8x32xf32, #tpu.memory_space<hbm>>
      tpu.enqueue_dma source(%dma_start3A_486 : memref<8x32xf32, #tpu.memory_space<hbm>>) target(%dma_start3A_484 : memref<8x32xf32, #tpu.memory_space<vmem>>) target_semaphore(%arg21 : memref<!tpu.dma_semaphore, #tpu.memory_space<semaphore_mem>>)
      %slice3A_487 = vector.extract_strided_slice %shift_left3A_473 {offsets = [0], sizes = [1], strides = [1]} : vector<16xi32> to vector<1xi32>
      %squeeze3A_488 = vector.extract %slice3A_487[0] : i32 from vector<1xi32>
      %multiple_of3A_489 = tpu.assume_multiple %squeeze3A_488, 8 : i32
      %dma_start3A_490 = arith.constant 128 : i32
      %dma_start3A_491 = arith.constant 0 : i32
      %dma_start3A_492 = tpu.memref_slice %arg17[%dma_start3A_490, %dma_start3A_491] : memref<256x32xf32, #tpu.memory_space<vmem>> -> memref<8x32xf32, #tpu.memory_space<vmem>>
      %dma_start3A_493 = arith.constant 0 : i32
      %dma_start3A_494 = tpu.memref_slice %arg6[%multiple_of3A_489, %dma_start3A_493] : memref<1000000x32xf32, #tpu.memory_space<hbm>> -> memref<8x32xf32, #tpu.memory_space<hbm>>
      %dma_start3A_495 = arith.constant 128 : i32
      %dma_start3A_496 = arith.constant 0 : i32
      %dma_start3A_497 = tpu.memref_slice %arg17[%dma_start3A_495, %dma_start3A_496] : memref<256x32xf32, #tpu.memory_space<vmem>> -> memref<8x32xf32, #tpu.memory_space<vmem>>
      %dma_start3A_498 = arith.constant 0 : i32
      %dma_start3A_499 = tpu.memref_slice %arg6[%multiple_of3A_489, %dma_start3A_498] : memref<1000000x32xf32, #tpu.memory_space<hbm>> -> memref<8x32xf32, #tpu.memory_space<hbm>>
      tpu.enqueue_dma source(%dma_start3A_499 : memref<8x32xf32, #tpu.memory_space<hbm>>) target(%dma_start3A_497 : memref<8x32xf32, #tpu.memory_space<vmem>>) target_semaphore(%arg21 : memref<!tpu.dma_semaphore, #tpu.memory_space<semaphore_mem>>)
      %slice3A_500 = vector.extract_strided_slice %shift_left3A_467 {offsets = [1], sizes = [1], strides = [1]} : vector<16xi32> to vector<1xi32>
      %squeeze3A_501 = vector.extract %slice3A_500[0] : i32 from vector<1xi32>
      %multiple_of3A_502 = tpu.assume_multiple %squeeze3A_501, 8 : i32
      %dma_start3A_503 = arith.constant 136 : i32
      %dma_start3A_504 = arith.constant 0 : i32
      %dma_start3A_505 = tpu.memref_slice %arg16[%dma_start3A_503, %dma_start3A_504] : memref<256x32xf32, #tpu.memory_space<vmem>> -> memref<8x32xf32, #tpu.memory_space<vmem>>
      %dma_start3A_506 = arith.constant 0 : i32
      %dma_start3A_507 = tpu.memref_slice %arg6[%multiple_of3A_502, %dma_start3A_506] : memref<1000000x32xf32, #tpu.memory_space<hbm>> -> memref<8x32xf32, #tpu.memory_space<hbm>>
      %dma_start3A_508 = arith.constant 136 : i32
      %dma_start3A_509 = arith.constant 0 : i32
      %dma_start3A_510 = tpu.memref_slice %arg16[%dma_start3A_508, %dma_start3A_509] : memref<256x32xf32, #tpu.memory_space<vmem>> -> memref<8x32xf32, #tpu.memory_space<vmem>>
      %dma_start3A_511 = arith.constant 0 : i32
      %dma_start3A_512 = tpu.memref_slice %arg6[%multiple_of3A_502, %dma_start3A_511] : memref<1000000x32xf32, #tpu.memory_space<hbm>> -> memref<8x32xf32, #tpu.memory_space<hbm>>
      tpu.enqueue_dma source(%dma_start3A_512 : memref<8x32xf32, #tpu.memory_space<hbm>>) target(%dma_start3A_510 : memref<8x32xf32, #tpu.memory_space<vmem>>) target_semaphore(%arg21 : memref<!tpu.dma_semaphore, #tpu.memory_space<semaphore_mem>>)
      %slice3A_513 = vector.extract_strided_slice %shift_left3A_473 {offsets = [1], sizes = [1], strides = [1]} : vector<16xi32> to vector<1xi32>
      %squeeze3A_514 = vector.extract %slice3A_513[0] : i32 from vector<1xi32>
      %multiple_of3A_515 = tpu.assume_multiple %squeeze3A_514, 8 : i32
      %dma_start3A_516 = arith.constant 136 : i32
      %dma_start3A_517 = arith.constant 0 : i32
      %dma_start3A_518 = tpu.memref_slice %arg17[%dma_start3A_516, %dma_start3A_517] : memref<256x32xf32, #tpu.memory_space<vmem>> -> memref<8x32xf32, #tpu.memory_space<vmem>>
      %dma_start3A_519 = arith.constant 0 : i32
      %dma_start3A_520 = tpu.memref_slice %arg6[%multiple_of3A_515, %dma_start3A_519] : memref<1000000x32xf32, #tpu.memory_space<hbm>> -> memref<8x32xf32, #tpu.memory_space<hbm>>
      %dma_start3A_521 = arith.constant 136 : i32
      %dma_start3A_522 = arith.constant 0 : i32
      %dma_start3A_523 = tpu.memref_slice %arg17[%dma_start3A_521, %dma_start3A_522] : memref<256x32xf32, #tpu.memory_space<vmem>> -> memref<8x32xf32, #tpu.memory_space<vmem>>
      %dma_start3A_524 = arith.constant 0 : i32
      %dma_start3A_525 = tpu.memref_slice %arg6[%multiple_of3A_515, %dma_start3A_524] : memref<1000000x32xf32, #tpu.memory_space<hbm>> -> memref<8x32xf32, #tpu.memory_space<hbm>>
      tpu.enqueue_dma source(%dma_start3A_525 : memref<8x32xf32, #tpu.memory_space<hbm>>) target(%dma_start3A_523 : memref<8x32xf32, #tpu.memory_space<vmem>>) target_semaphore(%arg21 : memref<!tpu.dma_semaphore, #tpu.memory_space<semaphore_mem>>)
      %slice3A_526 = vector.extract_strided_slice %shift_left3A_467 {offsets = [2], sizes = [1], strides = [1]} : vector<16xi32> to vector<1xi32>
      %squeeze3A_527 = vector.extract %slice3A_526[0] : i32 from vector<1xi32>
      %multiple_of3A_528 = tpu.assume_multiple %squeeze3A_527, 8 : i32
      %dma_start3A_529 = arith.constant 144 : i32
      %dma_start3A_530 = arith.constant 0 : i32
      %dma_start3A_531 = tpu.memref_slice %arg16[%dma_start3A_529, %dma_start3A_530] : memref<256x32xf32, #tpu.memory_space<vmem>> -> memref<8x32xf32, #tpu.memory_space<vmem>>
      %dma_start3A_532 = arith.constant 0 : i32
      %dma_start3A_533 = tpu.memref_slice %arg6[%multiple_of3A_528, %dma_start3A_532] : memref<1000000x32xf32, #tpu.memory_space<hbm>> -> memref<8x32xf32, #tpu.memory_space<hbm>>
      %dma_start3A_534 = arith.constant 144 : i32
      %dma_start3A_535 = arith.constant 0 : i32
      %dma_start3A_536 = tpu.memref_slice %arg16[%dma_start3A_534, %dma_start3A_535] : memref<256x32xf32, #tpu.memory_space<vmem>> -> memref<8x32xf32, #tpu.memory_space<vmem>>
      %dma_start3A_537 = arith.constant 0 : i32
      %dma_start3A_538 = tpu.memref_slice %arg6[%multiple_of3A_528, %dma_start3A_537] : memref<1000000x32xf32, #tpu.memory_space<hbm>> -> memref<8x32xf32, #tpu.memory_space<hbm>>
      tpu.enqueue_dma source(%dma_start3A_538 : memref<8x32xf32, #tpu.memory_space<hbm>>) target(%dma_start3A_536 : memref<8x32xf32, #tpu.memory_space<vmem>>) target_semaphore(%arg21 : memref<!tpu.dma_semaphore, #tpu.memory_space<semaphore_mem>>)
      %slice3A_539 = vector.extract_strided_slice %shift_left3A_473 {offsets = [2], sizes = [1], strides = [1]} : vector<16xi32> to vector<1xi32>
      %squeeze3A_540 = vector.extract %slice3A_539[0] : i32 from vector<1xi32>
      %multiple_of3A_541 = tpu.assume_multiple %squeeze3A_540, 8 : i32
      %dma_start3A_542 = arith.constant 144 : i32
      %dma_start3A_543 = arith.constant 0 : i32
      %dma_start3A_544 = tpu.memref_slice %arg17[%dma_start3A_542, %dma_start3A_543] : memref<256x32xf32, #tpu.memory_space<vmem>> -> memref<8x32xf32, #tpu.memory_space<vmem>>
      %dma_start3A_545 = arith.constant 0 : i32
      %dma_start3A_546 = tpu.memref_slice %arg6[%multiple_of3A_541, %dma_start3A_545] : memref<1000000x32xf32, #tpu.memory_space<hbm>> -> memref<8x32xf32, #tpu.memory_space<hbm>>
      %dma_start3A_547 = arith.constant 144 : i32
      %dma_start3A_548 = arith.constant 0 : i32
      %dma_start3A_549 = tpu.memref_slice %arg17[%dma_start3A_547, %dma_start3A_548] : memref<256x32xf32, #tpu.memory_space<vmem>> -> memref<8x32xf32, #tpu.memory_space<vmem>>
      %dma_start3A_550 = arith.constant 0 : i32
      %dma_start3A_551 = tpu.memref_slice %arg6[%multiple_of3A_541, %dma_start3A_550] : memref<1000000x32xf32, #tpu.memory_space<hbm>> -> memref<8x32xf32, #tpu.memory_space<hbm>>
      tpu.enqueue_dma source(%dma_start3A_551 : memref<8x32xf32, #tpu.memory_space<hbm>>) target(%dma_start3A_549 : memref<8x32xf32, #tpu.memory_space<vmem>>) target_semaphore(%arg21 : memref<!tpu.dma_semaphore, #tpu.memory_space<semaphore_mem>>)
      %slice3A_552 = vector.extract_strided_slice %shift_left3A_467 {offsets = [3], sizes = [1], strides = [1]} : vector<16xi32> to vector<1xi32>
      %squeeze3A_553 = vector.extract %slice3A_552[0] : i32 from vector<1xi32>
      %multiple_of3A_554 = tpu.assume_multiple %squeeze3A_553, 8 : i32
      %dma_start3A_555 = arith.constant 152 : i32
      %dma_start3A_556 = arith.constant 0 : i32
      %dma_start3A_557 = tpu.memref_slice %arg16[%dma_start3A_555, %dma_start3A_556] : memref<256x32xf32, #tpu.memory_space<vmem>> -> memref<8x32xf32, #tpu.memory_space<vmem>>
      %dma_start3A_558 = arith.constant 0 : i32
      %dma_start3A_559 = tpu.memref_slice %arg6[%multiple_of3A_554, %dma_start3A_558] : memref<1000000x32xf32, #tpu.memory_space<hbm>> -> memref<8x32xf32, #tpu.memory_space<hbm>>
      %dma_start3A_560 = arith.constant 152 : i32
      %dma_start3A_561 = arith.constant 0 : i32
      %dma_start3A_562 = tpu.memref_slice %arg16[%dma_start3A_560, %dma_start3A_561] : memref<256x32xf32, #tpu.memory_space<vmem>> -> memref<8x32xf32, #tpu.memory_space<vmem>>
      %dma_start3A_563 = arith.constant 0 : i32
      %dma_start3A_564 = tpu.memref_slice %arg6[%multiple_of3A_554, %dma_start3A_563] : memref<1000000x32xf32, #tpu.memory_space<hbm>> -> memref<8x32xf32, #tpu.memory_space<hbm>>
      tpu.enqueue_dma source(%dma_start3A_564 : memref<8x32xf32, #tpu.memory_space<hbm>>) target(%dma_start3A_562 : memref<8x32xf32, #tpu.memory_space<vmem>>) target_semaphore(%arg21 : memref<!tpu.dma_semaphore, #tpu.memory_space<semaphore_mem>>)
      %slice3A_565 = vector.extract_strided_slice %shift_left3A_473 {offsets = [3], sizes = [1], strides = [1]} : vector<16xi32> to vector<1xi32>
      %squeeze3A_566 = vector.extract %slice3A_565[0] : i32 from vector<1xi32>
      %multiple_of3A_567 = tpu.assume_multiple %squeeze3A_566, 8 : i32
      %dma_start3A_568 = arith.constant 152 : i32
      %dma_start3A_569 = arith.constant 0 : i32
      %dma_start3A_570 = tpu.memref_slice %arg17[%dma_start3A_568, %dma_start3A_569] : memref<256x32xf32, #tpu.memory_space<vmem>> -> memref<8x32xf32, #tpu.memory_space<vmem>>
      %dma_start3A_571 = arith.constant 0 : i32
      %dma_start3A_572 = tpu.memref_slice %arg6[%multiple_of3A_567, %dma_start3A_571] : memref<1000000x32xf32, #tpu.memory_space<hbm>> -> memref<8x32xf32, #tpu.memory_space<hbm>>
      %dma_start3A_573 = arith.constant 152 : i32
      %dma_start3A_574 = arith.constant 0 : i32
      %dma_start3A_575 = tpu.memref_slice %arg17[%dma_start3A_573, %dma_start3A_574] : memref<256x32xf32, #tpu.memory_space<vmem>> -> memref<8x32xf32, #tpu.memory_space<vmem>>
      %dma_start3A_576 = arith.constant 0 : i32
      %dma_start3A_577 = tpu.memref_slice %arg6[%multiple_of3A_567, %dma_start3A_576] : memref<1000000x32xf32, #tpu.memory_space<hbm>> -> memref<8x32xf32, #tpu.memory_space<hbm>>
      tpu.enqueue_dma source(%dma_start3A_577 : memref<8x32xf32, #tpu.memory_space<hbm>>) target(%dma_start3A_575 : memref<8x32xf32, #tpu.memory_space<vmem>>) target_semaphore(%arg21 : memref<!tpu.dma_semaphore, #tpu.memory_space<semaphore_mem>>)
      %slice3A_578 = vector.extract_strided_slice %shift_left3A_467 {offsets = [4], sizes = [1], strides = [1]} : vector<16xi32> to vector<1xi32>
      %squeeze3A_579 = vector.extract %slice3A_578[0] : i32 from vector<1xi32>
      %multiple_of3A_580 = tpu.assume_multiple %squeeze3A_579, 8 : i32
      %dma_start3A_581 = arith.constant 160 : i32
      %dma_start3A_582 = arith.constant 0 : i32
      %dma_start3A_583 = tpu.memref_slice %arg16[%dma_start3A_581, %dma_start3A_582] : memref<256x32xf32, #tpu.memory_space<vmem>> -> memref<8x32xf32, #tpu.memory_space<vmem>>
      %dma_start3A_584 = arith.constant 0 : i32
      %dma_start3A_585 = tpu.memref_slice %arg6[%multiple_of3A_580, %dma_start3A_584] : memref<1000000x32xf32, #tpu.memory_space<hbm>> -> memref<8x32xf32, #tpu.memory_space<hbm>>
      %dma_start3A_586 = arith.constant 160 : i32
      %dma_start3A_587 = arith.constant 0 : i32
      %dma_start3A_588 = tpu.memref_slice %arg16[%dma_start3A_586, %dma_start3A_587] : memref<256x32xf32, #tpu.memory_space<vmem>> -> memref<8x32xf32, #tpu.memory_space<vmem>>
      %dma_start3A_589 = arith.constant 0 : i32
      %dma_start3A_590 = tpu.memref_slice %arg6[%multiple_of3A_580, %dma_start3A_589] : memref<1000000x32xf32, #tpu.memory_space<hbm>> -> memref<8x32xf32, #tpu.memory_space<hbm>>
      tpu.enqueue_dma source(%dma_start3A_590 : memref<8x32xf32, #tpu.memory_space<hbm>>) target(%dma_start3A_588 : memref<8x32xf32, #tpu.memory_space<vmem>>) target_semaphore(%arg21 : memref<!tpu.dma_semaphore, #tpu.memory_space<semaphore_mem>>)
      %slice3A_591 = vector.extract_strided_slice %shift_left3A_473 {offsets = [4], sizes = [1], strides = [1]} : vector<16xi32> to vector<1xi32>
      %squeeze3A_592 = vector.extract %slice3A_591[0] : i32 from vector<1xi32>
      %multiple_of3A_593 = tpu.assume_multiple %squeeze3A_592, 8 : i32
      %dma_start3A_594 = arith.constant 160 : i32
      %dma_start3A_595 = arith.constant 0 : i32
      %dma_start3A_596 = tpu.memref_slice %arg17[%dma_start3A_594, %dma_start3A_595] : memref<256x32xf32, #tpu.memory_space<vmem>> -> memref<8x32xf32, #tpu.memory_space<vmem>>
      %dma_start3A_597 = arith.constant 0 : i32
      %dma_start3A_598 = tpu.memref_slice %arg6[%multiple_of3A_593, %dma_start3A_597] : memref<1000000x32xf32, #tpu.memory_space<hbm>> -> memref<8x32xf32, #tpu.memory_space<hbm>>
      %dma_start3A_599 = arith.constant 160 : i32
      %dma_start3A_600 = arith.constant 0 : i32
      %dma_start3A_601 = tpu.memref_slice %arg17[%dma_start3A_599, %dma_start3A_600] : memref<256x32xf32, #tpu.memory_space<vmem>> -> memref<8x32xf32, #tpu.memory_space<vmem>>
      %dma_start3A_602 = arith.constant 0 : i32
      %dma_start3A_603 = tpu.memref_slice %arg6[%multiple_of3A_593, %dma_start3A_602] : memref<1000000x32xf32, #tpu.memory_space<hbm>> -> memref<8x32xf32, #tpu.memory_space<hbm>>
      tpu.enqueue_dma source(%dma_start3A_603 : memref<8x32xf32, #tpu.memory_space<hbm>>) target(%dma_start3A_601 : memref<8x32xf32, #tpu.memory_space<vmem>>) target_semaphore(%arg21 : memref<!tpu.dma_semaphore, #tpu.memory_space<semaphore_mem>>)
      %slice3A_604 = vector.extract_strided_slice %shift_left3A_467 {offsets = [5], sizes = [1], strides = [1]} : vector<16xi32> to vector<1xi32>
      %squeeze3A_605 = vector.extract %slice3A_604[0] : i32 from vector<1xi32>
      %multiple_of3A_606 = tpu.assume_multiple %squeeze3A_605, 8 : i32
      %dma_start3A_607 = arith.constant 168 : i32
      %dma_start3A_608 = arith.constant 0 : i32
      %dma_start3A_609 = tpu.memref_slice %arg16[%dma_start3A_607, %dma_start3A_608] : memref<256x32xf32, #tpu.memory_space<vmem>> -> memref<8x32xf32, #tpu.memory_space<vmem>>
      %dma_start3A_610 = arith.constant 0 : i32
      %dma_start3A_611 = tpu.memref_slice %arg6[%multiple_of3A_606, %dma_start3A_610] : memref<1000000x32xf32, #tpu.memory_space<hbm>> -> memref<8x32xf32, #tpu.memory_space<hbm>>
      %dma_start3A_612 = arith.constant 168 : i32
      %dma_start3A_613 = arith.constant 0 : i32
      %dma_start3A_614 = tpu.memref_slice %arg16[%dma_start3A_612, %dma_start3A_613] : memref<256x32xf32, #tpu.memory_space<vmem>> -> memref<8x32xf32, #tpu.memory_space<vmem>>
      %dma_start3A_615 = arith.constant 0 : i32
      %dma_start3A_616 = tpu.memref_slice %arg6[%multiple_of3A_606, %dma_start3A_615] : memref<1000000x32xf32, #tpu.memory_space<hbm>> -> memref<8x32xf32, #tpu.memory_space<hbm>>
      tpu.enqueue_dma source(%dma_start3A_616 : memref<8x32xf32, #tpu.memory_space<hbm>>) target(%dma_start3A_614 : memref<8x32xf32, #tpu.memory_space<vmem>>) target_semaphore(%arg21 : memref<!tpu.dma_semaphore, #tpu.memory_space<semaphore_mem>>)
      %slice3A_617 = vector.extract_strided_slice %shift_left3A_473 {offsets = [5], sizes = [1], strides = [1]} : vector<16xi32> to vector<1xi32>
      %squeeze3A_618 = vector.extract %slice3A_617[0] : i32 from vector<1xi32>
      %multiple_of3A_619 = tpu.assume_multiple %squeeze3A_618, 8 : i32
      %dma_start3A_620 = arith.constant 168 : i32
      %dma_start3A_621 = arith.constant 0 : i32
      %dma_start3A_622 = tpu.memref_slice %arg17[%dma_start3A_620, %dma_start3A_621] : memref<256x32xf32, #tpu.memory_space<vmem>> -> memref<8x32xf32, #tpu.memory_space<vmem>>
      %dma_start3A_623 = arith.constant 0 : i32
      %dma_start3A_624 = tpu.memref_slice %arg6[%multiple_of3A_619, %dma_start3A_623] : memref<1000000x32xf32, #tpu.memory_space<hbm>> -> memref<8x32xf32, #tpu.memory_space<hbm>>
      %dma_start3A_625 = arith.constant 168 : i32
      %dma_start3A_626 = arith.constant 0 : i32
      %dma_start3A_627 = tpu.memref_slice %arg17[%dma_start3A_625, %dma_start3A_626] : memref<256x32xf32, #tpu.memory_space<vmem>> -> memref<8x32xf32, #tpu.memory_space<vmem>>
      %dma_start3A_628 = arith.constant 0 : i32
      %dma_start3A_629 = tpu.memref_slice %arg6[%multiple_of3A_619, %dma_start3A_628] : memref<1000000x32xf32, #tpu.memory_space<hbm>> -> memref<8x32xf32, #tpu.memory_space<hbm>>
      tpu.enqueue_dma source(%dma_start3A_629 : memref<8x32xf32, #tpu.memory_space<hbm>>) target(%dma_start3A_627 : memref<8x32xf32, #tpu.memory_space<vmem>>) target_semaphore(%arg21 : memref<!tpu.dma_semaphore, #tpu.memory_space<semaphore_mem>>)
      %slice3A_630 = vector.extract_strided_slice %shift_left3A_467 {offsets = [6], sizes = [1], strides = [1]} : vector<16xi32> to vector<1xi32>
      %squeeze3A_631 = vector.extract %slice3A_630[0] : i32 from vector<1xi32>
      %multiple_of3A_632 = tpu.assume_multiple %squeeze3A_631, 8 : i32
      %dma_start3A_633 = arith.constant 176 : i32
      %dma_start3A_634 = arith.constant 0 : i32
      %dma_start3A_635 = tpu.memref_slice %arg16[%dma_start3A_633, %dma_start3A_634] : memref<256x32xf32, #tpu.memory_space<vmem>> -> memref<8x32xf32, #tpu.memory_space<vmem>>
      %dma_start3A_636 = arith.constant 0 : i32
      %dma_start3A_637 = tpu.memref_slice %arg6[%multiple_of3A_632, %dma_start3A_636] : memref<1000000x32xf32, #tpu.memory_space<hbm>> -> memref<8x32xf32, #tpu.memory_space<hbm>>
      %dma_start3A_638 = arith.constant 176 : i32
      %dma_start3A_639 = arith.constant 0 : i32
      %dma_start3A_640 = tpu.memref_slice %arg16[%dma_start3A_638, %dma_start3A_639] : memref<256x32xf32, #tpu.memory_space<vmem>> -> memref<8x32xf32, #tpu.memory_space<vmem>>
      %dma_start3A_641 = arith.constant 0 : i32
      %dma_start3A_642 = tpu.memref_slice %arg6[%multiple_of3A_632, %dma_start3A_641] : memref<1000000x32xf32, #tpu.memory_space<hbm>> -> memref<8x32xf32, #tpu.memory_space<hbm>>
      tpu.enqueue_dma source(%dma_start3A_642 : memref<8x32xf32, #tpu.memory_space<hbm>>) target(%dma_start3A_640 : memref<8x32xf32, #tpu.memory_space<vmem>>) target_semaphore(%arg21 : memref<!tpu.dma_semaphore, #tpu.memory_space<semaphore_mem>>)
      %slice3A_643 = vector.extract_strided_slice %shift_left3A_473 {offsets = [6], sizes = [1], strides = [1]} : vector<16xi32> to vector<1xi32>
      %squeeze3A_644 = vector.extract %slice3A_643[0] : i32 from vector<1xi32>
      %multiple_of3A_645 = tpu.assume_multiple %squeeze3A_644, 8 : i32
      %dma_start3A_646 = arith.constant 176 : i32
      %dma_start3A_647 = arith.constant 0 : i32
      %dma_start3A_648 = tpu.memref_slice %arg17[%dma_start3A_646, %dma_start3A_647] : memref<256x32xf32, #tpu.memory_space<vmem>> -> memref<8x32xf32, #tpu.memory_space<vmem>>
      %dma_start3A_649 = arith.constant 0 : i32
      %dma_start3A_650 = tpu.memref_slice %arg6[%multiple_of3A_645, %dma_start3A_649] : memref<1000000x32xf32, #tpu.memory_space<hbm>> -> memref<8x32xf32, #tpu.memory_space<hbm>>
      %dma_start3A_651 = arith.constant 176 : i32
      %dma_start3A_652 = arith.constant 0 : i32
      %dma_start3A_653 = tpu.memref_slice %arg17[%dma_start3A_651, %dma_start3A_652] : memref<256x32xf32, #tpu.memory_space<vmem>> -> memref<8x32xf32, #tpu.memory_space<vmem>>
      %dma_start3A_654 = arith.constant 0 : i32
      %dma_start3A_655 = tpu.memref_slice %arg6[%multiple_of3A_645, %dma_start3A_654] : memref<1000000x32xf32, #tpu.memory_space<hbm>> -> memref<8x32xf32, #tpu.memory_space<hbm>>
      tpu.enqueue_dma source(%dma_start3A_655 : memref<8x32xf32, #tpu.memory_space<hbm>>) target(%dma_start3A_653 : memref<8x32xf32, #tpu.memory_space<vmem>>) target_semaphore(%arg21 : memref<!tpu.dma_semaphore, #tpu.memory_space<semaphore_mem>>)
      %slice3A_656 = vector.extract_strided_slice %shift_left3A_467 {offsets = [7], sizes = [1], strides = [1]} : vector<16xi32> to vector<1xi32>
      %squeeze3A_657 = vector.extract %slice3A_656[0] : i32 from vector<1xi32>
      %multiple_of3A_658 = tpu.assume_multiple %squeeze3A_657, 8 : i32
      %dma_start3A_659 = arith.constant 184 : i32
      %dma_start3A_660 = arith.constant 0 : i32
      %dma_start3A_661 = tpu.memref_slice %arg16[%dma_start3A_659, %dma_start3A_660] : memref<256x32xf32, #tpu.memory_space<vmem>> -> memref<8x32xf32, #tpu.memory_space<vmem>>
      %dma_start3A_662 = arith.constant 0 : i32
      %dma_start3A_663 = tpu.memref_slice %arg6[%multiple_of3A_658, %dma_start3A_662] : memref<1000000x32xf32, #tpu.memory_space<hbm>> -> memref<8x32xf32, #tpu.memory_space<hbm>>
      %dma_start3A_664 = arith.constant 184 : i32
      %dma_start3A_665 = arith.constant 0 : i32
      %dma_start3A_666 = tpu.memref_slice %arg16[%dma_start3A_664, %dma_start3A_665] : memref<256x32xf32, #tpu.memory_space<vmem>> -> memref<8x32xf32, #tpu.memory_space<vmem>>
      %dma_start3A_667 = arith.constant 0 : i32
      %dma_start3A_668 = tpu.memref_slice %arg6[%multiple_of3A_658, %dma_start3A_667] : memref<1000000x32xf32, #tpu.memory_space<hbm>> -> memref<8x32xf32, #tpu.memory_space<hbm>>
      tpu.enqueue_dma source(%dma_start3A_668 : memref<8x32xf32, #tpu.memory_space<hbm>>) target(%dma_start3A_666 : memref<8x32xf32, #tpu.memory_space<vmem>>) target_semaphore(%arg21 : memref<!tpu.dma_semaphore, #tpu.memory_space<semaphore_mem>>)
      %slice3A_669 = vector.extract_strided_slice %shift_left3A_473 {offsets = [7], sizes = [1], strides = [1]} : vector<16xi32> to vector<1xi32>
      %squeeze3A_670 = vector.extract %slice3A_669[0] : i32 from vector<1xi32>
      %multiple_of3A_671 = tpu.assume_multiple %squeeze3A_670, 8 : i32
      %dma_start3A_672 = arith.constant 184 : i32
      %dma_start3A_673 = arith.constant 0 : i32
      %dma_start3A_674 = tpu.memref_slice %arg17[%dma_start3A_672, %dma_start3A_673] : memref<256x32xf32, #tpu.memory_space<vmem>> -> memref<8x32xf32, #tpu.memory_space<vmem>>
      %dma_start3A_675 = arith.constant 0 : i32
      %dma_start3A_676 = tpu.memref_slice %arg6[%multiple_of3A_671, %dma_start3A_675] : memref<1000000x32xf32, #tpu.memory_space<hbm>> -> memref<8x32xf32, #tpu.memory_space<hbm>>
      %dma_start3A_677 = arith.constant 184 : i32
      %dma_start3A_678 = arith.constant 0 : i32
      %dma_start3A_679 = tpu.memref_slice %arg17[%dma_start3A_677, %dma_start3A_678] : memref<256x32xf32, #tpu.memory_space<vmem>> -> memref<8x32xf32, #tpu.memory_space<vmem>>
      %dma_start3A_680 = arith.constant 0 : i32
      %dma_start3A_681 = tpu.memref_slice %arg6[%multiple_of3A_671, %dma_start3A_680] : memref<1000000x32xf32, #tpu.memory_space<hbm>> -> memref<8x32xf32, #tpu.memory_space<hbm>>
      tpu.enqueue_dma source(%dma_start3A_681 : memref<8x32xf32, #tpu.memory_space<hbm>>) target(%dma_start3A_679 : memref<8x32xf32, #tpu.memory_space<vmem>>) target_semaphore(%arg21 : memref<!tpu.dma_semaphore, #tpu.memory_space<semaphore_mem>>)
      %slice3A_682 = vector.extract_strided_slice %shift_left3A_467 {offsets = [8], sizes = [1], strides = [1]} : vector<16xi32> to vector<1xi32>
      %squeeze3A_683 = vector.extract %slice3A_682[0] : i32 from vector<1xi32>
      %multiple_of3A_684 = tpu.assume_multiple %squeeze3A_683, 8 : i32
      %dma_start3A_685 = arith.constant 192 : i32
      %dma_start3A_686 = arith.constant 0 : i32
      %dma_start3A_687 = tpu.memref_slice %arg16[%dma_start3A_685, %dma_start3A_686] : memref<256x32xf32, #tpu.memory_space<vmem>> -> memref<8x32xf32, #tpu.memory_space<vmem>>
      %dma_start3A_688 = arith.constant 0 : i32
      %dma_start3A_689 = tpu.memref_slice %arg6[%multiple_of3A_684, %dma_start3A_688] : memref<1000000x32xf32, #tpu.memory_space<hbm>> -> memref<8x32xf32, #tpu.memory_space<hbm>>
      %dma_start3A_690 = arith.constant 192 : i32
      %dma_start3A_691 = arith.constant 0 : i32
      %dma_start3A_692 = tpu.memref_slice %arg16[%dma_start3A_690, %dma_start3A_691] : memref<256x32xf32, #tpu.memory_space<vmem>> -> memref<8x32xf32, #tpu.memory_space<vmem>>
      %dma_start3A_693 = arith.constant 0 : i32
      %dma_start3A_694 = tpu.memref_slice %arg6[%multiple_of3A_684, %dma_start3A_693] : memref<1000000x32xf32, #tpu.memory_space<hbm>> -> memref<8x32xf32, #tpu.memory_space<hbm>>
      tpu.enqueue_dma source(%dma_start3A_694 : memref<8x32xf32, #tpu.memory_space<hbm>>) target(%dma_start3A_692 : memref<8x32xf32, #tpu.memory_space<vmem>>) target_semaphore(%arg21 : memref<!tpu.dma_semaphore, #tpu.memory_space<semaphore_mem>>)
      %slice3A_695 = vector.extract_strided_slice %shift_left3A_473 {offsets = [8], sizes = [1], strides = [1]} : vector<16xi32> to vector<1xi32>
      %squeeze3A_696 = vector.extract %slice3A_695[0] : i32 from vector<1xi32>
      %multiple_of3A_697 = tpu.assume_multiple %squeeze3A_696, 8 : i32
      %dma_start3A_698 = arith.constant 192 : i32
      %dma_start3A_699 = arith.constant 0 : i32
      %dma_start3A_700 = tpu.memref_slice %arg17[%dma_start3A_698, %dma_start3A_699] : memref<256x32xf32, #tpu.memory_space<vmem>> -> memref<8x32xf32, #tpu.memory_space<vmem>>
      %dma_start3A_701 = arith.constant 0 : i32
      %dma_start3A_702 = tpu.memref_slice %arg6[%multiple_of3A_697, %dma_start3A_701] : memref<1000000x32xf32, #tpu.memory_space<hbm>> -> memref<8x32xf32, #tpu.memory_space<hbm>>
      %dma_start3A_703 = arith.constant 192 : i32
      %dma_start3A_704 = arith.constant 0 : i32
      %dma_start3A_705 = tpu.memref_slice %arg17[%dma_start3A_703, %dma_start3A_704] : memref<256x32xf32, #tpu.memory_space<vmem>> -> memref<8x32xf32, #tpu.memory_space<vmem>>
      %dma_start3A_706 = arith.constant 0 : i32
      %dma_start3A_707 = tpu.memref_slice %arg6[%multiple_of3A_697, %dma_start3A_706] : memref<1000000x32xf32, #tpu.memory_space<hbm>> -> memref<8x32xf32, #tpu.memory_space<hbm>>
      tpu.enqueue_dma source(%dma_start3A_707 : memref<8x32xf32, #tpu.memory_space<hbm>>) target(%dma_start3A_705 : memref<8x32xf32, #tpu.memory_space<vmem>>) target_semaphore(%arg21 : memref<!tpu.dma_semaphore, #tpu.memory_space<semaphore_mem>>)
      %slice3A_708 = vector.extract_strided_slice %shift_left3A_467 {offsets = [9], sizes = [1], strides = [1]} : vector<16xi32> to vector<1xi32>
      %squeeze3A_709 = vector.extract %slice3A_708[0] : i32 from vector<1xi32>
      %multiple_of3A_710 = tpu.assume_multiple %squeeze3A_709, 8 : i32
      %dma_start3A_711 = arith.constant 200 : i32
      %dma_start3A_712 = arith.constant 0 : i32
      %dma_start3A_713 = tpu.memref_slice %arg16[%dma_start3A_711, %dma_start3A_712] : memref<256x32xf32, #tpu.memory_space<vmem>> -> memref<8x32xf32, #tpu.memory_space<vmem>>
      %dma_start3A_714 = arith.constant 0 : i32
      %dma_start3A_715 = tpu.memref_slice %arg6[%multiple_of3A_710, %dma_start3A_714] : memref<1000000x32xf32, #tpu.memory_space<hbm>> -> memref<8x32xf32, #tpu.memory_space<hbm>>
      %dma_start3A_716 = arith.constant 200 : i32
      %dma_start3A_717 = arith.constant 0 : i32
      %dma_start3A_718 = tpu.memref_slice %arg16[%dma_start3A_716, %dma_start3A_717] : memref<256x32xf32, #tpu.memory_space<vmem>> -> memref<8x32xf32, #tpu.memory_space<vmem>>
      %dma_start3A_719 = arith.constant 0 : i32
      %dma_start3A_720 = tpu.memref_slice %arg6[%multiple_of3A_710, %dma_start3A_719] : memref<1000000x32xf32, #tpu.memory_space<hbm>> -> memref<8x32xf32, #tpu.memory_space<hbm>>
      tpu.enqueue_dma source(%dma_start3A_720 : memref<8x32xf32, #tpu.memory_space<hbm>>) target(%dma_start3A_718 : memref<8x32xf32, #tpu.memory_space<vmem>>) target_semaphore(%arg21 : memref<!tpu.dma_semaphore, #tpu.memory_space<semaphore_mem>>)
      %slice3A_721 = vector.extract_strided_slice %shift_left3A_473 {offsets = [9], sizes = [1], strides = [1]} : vector<16xi32> to vector<1xi32>
      %squeeze3A_722 = vector.extract %slice3A_721[0] : i32 from vector<1xi32>
      %multiple_of3A_723 = tpu.assume_multiple %squeeze3A_722, 8 : i32
      %dma_start3A_724 = arith.constant 200 : i32
      %dma_start3A_725 = arith.constant 0 : i32
      %dma_start3A_726 = tpu.memref_slice %arg17[%dma_start3A_724, %dma_start3A_725] : memref<256x32xf32, #tpu.memory_space<vmem>> -> memref<8x32xf32, #tpu.memory_space<vmem>>
      %dma_start3A_727 = arith.constant 0 : i32
      %dma_start3A_728 = tpu.memref_slice %arg6[%multiple_of3A_723, %dma_start3A_727] : memref<1000000x32xf32, #tpu.memory_space<hbm>> -> memref<8x32xf32, #tpu.memory_space<hbm>>
      %dma_start3A_729 = arith.constant 200 : i32
      %dma_start3A_730 = arith.constant 0 : i32
      %dma_start3A_731 = tpu.memref_slice %arg17[%dma_start3A_729, %dma_start3A_730] : memref<256x32xf32, #tpu.memory_space<vmem>> -> memref<8x32xf32, #tpu.memory_space<vmem>>
      %dma_start3A_732 = arith.constant 0 : i32
      %dma_start3A_733 = tpu.memref_slice %arg6[%multiple_of3A_723, %dma_start3A_732] : memref<1000000x32xf32, #tpu.memory_space<hbm>> -> memref<8x32xf32, #tpu.memory_space<hbm>>
      tpu.enqueue_dma source(%dma_start3A_733 : memref<8x32xf32, #tpu.memory_space<hbm>>) target(%dma_start3A_731 : memref<8x32xf32, #tpu.memory_space<vmem>>) target_semaphore(%arg21 : memref<!tpu.dma_semaphore, #tpu.memory_space<semaphore_mem>>)
      %slice3A_734 = vector.extract_strided_slice %shift_left3A_467 {offsets = [10], sizes = [1], strides = [1]} : vector<16xi32> to vector<1xi32>
      %squeeze3A_735 = vector.extract %slice3A_734[0] : i32 from vector<1xi32>
      %multiple_of3A_736 = tpu.assume_multiple %squeeze3A_735, 8 : i32
      %dma_start3A_737 = arith.constant 208 : i32
      %dma_start3A_738 = arith.constant 0 : i32
      %dma_start3A_739 = tpu.memref_slice %arg16[%dma_start3A_737, %dma_start3A_738] : memref<256x32xf32, #tpu.memory_space<vmem>> -> memref<8x32xf32, #tpu.memory_space<vmem>>
      %dma_start3A_740 = arith.constant 0 : i32
      %dma_start3A_741 = tpu.memref_slice %arg6[%multiple_of3A_736, %dma_start3A_740] : memref<1000000x32xf32, #tpu.memory_space<hbm>> -> memref<8x32xf32, #tpu.memory_space<hbm>>
      %dma_start3A_742 = arith.constant 208 : i32
      %dma_start3A_743 = arith.constant 0 : i32
      %dma_start3A_744 = tpu.memref_slice %arg16[%dma_start3A_742, %dma_start3A_743] : memref<256x32xf32, #tpu.memory_space<vmem>> -> memref<8x32xf32, #tpu.memory_space<vmem>>
      %dma_start3A_745 = arith.constant 0 : i32
      %dma_start3A_746 = tpu.memref_slice %arg6[%multiple_of3A_736, %dma_start3A_745] : memref<1000000x32xf32, #tpu.memory_space<hbm>> -> memref<8x32xf32, #tpu.memory_space<hbm>>
      tpu.enqueue_dma source(%dma_start3A_746 : memref<8x32xf32, #tpu.memory_space<hbm>>) target(%dma_start3A_744 : memref<8x32xf32, #tpu.memory_space<vmem>>) target_semaphore(%arg21 : memref<!tpu.dma_semaphore, #tpu.memory_space<semaphore_mem>>)
      %slice3A_747 = vector.extract_strided_slice %shift_left3A_473 {offsets = [10], sizes = [1], strides = [1]} : vector<16xi32> to vector<1xi32>
      %squeeze3A_748 = vector.extract %slice3A_747[0] : i32 from vector<1xi32>
      %multiple_of3A_749 = tpu.assume_multiple %squeeze3A_748, 8 : i32
      %dma_start3A_750 = arith.constant 208 : i32
      %dma_start3A_751 = arith.constant 0 : i32
      %dma_start3A_752 = tpu.memref_slice %arg17[%dma_start3A_750, %dma_start3A_751] : memref<256x32xf32, #tpu.memory_space<vmem>> -> memref<8x32xf32, #tpu.memory_space<vmem>>
      %dma_start3A_753 = arith.constant 0 : i32
      %dma_start3A_754 = tpu.memref_slice %arg6[%multiple_of3A_749, %dma_start3A_753] : memref<1000000x32xf32, #tpu.memory_space<hbm>> -> memref<8x32xf32, #tpu.memory_space<hbm>>
      %dma_start3A_755 = arith.constant 208 : i32
      %dma_start3A_756 = arith.constant 0 : i32
      %dma_start3A_757 = tpu.memref_slice %arg17[%dma_start3A_755, %dma_start3A_756] : memref<256x32xf32, #tpu.memory_space<vmem>> -> memref<8x32xf32, #tpu.memory_space<vmem>>
      %dma_start3A_758 = arith.constant 0 : i32
      %dma_start3A_759 = tpu.memref_slice %arg6[%multiple_of3A_749, %dma_start3A_758] : memref<1000000x32xf32, #tpu.memory_space<hbm>> -> memref<8x32xf32, #tpu.memory_space<hbm>>
      tpu.enqueue_dma source(%dma_start3A_759 : memref<8x32xf32, #tpu.memory_space<hbm>>) target(%dma_start3A_757 : memref<8x32xf32, #tpu.memory_space<vmem>>) target_semaphore(%arg21 : memref<!tpu.dma_semaphore, #tpu.memory_space<semaphore_mem>>)
      %slice3A_760 = vector.extract_strided_slice %shift_left3A_467 {offsets = [11], sizes = [1], strides = [1]} : vector<16xi32> to vector<1xi32>
      %squeeze3A_761 = vector.extract %slice3A_760[0] : i32 from vector<1xi32>
      %multiple_of3A_762 = tpu.assume_multiple %squeeze3A_761, 8 : i32
      %dma_start3A_763 = arith.constant 216 : i32
      %dma_start3A_764 = arith.constant 0 : i32
      %dma_start3A_765 = tpu.memref_slice %arg16[%dma_start3A_763, %dma_start3A_764] : memref<256x32xf32, #tpu.memory_space<vmem>> -> memref<8x32xf32, #tpu.memory_space<vmem>>
      %dma_start3A_766 = arith.constant 0 : i32
      %dma_start3A_767 = tpu.memref_slice %arg6[%multiple_of3A_762, %dma_start3A_766] : memref<1000000x32xf32, #tpu.memory_space<hbm>> -> memref<8x32xf32, #tpu.memory_space<hbm>>
      %dma_start3A_768 = arith.constant 216 : i32
      %dma_start3A_769 = arith.constant 0 : i32
      %dma_start3A_770 = tpu.memref_slice %arg16[%dma_start3A_768, %dma_start3A_769] : memref<256x32xf32, #tpu.memory_space<vmem>> -> memref<8x32xf32, #tpu.memory_space<vmem>>
      %dma_start3A_771 = arith.constant 0 : i32
      %dma_start3A_772 = tpu.memref_slice %arg6[%multiple_of3A_762, %dma_start3A_771] : memref<1000000x32xf32, #tpu.memory_space<hbm>> -> memref<8x32xf32, #tpu.memory_space<hbm>>
      tpu.enqueue_dma source(%dma_start3A_772 : memref<8x32xf32, #tpu.memory_space<hbm>>) target(%dma_start3A_770 : memref<8x32xf32, #tpu.memory_space<vmem>>) target_semaphore(%arg21 : memref<!tpu.dma_semaphore, #tpu.memory_space<semaphore_mem>>)
      %slice3A_773 = vector.extract_strided_slice %shift_left3A_473 {offsets = [11], sizes = [1], strides = [1]} : vector<16xi32> to vector<1xi32>
      %squeeze3A_774 = vector.extract %slice3A_773[0] : i32 from vector<1xi32>
      %multiple_of3A_775 = tpu.assume_multiple %squeeze3A_774, 8 : i32
      %dma_start3A_776 = arith.constant 216 : i32
      %dma_start3A_777 = arith.constant 0 : i32
      %dma_start3A_778 = tpu.memref_slice %arg17[%dma_start3A_776, %dma_start3A_777] : memref<256x32xf32, #tpu.memory_space<vmem>> -> memref<8x32xf32, #tpu.memory_space<vmem>>
      %dma_start3A_779 = arith.constant 0 : i32
      %dma_start3A_780 = tpu.memref_slice %arg6[%multiple_of3A_775, %dma_start3A_779] : memref<1000000x32xf32, #tpu.memory_space<hbm>> -> memref<8x32xf32, #tpu.memory_space<hbm>>
      %dma_start3A_781 = arith.constant 216 : i32
      %dma_start3A_782 = arith.constant 0 : i32
      %dma_start3A_783 = tpu.memref_slice %arg17[%dma_start3A_781, %dma_start3A_782] : memref<256x32xf32, #tpu.memory_space<vmem>> -> memref<8x32xf32, #tpu.memory_space<vmem>>
      %dma_start3A_784 = arith.constant 0 : i32
      %dma_start3A_785 = tpu.memref_slice %arg6[%multiple_of3A_775, %dma_start3A_784] : memref<1000000x32xf32, #tpu.memory_space<hbm>> -> memref<8x32xf32, #tpu.memory_space<hbm>>
      tpu.enqueue_dma source(%dma_start3A_785 : memref<8x32xf32, #tpu.memory_space<hbm>>) target(%dma_start3A_783 : memref<8x32xf32, #tpu.memory_space<vmem>>) target_semaphore(%arg21 : memref<!tpu.dma_semaphore, #tpu.memory_space<semaphore_mem>>)
      %slice3A_786 = vector.extract_strided_slice %shift_left3A_467 {offsets = [12], sizes = [1], strides = [1]} : vector<16xi32> to vector<1xi32>
      %squeeze3A_787 = vector.extract %slice3A_786[0] : i32 from vector<1xi32>
      %multiple_of3A_788 = tpu.assume_multiple %squeeze3A_787, 8 : i32
      %dma_start3A_789 = arith.constant 224 : i32
      %dma_start3A_790 = arith.constant 0 : i32
      %dma_start3A_791 = tpu.memref_slice %arg16[%dma_start3A_789, %dma_start3A_790] : memref<256x32xf32, #tpu.memory_space<vmem>> -> memref<8x32xf32, #tpu.memory_space<vmem>>
      %dma_start3A_792 = arith.constant 0 : i32
      %dma_start3A_793 = tpu.memref_slice %arg6[%multiple_of3A_788, %dma_start3A_792] : memref<1000000x32xf32, #tpu.memory_space<hbm>> -> memref<8x32xf32, #tpu.memory_space<hbm>>
      %dma_start3A_794 = arith.constant 224 : i32
      %dma_start3A_795 = arith.constant 0 : i32
      %dma_start3A_796 = tpu.memref_slice %arg16[%dma_start3A_794, %dma_start3A_795] : memref<256x32xf32, #tpu.memory_space<vmem>> -> memref<8x32xf32, #tpu.memory_space<vmem>>
      %dma_start3A_797 = arith.constant 0 : i32
      %dma_start3A_798 = tpu.memref_slice %arg6[%multiple_of3A_788, %dma_start3A_797] : memref<1000000x32xf32, #tpu.memory_space<hbm>> -> memref<8x32xf32, #tpu.memory_space<hbm>>
      tpu.enqueue_dma source(%dma_start3A_798 : memref<8x32xf32, #tpu.memory_space<hbm>>) target(%dma_start3A_796 : memref<8x32xf32, #tpu.memory_space<vmem>>) target_semaphore(%arg21 : memref<!tpu.dma_semaphore, #tpu.memory_space<semaphore_mem>>)
      %slice3A_799 = vector.extract_strided_slice %shift_left3A_473 {offsets = [12], sizes = [1], strides = [1]} : vector<16xi32> to vector<1xi32>
      %squeeze3A_800 = vector.extract %slice3A_799[0] : i32 from vector<1xi32>
      %multiple_of3A_801 = tpu.assume_multiple %squeeze3A_800, 8 : i32
      %dma_start3A_802 = arith.constant 224 : i32
      %dma_start3A_803 = arith.constant 0 : i32
      %dma_start3A_804 = tpu.memref_slice %arg17[%dma_start3A_802, %dma_start3A_803] : memref<256x32xf32, #tpu.memory_space<vmem>> -> memref<8x32xf32, #tpu.memory_space<vmem>>
      %dma_start3A_805 = arith.constant 0 : i32
      %dma_start3A_806 = tpu.memref_slice %arg6[%multiple_of3A_801, %dma_start3A_805] : memref<1000000x32xf32, #tpu.memory_space<hbm>> -> memref<8x32xf32, #tpu.memory_space<hbm>>
      %dma_start3A_807 = arith.constant 224 : i32
      %dma_start3A_808 = arith.constant 0 : i32
      %dma_start3A_809 = tpu.memref_slice %arg17[%dma_start3A_807, %dma_start3A_808] : memref<256x32xf32, #tpu.memory_space<vmem>> -> memref<8x32xf32, #tpu.memory_space<vmem>>
      %dma_start3A_810 = arith.constant 0 : i32
      %dma_start3A_811 = tpu.memref_slice %arg6[%multiple_of3A_801, %dma_start3A_810] : memref<1000000x32xf32, #tpu.memory_space<hbm>> -> memref<8x32xf32, #tpu.memory_space<hbm>>
      tpu.enqueue_dma source(%dma_start3A_811 : memref<8x32xf32, #tpu.memory_space<hbm>>) target(%dma_start3A_809 : memref<8x32xf32, #tpu.memory_space<vmem>>) target_semaphore(%arg21 : memref<!tpu.dma_semaphore, #tpu.memory_space<semaphore_mem>>)
      %slice3A_812 = vector.extract_strided_slice %shift_left3A_467 {offsets = [13], sizes = [1], strides = [1]} : vector<16xi32> to vector<1xi32>
      %squeeze3A_813 = vector.extract %slice3A_812[0] : i32 from vector<1xi32>
      %multiple_of3A_814 = tpu.assume_multiple %squeeze3A_813, 8 : i32
      %dma_start3A_815 = arith.constant 232 : i32
      %dma_start3A_816 = arith.constant 0 : i32
      %dma_start3A_817 = tpu.memref_slice %arg16[%dma_start3A_815, %dma_start3A_816] : memref<256x32xf32, #tpu.memory_space<vmem>> -> memref<8x32xf32, #tpu.memory_space<vmem>>
      %dma_start3A_818 = arith.constant 0 : i32
      %dma_start3A_819 = tpu.memref_slice %arg6[%multiple_of3A_814, %dma_start3A_818] : memref<1000000x32xf32, #tpu.memory_space<hbm>> -> memref<8x32xf32, #tpu.memory_space<hbm>>
      %dma_start3A_820 = arith.constant 232 : i32
      %dma_start3A_821 = arith.constant 0 : i32
      %dma_start3A_822 = tpu.memref_slice %arg16[%dma_start3A_820, %dma_start3A_821] : memref<256x32xf32, #tpu.memory_space<vmem>> -> memref<8x32xf32, #tpu.memory_space<vmem>>
      %dma_start3A_823 = arith.constant 0 : i32
      %dma_start3A_824 = tpu.memref_slice %arg6[%multiple_of3A_814, %dma_start3A_823] : memref<1000000x32xf32, #tpu.memory_space<hbm>> -> memref<8x32xf32, #tpu.memory_space<hbm>>
      tpu.enqueue_dma source(%dma_start3A_824 : memref<8x32xf32, #tpu.memory_space<hbm>>) target(%dma_start3A_822 : memref<8x32xf32, #tpu.memory_space<vmem>>) target_semaphore(%arg21 : memref<!tpu.dma_semaphore, #tpu.memory_space<semaphore_mem>>)
      %slice3A_825 = vector.extract_strided_slice %shift_left3A_473 {offsets = [13], sizes = [1], strides = [1]} : vector<16xi32> to vector<1xi32>
      %squeeze3A_826 = vector.extract %slice3A_825[0] : i32 from vector<1xi32>
      %multiple_of3A_827 = tpu.assume_multiple %squeeze3A_826, 8 : i32
      %dma_start3A_828 = arith.constant 232 : i32
      %dma_start3A_829 = arith.constant 0 : i32
      %dma_start3A_830 = tpu.memref_slice %arg17[%dma_start3A_828, %dma_start3A_829] : memref<256x32xf32, #tpu.memory_space<vmem>> -> memref<8x32xf32, #tpu.memory_space<vmem>>
      %dma_start3A_831 = arith.constant 0 : i32
      %dma_start3A_832 = tpu.memref_slice %arg6[%multiple_of3A_827, %dma_start3A_831] : memref<1000000x32xf32, #tpu.memory_space<hbm>> -> memref<8x32xf32, #tpu.memory_space<hbm>>
      %dma_start3A_833 = arith.constant 232 : i32
      %dma_start3A_834 = arith.constant 0 : i32
      %dma_start3A_835 = tpu.memref_slice %arg17[%dma_start3A_833, %dma_start3A_834] : memref<256x32xf32, #tpu.memory_space<vmem>> -> memref<8x32xf32, #tpu.memory_space<vmem>>
      %dma_start3A_836 = arith.constant 0 : i32
      %dma_start3A_837 = tpu.memref_slice %arg6[%multiple_of3A_827, %dma_start3A_836] : memref<1000000x32xf32, #tpu.memory_space<hbm>> -> memref<8x32xf32, #tpu.memory_space<hbm>>
      tpu.enqueue_dma source(%dma_start3A_837 : memref<8x32xf32, #tpu.memory_space<hbm>>) target(%dma_start3A_835 : memref<8x32xf32, #tpu.memory_space<vmem>>) target_semaphore(%arg21 : memref<!tpu.dma_semaphore, #tpu.memory_space<semaphore_mem>>)
      %slice3A_838 = vector.extract_strided_slice %shift_left3A_467 {offsets = [14], sizes = [1], strides = [1]} : vector<16xi32> to vector<1xi32>
      %squeeze3A_839 = vector.extract %slice3A_838[0] : i32 from vector<1xi32>
      %multiple_of3A_840 = tpu.assume_multiple %squeeze3A_839, 8 : i32
      %dma_start3A_841 = arith.constant 240 : i32
      %dma_start3A_842 = arith.constant 0 : i32
      %dma_start3A_843 = tpu.memref_slice %arg16[%dma_start3A_841, %dma_start3A_842] : memref<256x32xf32, #tpu.memory_space<vmem>> -> memref<8x32xf32, #tpu.memory_space<vmem>>
      %dma_start3A_844 = arith.constant 0 : i32
      %dma_start3A_845 = tpu.memref_slice %arg6[%multiple_of3A_840, %dma_start3A_844] : memref<1000000x32xf32, #tpu.memory_space<hbm>> -> memref<8x32xf32, #tpu.memory_space<hbm>>
      %dma_start3A_846 = arith.constant 240 : i32
      %dma_start3A_847 = arith.constant 0 : i32
      %dma_start3A_848 = tpu.memref_slice %arg16[%dma_start3A_846, %dma_start3A_847] : memref<256x32xf32, #tpu.memory_space<vmem>> -> memref<8x32xf32, #tpu.memory_space<vmem>>
      %dma_start3A_849 = arith.constant 0 : i32
      %dma_start3A_850 = tpu.memref_slice %arg6[%multiple_of3A_840, %dma_start3A_849] : memref<1000000x32xf32, #tpu.memory_space<hbm>> -> memref<8x32xf32, #tpu.memory_space<hbm>>
      tpu.enqueue_dma source(%dma_start3A_850 : memref<8x32xf32, #tpu.memory_space<hbm>>) target(%dma_start3A_848 : memref<8x32xf32, #tpu.memory_space<vmem>>) target_semaphore(%arg21 : memref<!tpu.dma_semaphore, #tpu.memory_space<semaphore_mem>>)
      %slice3A_851 = vector.extract_strided_slice %shift_left3A_473 {offsets = [14], sizes = [1], strides = [1]} : vector<16xi32> to vector<1xi32>
      %squeeze3A_852 = vector.extract %slice3A_851[0] : i32 from vector<1xi32>
      %multiple_of3A_853 = tpu.assume_multiple %squeeze3A_852, 8 : i32
      %dma_start3A_854 = arith.constant 240 : i32
      %dma_start3A_855 = arith.constant 0 : i32
      %dma_start3A_856 = tpu.memref_slice %arg17[%dma_start3A_854, %dma_start3A_855] : memref<256x32xf32, #tpu.memory_space<vmem>> -> memref<8x32xf32, #tpu.memory_space<vmem>>
      %dma_start3A_857 = arith.constant 0 : i32
      %dma_start3A_858 = tpu.memref_slice %arg6[%multiple_of3A_853, %dma_start3A_857] : memref<1000000x32xf32, #tpu.memory_space<hbm>> -> memref<8x32xf32, #tpu.memory_space<hbm>>
      %dma_start3A_859 = arith.constant 240 : i32
      %dma_start3A_860 = arith.constant 0 : i32
      %dma_start3A_861 = tpu.memref_slice %arg17[%dma_start3A_859, %dma_start3A_860] : memref<256x32xf32, #tpu.memory_space<vmem>> -> memref<8x32xf32, #tpu.memory_space<vmem>>
      %dma_start3A_862 = arith.constant 0 : i32
      %dma_start3A_863 = tpu.memref_slice %arg6[%multiple_of3A_853, %dma_start3A_862] : memref<1000000x32xf32, #tpu.memory_space<hbm>> -> memref<8x32xf32, #tpu.memory_space<hbm>>
      tpu.enqueue_dma source(%dma_start3A_863 : memref<8x32xf32, #tpu.memory_space<hbm>>) target(%dma_start3A_861 : memref<8x32xf32, #tpu.memory_space<vmem>>) target_semaphore(%arg21 : memref<!tpu.dma_semaphore, #tpu.memory_space<semaphore_mem>>)
      %slice3A_864 = vector.extract_strided_slice %shift_left3A_467 {offsets = [15], sizes = [1], strides = [1]} : vector<16xi32> to vector<1xi32>
      %squeeze3A_865 = vector.extract %slice3A_864[0] : i32 from vector<1xi32>
      %multiple_of3A_866 = tpu.assume_multiple %squeeze3A_865, 8 : i32
      %dma_start3A_867 = arith.constant 248 : i32
      %dma_start3A_868 = arith.constant 0 : i32
      %dma_start3A_869 = tpu.memref_slice %arg16[%dma_start3A_867, %dma_start3A_868] : memref<256x32xf32, #tpu.memory_space<vmem>> -> memref<8x32xf32, #tpu.memory_space<vmem>>
      %dma_start3A_870 = arith.constant 0 : i32
      %dma_start3A_871 = tpu.memref_slice %arg6[%multiple_of3A_866, %dma_start3A_870] : memref<1000000x32xf32, #tpu.memory_space<hbm>> -> memref<8x32xf32, #tpu.memory_space<hbm>>
      %dma_start3A_872 = arith.constant 248 : i32
      %dma_start3A_873 = arith.constant 0 : i32
      %dma_start3A_874 = tpu.memref_slice %arg16[%dma_start3A_872, %dma_start3A_873] : memref<256x32xf32, #tpu.memory_space<vmem>> -> memref<8x32xf32, #tpu.memory_space<vmem>>
      %dma_start3A_875 = arith.constant 0 : i32
      %dma_start3A_876 = tpu.memref_slice %arg6[%multiple_of3A_866, %dma_start3A_875] : memref<1000000x32xf32, #tpu.memory_space<hbm>> -> memref<8x32xf32, #tpu.memory_space<hbm>>
      tpu.enqueue_dma source(%dma_start3A_876 : memref<8x32xf32, #tpu.memory_space<hbm>>) target(%dma_start3A_874 : memref<8x32xf32, #tpu.memory_space<vmem>>) target_semaphore(%arg21 : memref<!tpu.dma_semaphore, #tpu.memory_space<semaphore_mem>>)
      %slice3A_877 = vector.extract_strided_slice %shift_left3A_473 {offsets = [15], sizes = [1], strides = [1]} : vector<16xi32> to vector<1xi32>
      %squeeze3A_878 = vector.extract %slice3A_877[0] : i32 from vector<1xi32>
      %multiple_of3A_879 = tpu.assume_multiple %squeeze3A_878, 8 : i32
      %dma_start3A_880 = arith.constant 248 : i32
      %dma_start3A_881 = arith.constant 0 : i32
      %dma_start3A_882 = tpu.memref_slice %arg17[%dma_start3A_880, %dma_start3A_881] : memref<256x32xf32, #tpu.memory_space<vmem>> -> memref<8x32xf32, #tpu.memory_space<vmem>>
      %dma_start3A_883 = arith.constant 0 : i32
      %dma_start3A_884 = tpu.memref_slice %arg6[%multiple_of3A_879, %dma_start3A_883] : memref<1000000x32xf32, #tpu.memory_space<hbm>> -> memref<8x32xf32, #tpu.memory_space<hbm>>
      %dma_start3A_885 = arith.constant 248 : i32
      %dma_start3A_886 = arith.constant 0 : i32
      %dma_start3A_887 = tpu.memref_slice %arg17[%dma_start3A_885, %dma_start3A_886] : memref<256x32xf32, #tpu.memory_space<vmem>> -> memref<8x32xf32, #tpu.memory_space<vmem>>
      %dma_start3A_888 = arith.constant 0 : i32
      %dma_start3A_889 = tpu.memref_slice %arg6[%multiple_of3A_879, %dma_start3A_888] : memref<1000000x32xf32, #tpu.memory_space<hbm>> -> memref<8x32xf32, #tpu.memory_space<hbm>>
      tpu.enqueue_dma source(%dma_start3A_889 : memref<8x32xf32, #tpu.memory_space<hbm>>) target(%dma_start3A_887 : memref<8x32xf32, #tpu.memory_space<vmem>>) target_semaphore(%arg21 : memref<!tpu.dma_semaphore, #tpu.memory_space<semaphore_mem>>)
      %dma_wait3A = arith.constant 0 : i32
      %dma_wait3A_890 = arith.constant 0 : i32
      %dma_wait3A_891 = tpu.memref_slice %arg16[%dma_wait3A, %dma_wait3A_890] : memref<256x32xf32, #tpu.memory_space<vmem>> -> memref<8x32xf32, #tpu.memory_space<vmem>>
      %dma_wait3A_892 = arith.constant 0 : i32
      %dma_wait3A_893 = tpu.memref_slice %arg6[%multiple_of3A, %dma_wait3A_892] : memref<1000000x32xf32, #tpu.memory_space<hbm>> -> memref<8x32xf32, #tpu.memory_space<hbm>>
      %dma_wait3A_894 = arith.constant 0 : i32
      %dma_wait3A_895 = arith.constant 0 : i32
      %dma_wait3A_896 = tpu.memref_slice %arg16[%dma_wait3A_894, %dma_wait3A_895] : memref<256x32xf32, #tpu.memory_space<vmem>> -> memref<8x32xf32, #tpu.memory_space<vmem>>
      %dma_wait3A_897 = arith.constant 0 : i32
      %dma_wait3A_898 = tpu.memref_slice %arg6[%multiple_of3A, %dma_wait3A_897] : memref<1000000x32xf32, #tpu.memory_space<hbm>> -> memref<8x32xf32, #tpu.memory_space<hbm>>
      tpu.wait_dma2 semaphore(%arg21 : memref<!tpu.dma_semaphore, #tpu.memory_space<semaphore_mem>>) src(%dma_wait3A_898 : memref<8x32xf32, #tpu.memory_space<hbm>>) dst(%dma_wait3A_896 : memref<8x32xf32, #tpu.memory_space<vmem>>)
      %dma_wait3A_899 = arith.constant 0 : i32
      %dma_wait3A_900 = arith.constant 0 : i32
      %dma_wait3A_901 = tpu.memref_slice %arg17[%dma_wait3A_899, %dma_wait3A_900] : memref<256x32xf32, #tpu.memory_space<vmem>> -> memref<8x32xf32, #tpu.memory_space<vmem>>
      %dma_wait3A_902 = arith.constant 0 : i32
      %dma_wait3A_903 = tpu.memref_slice %arg6[%multiple_of3A_53, %dma_wait3A_902] : memref<1000000x32xf32, #tpu.memory_space<hbm>> -> memref<8x32xf32, #tpu.memory_space<hbm>>
      %dma_wait3A_904 = arith.constant 0 : i32
      %dma_wait3A_905 = arith.constant 0 : i32
      %dma_wait3A_906 = tpu.memref_slice %arg17[%dma_wait3A_904, %dma_wait3A_905] : memref<256x32xf32, #tpu.memory_space<vmem>> -> memref<8x32xf32, #tpu.memory_space<vmem>>
      %dma_wait3A_907 = arith.constant 0 : i32
      %dma_wait3A_908 = tpu.memref_slice %arg6[%multiple_of3A_53, %dma_wait3A_907] : memref<1000000x32xf32, #tpu.memory_space<hbm>> -> memref<8x32xf32, #tpu.memory_space<hbm>>
      tpu.wait_dma2 semaphore(%arg21 : memref<!tpu.dma_semaphore, #tpu.memory_space<semaphore_mem>>) src(%dma_wait3A_908 : memref<8x32xf32, #tpu.memory_space<hbm>>) dst(%dma_wait3A_906 : memref<8x32xf32, #tpu.memory_space<vmem>>)
      %dma_wait3A_909 = arith.constant 8 : i32
      %dma_wait3A_910 = arith.constant 0 : i32
      %dma_wait3A_911 = tpu.memref_slice %arg16[%dma_wait3A_909, %dma_wait3A_910] : memref<256x32xf32, #tpu.memory_space<vmem>> -> memref<8x32xf32, #tpu.memory_space<vmem>>
      %dma_wait3A_912 = arith.constant 0 : i32
      %dma_wait3A_913 = tpu.memref_slice %arg6[%multiple_of3A_66, %dma_wait3A_912] : memref<1000000x32xf32, #tpu.memory_space<hbm>> -> memref<8x32xf32, #tpu.memory_space<hbm>>
      %dma_wait3A_914 = arith.constant 8 : i32
      %dma_wait3A_915 = arith.constant 0 : i32
      %dma_wait3A_916 = tpu.memref_slice %arg16[%dma_wait3A_914, %dma_wait3A_915] : memref<256x32xf32, #tpu.memory_space<vmem>> -> memref<8x32xf32, #tpu.memory_space<vmem>>
      %dma_wait3A_917 = arith.constant 0 : i32
      %dma_wait3A_918 = tpu.memref_slice %arg6[%multiple_of3A_66, %dma_wait3A_917] : memref<1000000x32xf32, #tpu.memory_space<hbm>> -> memref<8x32xf32, #tpu.memory_space<hbm>>
      tpu.wait_dma2 semaphore(%arg21 : memref<!tpu.dma_semaphore, #tpu.memory_space<semaphore_mem>>) src(%dma_wait3A_918 : memref<8x32xf32, #tpu.memory_space<hbm>>) dst(%dma_wait3A_916 : memref<8x32xf32, #tpu.memory_space<vmem>>)
      %dma_wait3A_919 = arith.constant 8 : i32
      %dma_wait3A_920 = arith.constant 0 : i32
      %dma_wait3A_921 = tpu.memref_slice %arg17[%dma_wait3A_919, %dma_wait3A_920] : memref<256x32xf32, #tpu.memory_space<vmem>> -> memref<8x32xf32, #tpu.memory_space<vmem>>
      %dma_wait3A_922 = arith.constant 0 : i32
      %dma_wait3A_923 = tpu.memref_slice %arg6[%multiple_of3A_79, %dma_wait3A_922] : memref<1000000x32xf32, #tpu.memory_space<hbm>> -> memref<8x32xf32, #tpu.memory_space<hbm>>
      %dma_wait3A_924 = arith.constant 8 : i32
      %dma_wait3A_925 = arith.constant 0 : i32
      %dma_wait3A_926 = tpu.memref_slice %arg17[%dma_wait3A_924, %dma_wait3A_925] : memref<256x32xf32, #tpu.memory_space<vmem>> -> memref<8x32xf32, #tpu.memory_space<vmem>>
      %dma_wait3A_927 = arith.constant 0 : i32
      %dma_wait3A_928 = tpu.memref_slice %arg6[%multiple_of3A_79, %dma_wait3A_927] : memref<1000000x32xf32, #tpu.memory_space<hbm>> -> memref<8x32xf32, #tpu.memory_space<hbm>>
      tpu.wait_dma2 semaphore(%arg21 : memref<!tpu.dma_semaphore, #tpu.memory_space<semaphore_mem>>) src(%dma_wait3A_928 : memref<8x32xf32, #tpu.memory_space<hbm>>) dst(%dma_wait3A_926 : memref<8x32xf32, #tpu.memory_space<vmem>>)
      %dma_wait3A_929 = arith.constant 16 : i32
      %dma_wait3A_930 = arith.constant 0 : i32
      %dma_wait3A_931 = tpu.memref_slice %arg16[%dma_wait3A_929, %dma_wait3A_930] : memref<256x32xf32, #tpu.memory_space<vmem>> -> memref<8x32xf32, #tpu.memory_space<vmem>>
      %dma_wait3A_932 = arith.constant 0 : i32
      %dma_wait3A_933 = tpu.memref_slice %arg6[%multiple_of3A_92, %dma_wait3A_932] : memref<1000000x32xf32, #tpu.memory_space<hbm>> -> memref<8x32xf32, #tpu.memory_space<hbm>>
      %dma_wait3A_934 = arith.constant 16 : i32
      %dma_wait3A_935 = arith.constant 0 : i32
      %dma_wait3A_936 = tpu.memref_slice %arg16[%dma_wait3A_934, %dma_wait3A_935] : memref<256x32xf32, #tpu.memory_space<vmem>> -> memref<8x32xf32, #tpu.memory_space<vmem>>
      %dma_wait3A_937 = arith.constant 0 : i32
      %dma_wait3A_938 = tpu.memref_slice %arg6[%multiple_of3A_92, %dma_wait3A_937] : memref<1000000x32xf32, #tpu.memory_space<hbm>> -> memref<8x32xf32, #tpu.memory_space<hbm>>
      tpu.wait_dma2 semaphore(%arg21 : memref<!tpu.dma_semaphore, #tpu.memory_space<semaphore_mem>>) src(%dma_wait3A_938 : memref<8x32xf32, #tpu.memory_space<hbm>>) dst(%dma_wait3A_936 : memref<8x32xf32, #tpu.memory_space<vmem>>)
      %dma_wait3A_939 = arith.constant 16 : i32
      %dma_wait3A_940 = arith.constant 0 : i32
      %dma_wait3A_941 = tpu.memref_slice %arg17[%dma_wait3A_939, %dma_wait3A_940] : memref<256x32xf32, #tpu.memory_space<vmem>> -> memref<8x32xf32, #tpu.memory_space<vmem>>
      %dma_wait3A_942 = arith.constant 0 : i32
      %dma_wait3A_943 = tpu.memref_slice %arg6[%multiple_of3A_105, %dma_wait3A_942] : memref<1000000x32xf32, #tpu.memory_space<hbm>> -> memref<8x32xf32, #tpu.memory_space<hbm>>
      %dma_wait3A_944 = arith.constant 16 : i32
      %dma_wait3A_945 = arith.constant 0 : i32
      %dma_wait3A_946 = tpu.memref_slice %arg17[%dma_wait3A_944, %dma_wait3A_945] : memref<256x32xf32, #tpu.memory_space<vmem>> -> memref<8x32xf32, #tpu.memory_space<vmem>>
      %dma_wait3A_947 = arith.constant 0 : i32
      %dma_wait3A_948 = tpu.memref_slice %arg6[%multiple_of3A_105, %dma_wait3A_947] : memref<1000000x32xf32, #tpu.memory_space<hbm>> -> memref<8x32xf32, #tpu.memory_space<hbm>>
      tpu.wait_dma2 semaphore(%arg21 : memref<!tpu.dma_semaphore, #tpu.memory_space<semaphore_mem>>) src(%dma_wait3A_948 : memref<8x32xf32, #tpu.memory_space<hbm>>) dst(%dma_wait3A_946 : memref<8x32xf32, #tpu.memory_space<vmem>>)
      %dma_wait3A_949 = arith.constant 24 : i32
      %dma_wait3A_950 = arith.constant 0 : i32
      %dma_wait3A_951 = tpu.memref_slice %arg16[%dma_wait3A_949, %dma_wait3A_950] : memref<256x32xf32, #tpu.memory_space<vmem>> -> memref<8x32xf32, #tpu.memory_space<vmem>>
      %dma_wait3A_952 = arith.constant 0 : i32
      %dma_wait3A_953 = tpu.memref_slice %arg6[%multiple_of3A_118, %dma_wait3A_952] : memref<1000000x32xf32, #tpu.memory_space<hbm>> -> memref<8x32xf32, #tpu.memory_space<hbm>>
      %dma_wait3A_954 = arith.constant 24 : i32
      %dma_wait3A_955 = arith.constant 0 : i32
      %dma_wait3A_956 = tpu.memref_slice %arg16[%dma_wait3A_954, %dma_wait3A_955] : memref<256x32xf32, #tpu.memory_space<vmem>> -> memref<8x32xf32, #tpu.memory_space<vmem>>
      %dma_wait3A_957 = arith.constant 0 : i32
      %dma_wait3A_958 = tpu.memref_slice %arg6[%multiple_of3A_118, %dma_wait3A_957] : memref<1000000x32xf32, #tpu.memory_space<hbm>> -> memref<8x32xf32, #tpu.memory_space<hbm>>
      tpu.wait_dma2 semaphore(%arg21 : memref<!tpu.dma_semaphore, #tpu.memory_space<semaphore_mem>>) src(%dma_wait3A_958 : memref<8x32xf32, #tpu.memory_space<hbm>>) dst(%dma_wait3A_956 : memref<8x32xf32, #tpu.memory_space<vmem>>)
      %dma_wait3A_959 = arith.constant 24 : i32
      %dma_wait3A_960 = arith.constant 0 : i32
      %dma_wait3A_961 = tpu.memref_slice %arg17[%dma_wait3A_959, %dma_wait3A_960] : memref<256x32xf32, #tpu.memory_space<vmem>> -> memref<8x32xf32, #tpu.memory_space<vmem>>
      %dma_wait3A_962 = arith.constant 0 : i32
      %dma_wait3A_963 = tpu.memref_slice %arg6[%multiple_of3A_131, %dma_wait3A_962] : memref<1000000x32xf32, #tpu.memory_space<hbm>> -> memref<8x32xf32, #tpu.memory_space<hbm>>
      %dma_wait3A_964 = arith.constant 24 : i32
      %dma_wait3A_965 = arith.constant 0 : i32
      %dma_wait3A_966 = tpu.memref_slice %arg17[%dma_wait3A_964, %dma_wait3A_965] : memref<256x32xf32, #tpu.memory_space<vmem>> -> memref<8x32xf32, #tpu.memory_space<vmem>>
      %dma_wait3A_967 = arith.constant 0 : i32
      %dma_wait3A_968 = tpu.memref_slice %arg6[%multiple_of3A_131, %dma_wait3A_967] : memref<1000000x32xf32, #tpu.memory_space<hbm>> -> memref<8x32xf32, #tpu.memory_space<hbm>>
      tpu.wait_dma2 semaphore(%arg21 : memref<!tpu.dma_semaphore, #tpu.memory_space<semaphore_mem>>) src(%dma_wait3A_968 : memref<8x32xf32, #tpu.memory_space<hbm>>) dst(%dma_wait3A_966 : memref<8x32xf32, #tpu.memory_space<vmem>>)
      %dma_wait3A_969 = arith.constant 32 : i32
      %dma_wait3A_970 = arith.constant 0 : i32
      %dma_wait3A_971 = tpu.memref_slice %arg16[%dma_wait3A_969, %dma_wait3A_970] : memref<256x32xf32, #tpu.memory_space<vmem>> -> memref<8x32xf32, #tpu.memory_space<vmem>>
      %dma_wait3A_972 = arith.constant 0 : i32
      %dma_wait3A_973 = tpu.memref_slice %arg6[%multiple_of3A_144, %dma_wait3A_972] : memref<1000000x32xf32, #tpu.memory_space<hbm>> -> memref<8x32xf32, #tpu.memory_space<hbm>>
      %dma_wait3A_974 = arith.constant 32 : i32
      %dma_wait3A_975 = arith.constant 0 : i32
      %dma_wait3A_976 = tpu.memref_slice %arg16[%dma_wait3A_974, %dma_wait3A_975] : memref<256x32xf32, #tpu.memory_space<vmem>> -> memref<8x32xf32, #tpu.memory_space<vmem>>
      %dma_wait3A_977 = arith.constant 0 : i32
      %dma_wait3A_978 = tpu.memref_slice %arg6[%multiple_of3A_144, %dma_wait3A_977] : memref<1000000x32xf32, #tpu.memory_space<hbm>> -> memref<8x32xf32, #tpu.memory_space<hbm>>
      tpu.wait_dma2 semaphore(%arg21 : memref<!tpu.dma_semaphore, #tpu.memory_space<semaphore_mem>>) src(%dma_wait3A_978 : memref<8x32xf32, #tpu.memory_space<hbm>>) dst(%dma_wait3A_976 : memref<8x32xf32, #tpu.memory_space<vmem>>)
      %dma_wait3A_979 = arith.constant 32 : i32
      %dma_wait3A_980 = arith.constant 0 : i32
      %dma_wait3A_981 = tpu.memref_slice %arg17[%dma_wait3A_979, %dma_wait3A_980] : memref<256x32xf32, #tpu.memory_space<vmem>> -> memref<8x32xf32, #tpu.memory_space<vmem>>
      %dma_wait3A_982 = arith.constant 0 : i32
      %dma_wait3A_983 = tpu.memref_slice %arg6[%multiple_of3A_157, %dma_wait3A_982] : memref<1000000x32xf32, #tpu.memory_space<hbm>> -> memref<8x32xf32, #tpu.memory_space<hbm>>
      %dma_wait3A_984 = arith.constant 32 : i32
      %dma_wait3A_985 = arith.constant 0 : i32
      %dma_wait3A_986 = tpu.memref_slice %arg17[%dma_wait3A_984, %dma_wait3A_985] : memref<256x32xf32, #tpu.memory_space<vmem>> -> memref<8x32xf32, #tpu.memory_space<vmem>>
      %dma_wait3A_987 = arith.constant 0 : i32
      %dma_wait3A_988 = tpu.memref_slice %arg6[%multiple_of3A_157, %dma_wait3A_987] : memref<1000000x32xf32, #tpu.memory_space<hbm>> -> memref<8x32xf32, #tpu.memory_space<hbm>>
      tpu.wait_dma2 semaphore(%arg21 : memref<!tpu.dma_semaphore, #tpu.memory_space<semaphore_mem>>) src(%dma_wait3A_988 : memref<8x32xf32, #tpu.memory_space<hbm>>) dst(%dma_wait3A_986 : memref<8x32xf32, #tpu.memory_space<vmem>>)
      %dma_wait3A_989 = arith.constant 40 : i32
      %dma_wait3A_990 = arith.constant 0 : i32
      %dma_wait3A_991 = tpu.memref_slice %arg16[%dma_wait3A_989, %dma_wait3A_990] : memref<256x32xf32, #tpu.memory_space<vmem>> -> memref<8x32xf32, #tpu.memory_space<vmem>>
      %dma_wait3A_992 = arith.constant 0 : i32
      %dma_wait3A_993 = tpu.memref_slice %arg6[%multiple_of3A_170, %dma_wait3A_992] : memref<1000000x32xf32, #tpu.memory_space<hbm>> -> memref<8x32xf32, #tpu.memory_space<hbm>>
      %dma_wait3A_994 = arith.constant 40 : i32
      %dma_wait3A_995 = arith.constant 0 : i32
      %dma_wait3A_996 = tpu.memref_slice %arg16[%dma_wait3A_994, %dma_wait3A_995] : memref<256x32xf32, #tpu.memory_space<vmem>> -> memref<8x32xf32, #tpu.memory_space<vmem>>
      %dma_wait3A_997 = arith.constant 0 : i32
      %dma_wait3A_998 = tpu.memref_slice %arg6[%multiple_of3A_170, %dma_wait3A_997] : memref<1000000x32xf32, #tpu.memory_space<hbm>> -> memref<8x32xf32, #tpu.memory_space<hbm>>
      tpu.wait_dma2 semaphore(%arg21 : memref<!tpu.dma_semaphore, #tpu.memory_space<semaphore_mem>>) src(%dma_wait3A_998 : memref<8x32xf32, #tpu.memory_space<hbm>>) dst(%dma_wait3A_996 : memref<8x32xf32, #tpu.memory_space<vmem>>)
      %dma_wait3A_999 = arith.constant 40 : i32
      %dma_wait3A_1000 = arith.constant 0 : i32
      %dma_wait3A_1001 = tpu.memref_slice %arg17[%dma_wait3A_999, %dma_wait3A_1000] : memref<256x32xf32, #tpu.memory_space<vmem>> -> memref<8x32xf32, #tpu.memory_space<vmem>>
      %dma_wait3A_1002 = arith.constant 0 : i32
      %dma_wait3A_1003 = tpu.memref_slice %arg6[%multiple_of3A_183, %dma_wait3A_1002] : memref<1000000x32xf32, #tpu.memory_space<hbm>> -> memref<8x32xf32, #tpu.memory_space<hbm>>
      %dma_wait3A_1004 = arith.constant 40 : i32
      %dma_wait3A_1005 = arith.constant 0 : i32
      %dma_wait3A_1006 = tpu.memref_slice %arg17[%dma_wait3A_1004, %dma_wait3A_1005] : memref<256x32xf32, #tpu.memory_space<vmem>> -> memref<8x32xf32, #tpu.memory_space<vmem>>
      %dma_wait3A_1007 = arith.constant 0 : i32
      %dma_wait3A_1008 = tpu.memref_slice %arg6[%multiple_of3A_183, %dma_wait3A_1007] : memref<1000000x32xf32, #tpu.memory_space<hbm>> -> memref<8x32xf32, #tpu.memory_space<hbm>>
      tpu.wait_dma2 semaphore(%arg21 : memref<!tpu.dma_semaphore, #tpu.memory_space<semaphore_mem>>) src(%dma_wait3A_1008 : memref<8x32xf32, #tpu.memory_space<hbm>>) dst(%dma_wait3A_1006 : memref<8x32xf32, #tpu.memory_space<vmem>>)
      %dma_wait3A_1009 = arith.constant 48 : i32
      %dma_wait3A_1010 = arith.constant 0 : i32
      %dma_wait3A_1011 = tpu.memref_slice %arg16[%dma_wait3A_1009, %dma_wait3A_1010] : memref<256x32xf32, #tpu.memory_space<vmem>> -> memref<8x32xf32, #tpu.memory_space<vmem>>
      %dma_wait3A_1012 = arith.constant 0 : i32
      %dma_wait3A_1013 = tpu.memref_slice %arg6[%multiple_of3A_196, %dma_wait3A_1012] : memref<1000000x32xf32, #tpu.memory_space<hbm>> -> memref<8x32xf32, #tpu.memory_space<hbm>>
      %dma_wait3A_1014 = arith.constant 48 : i32
      %dma_wait3A_1015 = arith.constant 0 : i32
      %dma_wait3A_1016 = tpu.memref_slice %arg16[%dma_wait3A_1014, %dma_wait3A_1015] : memref<256x32xf32, #tpu.memory_space<vmem>> -> memref<8x32xf32, #tpu.memory_space<vmem>>
      %dma_wait3A_1017 = arith.constant 0 : i32
      %dma_wait3A_1018 = tpu.memref_slice %arg6[%multiple_of3A_196, %dma_wait3A_1017] : memref<1000000x32xf32, #tpu.memory_space<hbm>> -> memref<8x32xf32, #tpu.memory_space<hbm>>
      tpu.wait_dma2 semaphore(%arg21 : memref<!tpu.dma_semaphore, #tpu.memory_space<semaphore_mem>>) src(%dma_wait3A_1018 : memref<8x32xf32, #tpu.memory_space<hbm>>) dst(%dma_wait3A_1016 : memref<8x32xf32, #tpu.memory_space<vmem>>)
      %dma_wait3A_1019 = arith.constant 48 : i32
      %dma_wait3A_1020 = arith.constant 0 : i32
      %dma_wait3A_1021 = tpu.memref_slice %arg17[%dma_wait3A_1019, %dma_wait3A_1020] : memref<256x32xf32, #tpu.memory_space<vmem>> -> memref<8x32xf32, #tpu.memory_space<vmem>>
      %dma_wait3A_1022 = arith.constant 0 : i32
      %dma_wait3A_1023 = tpu.memref_slice %arg6[%multiple_of3A_209, %dma_wait3A_1022] : memref<1000000x32xf32, #tpu.memory_space<hbm>> -> memref<8x32xf32, #tpu.memory_space<hbm>>
      %dma_wait3A_1024 = arith.constant 48 : i32
      %dma_wait3A_1025 = arith.constant 0 : i32
      %dma_wait3A_1026 = tpu.memref_slice %arg17[%dma_wait3A_1024, %dma_wait3A_1025] : memref<256x32xf32, #tpu.memory_space<vmem>> -> memref<8x32xf32, #tpu.memory_space<vmem>>
      %dma_wait3A_1027 = arith.constant 0 : i32
      %dma_wait3A_1028 = tpu.memref_slice %arg6[%multiple_of3A_209, %dma_wait3A_1027] : memref<1000000x32xf32, #tpu.memory_space<hbm>> -> memref<8x32xf32, #tpu.memory_space<hbm>>
      tpu.wait_dma2 semaphore(%arg21 : memref<!tpu.dma_semaphore, #tpu.memory_space<semaphore_mem>>) src(%dma_wait3A_1028 : memref<8x32xf32, #tpu.memory_space<hbm>>) dst(%dma_wait3A_1026 : memref<8x32xf32, #tpu.memory_space<vmem>>)
      %dma_wait3A_1029 = arith.constant 56 : i32
      %dma_wait3A_1030 = arith.constant 0 : i32
      %dma_wait3A_1031 = tpu.memref_slice %arg16[%dma_wait3A_1029, %dma_wait3A_1030] : memref<256x32xf32, #tpu.memory_space<vmem>> -> memref<8x32xf32, #tpu.memory_space<vmem>>
      %dma_wait3A_1032 = arith.constant 0 : i32
      %dma_wait3A_1033 = tpu.memref_slice %arg6[%multiple_of3A_222, %dma_wait3A_1032] : memref<1000000x32xf32, #tpu.memory_space<hbm>> -> memref<8x32xf32, #tpu.memory_space<hbm>>
      %dma_wait3A_1034 = arith.constant 56 : i32
      %dma_wait3A_1035 = arith.constant 0 : i32
      %dma_wait3A_1036 = tpu.memref_slice %arg16[%dma_wait3A_1034, %dma_wait3A_1035] : memref<256x32xf32, #tpu.memory_space<vmem>> -> memref<8x32xf32, #tpu.memory_space<vmem>>
      %dma_wait3A_1037 = arith.constant 0 : i32
      %dma_wait3A_1038 = tpu.memref_slice %arg6[%multiple_of3A_222, %dma_wait3A_1037] : memref<1000000x32xf32, #tpu.memory_space<hbm>> -> memref<8x32xf32, #tpu.memory_space<hbm>>
      tpu.wait_dma2 semaphore(%arg21 : memref<!tpu.dma_semaphore, #tpu.memory_space<semaphore_mem>>) src(%dma_wait3A_1038 : memref<8x32xf32, #tpu.memory_space<hbm>>) dst(%dma_wait3A_1036 : memref<8x32xf32, #tpu.memory_space<vmem>>)
      %dma_wait3A_1039 = arith.constant 56 : i32
      %dma_wait3A_1040 = arith.constant 0 : i32
      %dma_wait3A_1041 = tpu.memref_slice %arg17[%dma_wait3A_1039, %dma_wait3A_1040] : memref<256x32xf32, #tpu.memory_space<vmem>> -> memref<8x32xf32, #tpu.memory_space<vmem>>
      %dma_wait3A_1042 = arith.constant 0 : i32
      %dma_wait3A_1043 = tpu.memref_slice %arg6[%multiple_of3A_235, %dma_wait3A_1042] : memref<1000000x32xf32, #tpu.memory_space<hbm>> -> memref<8x32xf32, #tpu.memory_space<hbm>>
      %dma_wait3A_1044 = arith.constant 56 : i32
      %dma_wait3A_1045 = arith.constant 0 : i32
      %dma_wait3A_1046 = tpu.memref_slice %arg17[%dma_wait3A_1044, %dma_wait3A_1045] : memref<256x32xf32, #tpu.memory_space<vmem>> -> memref<8x32xf32, #tpu.memory_space<vmem>>
      %dma_wait3A_1047 = arith.constant 0 : i32
      %dma_wait3A_1048 = tpu.memref_slice %arg6[%multiple_of3A_235, %dma_wait3A_1047] : memref<1000000x32xf32, #tpu.memory_space<hbm>> -> memref<8x32xf32, #tpu.memory_space<hbm>>
      tpu.wait_dma2 semaphore(%arg21 : memref<!tpu.dma_semaphore, #tpu.memory_space<semaphore_mem>>) src(%dma_wait3A_1048 : memref<8x32xf32, #tpu.memory_space<hbm>>) dst(%dma_wait3A_1046 : memref<8x32xf32, #tpu.memory_space<vmem>>)
      %dma_wait3A_1049 = arith.constant 64 : i32
      %dma_wait3A_1050 = arith.constant 0 : i32
      %dma_wait3A_1051 = tpu.memref_slice %arg16[%dma_wait3A_1049, %dma_wait3A_1050] : memref<256x32xf32, #tpu.memory_space<vmem>> -> memref<8x32xf32, #tpu.memory_space<vmem>>
      %dma_wait3A_1052 = arith.constant 0 : i32
      %dma_wait3A_1053 = tpu.memref_slice %arg6[%multiple_of3A_248, %dma_wait3A_1052] : memref<1000000x32xf32, #tpu.memory_space<hbm>> -> memref<8x32xf32, #tpu.memory_space<hbm>>
      %dma_wait3A_1054 = arith.constant 64 : i32
      %dma_wait3A_1055 = arith.constant 0 : i32
      %dma_wait3A_1056 = tpu.memref_slice %arg16[%dma_wait3A_1054, %dma_wait3A_1055] : memref<256x32xf32, #tpu.memory_space<vmem>> -> memref<8x32xf32, #tpu.memory_space<vmem>>
      %dma_wait3A_1057 = arith.constant 0 : i32
      %dma_wait3A_1058 = tpu.memref_slice %arg6[%multiple_of3A_248, %dma_wait3A_1057] : memref<1000000x32xf32, #tpu.memory_space<hbm>> -> memref<8x32xf32, #tpu.memory_space<hbm>>
      tpu.wait_dma2 semaphore(%arg21 : memref<!tpu.dma_semaphore, #tpu.memory_space<semaphore_mem>>) src(%dma_wait3A_1058 : memref<8x32xf32, #tpu.memory_space<hbm>>) dst(%dma_wait3A_1056 : memref<8x32xf32, #tpu.memory_space<vmem>>)
      %dma_wait3A_1059 = arith.constant 64 : i32
      %dma_wait3A_1060 = arith.constant 0 : i32
      %dma_wait3A_1061 = tpu.memref_slice %arg17[%dma_wait3A_1059, %dma_wait3A_1060] : memref<256x32xf32, #tpu.memory_space<vmem>> -> memref<8x32xf32, #tpu.memory_space<vmem>>
      %dma_wait3A_1062 = arith.constant 0 : i32
      %dma_wait3A_1063 = tpu.memref_slice %arg6[%multiple_of3A_261, %dma_wait3A_1062] : memref<1000000x32xf32, #tpu.memory_space<hbm>> -> memref<8x32xf32, #tpu.memory_space<hbm>>
      %dma_wait3A_1064 = arith.constant 64 : i32
      %dma_wait3A_1065 = arith.constant 0 : i32
      %dma_wait3A_1066 = tpu.memref_slice %arg17[%dma_wait3A_1064, %dma_wait3A_1065] : memref<256x32xf32, #tpu.memory_space<vmem>> -> memref<8x32xf32, #tpu.memory_space<vmem>>
      %dma_wait3A_1067 = arith.constant 0 : i32
      %dma_wait3A_1068 = tpu.memref_slice %arg6[%multiple_of3A_261, %dma_wait3A_1067] : memref<1000000x32xf32, #tpu.memory_space<hbm>> -> memref<8x32xf32, #tpu.memory_space<hbm>>
      tpu.wait_dma2 semaphore(%arg21 : memref<!tpu.dma_semaphore, #tpu.memory_space<semaphore_mem>>) src(%dma_wait3A_1068 : memref<8x32xf32, #tpu.memory_space<hbm>>) dst(%dma_wait3A_1066 : memref<8x32xf32, #tpu.memory_space<vmem>>)
      %dma_wait3A_1069 = arith.constant 72 : i32
      %dma_wait3A_1070 = arith.constant 0 : i32
      %dma_wait3A_1071 = tpu.memref_slice %arg16[%dma_wait3A_1069, %dma_wait3A_1070] : memref<256x32xf32, #tpu.memory_space<vmem>> -> memref<8x32xf32, #tpu.memory_space<vmem>>
      %dma_wait3A_1072 = arith.constant 0 : i32
      %dma_wait3A_1073 = tpu.memref_slice %arg6[%multiple_of3A_274, %dma_wait3A_1072] : memref<1000000x32xf32, #tpu.memory_space<hbm>> -> memref<8x32xf32, #tpu.memory_space<hbm>>
      %dma_wait3A_1074 = arith.constant 72 : i32
      %dma_wait3A_1075 = arith.constant 0 : i32
      %dma_wait3A_1076 = tpu.memref_slice %arg16[%dma_wait3A_1074, %dma_wait3A_1075] : memref<256x32xf32, #tpu.memory_space<vmem>> -> memref<8x32xf32, #tpu.memory_space<vmem>>
      %dma_wait3A_1077 = arith.constant 0 : i32
      %dma_wait3A_1078 = tpu.memref_slice %arg6[%multiple_of3A_274, %dma_wait3A_1077] : memref<1000000x32xf32, #tpu.memory_space<hbm>> -> memref<8x32xf32, #tpu.memory_space<hbm>>
      tpu.wait_dma2 semaphore(%arg21 : memref<!tpu.dma_semaphore, #tpu.memory_space<semaphore_mem>>) src(%dma_wait3A_1078 : memref<8x32xf32, #tpu.memory_space<hbm>>) dst(%dma_wait3A_1076 : memref<8x32xf32, #tpu.memory_space<vmem>>)
      %dma_wait3A_1079 = arith.constant 72 : i32
      %dma_wait3A_1080 = arith.constant 0 : i32
      %dma_wait3A_1081 = tpu.memref_slice %arg17[%dma_wait3A_1079, %dma_wait3A_1080] : memref<256x32xf32, #tpu.memory_space<vmem>> -> memref<8x32xf32, #tpu.memory_space<vmem>>
      %dma_wait3A_1082 = arith.constant 0 : i32
      %dma_wait3A_1083 = tpu.memref_slice %arg6[%multiple_of3A_287, %dma_wait3A_1082] : memref<1000000x32xf32, #tpu.memory_space<hbm>> -> memref<8x32xf32, #tpu.memory_space<hbm>>
      %dma_wait3A_1084 = arith.constant 72 : i32
      %dma_wait3A_1085 = arith.constant 0 : i32
      %dma_wait3A_1086 = tpu.memref_slice %arg17[%dma_wait3A_1084, %dma_wait3A_1085] : memref<256x32xf32, #tpu.memory_space<vmem>> -> memref<8x32xf32, #tpu.memory_space<vmem>>
      %dma_wait3A_1087 = arith.constant 0 : i32
      %dma_wait3A_1088 = tpu.memref_slice %arg6[%multiple_of3A_287, %dma_wait3A_1087] : memref<1000000x32xf32, #tpu.memory_space<hbm>> -> memref<8x32xf32, #tpu.memory_space<hbm>>
      tpu.wait_dma2 semaphore(%arg21 : memref<!tpu.dma_semaphore, #tpu.memory_space<semaphore_mem>>) src(%dma_wait3A_1088 : memref<8x32xf32, #tpu.memory_space<hbm>>) dst(%dma_wait3A_1086 : memref<8x32xf32, #tpu.memory_space<vmem>>)
      %dma_wait3A_1089 = arith.constant 80 : i32
      %dma_wait3A_1090 = arith.constant 0 : i32
      %dma_wait3A_1091 = tpu.memref_slice %arg16[%dma_wait3A_1089, %dma_wait3A_1090] : memref<256x32xf32, #tpu.memory_space<vmem>> -> memref<8x32xf32, #tpu.memory_space<vmem>>
      %dma_wait3A_1092 = arith.constant 0 : i32
      %dma_wait3A_1093 = tpu.memref_slice %arg6[%multiple_of3A_300, %dma_wait3A_1092] : memref<1000000x32xf32, #tpu.memory_space<hbm>> -> memref<8x32xf32, #tpu.memory_space<hbm>>
      %dma_wait3A_1094 = arith.constant 80 : i32
      %dma_wait3A_1095 = arith.constant 0 : i32
      %dma_wait3A_1096 = tpu.memref_slice %arg16[%dma_wait3A_1094, %dma_wait3A_1095] : memref<256x32xf32, #tpu.memory_space<vmem>> -> memref<8x32xf32, #tpu.memory_space<vmem>>
      %dma_wait3A_1097 = arith.constant 0 : i32
      %dma_wait3A_1098 = tpu.memref_slice %arg6[%multiple_of3A_300, %dma_wait3A_1097] : memref<1000000x32xf32, #tpu.memory_space<hbm>> -> memref<8x32xf32, #tpu.memory_space<hbm>>
      tpu.wait_dma2 semaphore(%arg21 : memref<!tpu.dma_semaphore, #tpu.memory_space<semaphore_mem>>) src(%dma_wait3A_1098 : memref<8x32xf32, #tpu.memory_space<hbm>>) dst(%dma_wait3A_1096 : memref<8x32xf32, #tpu.memory_space<vmem>>)
      %dma_wait3A_1099 = arith.constant 80 : i32
      %dma_wait3A_1100 = arith.constant 0 : i32
      %dma_wait3A_1101 = tpu.memref_slice %arg17[%dma_wait3A_1099, %dma_wait3A_1100] : memref<256x32xf32, #tpu.memory_space<vmem>> -> memref<8x32xf32, #tpu.memory_space<vmem>>
      %dma_wait3A_1102 = arith.constant 0 : i32
      %dma_wait3A_1103 = tpu.memref_slice %arg6[%multiple_of3A_313, %dma_wait3A_1102] : memref<1000000x32xf32, #tpu.memory_space<hbm>> -> memref<8x32xf32, #tpu.memory_space<hbm>>
      %dma_wait3A_1104 = arith.constant 80 : i32
      %dma_wait3A_1105 = arith.constant 0 : i32
      %dma_wait3A_1106 = tpu.memref_slice %arg17[%dma_wait3A_1104, %dma_wait3A_1105] : memref<256x32xf32, #tpu.memory_space<vmem>> -> memref<8x32xf32, #tpu.memory_space<vmem>>
      %dma_wait3A_1107 = arith.constant 0 : i32
      %dma_wait3A_1108 = tpu.memref_slice %arg6[%multiple_of3A_313, %dma_wait3A_1107] : memref<1000000x32xf32, #tpu.memory_space<hbm>> -> memref<8x32xf32, #tpu.memory_space<hbm>>
      tpu.wait_dma2 semaphore(%arg21 : memref<!tpu.dma_semaphore, #tpu.memory_space<semaphore_mem>>) src(%dma_wait3A_1108 : memref<8x32xf32, #tpu.memory_space<hbm>>) dst(%dma_wait3A_1106 : memref<8x32xf32, #tpu.memory_space<vmem>>)
      %dma_wait3A_1109 = arith.constant 88 : i32
      %dma_wait3A_1110 = arith.constant 0 : i32
      %dma_wait3A_1111 = tpu.memref_slice %arg16[%dma_wait3A_1109, %dma_wait3A_1110] : memref<256x32xf32, #tpu.memory_space<vmem>> -> memref<8x32xf32, #tpu.memory_space<vmem>>
      %dma_wait3A_1112 = arith.constant 0 : i32
      %dma_wait3A_1113 = tpu.memref_slice %arg6[%multiple_of3A_326, %dma_wait3A_1112] : memref<1000000x32xf32, #tpu.memory_space<hbm>> -> memref<8x32xf32, #tpu.memory_space<hbm>>
      %dma_wait3A_1114 = arith.constant 88 : i32
      %dma_wait3A_1115 = arith.constant 0 : i32
      %dma_wait3A_1116 = tpu.memref_slice %arg16[%dma_wait3A_1114, %dma_wait3A_1115] : memref<256x32xf32, #tpu.memory_space<vmem>> -> memref<8x32xf32, #tpu.memory_space<vmem>>
      %dma_wait3A_1117 = arith.constant 0 : i32
      %dma_wait3A_1118 = tpu.memref_slice %arg6[%multiple_of3A_326, %dma_wait3A_1117] : memref<1000000x32xf32, #tpu.memory_space<hbm>> -> memref<8x32xf32, #tpu.memory_space<hbm>>
      tpu.wait_dma2 semaphore(%arg21 : memref<!tpu.dma_semaphore, #tpu.memory_space<semaphore_mem>>) src(%dma_wait3A_1118 : memref<8x32xf32, #tpu.memory_space<hbm>>) dst(%dma_wait3A_1116 : memref<8x32xf32, #tpu.memory_space<vmem>>)
      %dma_wait3A_1119 = arith.constant 88 : i32
      %dma_wait3A_1120 = arith.constant 0 : i32
      %dma_wait3A_1121 = tpu.memref_slice %arg17[%dma_wait3A_1119, %dma_wait3A_1120] : memref<256x32xf32, #tpu.memory_space<vmem>> -> memref<8x32xf32, #tpu.memory_space<vmem>>
      %dma_wait3A_1122 = arith.constant 0 : i32
      %dma_wait3A_1123 = tpu.memref_slice %arg6[%multiple_of3A_339, %dma_wait3A_1122] : memref<1000000x32xf32, #tpu.memory_space<hbm>> -> memref<8x32xf32, #tpu.memory_space<hbm>>
      %dma_wait3A_1124 = arith.constant 88 : i32
      %dma_wait3A_1125 = arith.constant 0 : i32
      %dma_wait3A_1126 = tpu.memref_slice %arg17[%dma_wait3A_1124, %dma_wait3A_1125] : memref<256x32xf32, #tpu.memory_space<vmem>> -> memref<8x32xf32, #tpu.memory_space<vmem>>
      %dma_wait3A_1127 = arith.constant 0 : i32
      %dma_wait3A_1128 = tpu.memref_slice %arg6[%multiple_of3A_339, %dma_wait3A_1127] : memref<1000000x32xf32, #tpu.memory_space<hbm>> -> memref<8x32xf32, #tpu.memory_space<hbm>>
      tpu.wait_dma2 semaphore(%arg21 : memref<!tpu.dma_semaphore, #tpu.memory_space<semaphore_mem>>) src(%dma_wait3A_1128 : memref<8x32xf32, #tpu.memory_space<hbm>>) dst(%dma_wait3A_1126 : memref<8x32xf32, #tpu.memory_space<vmem>>)
      %dma_wait3A_1129 = arith.constant 96 : i32
      %dma_wait3A_1130 = arith.constant 0 : i32
      %dma_wait3A_1131 = tpu.memref_slice %arg16[%dma_wait3A_1129, %dma_wait3A_1130] : memref<256x32xf32, #tpu.memory_space<vmem>> -> memref<8x32xf32, #tpu.memory_space<vmem>>
      %dma_wait3A_1132 = arith.constant 0 : i32
      %dma_wait3A_1133 = tpu.memref_slice %arg6[%multiple_of3A_352, %dma_wait3A_1132] : memref<1000000x32xf32, #tpu.memory_space<hbm>> -> memref<8x32xf32, #tpu.memory_space<hbm>>
      %dma_wait3A_1134 = arith.constant 96 : i32
      %dma_wait3A_1135 = arith.constant 0 : i32
      %dma_wait3A_1136 = tpu.memref_slice %arg16[%dma_wait3A_1134, %dma_wait3A_1135] : memref<256x32xf32, #tpu.memory_space<vmem>> -> memref<8x32xf32, #tpu.memory_space<vmem>>
      %dma_wait3A_1137 = arith.constant 0 : i32
      %dma_wait3A_1138 = tpu.memref_slice %arg6[%multiple_of3A_352, %dma_wait3A_1137] : memref<1000000x32xf32, #tpu.memory_space<hbm>> -> memref<8x32xf32, #tpu.memory_space<hbm>>
      tpu.wait_dma2 semaphore(%arg21 : memref<!tpu.dma_semaphore, #tpu.memory_space<semaphore_mem>>) src(%dma_wait3A_1138 : memref<8x32xf32, #tpu.memory_space<hbm>>) dst(%dma_wait3A_1136 : memref<8x32xf32, #tpu.memory_space<vmem>>)
      %dma_wait3A_1139 = arith.constant 96 : i32
      %dma_wait3A_1140 = arith.constant 0 : i32
      %dma_wait3A_1141 = tpu.memref_slice %arg17[%dma_wait3A_1139, %dma_wait3A_1140] : memref<256x32xf32, #tpu.memory_space<vmem>> -> memref<8x32xf32, #tpu.memory_space<vmem>>
      %dma_wait3A_1142 = arith.constant 0 : i32
      %dma_wait3A_1143 = tpu.memref_slice %arg6[%multiple_of3A_365, %dma_wait3A_1142] : memref<1000000x32xf32, #tpu.memory_space<hbm>> -> memref<8x32xf32, #tpu.memory_space<hbm>>
      %dma_wait3A_1144 = arith.constant 96 : i32
      %dma_wait3A_1145 = arith.constant 0 : i32
      %dma_wait3A_1146 = tpu.memref_slice %arg17[%dma_wait3A_1144, %dma_wait3A_1145] : memref<256x32xf32, #tpu.memory_space<vmem>> -> memref<8x32xf32, #tpu.memory_space<vmem>>
      %dma_wait3A_1147 = arith.constant 0 : i32
      %dma_wait3A_1148 = tpu.memref_slice %arg6[%multiple_of3A_365, %dma_wait3A_1147] : memref<1000000x32xf32, #tpu.memory_space<hbm>> -> memref<8x32xf32, #tpu.memory_space<hbm>>
      tpu.wait_dma2 semaphore(%arg21 : memref<!tpu.dma_semaphore, #tpu.memory_space<semaphore_mem>>) src(%dma_wait3A_1148 : memref<8x32xf32, #tpu.memory_space<hbm>>) dst(%dma_wait3A_1146 : memref<8x32xf32, #tpu.memory_space<vmem>>)
      %dma_wait3A_1149 = arith.constant 104 : i32
      %dma_wait3A_1150 = arith.constant 0 : i32
      %dma_wait3A_1151 = tpu.memref_slice %arg16[%dma_wait3A_1149, %dma_wait3A_1150] : memref<256x32xf32, #tpu.memory_space<vmem>> -> memref<8x32xf32, #tpu.memory_space<vmem>>
      %dma_wait3A_1152 = arith.constant 0 : i32
      %dma_wait3A_1153 = tpu.memref_slice %arg6[%multiple_of3A_378, %dma_wait3A_1152] : memref<1000000x32xf32, #tpu.memory_space<hbm>> -> memref<8x32xf32, #tpu.memory_space<hbm>>
      %dma_wait3A_1154 = arith.constant 104 : i32
      %dma_wait3A_1155 = arith.constant 0 : i32
      %dma_wait3A_1156 = tpu.memref_slice %arg16[%dma_wait3A_1154, %dma_wait3A_1155] : memref<256x32xf32, #tpu.memory_space<vmem>> -> memref<8x32xf32, #tpu.memory_space<vmem>>
      %dma_wait3A_1157 = arith.constant 0 : i32
      %dma_wait3A_1158 = tpu.memref_slice %arg6[%multiple_of3A_378, %dma_wait3A_1157] : memref<1000000x32xf32, #tpu.memory_space<hbm>> -> memref<8x32xf32, #tpu.memory_space<hbm>>
      tpu.wait_dma2 semaphore(%arg21 : memref<!tpu.dma_semaphore, #tpu.memory_space<semaphore_mem>>) src(%dma_wait3A_1158 : memref<8x32xf32, #tpu.memory_space<hbm>>) dst(%dma_wait3A_1156 : memref<8x32xf32, #tpu.memory_space<vmem>>)
      %dma_wait3A_1159 = arith.constant 104 : i32
      %dma_wait3A_1160 = arith.constant 0 : i32
      %dma_wait3A_1161 = tpu.memref_slice %arg17[%dma_wait3A_1159, %dma_wait3A_1160] : memref<256x32xf32, #tpu.memory_space<vmem>> -> memref<8x32xf32, #tpu.memory_space<vmem>>
      %dma_wait3A_1162 = arith.constant 0 : i32
      %dma_wait3A_1163 = tpu.memref_slice %arg6[%multiple_of3A_391, %dma_wait3A_1162] : memref<1000000x32xf32, #tpu.memory_space<hbm>> -> memref<8x32xf32, #tpu.memory_space<hbm>>
      %dma_wait3A_1164 = arith.constant 104 : i32
      %dma_wait3A_1165 = arith.constant 0 : i32
      %dma_wait3A_1166 = tpu.memref_slice %arg17[%dma_wait3A_1164, %dma_wait3A_1165] : memref<256x32xf32, #tpu.memory_space<vmem>> -> memref<8x32xf32, #tpu.memory_space<vmem>>
      %dma_wait3A_1167 = arith.constant 0 : i32
      %dma_wait3A_1168 = tpu.memref_slice %arg6[%multiple_of3A_391, %dma_wait3A_1167] : memref<1000000x32xf32, #tpu.memory_space<hbm>> -> memref<8x32xf32, #tpu.memory_space<hbm>>
      tpu.wait_dma2 semaphore(%arg21 : memref<!tpu.dma_semaphore, #tpu.memory_space<semaphore_mem>>) src(%dma_wait3A_1168 : memref<8x32xf32, #tpu.memory_space<hbm>>) dst(%dma_wait3A_1166 : memref<8x32xf32, #tpu.memory_space<vmem>>)
      %dma_wait3A_1169 = arith.constant 112 : i32
      %dma_wait3A_1170 = arith.constant 0 : i32
      %dma_wait3A_1171 = tpu.memref_slice %arg16[%dma_wait3A_1169, %dma_wait3A_1170] : memref<256x32xf32, #tpu.memory_space<vmem>> -> memref<8x32xf32, #tpu.memory_space<vmem>>
      %dma_wait3A_1172 = arith.constant 0 : i32
      %dma_wait3A_1173 = tpu.memref_slice %arg6[%multiple_of3A_404, %dma_wait3A_1172] : memref<1000000x32xf32, #tpu.memory_space<hbm>> -> memref<8x32xf32, #tpu.memory_space<hbm>>
      %dma_wait3A_1174 = arith.constant 112 : i32
      %dma_wait3A_1175 = arith.constant 0 : i32
      %dma_wait3A_1176 = tpu.memref_slice %arg16[%dma_wait3A_1174, %dma_wait3A_1175] : memref<256x32xf32, #tpu.memory_space<vmem>> -> memref<8x32xf32, #tpu.memory_space<vmem>>
      %dma_wait3A_1177 = arith.constant 0 : i32
      %dma_wait3A_1178 = tpu.memref_slice %arg6[%multiple_of3A_404, %dma_wait3A_1177] : memref<1000000x32xf32, #tpu.memory_space<hbm>> -> memref<8x32xf32, #tpu.memory_space<hbm>>
      tpu.wait_dma2 semaphore(%arg21 : memref<!tpu.dma_semaphore, #tpu.memory_space<semaphore_mem>>) src(%dma_wait3A_1178 : memref<8x32xf32, #tpu.memory_space<hbm>>) dst(%dma_wait3A_1176 : memref<8x32xf32, #tpu.memory_space<vmem>>)
      %dma_wait3A_1179 = arith.constant 112 : i32
      %dma_wait3A_1180 = arith.constant 0 : i32
      %dma_wait3A_1181 = tpu.memref_slice %arg17[%dma_wait3A_1179, %dma_wait3A_1180] : memref<256x32xf32, #tpu.memory_space<vmem>> -> memref<8x32xf32, #tpu.memory_space<vmem>>
      %dma_wait3A_1182 = arith.constant 0 : i32
      %dma_wait3A_1183 = tpu.memref_slice %arg6[%multiple_of3A_417, %dma_wait3A_1182] : memref<1000000x32xf32, #tpu.memory_space<hbm>> -> memref<8x32xf32, #tpu.memory_space<hbm>>
      %dma_wait3A_1184 = arith.constant 112 : i32
      %dma_wait3A_1185 = arith.constant 0 : i32
      %dma_wait3A_1186 = tpu.memref_slice %arg17[%dma_wait3A_1184, %dma_wait3A_1185] : memref<256x32xf32, #tpu.memory_space<vmem>> -> memref<8x32xf32, #tpu.memory_space<vmem>>
      %dma_wait3A_1187 = arith.constant 0 : i32
      %dma_wait3A_1188 = tpu.memref_slice %arg6[%multiple_of3A_417, %dma_wait3A_1187] : memref<1000000x32xf32, #tpu.memory_space<hbm>> -> memref<8x32xf32, #tpu.memory_space<hbm>>
      tpu.wait_dma2 semaphore(%arg21 : memref<!tpu.dma_semaphore, #tpu.memory_space<semaphore_mem>>) src(%dma_wait3A_1188 : memref<8x32xf32, #tpu.memory_space<hbm>>) dst(%dma_wait3A_1186 : memref<8x32xf32, #tpu.memory_space<vmem>>)
      %dma_wait3A_1189 = arith.constant 120 : i32
      %dma_wait3A_1190 = arith.constant 0 : i32
      %dma_wait3A_1191 = tpu.memref_slice %arg16[%dma_wait3A_1189, %dma_wait3A_1190] : memref<256x32xf32, #tpu.memory_space<vmem>> -> memref<8x32xf32, #tpu.memory_space<vmem>>
      %dma_wait3A_1192 = arith.constant 0 : i32
      %dma_wait3A_1193 = tpu.memref_slice %arg6[%multiple_of3A_430, %dma_wait3A_1192] : memref<1000000x32xf32, #tpu.memory_space<hbm>> -> memref<8x32xf32, #tpu.memory_space<hbm>>
      %dma_wait3A_1194 = arith.constant 120 : i32
      %dma_wait3A_1195 = arith.constant 0 : i32
      %dma_wait3A_1196 = tpu.memref_slice %arg16[%dma_wait3A_1194, %dma_wait3A_1195] : memref<256x32xf32, #tpu.memory_space<vmem>> -> memref<8x32xf32, #tpu.memory_space<vmem>>
      %dma_wait3A_1197 = arith.constant 0 : i32
      %dma_wait3A_1198 = tpu.memref_slice %arg6[%multiple_of3A_430, %dma_wait3A_1197] : memref<1000000x32xf32, #tpu.memory_space<hbm>> -> memref<8x32xf32, #tpu.memory_space<hbm>>
      tpu.wait_dma2 semaphore(%arg21 : memref<!tpu.dma_semaphore, #tpu.memory_space<semaphore_mem>>) src(%dma_wait3A_1198 : memref<8x32xf32, #tpu.memory_space<hbm>>) dst(%dma_wait3A_1196 : memref<8x32xf32, #tpu.memory_space<vmem>>)
      %dma_wait3A_1199 = arith.constant 120 : i32
      %dma_wait3A_1200 = arith.constant 0 : i32
      %dma_wait3A_1201 = tpu.memref_slice %arg17[%dma_wait3A_1199, %dma_wait3A_1200] : memref<256x32xf32, #tpu.memory_space<vmem>> -> memref<8x32xf32, #tpu.memory_space<vmem>>
      %dma_wait3A_1202 = arith.constant 0 : i32
      %dma_wait3A_1203 = tpu.memref_slice %arg6[%multiple_of3A_443, %dma_wait3A_1202] : memref<1000000x32xf32, #tpu.memory_space<hbm>> -> memref<8x32xf32, #tpu.memory_space<hbm>>
      %dma_wait3A_1204 = arith.constant 120 : i32
      %dma_wait3A_1205 = arith.constant 0 : i32
      %dma_wait3A_1206 = tpu.memref_slice %arg17[%dma_wait3A_1204, %dma_wait3A_1205] : memref<256x32xf32, #tpu.memory_space<vmem>> -> memref<8x32xf32, #tpu.memory_space<vmem>>
      %dma_wait3A_1207 = arith.constant 0 : i32
      %dma_wait3A_1208 = tpu.memref_slice %arg6[%multiple_of3A_443, %dma_wait3A_1207] : memref<1000000x32xf32, #tpu.memory_space<hbm>> -> memref<8x32xf32, #tpu.memory_space<hbm>>
      tpu.wait_dma2 semaphore(%arg21 : memref<!tpu.dma_semaphore, #tpu.memory_space<semaphore_mem>>) src(%dma_wait3A_1208 : memref<8x32xf32, #tpu.memory_space<hbm>>) dst(%dma_wait3A_1206 : memref<8x32xf32, #tpu.memory_space<vmem>>)
      %dma_wait3A_1209 = arith.constant 128 : i32
      %dma_wait3A_1210 = arith.constant 0 : i32
      %dma_wait3A_1211 = tpu.memref_slice %arg16[%dma_wait3A_1209, %dma_wait3A_1210] : memref<256x32xf32, #tpu.memory_space<vmem>> -> memref<8x32xf32, #tpu.memory_space<vmem>>
      %dma_wait3A_1212 = arith.constant 0 : i32
      %dma_wait3A_1213 = tpu.memref_slice %arg6[%multiple_of3A_476, %dma_wait3A_1212] : memref<1000000x32xf32, #tpu.memory_space<hbm>> -> memref<8x32xf32, #tpu.memory_space<hbm>>
      %dma_wait3A_1214 = arith.constant 128 : i32
      %dma_wait3A_1215 = arith.constant 0 : i32
      %dma_wait3A_1216 = tpu.memref_slice %arg16[%dma_wait3A_1214, %dma_wait3A_1215] : memref<256x32xf32, #tpu.memory_space<vmem>> -> memref<8x32xf32, #tpu.memory_space<vmem>>
      %dma_wait3A_1217 = arith.constant 0 : i32
      %dma_wait3A_1218 = tpu.memref_slice %arg6[%multiple_of3A_476, %dma_wait3A_1217] : memref<1000000x32xf32, #tpu.memory_space<hbm>> -> memref<8x32xf32, #tpu.memory_space<hbm>>
      tpu.wait_dma2 semaphore(%arg21 : memref<!tpu.dma_semaphore, #tpu.memory_space<semaphore_mem>>) src(%dma_wait3A_1218 : memref<8x32xf32, #tpu.memory_space<hbm>>) dst(%dma_wait3A_1216 : memref<8x32xf32, #tpu.memory_space<vmem>>)
      %dma_wait3A_1219 = arith.constant 128 : i32
      %dma_wait3A_1220 = arith.constant 0 : i32
      %dma_wait3A_1221 = tpu.memref_slice %arg17[%dma_wait3A_1219, %dma_wait3A_1220] : memref<256x32xf32, #tpu.memory_space<vmem>> -> memref<8x32xf32, #tpu.memory_space<vmem>>
      %dma_wait3A_1222 = arith.constant 0 : i32
      %dma_wait3A_1223 = tpu.memref_slice %arg6[%multiple_of3A_489, %dma_wait3A_1222] : memref<1000000x32xf32, #tpu.memory_space<hbm>> -> memref<8x32xf32, #tpu.memory_space<hbm>>
      %dma_wait3A_1224 = arith.constant 128 : i32
      %dma_wait3A_1225 = arith.constant 0 : i32
      %dma_wait3A_1226 = tpu.memref_slice %arg17[%dma_wait3A_1224, %dma_wait3A_1225] : memref<256x32xf32, #tpu.memory_space<vmem>> -> memref<8x32xf32, #tpu.memory_space<vmem>>
      %dma_wait3A_1227 = arith.constant 0 : i32
      %dma_wait3A_1228 = tpu.memref_slice %arg6[%multiple_of3A_489, %dma_wait3A_1227] : memref<1000000x32xf32, #tpu.memory_space<hbm>> -> memref<8x32xf32, #tpu.memory_space<hbm>>
      tpu.wait_dma2 semaphore(%arg21 : memref<!tpu.dma_semaphore, #tpu.memory_space<semaphore_mem>>) src(%dma_wait3A_1228 : memref<8x32xf32, #tpu.memory_space<hbm>>) dst(%dma_wait3A_1226 : memref<8x32xf32, #tpu.memory_space<vmem>>)
      %dma_wait3A_1229 = arith.constant 136 : i32
      %dma_wait3A_1230 = arith.constant 0 : i32
      %dma_wait3A_1231 = tpu.memref_slice %arg16[%dma_wait3A_1229, %dma_wait3A_1230] : memref<256x32xf32, #tpu.memory_space<vmem>> -> memref<8x32xf32, #tpu.memory_space<vmem>>
      %dma_wait3A_1232 = arith.constant 0 : i32
      %dma_wait3A_1233 = tpu.memref_slice %arg6[%multiple_of3A_502, %dma_wait3A_1232] : memref<1000000x32xf32, #tpu.memory_space<hbm>> -> memref<8x32xf32, #tpu.memory_space<hbm>>
      %dma_wait3A_1234 = arith.constant 136 : i32
      %dma_wait3A_1235 = arith.constant 0 : i32
      %dma_wait3A_1236 = tpu.memref_slice %arg16[%dma_wait3A_1234, %dma_wait3A_1235] : memref<256x32xf32, #tpu.memory_space<vmem>> -> memref<8x32xf32, #tpu.memory_space<vmem>>
      %dma_wait3A_1237 = arith.constant 0 : i32
      %dma_wait3A_1238 = tpu.memref_slice %arg6[%multiple_of3A_502, %dma_wait3A_1237] : memref<1000000x32xf32, #tpu.memory_space<hbm>> -> memref<8x32xf32, #tpu.memory_space<hbm>>
      tpu.wait_dma2 semaphore(%arg21 : memref<!tpu.dma_semaphore, #tpu.memory_space<semaphore_mem>>) src(%dma_wait3A_1238 : memref<8x32xf32, #tpu.memory_space<hbm>>) dst(%dma_wait3A_1236 : memref<8x32xf32, #tpu.memory_space<vmem>>)
      %dma_wait3A_1239 = arith.constant 136 : i32
      %dma_wait3A_1240 = arith.constant 0 : i32
      %dma_wait3A_1241 = tpu.memref_slice %arg17[%dma_wait3A_1239, %dma_wait3A_1240] : memref<256x32xf32, #tpu.memory_space<vmem>> -> memref<8x32xf32, #tpu.memory_space<vmem>>
      %dma_wait3A_1242 = arith.constant 0 : i32
      %dma_wait3A_1243 = tpu.memref_slice %arg6[%multiple_of3A_515, %dma_wait3A_1242] : memref<1000000x32xf32, #tpu.memory_space<hbm>> -> memref<8x32xf32, #tpu.memory_space<hbm>>
      %dma_wait3A_1244 = arith.constant 136 : i32
      %dma_wait3A_1245 = arith.constant 0 : i32
      %dma_wait3A_1246 = tpu.memref_slice %arg17[%dma_wait3A_1244, %dma_wait3A_1245] : memref<256x32xf32, #tpu.memory_space<vmem>> -> memref<8x32xf32, #tpu.memory_space<vmem>>
      %dma_wait3A_1247 = arith.constant 0 : i32
      %dma_wait3A_1248 = tpu.memref_slice %arg6[%multiple_of3A_515, %dma_wait3A_1247] : memref<1000000x32xf32, #tpu.memory_space<hbm>> -> memref<8x32xf32, #tpu.memory_space<hbm>>
      tpu.wait_dma2 semaphore(%arg21 : memref<!tpu.dma_semaphore, #tpu.memory_space<semaphore_mem>>) src(%dma_wait3A_1248 : memref<8x32xf32, #tpu.memory_space<hbm>>) dst(%dma_wait3A_1246 : memref<8x32xf32, #tpu.memory_space<vmem>>)
      %dma_wait3A_1249 = arith.constant 144 : i32
      %dma_wait3A_1250 = arith.constant 0 : i32
      %dma_wait3A_1251 = tpu.memref_slice %arg16[%dma_wait3A_1249, %dma_wait3A_1250] : memref<256x32xf32, #tpu.memory_space<vmem>> -> memref<8x32xf32, #tpu.memory_space<vmem>>
      %dma_wait3A_1252 = arith.constant 0 : i32
      %dma_wait3A_1253 = tpu.memref_slice %arg6[%multiple_of3A_528, %dma_wait3A_1252] : memref<1000000x32xf32, #tpu.memory_space<hbm>> -> memref<8x32xf32, #tpu.memory_space<hbm>>
      %dma_wait3A_1254 = arith.constant 144 : i32
      %dma_wait3A_1255 = arith.constant 0 : i32
      %dma_wait3A_1256 = tpu.memref_slice %arg16[%dma_wait3A_1254, %dma_wait3A_1255] : memref<256x32xf32, #tpu.memory_space<vmem>> -> memref<8x32xf32, #tpu.memory_space<vmem>>
      %dma_wait3A_1257 = arith.constant 0 : i32
      %dma_wait3A_1258 = tpu.memref_slice %arg6[%multiple_of3A_528, %dma_wait3A_1257] : memref<1000000x32xf32, #tpu.memory_space<hbm>> -> memref<8x32xf32, #tpu.memory_space<hbm>>
      tpu.wait_dma2 semaphore(%arg21 : memref<!tpu.dma_semaphore, #tpu.memory_space<semaphore_mem>>) src(%dma_wait3A_1258 : memref<8x32xf32, #tpu.memory_space<hbm>>) dst(%dma_wait3A_1256 : memref<8x32xf32, #tpu.memory_space<vmem>>)
      %dma_wait3A_1259 = arith.constant 144 : i32
      %dma_wait3A_1260 = arith.constant 0 : i32
      %dma_wait3A_1261 = tpu.memref_slice %arg17[%dma_wait3A_1259, %dma_wait3A_1260] : memref<256x32xf32, #tpu.memory_space<vmem>> -> memref<8x32xf32, #tpu.memory_space<vmem>>
      %dma_wait3A_1262 = arith.constant 0 : i32
      %dma_wait3A_1263 = tpu.memref_slice %arg6[%multiple_of3A_541, %dma_wait3A_1262] : memref<1000000x32xf32, #tpu.memory_space<hbm>> -> memref<8x32xf32, #tpu.memory_space<hbm>>
      %dma_wait3A_1264 = arith.constant 144 : i32
      %dma_wait3A_1265 = arith.constant 0 : i32
      %dma_wait3A_1266 = tpu.memref_slice %arg17[%dma_wait3A_1264, %dma_wait3A_1265] : memref<256x32xf32, #tpu.memory_space<vmem>> -> memref<8x32xf32, #tpu.memory_space<vmem>>
      %dma_wait3A_1267 = arith.constant 0 : i32
      %dma_wait3A_1268 = tpu.memref_slice %arg6[%multiple_of3A_541, %dma_wait3A_1267] : memref<1000000x32xf32, #tpu.memory_space<hbm>> -> memref<8x32xf32, #tpu.memory_space<hbm>>
      tpu.wait_dma2 semaphore(%arg21 : memref<!tpu.dma_semaphore, #tpu.memory_space<semaphore_mem>>) src(%dma_wait3A_1268 : memref<8x32xf32, #tpu.memory_space<hbm>>) dst(%dma_wait3A_1266 : memref<8x32xf32, #tpu.memory_space<vmem>>)
      %dma_wait3A_1269 = arith.constant 152 : i32
      %dma_wait3A_1270 = arith.constant 0 : i32
      %dma_wait3A_1271 = tpu.memref_slice %arg16[%dma_wait3A_1269, %dma_wait3A_1270] : memref<256x32xf32, #tpu.memory_space<vmem>> -> memref<8x32xf32, #tpu.memory_space<vmem>>
      %dma_wait3A_1272 = arith.constant 0 : i32
      %dma_wait3A_1273 = tpu.memref_slice %arg6[%multiple_of3A_554, %dma_wait3A_1272] : memref<1000000x32xf32, #tpu.memory_space<hbm>> -> memref<8x32xf32, #tpu.memory_space<hbm>>
      %dma_wait3A_1274 = arith.constant 152 : i32
      %dma_wait3A_1275 = arith.constant 0 : i32
      %dma_wait3A_1276 = tpu.memref_slice %arg16[%dma_wait3A_1274, %dma_wait3A_1275] : memref<256x32xf32, #tpu.memory_space<vmem>> -> memref<8x32xf32, #tpu.memory_space<vmem>>
      %dma_wait3A_1277 = arith.constant 0 : i32
      %dma_wait3A_1278 = tpu.memref_slice %arg6[%multiple_of3A_554, %dma_wait3A_1277] : memref<1000000x32xf32, #tpu.memory_space<hbm>> -> memref<8x32xf32, #tpu.memory_space<hbm>>
      tpu.wait_dma2 semaphore(%arg21 : memref<!tpu.dma_semaphore, #tpu.memory_space<semaphore_mem>>) src(%dma_wait3A_1278 : memref<8x32xf32, #tpu.memory_space<hbm>>) dst(%dma_wait3A_1276 : memref<8x32xf32, #tpu.memory_space<vmem>>)
      %dma_wait3A_1279 = arith.constant 152 : i32
      %dma_wait3A_1280 = arith.constant 0 : i32
      %dma_wait3A_1281 = tpu.memref_slice %arg17[%dma_wait3A_1279, %dma_wait3A_1280] : memref<256x32xf32, #tpu.memory_space<vmem>> -> memref<8x32xf32, #tpu.memory_space<vmem>>
      %dma_wait3A_1282 = arith.constant 0 : i32
      %dma_wait3A_1283 = tpu.memref_slice %arg6[%multiple_of3A_567, %dma_wait3A_1282] : memref<1000000x32xf32, #tpu.memory_space<hbm>> -> memref<8x32xf32, #tpu.memory_space<hbm>>
      %dma_wait3A_1284 = arith.constant 152 : i32
      %dma_wait3A_1285 = arith.constant 0 : i32
      %dma_wait3A_1286 = tpu.memref_slice %arg17[%dma_wait3A_1284, %dma_wait3A_1285] : memref<256x32xf32, #tpu.memory_space<vmem>> -> memref<8x32xf32, #tpu.memory_space<vmem>>
      %dma_wait3A_1287 = arith.constant 0 : i32
      %dma_wait3A_1288 = tpu.memref_slice %arg6[%multiple_of3A_567, %dma_wait3A_1287] : memref<1000000x32xf32, #tpu.memory_space<hbm>> -> memref<8x32xf32, #tpu.memory_space<hbm>>
      tpu.wait_dma2 semaphore(%arg21 : memref<!tpu.dma_semaphore, #tpu.memory_space<semaphore_mem>>) src(%dma_wait3A_1288 : memref<8x32xf32, #tpu.memory_space<hbm>>) dst(%dma_wait3A_1286 : memref<8x32xf32, #tpu.memory_space<vmem>>)
      %dma_wait3A_1289 = arith.constant 160 : i32
      %dma_wait3A_1290 = arith.constant 0 : i32
      %dma_wait3A_1291 = tpu.memref_slice %arg16[%dma_wait3A_1289, %dma_wait3A_1290] : memref<256x32xf32, #tpu.memory_space<vmem>> -> memref<8x32xf32, #tpu.memory_space<vmem>>
      %dma_wait3A_1292 = arith.constant 0 : i32
      %dma_wait3A_1293 = tpu.memref_slice %arg6[%multiple_of3A_580, %dma_wait3A_1292] : memref<1000000x32xf32, #tpu.memory_space<hbm>> -> memref<8x32xf32, #tpu.memory_space<hbm>>
      %dma_wait3A_1294 = arith.constant 160 : i32
      %dma_wait3A_1295 = arith.constant 0 : i32
      %dma_wait3A_1296 = tpu.memref_slice %arg16[%dma_wait3A_1294, %dma_wait3A_1295] : memref<256x32xf32, #tpu.memory_space<vmem>> -> memref<8x32xf32, #tpu.memory_space<vmem>>
      %dma_wait3A_1297 = arith.constant 0 : i32
      %dma_wait3A_1298 = tpu.memref_slice %arg6[%multiple_of3A_580, %dma_wait3A_1297] : memref<1000000x32xf32, #tpu.memory_space<hbm>> -> memref<8x32xf32, #tpu.memory_space<hbm>>
      tpu.wait_dma2 semaphore(%arg21 : memref<!tpu.dma_semaphore, #tpu.memory_space<semaphore_mem>>) src(%dma_wait3A_1298 : memref<8x32xf32, #tpu.memory_space<hbm>>) dst(%dma_wait3A_1296 : memref<8x32xf32, #tpu.memory_space<vmem>>)
      %dma_wait3A_1299 = arith.constant 160 : i32
      %dma_wait3A_1300 = arith.constant 0 : i32
      %dma_wait3A_1301 = tpu.memref_slice %arg17[%dma_wait3A_1299, %dma_wait3A_1300] : memref<256x32xf32, #tpu.memory_space<vmem>> -> memref<8x32xf32, #tpu.memory_space<vmem>>
      %dma_wait3A_1302 = arith.constant 0 : i32
      %dma_wait3A_1303 = tpu.memref_slice %arg6[%multiple_of3A_593, %dma_wait3A_1302] : memref<1000000x32xf32, #tpu.memory_space<hbm>> -> memref<8x32xf32, #tpu.memory_space<hbm>>
      %dma_wait3A_1304 = arith.constant 160 : i32
      %dma_wait3A_1305 = arith.constant 0 : i32
      %dma_wait3A_1306 = tpu.memref_slice %arg17[%dma_wait3A_1304, %dma_wait3A_1305] : memref<256x32xf32, #tpu.memory_space<vmem>> -> memref<8x32xf32, #tpu.memory_space<vmem>>
      %dma_wait3A_1307 = arith.constant 0 : i32
      %dma_wait3A_1308 = tpu.memref_slice %arg6[%multiple_of3A_593, %dma_wait3A_1307] : memref<1000000x32xf32, #tpu.memory_space<hbm>> -> memref<8x32xf32, #tpu.memory_space<hbm>>
      tpu.wait_dma2 semaphore(%arg21 : memref<!tpu.dma_semaphore, #tpu.memory_space<semaphore_mem>>) src(%dma_wait3A_1308 : memref<8x32xf32, #tpu.memory_space<hbm>>) dst(%dma_wait3A_1306 : memref<8x32xf32, #tpu.memory_space<vmem>>)
      %dma_wait3A_1309 = arith.constant 168 : i32
      %dma_wait3A_1310 = arith.constant 0 : i32
      %dma_wait3A_1311 = tpu.memref_slice %arg16[%dma_wait3A_1309, %dma_wait3A_1310] : memref<256x32xf32, #tpu.memory_space<vmem>> -> memref<8x32xf32, #tpu.memory_space<vmem>>
      %dma_wait3A_1312 = arith.constant 0 : i32
      %dma_wait3A_1313 = tpu.memref_slice %arg6[%multiple_of3A_606, %dma_wait3A_1312] : memref<1000000x32xf32, #tpu.memory_space<hbm>> -> memref<8x32xf32, #tpu.memory_space<hbm>>
      %dma_wait3A_1314 = arith.constant 168 : i32
      %dma_wait3A_1315 = arith.constant 0 : i32
      %dma_wait3A_1316 = tpu.memref_slice %arg16[%dma_wait3A_1314, %dma_wait3A_1315] : memref<256x32xf32, #tpu.memory_space<vmem>> -> memref<8x32xf32, #tpu.memory_space<vmem>>
      %dma_wait3A_1317 = arith.constant 0 : i32
      %dma_wait3A_1318 = tpu.memref_slice %arg6[%multiple_of3A_606, %dma_wait3A_1317] : memref<1000000x32xf32, #tpu.memory_space<hbm>> -> memref<8x32xf32, #tpu.memory_space<hbm>>
      tpu.wait_dma2 semaphore(%arg21 : memref<!tpu.dma_semaphore, #tpu.memory_space<semaphore_mem>>) src(%dma_wait3A_1318 : memref<8x32xf32, #tpu.memory_space<hbm>>) dst(%dma_wait3A_1316 : memref<8x32xf32, #tpu.memory_space<vmem>>)
      %dma_wait3A_1319 = arith.constant 168 : i32
      %dma_wait3A_1320 = arith.constant 0 : i32
      %dma_wait3A_1321 = tpu.memref_slice %arg17[%dma_wait3A_1319, %dma_wait3A_1320] : memref<256x32xf32, #tpu.memory_space<vmem>> -> memref<8x32xf32, #tpu.memory_space<vmem>>
      %dma_wait3A_1322 = arith.constant 0 : i32
      %dma_wait3A_1323 = tpu.memref_slice %arg6[%multiple_of3A_619, %dma_wait3A_1322] : memref<1000000x32xf32, #tpu.memory_space<hbm>> -> memref<8x32xf32, #tpu.memory_space<hbm>>
      %dma_wait3A_1324 = arith.constant 168 : i32
      %dma_wait3A_1325 = arith.constant 0 : i32
      %dma_wait3A_1326 = tpu.memref_slice %arg17[%dma_wait3A_1324, %dma_wait3A_1325] : memref<256x32xf32, #tpu.memory_space<vmem>> -> memref<8x32xf32, #tpu.memory_space<vmem>>
      %dma_wait3A_1327 = arith.constant 0 : i32
      %dma_wait3A_1328 = tpu.memref_slice %arg6[%multiple_of3A_619, %dma_wait3A_1327] : memref<1000000x32xf32, #tpu.memory_space<hbm>> -> memref<8x32xf32, #tpu.memory_space<hbm>>
      tpu.wait_dma2 semaphore(%arg21 : memref<!tpu.dma_semaphore, #tpu.memory_space<semaphore_mem>>) src(%dma_wait3A_1328 : memref<8x32xf32, #tpu.memory_space<hbm>>) dst(%dma_wait3A_1326 : memref<8x32xf32, #tpu.memory_space<vmem>>)
      %dma_wait3A_1329 = arith.constant 176 : i32
      %dma_wait3A_1330 = arith.constant 0 : i32
      %dma_wait3A_1331 = tpu.memref_slice %arg16[%dma_wait3A_1329, %dma_wait3A_1330] : memref<256x32xf32, #tpu.memory_space<vmem>> -> memref<8x32xf32, #tpu.memory_space<vmem>>
      %dma_wait3A_1332 = arith.constant 0 : i32
      %dma_wait3A_1333 = tpu.memref_slice %arg6[%multiple_of3A_632, %dma_wait3A_1332] : memref<1000000x32xf32, #tpu.memory_space<hbm>> -> memref<8x32xf32, #tpu.memory_space<hbm>>
      %dma_wait3A_1334 = arith.constant 176 : i32
      %dma_wait3A_1335 = arith.constant 0 : i32
      %dma_wait3A_1336 = tpu.memref_slice %arg16[%dma_wait3A_1334, %dma_wait3A_1335] : memref<256x32xf32, #tpu.memory_space<vmem>> -> memref<8x32xf32, #tpu.memory_space<vmem>>
      %dma_wait3A_1337 = arith.constant 0 : i32
      %dma_wait3A_1338 = tpu.memref_slice %arg6[%multiple_of3A_632, %dma_wait3A_1337] : memref<1000000x32xf32, #tpu.memory_space<hbm>> -> memref<8x32xf32, #tpu.memory_space<hbm>>
      tpu.wait_dma2 semaphore(%arg21 : memref<!tpu.dma_semaphore, #tpu.memory_space<semaphore_mem>>) src(%dma_wait3A_1338 : memref<8x32xf32, #tpu.memory_space<hbm>>) dst(%dma_wait3A_1336 : memref<8x32xf32, #tpu.memory_space<vmem>>)
      %dma_wait3A_1339 = arith.constant 176 : i32
      %dma_wait3A_1340 = arith.constant 0 : i32
      %dma_wait3A_1341 = tpu.memref_slice %arg17[%dma_wait3A_1339, %dma_wait3A_1340] : memref<256x32xf32, #tpu.memory_space<vmem>> -> memref<8x32xf32, #tpu.memory_space<vmem>>
      %dma_wait3A_1342 = arith.constant 0 : i32
      %dma_wait3A_1343 = tpu.memref_slice %arg6[%multiple_of3A_645, %dma_wait3A_1342] : memref<1000000x32xf32, #tpu.memory_space<hbm>> -> memref<8x32xf32, #tpu.memory_space<hbm>>
      %dma_wait3A_1344 = arith.constant 176 : i32
      %dma_wait3A_1345 = arith.constant 0 : i32
      %dma_wait3A_1346 = tpu.memref_slice %arg17[%dma_wait3A_1344, %dma_wait3A_1345] : memref<256x32xf32, #tpu.memory_space<vmem>> -> memref<8x32xf32, #tpu.memory_space<vmem>>
      %dma_wait3A_1347 = arith.constant 0 : i32
      %dma_wait3A_1348 = tpu.memref_slice %arg6[%multiple_of3A_645, %dma_wait3A_1347] : memref<1000000x32xf32, #tpu.memory_space<hbm>> -> memref<8x32xf32, #tpu.memory_space<hbm>>
      tpu.wait_dma2 semaphore(%arg21 : memref<!tpu.dma_semaphore, #tpu.memory_space<semaphore_mem>>) src(%dma_wait3A_1348 : memref<8x32xf32, #tpu.memory_space<hbm>>) dst(%dma_wait3A_1346 : memref<8x32xf32, #tpu.memory_space<vmem>>)
      %dma_wait3A_1349 = arith.constant 184 : i32
      %dma_wait3A_1350 = arith.constant 0 : i32
      %dma_wait3A_1351 = tpu.memref_slice %arg16[%dma_wait3A_1349, %dma_wait3A_1350] : memref<256x32xf32, #tpu.memory_space<vmem>> -> memref<8x32xf32, #tpu.memory_space<vmem>>
      %dma_wait3A_1352 = arith.constant 0 : i32
      %dma_wait3A_1353 = tpu.memref_slice %arg6[%multiple_of3A_658, %dma_wait3A_1352] : memref<1000000x32xf32, #tpu.memory_space<hbm>> -> memref<8x32xf32, #tpu.memory_space<hbm>>
      %dma_wait3A_1354 = arith.constant 184 : i32
      %dma_wait3A_1355 = arith.constant 0 : i32
      %dma_wait3A_1356 = tpu.memref_slice %arg16[%dma_wait3A_1354, %dma_wait3A_1355] : memref<256x32xf32, #tpu.memory_space<vmem>> -> memref<8x32xf32, #tpu.memory_space<vmem>>
      %dma_wait3A_1357 = arith.constant 0 : i32
      %dma_wait3A_1358 = tpu.memref_slice %arg6[%multiple_of3A_658, %dma_wait3A_1357] : memref<1000000x32xf32, #tpu.memory_space<hbm>> -> memref<8x32xf32, #tpu.memory_space<hbm>>
      tpu.wait_dma2 semaphore(%arg21 : memref<!tpu.dma_semaphore, #tpu.memory_space<semaphore_mem>>) src(%dma_wait3A_1358 : memref<8x32xf32, #tpu.memory_space<hbm>>) dst(%dma_wait3A_1356 : memref<8x32xf32, #tpu.memory_space<vmem>>)
      %dma_wait3A_1359 = arith.constant 184 : i32
      %dma_wait3A_1360 = arith.constant 0 : i32
      %dma_wait3A_1361 = tpu.memref_slice %arg17[%dma_wait3A_1359, %dma_wait3A_1360] : memref<256x32xf32, #tpu.memory_space<vmem>> -> memref<8x32xf32, #tpu.memory_space<vmem>>
      %dma_wait3A_1362 = arith.constant 0 : i32
      %dma_wait3A_1363 = tpu.memref_slice %arg6[%multiple_of3A_671, %dma_wait3A_1362] : memref<1000000x32xf32, #tpu.memory_space<hbm>> -> memref<8x32xf32, #tpu.memory_space<hbm>>
      %dma_wait3A_1364 = arith.constant 184 : i32
      %dma_wait3A_1365 = arith.constant 0 : i32
      %dma_wait3A_1366 = tpu.memref_slice %arg17[%dma_wait3A_1364, %dma_wait3A_1365] : memref<256x32xf32, #tpu.memory_space<vmem>> -> memref<8x32xf32, #tpu.memory_space<vmem>>
      %dma_wait3A_1367 = arith.constant 0 : i32
      %dma_wait3A_1368 = tpu.memref_slice %arg6[%multiple_of3A_671, %dma_wait3A_1367] : memref<1000000x32xf32, #tpu.memory_space<hbm>> -> memref<8x32xf32, #tpu.memory_space<hbm>>
      tpu.wait_dma2 semaphore(%arg21 : memref<!tpu.dma_semaphore, #tpu.memory_space<semaphore_mem>>) src(%dma_wait3A_1368 : memref<8x32xf32, #tpu.memory_space<hbm>>) dst(%dma_wait3A_1366 : memref<8x32xf32, #tpu.memory_space<vmem>>)
      %dma_wait3A_1369 = arith.constant 192 : i32
      %dma_wait3A_1370 = arith.constant 0 : i32
      %dma_wait3A_1371 = tpu.memref_slice %arg16[%dma_wait3A_1369, %dma_wait3A_1370] : memref<256x32xf32, #tpu.memory_space<vmem>> -> memref<8x32xf32, #tpu.memory_space<vmem>>
      %dma_wait3A_1372 = arith.constant 0 : i32
      %dma_wait3A_1373 = tpu.memref_slice %arg6[%multiple_of3A_684, %dma_wait3A_1372] : memref<1000000x32xf32, #tpu.memory_space<hbm>> -> memref<8x32xf32, #tpu.memory_space<hbm>>
      %dma_wait3A_1374 = arith.constant 192 : i32
      %dma_wait3A_1375 = arith.constant 0 : i32
      %dma_wait3A_1376 = tpu.memref_slice %arg16[%dma_wait3A_1374, %dma_wait3A_1375] : memref<256x32xf32, #tpu.memory_space<vmem>> -> memref<8x32xf32, #tpu.memory_space<vmem>>
      %dma_wait3A_1377 = arith.constant 0 : i32
      %dma_wait3A_1378 = tpu.memref_slice %arg6[%multiple_of3A_684, %dma_wait3A_1377] : memref<1000000x32xf32, #tpu.memory_space<hbm>> -> memref<8x32xf32, #tpu.memory_space<hbm>>
      tpu.wait_dma2 semaphore(%arg21 : memref<!tpu.dma_semaphore, #tpu.memory_space<semaphore_mem>>) src(%dma_wait3A_1378 : memref<8x32xf32, #tpu.memory_space<hbm>>) dst(%dma_wait3A_1376 : memref<8x32xf32, #tpu.memory_space<vmem>>)
      %dma_wait3A_1379 = arith.constant 192 : i32
      %dma_wait3A_1380 = arith.constant 0 : i32
      %dma_wait3A_1381 = tpu.memref_slice %arg17[%dma_wait3A_1379, %dma_wait3A_1380] : memref<256x32xf32, #tpu.memory_space<vmem>> -> memref<8x32xf32, #tpu.memory_space<vmem>>
      %dma_wait3A_1382 = arith.constant 0 : i32
      %dma_wait3A_1383 = tpu.memref_slice %arg6[%multiple_of3A_697, %dma_wait3A_1382] : memref<1000000x32xf32, #tpu.memory_space<hbm>> -> memref<8x32xf32, #tpu.memory_space<hbm>>
      %dma_wait3A_1384 = arith.constant 192 : i32
      %dma_wait3A_1385 = arith.constant 0 : i32
      %dma_wait3A_1386 = tpu.memref_slice %arg17[%dma_wait3A_1384, %dma_wait3A_1385] : memref<256x32xf32, #tpu.memory_space<vmem>> -> memref<8x32xf32, #tpu.memory_space<vmem>>
      %dma_wait3A_1387 = arith.constant 0 : i32
      %dma_wait3A_1388 = tpu.memref_slice %arg6[%multiple_of3A_697, %dma_wait3A_1387] : memref<1000000x32xf32, #tpu.memory_space<hbm>> -> memref<8x32xf32, #tpu.memory_space<hbm>>
      tpu.wait_dma2 semaphore(%arg21 : memref<!tpu.dma_semaphore, #tpu.memory_space<semaphore_mem>>) src(%dma_wait3A_1388 : memref<8x32xf32, #tpu.memory_space<hbm>>) dst(%dma_wait3A_1386 : memref<8x32xf32, #tpu.memory_space<vmem>>)
      %dma_wait3A_1389 = arith.constant 200 : i32
      %dma_wait3A_1390 = arith.constant 0 : i32
      %dma_wait3A_1391 = tpu.memref_slice %arg16[%dma_wait3A_1389, %dma_wait3A_1390] : memref<256x32xf32, #tpu.memory_space<vmem>> -> memref<8x32xf32, #tpu.memory_space<vmem>>
      %dma_wait3A_1392 = arith.constant 0 : i32
      %dma_wait3A_1393 = tpu.memref_slice %arg6[%multiple_of3A_710, %dma_wait3A_1392] : memref<1000000x32xf32, #tpu.memory_space<hbm>> -> memref<8x32xf32, #tpu.memory_space<hbm>>
      %dma_wait3A_1394 = arith.constant 200 : i32
      %dma_wait3A_1395 = arith.constant 0 : i32
      %dma_wait3A_1396 = tpu.memref_slice %arg16[%dma_wait3A_1394, %dma_wait3A_1395] : memref<256x32xf32, #tpu.memory_space<vmem>> -> memref<8x32xf32, #tpu.memory_space<vmem>>
      %dma_wait3A_1397 = arith.constant 0 : i32
      %dma_wait3A_1398 = tpu.memref_slice %arg6[%multiple_of3A_710, %dma_wait3A_1397] : memref<1000000x32xf32, #tpu.memory_space<hbm>> -> memref<8x32xf32, #tpu.memory_space<hbm>>
      tpu.wait_dma2 semaphore(%arg21 : memref<!tpu.dma_semaphore, #tpu.memory_space<semaphore_mem>>) src(%dma_wait3A_1398 : memref<8x32xf32, #tpu.memory_space<hbm>>) dst(%dma_wait3A_1396 : memref<8x32xf32, #tpu.memory_space<vmem>>)
      %dma_wait3A_1399 = arith.constant 200 : i32
      %dma_wait3A_1400 = arith.constant 0 : i32
      %dma_wait3A_1401 = tpu.memref_slice %arg17[%dma_wait3A_1399, %dma_wait3A_1400] : memref<256x32xf32, #tpu.memory_space<vmem>> -> memref<8x32xf32, #tpu.memory_space<vmem>>
      %dma_wait3A_1402 = arith.constant 0 : i32
      %dma_wait3A_1403 = tpu.memref_slice %arg6[%multiple_of3A_723, %dma_wait3A_1402] : memref<1000000x32xf32, #tpu.memory_space<hbm>> -> memref<8x32xf32, #tpu.memory_space<hbm>>
      %dma_wait3A_1404 = arith.constant 200 : i32
      %dma_wait3A_1405 = arith.constant 0 : i32
      %dma_wait3A_1406 = tpu.memref_slice %arg17[%dma_wait3A_1404, %dma_wait3A_1405] : memref<256x32xf32, #tpu.memory_space<vmem>> -> memref<8x32xf32, #tpu.memory_space<vmem>>
      %dma_wait3A_1407 = arith.constant 0 : i32
      %dma_wait3A_1408 = tpu.memref_slice %arg6[%multiple_of3A_723, %dma_wait3A_1407] : memref<1000000x32xf32, #tpu.memory_space<hbm>> -> memref<8x32xf32, #tpu.memory_space<hbm>>
      tpu.wait_dma2 semaphore(%arg21 : memref<!tpu.dma_semaphore, #tpu.memory_space<semaphore_mem>>) src(%dma_wait3A_1408 : memref<8x32xf32, #tpu.memory_space<hbm>>) dst(%dma_wait3A_1406 : memref<8x32xf32, #tpu.memory_space<vmem>>)
      %dma_wait3A_1409 = arith.constant 208 : i32
      %dma_wait3A_1410 = arith.constant 0 : i32
      %dma_wait3A_1411 = tpu.memref_slice %arg16[%dma_wait3A_1409, %dma_wait3A_1410] : memref<256x32xf32, #tpu.memory_space<vmem>> -> memref<8x32xf32, #tpu.memory_space<vmem>>
      %dma_wait3A_1412 = arith.constant 0 : i32
      %dma_wait3A_1413 = tpu.memref_slice %arg6[%multiple_of3A_736, %dma_wait3A_1412] : memref<1000000x32xf32, #tpu.memory_space<hbm>> -> memref<8x32xf32, #tpu.memory_space<hbm>>
      %dma_wait3A_1414 = arith.constant 208 : i32
      %dma_wait3A_1415 = arith.constant 0 : i32
      %dma_wait3A_1416 = tpu.memref_slice %arg16[%dma_wait3A_1414, %dma_wait3A_1415] : memref<256x32xf32, #tpu.memory_space<vmem>> -> memref<8x32xf32, #tpu.memory_space<vmem>>
      %dma_wait3A_1417 = arith.constant 0 : i32
      %dma_wait3A_1418 = tpu.memref_slice %arg6[%multiple_of3A_736, %dma_wait3A_1417] : memref<1000000x32xf32, #tpu.memory_space<hbm>> -> memref<8x32xf32, #tpu.memory_space<hbm>>
      tpu.wait_dma2 semaphore(%arg21 : memref<!tpu.dma_semaphore, #tpu.memory_space<semaphore_mem>>) src(%dma_wait3A_1418 : memref<8x32xf32, #tpu.memory_space<hbm>>) dst(%dma_wait3A_1416 : memref<8x32xf32, #tpu.memory_space<vmem>>)
      %dma_wait3A_1419 = arith.constant 208 : i32
      %dma_wait3A_1420 = arith.constant 0 : i32
      %dma_wait3A_1421 = tpu.memref_slice %arg17[%dma_wait3A_1419, %dma_wait3A_1420] : memref<256x32xf32, #tpu.memory_space<vmem>> -> memref<8x32xf32, #tpu.memory_space<vmem>>
      %dma_wait3A_1422 = arith.constant 0 : i32
      %dma_wait3A_1423 = tpu.memref_slice %arg6[%multiple_of3A_749, %dma_wait3A_1422] : memref<1000000x32xf32, #tpu.memory_space<hbm>> -> memref<8x32xf32, #tpu.memory_space<hbm>>
      %dma_wait3A_1424 = arith.constant 208 : i32
      %dma_wait3A_1425 = arith.constant 0 : i32
      %dma_wait3A_1426 = tpu.memref_slice %arg17[%dma_wait3A_1424, %dma_wait3A_1425] : memref<256x32xf32, #tpu.memory_space<vmem>> -> memref<8x32xf32, #tpu.memory_space<vmem>>
      %dma_wait3A_1427 = arith.constant 0 : i32
      %dma_wait3A_1428 = tpu.memref_slice %arg6[%multiple_of3A_749, %dma_wait3A_1427] : memref<1000000x32xf32, #tpu.memory_space<hbm>> -> memref<8x32xf32, #tpu.memory_space<hbm>>
      tpu.wait_dma2 semaphore(%arg21 : memref<!tpu.dma_semaphore, #tpu.memory_space<semaphore_mem>>) src(%dma_wait3A_1428 : memref<8x32xf32, #tpu.memory_space<hbm>>) dst(%dma_wait3A_1426 : memref<8x32xf32, #tpu.memory_space<vmem>>)
      %dma_wait3A_1429 = arith.constant 216 : i32
      %dma_wait3A_1430 = arith.constant 0 : i32
      %dma_wait3A_1431 = tpu.memref_slice %arg16[%dma_wait3A_1429, %dma_wait3A_1430] : memref<256x32xf32, #tpu.memory_space<vmem>> -> memref<8x32xf32, #tpu.memory_space<vmem>>
      %dma_wait3A_1432 = arith.constant 0 : i32
      %dma_wait3A_1433 = tpu.memref_slice %arg6[%multiple_of3A_762, %dma_wait3A_1432] : memref<1000000x32xf32, #tpu.memory_space<hbm>> -> memref<8x32xf32, #tpu.memory_space<hbm>>
      %dma_wait3A_1434 = arith.constant 216 : i32
      %dma_wait3A_1435 = arith.constant 0 : i32
      %dma_wait3A_1436 = tpu.memref_slice %arg16[%dma_wait3A_1434, %dma_wait3A_1435] : memref<256x32xf32, #tpu.memory_space<vmem>> -> memref<8x32xf32, #tpu.memory_space<vmem>>
      %dma_wait3A_1437 = arith.constant 0 : i32
      %dma_wait3A_1438 = tpu.memref_slice %arg6[%multiple_of3A_762, %dma_wait3A_1437] : memref<1000000x32xf32, #tpu.memory_space<hbm>> -> memref<8x32xf32, #tpu.memory_space<hbm>>
      tpu.wait_dma2 semaphore(%arg21 : memref<!tpu.dma_semaphore, #tpu.memory_space<semaphore_mem>>) src(%dma_wait3A_1438 : memref<8x32xf32, #tpu.memory_space<hbm>>) dst(%dma_wait3A_1436 : memref<8x32xf32, #tpu.memory_space<vmem>>)
      %dma_wait3A_1439 = arith.constant 216 : i32
      %dma_wait3A_1440 = arith.constant 0 : i32
      %dma_wait3A_1441 = tpu.memref_slice %arg17[%dma_wait3A_1439, %dma_wait3A_1440] : memref<256x32xf32, #tpu.memory_space<vmem>> -> memref<8x32xf32, #tpu.memory_space<vmem>>
      %dma_wait3A_1442 = arith.constant 0 : i32
      %dma_wait3A_1443 = tpu.memref_slice %arg6[%multiple_of3A_775, %dma_wait3A_1442] : memref<1000000x32xf32, #tpu.memory_space<hbm>> -> memref<8x32xf32, #tpu.memory_space<hbm>>
      %dma_wait3A_1444 = arith.constant 216 : i32
      %dma_wait3A_1445 = arith.constant 0 : i32
      %dma_wait3A_1446 = tpu.memref_slice %arg17[%dma_wait3A_1444, %dma_wait3A_1445] : memref<256x32xf32, #tpu.memory_space<vmem>> -> memref<8x32xf32, #tpu.memory_space<vmem>>
      %dma_wait3A_1447 = arith.constant 0 : i32
      %dma_wait3A_1448 = tpu.memref_slice %arg6[%multiple_of3A_775, %dma_wait3A_1447] : memref<1000000x32xf32, #tpu.memory_space<hbm>> -> memref<8x32xf32, #tpu.memory_space<hbm>>
      tpu.wait_dma2 semaphore(%arg21 : memref<!tpu.dma_semaphore, #tpu.memory_space<semaphore_mem>>) src(%dma_wait3A_1448 : memref<8x32xf32, #tpu.memory_space<hbm>>) dst(%dma_wait3A_1446 : memref<8x32xf32, #tpu.memory_space<vmem>>)
      %dma_wait3A_1449 = arith.constant 224 : i32
      %dma_wait3A_1450 = arith.constant 0 : i32
      %dma_wait3A_1451 = tpu.memref_slice %arg16[%dma_wait3A_1449, %dma_wait3A_1450] : memref<256x32xf32, #tpu.memory_space<vmem>> -> memref<8x32xf32, #tpu.memory_space<vmem>>
      %dma_wait3A_1452 = arith.constant 0 : i32
      %dma_wait3A_1453 = tpu.memref_slice %arg6[%multiple_of3A_788, %dma_wait3A_1452] : memref<1000000x32xf32, #tpu.memory_space<hbm>> -> memref<8x32xf32, #tpu.memory_space<hbm>>
      %dma_wait3A_1454 = arith.constant 224 : i32
      %dma_wait3A_1455 = arith.constant 0 : i32
      %dma_wait3A_1456 = tpu.memref_slice %arg16[%dma_wait3A_1454, %dma_wait3A_1455] : memref<256x32xf32, #tpu.memory_space<vmem>> -> memref<8x32xf32, #tpu.memory_space<vmem>>
      %dma_wait3A_1457 = arith.constant 0 : i32
      %dma_wait3A_1458 = tpu.memref_slice %arg6[%multiple_of3A_788, %dma_wait3A_1457] : memref<1000000x32xf32, #tpu.memory_space<hbm>> -> memref<8x32xf32, #tpu.memory_space<hbm>>
      tpu.wait_dma2 semaphore(%arg21 : memref<!tpu.dma_semaphore, #tpu.memory_space<semaphore_mem>>) src(%dma_wait3A_1458 : memref<8x32xf32, #tpu.memory_space<hbm>>) dst(%dma_wait3A_1456 : memref<8x32xf32, #tpu.memory_space<vmem>>)
      %dma_wait3A_1459 = arith.constant 224 : i32
      %dma_wait3A_1460 = arith.constant 0 : i32
      %dma_wait3A_1461 = tpu.memref_slice %arg17[%dma_wait3A_1459, %dma_wait3A_1460] : memref<256x32xf32, #tpu.memory_space<vmem>> -> memref<8x32xf32, #tpu.memory_space<vmem>>
      %dma_wait3A_1462 = arith.constant 0 : i32
      %dma_wait3A_1463 = tpu.memref_slice %arg6[%multiple_of3A_801, %dma_wait3A_1462] : memref<1000000x32xf32, #tpu.memory_space<hbm>> -> memref<8x32xf32, #tpu.memory_space<hbm>>
      %dma_wait3A_1464 = arith.constant 224 : i32
      %dma_wait3A_1465 = arith.constant 0 : i32
      %dma_wait3A_1466 = tpu.memref_slice %arg17[%dma_wait3A_1464, %dma_wait3A_1465] : memref<256x32xf32, #tpu.memory_space<vmem>> -> memref<8x32xf32, #tpu.memory_space<vmem>>
      %dma_wait3A_1467 = arith.constant 0 : i32
      %dma_wait3A_1468 = tpu.memref_slice %arg6[%multiple_of3A_801, %dma_wait3A_1467] : memref<1000000x32xf32, #tpu.memory_space<hbm>> -> memref<8x32xf32, #tpu.memory_space<hbm>>
      tpu.wait_dma2 semaphore(%arg21 : memref<!tpu.dma_semaphore, #tpu.memory_space<semaphore_mem>>) src(%dma_wait3A_1468 : memref<8x32xf32, #tpu.memory_space<hbm>>) dst(%dma_wait3A_1466 : memref<8x32xf32, #tpu.memory_space<vmem>>)
      %dma_wait3A_1469 = arith.constant 232 : i32
      %dma_wait3A_1470 = arith.constant 0 : i32
      %dma_wait3A_1471 = tpu.memref_slice %arg16[%dma_wait3A_1469, %dma_wait3A_1470] : memref<256x32xf32, #tpu.memory_space<vmem>> -> memref<8x32xf32, #tpu.memory_space<vmem>>
      %dma_wait3A_1472 = arith.constant 0 : i32
      %dma_wait3A_1473 = tpu.memref_slice %arg6[%multiple_of3A_814, %dma_wait3A_1472] : memref<1000000x32xf32, #tpu.memory_space<hbm>> -> memref<8x32xf32, #tpu.memory_space<hbm>>
      %dma_wait3A_1474 = arith.constant 232 : i32
      %dma_wait3A_1475 = arith.constant 0 : i32
      %dma_wait3A_1476 = tpu.memref_slice %arg16[%dma_wait3A_1474, %dma_wait3A_1475] : memref<256x32xf32, #tpu.memory_space<vmem>> -> memref<8x32xf32, #tpu.memory_space<vmem>>
      %dma_wait3A_1477 = arith.constant 0 : i32
      %dma_wait3A_1478 = tpu.memref_slice %arg6[%multiple_of3A_814, %dma_wait3A_1477] : memref<1000000x32xf32, #tpu.memory_space<hbm>> -> memref<8x32xf32, #tpu.memory_space<hbm>>
      tpu.wait_dma2 semaphore(%arg21 : memref<!tpu.dma_semaphore, #tpu.memory_space<semaphore_mem>>) src(%dma_wait3A_1478 : memref<8x32xf32, #tpu.memory_space<hbm>>) dst(%dma_wait3A_1476 : memref<8x32xf32, #tpu.memory_space<vmem>>)
      %dma_wait3A_1479 = arith.constant 232 : i32
      %dma_wait3A_1480 = arith.constant 0 : i32
      %dma_wait3A_1481 = tpu.memref_slice %arg17[%dma_wait3A_1479, %dma_wait3A_1480] : memref<256x32xf32, #tpu.memory_space<vmem>> -> memref<8x32xf32, #tpu.memory_space<vmem>>
      %dma_wait3A_1482 = arith.constant 0 : i32
      %dma_wait3A_1483 = tpu.memref_slice %arg6[%multiple_of3A_827, %dma_wait3A_1482] : memref<1000000x32xf32, #tpu.memory_space<hbm>> -> memref<8x32xf32, #tpu.memory_space<hbm>>
      %dma_wait3A_1484 = arith.constant 232 : i32
      %dma_wait3A_1485 = arith.constant 0 : i32
      %dma_wait3A_1486 = tpu.memref_slice %arg17[%dma_wait3A_1484, %dma_wait3A_1485] : memref<256x32xf32, #tpu.memory_space<vmem>> -> memref<8x32xf32, #tpu.memory_space<vmem>>
      %dma_wait3A_1487 = arith.constant 0 : i32
      %dma_wait3A_1488 = tpu.memref_slice %arg6[%multiple_of3A_827, %dma_wait3A_1487] : memref<1000000x32xf32, #tpu.memory_space<hbm>> -> memref<8x32xf32, #tpu.memory_space<hbm>>
      tpu.wait_dma2 semaphore(%arg21 : memref<!tpu.dma_semaphore, #tpu.memory_space<semaphore_mem>>) src(%dma_wait3A_1488 : memref<8x32xf32, #tpu.memory_space<hbm>>) dst(%dma_wait3A_1486 : memref<8x32xf32, #tpu.memory_space<vmem>>)
      %dma_wait3A_1489 = arith.constant 240 : i32
      %dma_wait3A_1490 = arith.constant 0 : i32
      %dma_wait3A_1491 = tpu.memref_slice %arg16[%dma_wait3A_1489, %dma_wait3A_1490] : memref<256x32xf32, #tpu.memory_space<vmem>> -> memref<8x32xf32, #tpu.memory_space<vmem>>
      %dma_wait3A_1492 = arith.constant 0 : i32
      %dma_wait3A_1493 = tpu.memref_slice %arg6[%multiple_of3A_840, %dma_wait3A_1492] : memref<1000000x32xf32, #tpu.memory_space<hbm>> -> memref<8x32xf32, #tpu.memory_space<hbm>>
      %dma_wait3A_1494 = arith.constant 240 : i32
      %dma_wait3A_1495 = arith.constant 0 : i32
      %dma_wait3A_1496 = tpu.memref_slice %arg16[%dma_wait3A_1494, %dma_wait3A_1495] : memref<256x32xf32, #tpu.memory_space<vmem>> -> memref<8x32xf32, #tpu.memory_space<vmem>>
      %dma_wait3A_1497 = arith.constant 0 : i32
      %dma_wait3A_1498 = tpu.memref_slice %arg6[%multiple_of3A_840, %dma_wait3A_1497] : memref<1000000x32xf32, #tpu.memory_space<hbm>> -> memref<8x32xf32, #tpu.memory_space<hbm>>
      tpu.wait_dma2 semaphore(%arg21 : memref<!tpu.dma_semaphore, #tpu.memory_space<semaphore_mem>>) src(%dma_wait3A_1498 : memref<8x32xf32, #tpu.memory_space<hbm>>) dst(%dma_wait3A_1496 : memref<8x32xf32, #tpu.memory_space<vmem>>)
      %dma_wait3A_1499 = arith.constant 240 : i32
      %dma_wait3A_1500 = arith.constant 0 : i32
      %dma_wait3A_1501 = tpu.memref_slice %arg17[%dma_wait3A_1499, %dma_wait3A_1500] : memref<256x32xf32, #tpu.memory_space<vmem>> -> memref<8x32xf32, #tpu.memory_space<vmem>>
      %dma_wait3A_1502 = arith.constant 0 : i32
      %dma_wait3A_1503 = tpu.memref_slice %arg6[%multiple_of3A_853, %dma_wait3A_1502] : memref<1000000x32xf32, #tpu.memory_space<hbm>> -> memref<8x32xf32, #tpu.memory_space<hbm>>
      %dma_wait3A_1504 = arith.constant 240 : i32
      %dma_wait3A_1505 = arith.constant 0 : i32
      %dma_wait3A_1506 = tpu.memref_slice %arg17[%dma_wait3A_1504, %dma_wait3A_1505] : memref<256x32xf32, #tpu.memory_space<vmem>> -> memref<8x32xf32, #tpu.memory_space<vmem>>
      %dma_wait3A_1507 = arith.constant 0 : i32
      %dma_wait3A_1508 = tpu.memref_slice %arg6[%multiple_of3A_853, %dma_wait3A_1507] : memref<1000000x32xf32, #tpu.memory_space<hbm>> -> memref<8x32xf32, #tpu.memory_space<hbm>>
      tpu.wait_dma2 semaphore(%arg21 : memref<!tpu.dma_semaphore, #tpu.memory_space<semaphore_mem>>) src(%dma_wait3A_1508 : memref<8x32xf32, #tpu.memory_space<hbm>>) dst(%dma_wait3A_1506 : memref<8x32xf32, #tpu.memory_space<vmem>>)
      %dma_wait3A_1509 = arith.constant 248 : i32
      %dma_wait3A_1510 = arith.constant 0 : i32
      %dma_wait3A_1511 = tpu.memref_slice %arg16[%dma_wait3A_1509, %dma_wait3A_1510] : memref<256x32xf32, #tpu.memory_space<vmem>> -> memref<8x32xf32, #tpu.memory_space<vmem>>
      %dma_wait3A_1512 = arith.constant 0 : i32
      %dma_wait3A_1513 = tpu.memref_slice %arg6[%multiple_of3A_866, %dma_wait3A_1512] : memref<1000000x32xf32, #tpu.memory_space<hbm>> -> memref<8x32xf32, #tpu.memory_space<hbm>>
      %dma_wait3A_1514 = arith.constant 248 : i32
      %dma_wait3A_1515 = arith.constant 0 : i32
      %dma_wait3A_1516 = tpu.memref_slice %arg16[%dma_wait3A_1514, %dma_wait3A_1515] : memref<256x32xf32, #tpu.memory_space<vmem>> -> memref<8x32xf32, #tpu.memory_space<vmem>>
      %dma_wait3A_1517 = arith.constant 0 : i32
      %dma_wait3A_1518 = tpu.memref_slice %arg6[%multiple_of3A_866, %dma_wait3A_1517] : memref<1000000x32xf32, #tpu.memory_space<hbm>> -> memref<8x32xf32, #tpu.memory_space<hbm>>
      tpu.wait_dma2 semaphore(%arg21 : memref<!tpu.dma_semaphore, #tpu.memory_space<semaphore_mem>>) src(%dma_wait3A_1518 : memref<8x32xf32, #tpu.memory_space<hbm>>) dst(%dma_wait3A_1516 : memref<8x32xf32, #tpu.memory_space<vmem>>)
      %dma_wait3A_1519 = arith.constant 248 : i32
      %dma_wait3A_1520 = arith.constant 0 : i32
      %dma_wait3A_1521 = tpu.memref_slice %arg17[%dma_wait3A_1519, %dma_wait3A_1520] : memref<256x32xf32, #tpu.memory_space<vmem>> -> memref<8x32xf32, #tpu.memory_space<vmem>>
      %dma_wait3A_1522 = arith.constant 0 : i32
      %dma_wait3A_1523 = tpu.memref_slice %arg6[%multiple_of3A_879, %dma_wait3A_1522] : memref<1000000x32xf32, #tpu.memory_space<hbm>> -> memref<8x32xf32, #tpu.memory_space<hbm>>
      %dma_wait3A_1524 = arith.constant 248 : i32
      %dma_wait3A_1525 = arith.constant 0 : i32
      %dma_wait3A_1526 = tpu.memref_slice %arg17[%dma_wait3A_1524, %dma_wait3A_1525] : memref<256x32xf32, #tpu.memory_space<vmem>> -> memref<8x32xf32, #tpu.memory_space<vmem>>
      %dma_wait3A_1527 = arith.constant 0 : i32
      %dma_wait3A_1528 = tpu.memref_slice %arg6[%multiple_of3A_879, %dma_wait3A_1527] : memref<1000000x32xf32, #tpu.memory_space<hbm>> -> memref<8x32xf32, #tpu.memory_space<hbm>>
      tpu.wait_dma2 semaphore(%arg21 : memref<!tpu.dma_semaphore, #tpu.memory_space<semaphore_mem>>) src(%dma_wait3A_1528 : memref<8x32xf32, #tpu.memory_space<hbm>>) dst(%dma_wait3A_1526 : memref<8x32xf32, #tpu.memory_space<vmem>>)
      %dma_wait3A_1529 = arith.constant 0 : i32
      %dma_wait3A_1530 = arith.constant 0 : i32
      %dma_wait3A_1531 = tpu.memref_slice %arg7[%dma_wait3A_1529, %dma_wait3A_1530] : memref<250x128xf32, #tpu.memory_space<hbm>> -> memref<250x128xf32, #tpu.memory_space<hbm>>
      tpu.wait_indirect_dma semaphore(%arg21 : memref<!tpu.dma_semaphore, #tpu.memory_space<semaphore_mem>>) src(%dma_wait3A_1531 : memref<250x128xf32, #tpu.memory_space<hbm>>) dst(%arg18 : memref<32x128xf32, #tpu.memory_space<vmem>>)
      %dma_wait3A_1532 = arith.constant 0 : i32
      %dma_wait3A_1533 = arith.constant 0 : i32
      %dma_wait3A_1534 = tpu.memref_slice %arg8[%dma_wait3A_1532, %dma_wait3A_1533] : memref<92x128xf32, #tpu.memory_space<hbm>> -> memref<92x128xf32, #tpu.memory_space<hbm>>
      tpu.wait_indirect_dma semaphore(%arg21 : memref<!tpu.dma_semaphore, #tpu.memory_space<semaphore_mem>>) src(%dma_wait3A_1534 : memref<92x128xf32, #tpu.memory_space<hbm>>) dst(%arg19 : memref<32x128xf32, #tpu.memory_space<vmem>>)
      %scan3A_1535 = arith.constant 0 : i32
      %scan3A_1536 = arith.constant 0 : i32
      %scan3A_1537 = arith.constant 2 : i32
      %scan3A_1538 = arith.addi %scan3A_1536, %scan3A_1537 : i32
      %scan3A_1539 = arith.constant 1 : i32
      scf.for %scan3A_1541 = %scan3A_1536 to %scan3A_1538 step %scan3A_1539  : i32 {
        %mul3A_1542 = arith.constant 16 : i32
        %mul3A_1543 = arith.muli %scan3A_1541, %mul3A_1542 : i32
        %add3A_1544 = arith.addi %mul3A_12, %mul3A_1543 : i32
        %get3A_1545 = arith.index_cast %add3A_1544 : i32 to index
        %get3A_1546 = tpu.vector_load %arg10[%get3A_1545] {strides = array<i32>} : memref<512xi32, #tpu.memory_space<vmem>>, vector<16xi32>,
        %and3A = arith.constant 7 : i32
        %and3A_1547 = vector.broadcast %and3A : i32 to vector<16xi32>
        %and3A_1548 = arith.andi %get3A_1546, %and3A_1547 : vector<16xi32>
        %get3A_1549 = arith.index_cast %add3A_1544 : i32 to index
        %get3A_1550 = tpu.vector_load %arg12[%get3A_1549] {strides = array<i32>} : memref<512xi32, #tpu.memory_space<vmem>>, vector<16xi32>,
        %and3A_1551 = arith.constant 7 : i32
        %and3A_1552 = vector.broadcast %and3A_1551 : i32 to vector<16xi32>
        %and3A_1553 = arith.andi %get3A_1550, %and3A_1552 : vector<16xi32>
        %get3A_1554 = arith.index_cast %add3A_1544 : i32 to index
        %get3A_1555 = tpu.vector_load %arg11[%get3A_1554] {strides = array<i32>} : memref<512xi32, #tpu.memory_space<vmem>>, vector<16xi32>,
        %and3A_1556 = arith.constant 3 : i32
        %and3A_1557 = vector.broadcast %and3A_1556 : i32 to vector<16xi32>
        %and3A_1558 = arith.andi %get3A_1555, %and3A_1557 : vector<16xi32>
        %shift_left3A_1559 = arith.constant 5 : i32
        %shift_left3A_1560 = vector.broadcast %shift_left3A_1559 : i32 to vector<16xi32>
        %shift_left3A_1561 = arith.shli %and3A_1558, %shift_left3A_1560 : vector<16xi32>
        %get3A_1562 = arith.index_cast %add3A_1544 : i32 to index
        %get3A_1563 = tpu.vector_load %arg13[%get3A_1562] {strides = array<i32>} : memref<512xi32, #tpu.memory_space<vmem>>, vector<16xi32>,
        %and3A_1564 = arith.constant 3 : i32
        %and3A_1565 = vector.broadcast %and3A_1564 : i32 to vector<16xi32>
        %and3A_1566 = arith.andi %get3A_1563, %and3A_1565 : vector<16xi32>
        %shift_left3A_1567 = arith.constant 5 : i32
        %shift_left3A_1568 = vector.broadcast %shift_left3A_1567 : i32 to vector<16xi32>
        %shift_left3A_1569 = arith.shli %and3A_1566, %shift_left3A_1568 : vector<16xi32>
        %mul3A_1570 = arith.constant 16 : i32
        %mul3A_1571 = arith.muli %scan3A_1541, %mul3A_1570 : i32
        %add3A_1572 = arith.constant 0 : i32
        %add3A_1573 = arith.addi %mul3A_1571, %add3A_1572 : i32
        %mul3A_1574 = arith.constant 8 : i32
        %mul3A_1575 = arith.muli %add3A_1573, %mul3A_1574 : i32
        %slice3A_1576 = vector.extract_strided_slice %and3A_1548 {offsets = [0], sizes = [1], strides = [1]} : vector<16xi32> to vector<1xi32>
        %squeeze3A_1577 = vector.extract %slice3A_1576[0] : i32 from vector<1xi32>
        %add3A_1578 = arith.addi %mul3A_1575, %squeeze3A_1577 : i32
        %mul3A_1579 = arith.constant 8 : i32
        %mul3A_1580 = arith.muli %add3A_1573, %mul3A_1579 : i32
        %slice3A_1581 = vector.extract_strided_slice %and3A_1553 {offsets = [0], sizes = [1], strides = [1]} : vector<16xi32> to vector<1xi32>
        %squeeze3A_1582 = vector.extract %slice3A_1581[0] : i32 from vector<1xi32>
        %add3A_1583 = arith.addi %mul3A_1580, %squeeze3A_1582 : i32
        %slice3A_1584 = vector.extract_strided_slice %shift_left3A_1561 {offsets = [0], sizes = [1], strides = [1]} : vector<16xi32> to vector<1xi32>
        %squeeze3A_1585 = vector.extract %slice3A_1584[0] : i32 from vector<1xi32>
        %slice3A_1586 = vector.extract_strided_slice %shift_left3A_1569 {offsets = [0], sizes = [1], strides = [1]} : vector<16xi32> to vector<1xi32>
        %squeeze3A_1587 = vector.extract %slice3A_1586[0] : i32 from vector<1xi32>
        %get3A_1588 = arith.index_cast %add3A_1578 : i32 to index
        %get3A_1589 = arith.constant 0 : index
        %get3A_1590 = tpu.vector_load %arg16[%get3A_1588, %get3A_1589] {strides = array<i32>} : memref<256x32xf32, #tpu.memory_space<vmem>>, vector<16xf32>,
        %get3A_1591 = arith.index_cast %add3A_1578 : i32 to index
        %get3A_1592 = arith.constant 16 : index
        %get3A_1593 = tpu.vector_load %arg16[%get3A_1591, %get3A_1592] {strides = array<i32>} : memref<256x32xf32, #tpu.memory_space<vmem>>, vector<16xf32>,
        %get3A_1594 = arith.index_cast %add3A_1583 : i32 to index
        %get3A_1595 = arith.constant 0 : index
        %get3A_1596 = tpu.vector_load %arg17[%get3A_1594, %get3A_1595] {strides = array<i32>} : memref<256x32xf32, #tpu.memory_space<vmem>>, vector<16xf32>,
        %get3A_1597 = arith.index_cast %add3A_1583 : i32 to index
        %get3A_1598 = arith.constant 16 : index
        %get3A_1599 = tpu.vector_load %arg17[%get3A_1597, %get3A_1598] {strides = array<i32>} : memref<256x32xf32, #tpu.memory_space<vmem>>, vector<16xf32>,
        %get3A_1600 = arith.index_cast %add3A_1573 : i32 to index
        %get3A_1601 = arith.index_cast %squeeze3A_1585 : i32 to index
        %get3A_1602 = tpu.vector_load %arg18[%get3A_1600, %get3A_1601] {strides = array<i32>} : memref<32x128xf32, #tpu.memory_space<vmem>>, vector<16xf32>,
        %add3A_1603 = arith.constant 16 : i32
        %add3A_1604 = arith.addi %squeeze3A_1585, %add3A_1603 : i32
        %get3A_1605 = arith.index_cast %add3A_1573 : i32 to index
        %get3A_1606 = arith.index_cast %add3A_1604 : i32 to index
        %get3A_1607 = tpu.vector_load %arg18[%get3A_1605, %get3A_1606] {strides = array<i32>} : memref<32x128xf32, #tpu.memory_space<vmem>>, vector<16xf32>,
        %get3A_1608 = arith.index_cast %add3A_1573 : i32 to index
        %get3A_1609 = arith.index_cast %squeeze3A_1587 : i32 to index
        %get3A_1610 = tpu.vector_load %arg19[%get3A_1608, %get3A_1609] {strides = array<i32>} : memref<32x128xf32, #tpu.memory_space<vmem>>, vector<16xf32>,
        %add3A_1611 = arith.constant 16 : i32
        %add3A_1612 = arith.addi %squeeze3A_1587, %add3A_1611 : i32
        %get3A_1613 = arith.index_cast %add3A_1573 : i32 to index
        %get3A_1614 = arith.index_cast %add3A_1612 : i32 to index
        %get3A_1615 = tpu.vector_load %arg19[%get3A_1613, %get3A_1614] {strides = array<i32>} : memref<32x128xf32, #tpu.memory_space<vmem>>, vector<16xf32>,
        %add3A_1616 = arith.addf %get3A_1590, %get3A_1602 : vector<16xf32>
        %add3A_1617 = arith.addf %add3A_1616, %get3A_1610 : vector<16xf32>
        %sub3A = arith.subf %add3A_1617, %get3A_1596 : vector<16xf32>
        %abs3A = math.absf %sub3A : vector<16xf32>
        %sub3A_1618 = arith.constant 0.000000e+00 : f32
        %sub3A_1619 = vector.broadcast %sub3A_1618 : f32 to vector<16xf32>
        %sub3A_1620 = arith.subf %sub3A_1619, %abs3A : vector<16xf32>
        %add3A_1621 = arith.addf %get3A_1593, %get3A_1607 : vector<16xf32>
        %add3A_1622 = arith.addf %add3A_1621, %get3A_1615 : vector<16xf32>
        %sub3A_1623 = arith.subf %add3A_1622, %get3A_1599 : vector<16xf32>
        %abs3A_1624 = math.absf %sub3A_1623 : vector<16xf32>
        %sub3A_1625 = arith.subf %sub3A_1620, %abs3A_1624 : vector<16xf32>
        %broadcast_in_dim3A = arith.constant true
        %broadcast_in_dim3A_1626 = vector.broadcast %broadcast_in_dim3A : i1 to vector<16xi1>
        %masked_cumsum3A = tpu.scan <sum>, %sub3A_1625 masked %broadcast_in_dim3A_1626 : vector<16xf32>, vector<16xi1> -> vector<16xf32>
        %add3A_1627 = arith.addi %mul3A_12, %add3A_1573 : i32
        %broadcast_in_dim3A_1628 = vector.broadcast %add3A_1627 : i32 to vector<16xi32>
        tpu.vector_store_idx %arg20[%broadcast_in_dim3A_1628], %masked_cumsum3A masked %eq3A_4 : memref<512xf32, #tpu.memory_space<vmem>>[vector<16xi32>], vector<16xf32>, vector<16xi1>
        %mul3A_1629 = arith.constant 16 : i32
        %mul3A_1630 = arith.muli %scan3A_1541, %mul3A_1629 : i32
        %add3A_1631 = arith.constant 1 : i32
        %add3A_1632 = arith.addi %mul3A_1630, %add3A_1631 : i32
        %mul3A_1633 = arith.constant 8 : i32
        %mul3A_1634 = arith.muli %add3A_1632, %mul3A_1633 : i32
        %slice3A_1635 = vector.extract_strided_slice %and3A_1548 {offsets = [1], sizes = [1], strides = [1]} : vector<16xi32> to vector<1xi32>
        %squeeze3A_1636 = vector.extract %slice3A_1635[0] : i32 from vector<1xi32>
        %add3A_1637 = arith.addi %mul3A_1634, %squeeze3A_1636 : i32
        %mul3A_1638 = arith.constant 8 : i32
        %mul3A_1639 = arith.muli %add3A_1632, %mul3A_1638 : i32
        %slice3A_1640 = vector.extract_strided_slice %and3A_1553 {offsets = [1], sizes = [1], strides = [1]} : vector<16xi32> to vector<1xi32>
        %squeeze3A_1641 = vector.extract %slice3A_1640[0] : i32 from vector<1xi32>
        %add3A_1642 = arith.addi %mul3A_1639, %squeeze3A_1641 : i32
        %slice3A_1643 = vector.extract_strided_slice %shift_left3A_1561 {offsets = [1], sizes = [1], strides = [1]} : vector<16xi32> to vector<1xi32>
        %squeeze3A_1644 = vector.extract %slice3A_1643[0] : i32 from vector<1xi32>
        %slice3A_1645 = vector.extract_strided_slice %shift_left3A_1569 {offsets = [1], sizes = [1], strides = [1]} : vector<16xi32> to vector<1xi32>
        %squeeze3A_1646 = vector.extract %slice3A_1645[0] : i32 from vector<1xi32>
        %get3A_1647 = arith.index_cast %add3A_1637 : i32 to index
        %get3A_1648 = arith.constant 0 : index
        %get3A_1649 = tpu.vector_load %arg16[%get3A_1647, %get3A_1648] {strides = array<i32>} : memref<256x32xf32, #tpu.memory_space<vmem>>, vector<16xf32>,
        %get3A_1650 = arith.index_cast %add3A_1637 : i32 to index
        %get3A_1651 = arith.constant 16 : index
        %get3A_1652 = tpu.vector_load %arg16[%get3A_1650, %get3A_1651] {strides = array<i32>} : memref<256x32xf32, #tpu.memory_space<vmem>>, vector<16xf32>,
        %get3A_1653 = arith.index_cast %add3A_1642 : i32 to index
        %get3A_1654 = arith.constant 0 : index
        %get3A_1655 = tpu.vector_load %arg17[%get3A_1653, %get3A_1654] {strides = array<i32>} : memref<256x32xf32, #tpu.memory_space<vmem>>, vector<16xf32>,
        %get3A_1656 = arith.index_cast %add3A_1642 : i32 to index
        %get3A_1657 = arith.constant 16 : index
        %get3A_1658 = tpu.vector_load %arg17[%get3A_1656, %get3A_1657] {strides = array<i32>} : memref<256x32xf32, #tpu.memory_space<vmem>>, vector<16xf32>,
        %get3A_1659 = arith.index_cast %add3A_1632 : i32 to index
        %get3A_1660 = arith.index_cast %squeeze3A_1644 : i32 to index
        %get3A_1661 = tpu.vector_load %arg18[%get3A_1659, %get3A_1660] {strides = array<i32>} : memref<32x128xf32, #tpu.memory_space<vmem>>, vector<16xf32>,
        %add3A_1662 = arith.constant 16 : i32
        %add3A_1663 = arith.addi %squeeze3A_1644, %add3A_1662 : i32
        %get3A_1664 = arith.index_cast %add3A_1632 : i32 to index
        %get3A_1665 = arith.index_cast %add3A_1663 : i32 to index
        %get3A_1666 = tpu.vector_load %arg18[%get3A_1664, %get3A_1665] {strides = array<i32>} : memref<32x128xf32, #tpu.memory_space<vmem>>, vector<16xf32>,
        %get3A_1667 = arith.index_cast %add3A_1632 : i32 to index
        %get3A_1668 = arith.index_cast %squeeze3A_1646 : i32 to index
        %get3A_1669 = tpu.vector_load %arg19[%get3A_1667, %get3A_1668] {strides = array<i32>} : memref<32x128xf32, #tpu.memory_space<vmem>>, vector<16xf32>,
        %add3A_1670 = arith.constant 16 : i32
        %add3A_1671 = arith.addi %squeeze3A_1646, %add3A_1670 : i32
        %get3A_1672 = arith.index_cast %add3A_1632 : i32 to index
        %get3A_1673 = arith.index_cast %add3A_1671 : i32 to index
        %get3A_1674 = tpu.vector_load %arg19[%get3A_1672, %get3A_1673] {strides = array<i32>} : memref<32x128xf32, #tpu.memory_space<vmem>>, vector<16xf32>,
        %add3A_1675 = arith.addf %get3A_1649, %get3A_1661 : vector<16xf32>
        %add3A_1676 = arith.addf %add3A_1675, %get3A_1669 : vector<16xf32>
        %sub3A_1677 = arith.subf %add3A_1676, %get3A_1655 : vector<16xf32>
        %abs3A_1678 = math.absf %sub3A_1677 : vector<16xf32>
        %sub3A_1679 = arith.constant 0.000000e+00 : f32
        %sub3A_1680 = vector.broadcast %sub3A_1679 : f32 to vector<16xf32>
        %sub3A_1681 = arith.subf %sub3A_1680, %abs3A_1678 : vector<16xf32>
        %add3A_1682 = arith.addf %get3A_1652, %get3A_1666 : vector<16xf32>
        %add3A_1683 = arith.addf %add3A_1682, %get3A_1674 : vector<16xf32>
        %sub3A_1684 = arith.subf %add3A_1683, %get3A_1658 : vector<16xf32>
        %abs3A_1685 = math.absf %sub3A_1684 : vector<16xf32>
        %sub3A_1686 = arith.subf %sub3A_1681, %abs3A_1685 : vector<16xf32>
        %broadcast_in_dim3A_1687 = arith.constant true
        %broadcast_in_dim3A_1688 = vector.broadcast %broadcast_in_dim3A_1687 : i1 to vector<16xi1>
        %masked_cumsum3A_1689 = tpu.scan <sum>, %sub3A_1686 masked %broadcast_in_dim3A_1688 : vector<16xf32>, vector<16xi1> -> vector<16xf32>
        %add3A_1690 = arith.addi %mul3A_12, %add3A_1632 : i32
        %broadcast_in_dim3A_1691 = vector.broadcast %add3A_1690 : i32 to vector<16xi32>
        tpu.vector_store_idx %arg20[%broadcast_in_dim3A_1691], %masked_cumsum3A_1689 masked %eq3A_4 : memref<512xf32, #tpu.memory_space<vmem>>[vector<16xi32>], vector<16xf32>, vector<16xi1>
        %mul3A_1692 = arith.constant 16 : i32
        %mul3A_1693 = arith.muli %scan3A_1541, %mul3A_1692 : i32
        %add3A_1694 = arith.constant 2 : i32
        %add3A_1695 = arith.addi %mul3A_1693, %add3A_1694 : i32
        %mul3A_1696 = arith.constant 8 : i32
        %mul3A_1697 = arith.muli %add3A_1695, %mul3A_1696 : i32
        %slice3A_1698 = vector.extract_strided_slice %and3A_1548 {offsets = [2], sizes = [1], strides = [1]} : vector<16xi32> to vector<1xi32>
        %squeeze3A_1699 = vector.extract %slice3A_1698[0] : i32 from vector<1xi32>
        %add3A_1700 = arith.addi %mul3A_1697, %squeeze3A_1699 : i32
        %mul3A_1701 = arith.constant 8 : i32
        %mul3A_1702 = arith.muli %add3A_1695, %mul3A_1701 : i32
        %slice3A_1703 = vector.extract_strided_slice %and3A_1553 {offsets = [2], sizes = [1], strides = [1]} : vector<16xi32> to vector<1xi32>
        %squeeze3A_1704 = vector.extract %slice3A_1703[0] : i32 from vector<1xi32>
        %add3A_1705 = arith.addi %mul3A_1702, %squeeze3A_1704 : i32
        %slice3A_1706 = vector.extract_strided_slice %shift_left3A_1561 {offsets = [2], sizes = [1], strides = [1]} : vector<16xi32> to vector<1xi32>
        %squeeze3A_1707 = vector.extract %slice3A_1706[0] : i32 from vector<1xi32>
        %slice3A_1708 = vector.extract_strided_slice %shift_left3A_1569 {offsets = [2], sizes = [1], strides = [1]} : vector<16xi32> to vector<1xi32>
        %squeeze3A_1709 = vector.extract %slice3A_1708[0] : i32 from vector<1xi32>
        %get3A_1710 = arith.index_cast %add3A_1700 : i32 to index
        %get3A_1711 = arith.constant 0 : index
        %get3A_1712 = tpu.vector_load %arg16[%get3A_1710, %get3A_1711] {strides = array<i32>} : memref<256x32xf32, #tpu.memory_space<vmem>>, vector<16xf32>,
        %get3A_1713 = arith.index_cast %add3A_1700 : i32 to index
        %get3A_1714 = arith.constant 16 : index
        %get3A_1715 = tpu.vector_load %arg16[%get3A_1713, %get3A_1714] {strides = array<i32>} : memref<256x32xf32, #tpu.memory_space<vmem>>, vector<16xf32>,
        %get3A_1716 = arith.index_cast %add3A_1705 : i32 to index
        %get3A_1717 = arith.constant 0 : index
        %get3A_1718 = tpu.vector_load %arg17[%get3A_1716, %get3A_1717] {strides = array<i32>} : memref<256x32xf32, #tpu.memory_space<vmem>>, vector<16xf32>,
        %get3A_1719 = arith.index_cast %add3A_1705 : i32 to index
        %get3A_1720 = arith.constant 16 : index
        %get3A_1721 = tpu.vector_load %arg17[%get3A_1719, %get3A_1720] {strides = array<i32>} : memref<256x32xf32, #tpu.memory_space<vmem>>, vector<16xf32>,
        %get3A_1722 = arith.index_cast %add3A_1695 : i32 to index
        %get3A_1723 = arith.index_cast %squeeze3A_1707 : i32 to index
        %get3A_1724 = tpu.vector_load %arg18[%get3A_1722, %get3A_1723] {strides = array<i32>} : memref<32x128xf32, #tpu.memory_space<vmem>>, vector<16xf32>,
        %add3A_1725 = arith.constant 16 : i32
        %add3A_1726 = arith.addi %squeeze3A_1707, %add3A_1725 : i32
        %get3A_1727 = arith.index_cast %add3A_1695 : i32 to index
        %get3A_1728 = arith.index_cast %add3A_1726 : i32 to index
        %get3A_1729 = tpu.vector_load %arg18[%get3A_1727, %get3A_1728] {strides = array<i32>} : memref<32x128xf32, #tpu.memory_space<vmem>>, vector<16xf32>,
        %get3A_1730 = arith.index_cast %add3A_1695 : i32 to index
        %get3A_1731 = arith.index_cast %squeeze3A_1709 : i32 to index
        %get3A_1732 = tpu.vector_load %arg19[%get3A_1730, %get3A_1731] {strides = array<i32>} : memref<32x128xf32, #tpu.memory_space<vmem>>, vector<16xf32>,
        %add3A_1733 = arith.constant 16 : i32
        %add3A_1734 = arith.addi %squeeze3A_1709, %add3A_1733 : i32
        %get3A_1735 = arith.index_cast %add3A_1695 : i32 to index
        %get3A_1736 = arith.index_cast %add3A_1734 : i32 to index
        %get3A_1737 = tpu.vector_load %arg19[%get3A_1735, %get3A_1736] {strides = array<i32>} : memref<32x128xf32, #tpu.memory_space<vmem>>, vector<16xf32>,
        %add3A_1738 = arith.addf %get3A_1712, %get3A_1724 : vector<16xf32>
        %add3A_1739 = arith.addf %add3A_1738, %get3A_1732 : vector<16xf32>
        %sub3A_1740 = arith.subf %add3A_1739, %get3A_1718 : vector<16xf32>
        %abs3A_1741 = math.absf %sub3A_1740 : vector<16xf32>
        %sub3A_1742 = arith.constant 0.000000e+00 : f32
        %sub3A_1743 = vector.broadcast %sub3A_1742 : f32 to vector<16xf32>
        %sub3A_1744 = arith.subf %sub3A_1743, %abs3A_1741 : vector<16xf32>
        %add3A_1745 = arith.addf %get3A_1715, %get3A_1729 : vector<16xf32>
        %add3A_1746 = arith.addf %add3A_1745, %get3A_1737 : vector<16xf32>
        %sub3A_1747 = arith.subf %add3A_1746, %get3A_1721 : vector<16xf32>
        %abs3A_1748 = math.absf %sub3A_1747 : vector<16xf32>
        %sub3A_1749 = arith.subf %sub3A_1744, %abs3A_1748 : vector<16xf32>
        %broadcast_in_dim3A_1750 = arith.constant true
        %broadcast_in_dim3A_1751 = vector.broadcast %broadcast_in_dim3A_1750 : i1 to vector<16xi1>
        %masked_cumsum3A_1752 = tpu.scan <sum>, %sub3A_1749 masked %broadcast_in_dim3A_1751 : vector<16xf32>, vector<16xi1> -> vector<16xf32>
        %add3A_1753 = arith.addi %mul3A_12, %add3A_1695 : i32
        %broadcast_in_dim3A_1754 = vector.broadcast %add3A_1753 : i32 to vector<16xi32>
        tpu.vector_store_idx %arg20[%broadcast_in_dim3A_1754], %masked_cumsum3A_1752 masked %eq3A_4 : memref<512xf32, #tpu.memory_space<vmem>>[vector<16xi32>], vector<16xf32>, vector<16xi1>
        %mul3A_1755 = arith.constant 16 : i32
        %mul3A_1756 = arith.muli %scan3A_1541, %mul3A_1755 : i32
        %add3A_1757 = arith.constant 3 : i32
        %add3A_1758 = arith.addi %mul3A_1756, %add3A_1757 : i32
        %mul3A_1759 = arith.constant 8 : i32
        %mul3A_1760 = arith.muli %add3A_1758, %mul3A_1759 : i32
        %slice3A_1761 = vector.extract_strided_slice %and3A_1548 {offsets = [3], sizes = [1], strides = [1]} : vector<16xi32> to vector<1xi32>
        %squeeze3A_1762 = vector.extract %slice3A_1761[0] : i32 from vector<1xi32>
        %add3A_1763 = arith.addi %mul3A_1760, %squeeze3A_1762 : i32
        %mul3A_1764 = arith.constant 8 : i32
        %mul3A_1765 = arith.muli %add3A_1758, %mul3A_1764 : i32
        %slice3A_1766 = vector.extract_strided_slice %and3A_1553 {offsets = [3], sizes = [1], strides = [1]} : vector<16xi32> to vector<1xi32>
        %squeeze3A_1767 = vector.extract %slice3A_1766[0] : i32 from vector<1xi32>
        %add3A_1768 = arith.addi %mul3A_1765, %squeeze3A_1767 : i32
        %slice3A_1769 = vector.extract_strided_slice %shift_left3A_1561 {offsets = [3], sizes = [1], strides = [1]} : vector<16xi32> to vector<1xi32>
        %squeeze3A_1770 = vector.extract %slice3A_1769[0] : i32 from vector<1xi32>
        %slice3A_1771 = vector.extract_strided_slice %shift_left3A_1569 {offsets = [3], sizes = [1], strides = [1]} : vector<16xi32> to vector<1xi32>
        %squeeze3A_1772 = vector.extract %slice3A_1771[0] : i32 from vector<1xi32>
        %get3A_1773 = arith.index_cast %add3A_1763 : i32 to index
        %get3A_1774 = arith.constant 0 : index
        %get3A_1775 = tpu.vector_load %arg16[%get3A_1773, %get3A_1774] {strides = array<i32>} : memref<256x32xf32, #tpu.memory_space<vmem>>, vector<16xf32>,
        %get3A_1776 = arith.index_cast %add3A_1763 : i32 to index
        %get3A_1777 = arith.constant 16 : index
        %get3A_1778 = tpu.vector_load %arg16[%get3A_1776, %get3A_1777] {strides = array<i32>} : memref<256x32xf32, #tpu.memory_space<vmem>>, vector<16xf32>,
        %get3A_1779 = arith.index_cast %add3A_1768 : i32 to index
        %get3A_1780 = arith.constant 0 : index
        %get3A_1781 = tpu.vector_load %arg17[%get3A_1779, %get3A_1780] {strides = array<i32>} : memref<256x32xf32, #tpu.memory_space<vmem>>, vector<16xf32>,
        %get3A_1782 = arith.index_cast %add3A_1768 : i32 to index
        %get3A_1783 = arith.constant 16 : index
        %get3A_1784 = tpu.vector_load %arg17[%get3A_1782, %get3A_1783] {strides = array<i32>} : memref<256x32xf32, #tpu.memory_space<vmem>>, vector<16xf32>,
        %get3A_1785 = arith.index_cast %add3A_1758 : i32 to index
        %get3A_1786 = arith.index_cast %squeeze3A_1770 : i32 to index
        %get3A_1787 = tpu.vector_load %arg18[%get3A_1785, %get3A_1786] {strides = array<i32>} : memref<32x128xf32, #tpu.memory_space<vmem>>, vector<16xf32>,
        %add3A_1788 = arith.constant 16 : i32
        %add3A_1789 = arith.addi %squeeze3A_1770, %add3A_1788 : i32
        %get3A_1790 = arith.index_cast %add3A_1758 : i32 to index
        %get3A_1791 = arith.index_cast %add3A_1789 : i32 to index
        %get3A_1792 = tpu.vector_load %arg18[%get3A_1790, %get3A_1791] {strides = array<i32>} : memref<32x128xf32, #tpu.memory_space<vmem>>, vector<16xf32>,
        %get3A_1793 = arith.index_cast %add3A_1758 : i32 to index
        %get3A_1794 = arith.index_cast %squeeze3A_1772 : i32 to index
        %get3A_1795 = tpu.vector_load %arg19[%get3A_1793, %get3A_1794] {strides = array<i32>} : memref<32x128xf32, #tpu.memory_space<vmem>>, vector<16xf32>,
        %add3A_1796 = arith.constant 16 : i32
        %add3A_1797 = arith.addi %squeeze3A_1772, %add3A_1796 : i32
        %get3A_1798 = arith.index_cast %add3A_1758 : i32 to index
        %get3A_1799 = arith.index_cast %add3A_1797 : i32 to index
        %get3A_1800 = tpu.vector_load %arg19[%get3A_1798, %get3A_1799] {strides = array<i32>} : memref<32x128xf32, #tpu.memory_space<vmem>>, vector<16xf32>,
        %add3A_1801 = arith.addf %get3A_1775, %get3A_1787 : vector<16xf32>
        %add3A_1802 = arith.addf %add3A_1801, %get3A_1795 : vector<16xf32>
        %sub3A_1803 = arith.subf %add3A_1802, %get3A_1781 : vector<16xf32>
        %abs3A_1804 = math.absf %sub3A_1803 : vector<16xf32>
        %sub3A_1805 = arith.constant 0.000000e+00 : f32
        %sub3A_1806 = vector.broadcast %sub3A_1805 : f32 to vector<16xf32>
        %sub3A_1807 = arith.subf %sub3A_1806, %abs3A_1804 : vector<16xf32>
        %add3A_1808 = arith.addf %get3A_1778, %get3A_1792 : vector<16xf32>
        %add3A_1809 = arith.addf %add3A_1808, %get3A_1800 : vector<16xf32>
        %sub3A_1810 = arith.subf %add3A_1809, %get3A_1784 : vector<16xf32>
        %abs3A_1811 = math.absf %sub3A_1810 : vector<16xf32>
        %sub3A_1812 = arith.subf %sub3A_1807, %abs3A_1811 : vector<16xf32>
        %broadcast_in_dim3A_1813 = arith.constant true
        %broadcast_in_dim3A_1814 = vector.broadcast %broadcast_in_dim3A_1813 : i1 to vector<16xi1>
        %masked_cumsum3A_1815 = tpu.scan <sum>, %sub3A_1812 masked %broadcast_in_dim3A_1814 : vector<16xf32>, vector<16xi1> -> vector<16xf32>
        %add3A_1816 = arith.addi %mul3A_12, %add3A_1758 : i32
        %broadcast_in_dim3A_1817 = vector.broadcast %add3A_1816 : i32 to vector<16xi32>
        tpu.vector_store_idx %arg20[%broadcast_in_dim3A_1817], %masked_cumsum3A_1815 masked %eq3A_4 : memref<512xf32, #tpu.memory_space<vmem>>[vector<16xi32>], vector<16xf32>, vector<16xi1>
        %mul3A_1818 = arith.constant 16 : i32
        %mul3A_1819 = arith.muli %scan3A_1541, %mul3A_1818 : i32
        %add3A_1820 = arith.constant 4 : i32
        %add3A_1821 = arith.addi %mul3A_1819, %add3A_1820 : i32
        %mul3A_1822 = arith.constant 8 : i32
        %mul3A_1823 = arith.muli %add3A_1821, %mul3A_1822 : i32
        %slice3A_1824 = vector.extract_strided_slice %and3A_1548 {offsets = [4], sizes = [1], strides = [1]} : vector<16xi32> to vector<1xi32>
        %squeeze3A_1825 = vector.extract %slice3A_1824[0] : i32 from vector<1xi32>
        %add3A_1826 = arith.addi %mul3A_1823, %squeeze3A_1825 : i32
        %mul3A_1827 = arith.constant 8 : i32
        %mul3A_1828 = arith.muli %add3A_1821, %mul3A_1827 : i32
        %slice3A_1829 = vector.extract_strided_slice %and3A_1553 {offsets = [4], sizes = [1], strides = [1]} : vector<16xi32> to vector<1xi32>
        %squeeze3A_1830 = vector.extract %slice3A_1829[0] : i32 from vector<1xi32>
        %add3A_1831 = arith.addi %mul3A_1828, %squeeze3A_1830 : i32
        %slice3A_1832 = vector.extract_strided_slice %shift_left3A_1561 {offsets = [4], sizes = [1], strides = [1]} : vector<16xi32> to vector<1xi32>
        %squeeze3A_1833 = vector.extract %slice3A_1832[0] : i32 from vector<1xi32>
        %slice3A_1834 = vector.extract_strided_slice %shift_left3A_1569 {offsets = [4], sizes = [1], strides = [1]} : vector<16xi32> to vector<1xi32>
        %squeeze3A_1835 = vector.extract %slice3A_1834[0] : i32 from vector<1xi32>
        %get3A_1836 = arith.index_cast %add3A_1826 : i32 to index
        %get3A_1837 = arith.constant 0 : index
        %get3A_1838 = tpu.vector_load %arg16[%get3A_1836, %get3A_1837] {strides = array<i32>} : memref<256x32xf32, #tpu.memory_space<vmem>>, vector<16xf32>,
        %get3A_1839 = arith.index_cast %add3A_1826 : i32 to index
        %get3A_1840 = arith.constant 16 : index
        %get3A_1841 = tpu.vector_load %arg16[%get3A_1839, %get3A_1840] {strides = array<i32>} : memref<256x32xf32, #tpu.memory_space<vmem>>, vector<16xf32>,
        %get3A_1842 = arith.index_cast %add3A_1831 : i32 to index
        %get3A_1843 = arith.constant 0 : index
        %get3A_1844 = tpu.vector_load %arg17[%get3A_1842, %get3A_1843] {strides = array<i32>} : memref<256x32xf32, #tpu.memory_space<vmem>>, vector<16xf32>,
        %get3A_1845 = arith.index_cast %add3A_1831 : i32 to index
        %get3A_1846 = arith.constant 16 : index
        %get3A_1847 = tpu.vector_load %arg17[%get3A_1845, %get3A_1846] {strides = array<i32>} : memref<256x32xf32, #tpu.memory_space<vmem>>, vector<16xf32>,
        %get3A_1848 = arith.index_cast %add3A_1821 : i32 to index
        %get3A_1849 = arith.index_cast %squeeze3A_1833 : i32 to index
        %get3A_1850 = tpu.vector_load %arg18[%get3A_1848, %get3A_1849] {strides = array<i32>} : memref<32x128xf32, #tpu.memory_space<vmem>>, vector<16xf32>,
        %add3A_1851 = arith.constant 16 : i32
        %add3A_1852 = arith.addi %squeeze3A_1833, %add3A_1851 : i32
        %get3A_1853 = arith.index_cast %add3A_1821 : i32 to index
        %get3A_1854 = arith.index_cast %add3A_1852 : i32 to index
        %get3A_1855 = tpu.vector_load %arg18[%get3A_1853, %get3A_1854] {strides = array<i32>} : memref<32x128xf32, #tpu.memory_space<vmem>>, vector<16xf32>,
        %get3A_1856 = arith.index_cast %add3A_1821 : i32 to index
        %get3A_1857 = arith.index_cast %squeeze3A_1835 : i32 to index
        %get3A_1858 = tpu.vector_load %arg19[%get3A_1856, %get3A_1857] {strides = array<i32>} : memref<32x128xf32, #tpu.memory_space<vmem>>, vector<16xf32>,
        %add3A_1859 = arith.constant 16 : i32
        %add3A_1860 = arith.addi %squeeze3A_1835, %add3A_1859 : i32
        %get3A_1861 = arith.index_cast %add3A_1821 : i32 to index
        %get3A_1862 = arith.index_cast %add3A_1860 : i32 to index
        %get3A_1863 = tpu.vector_load %arg19[%get3A_1861, %get3A_1862] {strides = array<i32>} : memref<32x128xf32, #tpu.memory_space<vmem>>, vector<16xf32>,
        %add3A_1864 = arith.addf %get3A_1838, %get3A_1850 : vector<16xf32>
        %add3A_1865 = arith.addf %add3A_1864, %get3A_1858 : vector<16xf32>
        %sub3A_1866 = arith.subf %add3A_1865, %get3A_1844 : vector<16xf32>
        %abs3A_1867 = math.absf %sub3A_1866 : vector<16xf32>
        %sub3A_1868 = arith.constant 0.000000e+00 : f32
        %sub3A_1869 = vector.broadcast %sub3A_1868 : f32 to vector<16xf32>
        %sub3A_1870 = arith.subf %sub3A_1869, %abs3A_1867 : vector<16xf32>
        %add3A_1871 = arith.addf %get3A_1841, %get3A_1855 : vector<16xf32>
        %add3A_1872 = arith.addf %add3A_1871, %get3A_1863 : vector<16xf32>
        %sub3A_1873 = arith.subf %add3A_1872, %get3A_1847 : vector<16xf32>
        %abs3A_1874 = math.absf %sub3A_1873 : vector<16xf32>
        %sub3A_1875 = arith.subf %sub3A_1870, %abs3A_1874 : vector<16xf32>
        %broadcast_in_dim3A_1876 = arith.constant true
        %broadcast_in_dim3A_1877 = vector.broadcast %broadcast_in_dim3A_1876 : i1 to vector<16xi1>
        %masked_cumsum3A_1878 = tpu.scan <sum>, %sub3A_1875 masked %broadcast_in_dim3A_1877 : vector<16xf32>, vector<16xi1> -> vector<16xf32>
        %add3A_1879 = arith.addi %mul3A_12, %add3A_1821 : i32
        %broadcast_in_dim3A_1880 = vector.broadcast %add3A_1879 : i32 to vector<16xi32>
        tpu.vector_store_idx %arg20[%broadcast_in_dim3A_1880], %masked_cumsum3A_1878 masked %eq3A_4 : memref<512xf32, #tpu.memory_space<vmem>>[vector<16xi32>], vector<16xf32>, vector<16xi1>
        %mul3A_1881 = arith.constant 16 : i32
        %mul3A_1882 = arith.muli %scan3A_1541, %mul3A_1881 : i32
        %add3A_1883 = arith.constant 5 : i32
        %add3A_1884 = arith.addi %mul3A_1882, %add3A_1883 : i32
        %mul3A_1885 = arith.constant 8 : i32
        %mul3A_1886 = arith.muli %add3A_1884, %mul3A_1885 : i32
        %slice3A_1887 = vector.extract_strided_slice %and3A_1548 {offsets = [5], sizes = [1], strides = [1]} : vector<16xi32> to vector<1xi32>
        %squeeze3A_1888 = vector.extract %slice3A_1887[0] : i32 from vector<1xi32>
        %add3A_1889 = arith.addi %mul3A_1886, %squeeze3A_1888 : i32
        %mul3A_1890 = arith.constant 8 : i32
        %mul3A_1891 = arith.muli %add3A_1884, %mul3A_1890 : i32
        %slice3A_1892 = vector.extract_strided_slice %and3A_1553 {offsets = [5], sizes = [1], strides = [1]} : vector<16xi32> to vector<1xi32>
        %squeeze3A_1893 = vector.extract %slice3A_1892[0] : i32 from vector<1xi32>
        %add3A_1894 = arith.addi %mul3A_1891, %squeeze3A_1893 : i32
        %slice3A_1895 = vector.extract_strided_slice %shift_left3A_1561 {offsets = [5], sizes = [1], strides = [1]} : vector<16xi32> to vector<1xi32>
        %squeeze3A_1896 = vector.extract %slice3A_1895[0] : i32 from vector<1xi32>
        %slice3A_1897 = vector.extract_strided_slice %shift_left3A_1569 {offsets = [5], sizes = [1], strides = [1]} : vector<16xi32> to vector<1xi32>
        %squeeze3A_1898 = vector.extract %slice3A_1897[0] : i32 from vector<1xi32>
        %get3A_1899 = arith.index_cast %add3A_1889 : i32 to index
        %get3A_1900 = arith.constant 0 : index
        %get3A_1901 = tpu.vector_load %arg16[%get3A_1899, %get3A_1900] {strides = array<i32>} : memref<256x32xf32, #tpu.memory_space<vmem>>, vector<16xf32>,
        %get3A_1902 = arith.index_cast %add3A_1889 : i32 to index
        %get3A_1903 = arith.constant 16 : index
        %get3A_1904 = tpu.vector_load %arg16[%get3A_1902, %get3A_1903] {strides = array<i32>} : memref<256x32xf32, #tpu.memory_space<vmem>>, vector<16xf32>,
        %get3A_1905 = arith.index_cast %add3A_1894 : i32 to index
        %get3A_1906 = arith.constant 0 : index
        %get3A_1907 = tpu.vector_load %arg17[%get3A_1905, %get3A_1906] {strides = array<i32>} : memref<256x32xf32, #tpu.memory_space<vmem>>, vector<16xf32>,
        %get3A_1908 = arith.index_cast %add3A_1894 : i32 to index
        %get3A_1909 = arith.constant 16 : index
        %get3A_1910 = tpu.vector_load %arg17[%get3A_1908, %get3A_1909] {strides = array<i32>} : memref<256x32xf32, #tpu.memory_space<vmem>>, vector<16xf32>,
        %get3A_1911 = arith.index_cast %add3A_1884 : i32 to index
        %get3A_1912 = arith.index_cast %squeeze3A_1896 : i32 to index
        %get3A_1913 = tpu.vector_load %arg18[%get3A_1911, %get3A_1912] {strides = array<i32>} : memref<32x128xf32, #tpu.memory_space<vmem>>, vector<16xf32>,
        %add3A_1914 = arith.constant 16 : i32
        %add3A_1915 = arith.addi %squeeze3A_1896, %add3A_1914 : i32
        %get3A_1916 = arith.index_cast %add3A_1884 : i32 to index
        %get3A_1917 = arith.index_cast %add3A_1915 : i32 to index
        %get3A_1918 = tpu.vector_load %arg18[%get3A_1916, %get3A_1917] {strides = array<i32>} : memref<32x128xf32, #tpu.memory_space<vmem>>, vector<16xf32>,
        %get3A_1919 = arith.index_cast %add3A_1884 : i32 to index
        %get3A_1920 = arith.index_cast %squeeze3A_1898 : i32 to index
        %get3A_1921 = tpu.vector_load %arg19[%get3A_1919, %get3A_1920] {strides = array<i32>} : memref<32x128xf32, #tpu.memory_space<vmem>>, vector<16xf32>,
        %add3A_1922 = arith.constant 16 : i32
        %add3A_1923 = arith.addi %squeeze3A_1898, %add3A_1922 : i32
        %get3A_1924 = arith.index_cast %add3A_1884 : i32 to index
        %get3A_1925 = arith.index_cast %add3A_1923 : i32 to index
        %get3A_1926 = tpu.vector_load %arg19[%get3A_1924, %get3A_1925] {strides = array<i32>} : memref<32x128xf32, #tpu.memory_space<vmem>>, vector<16xf32>,
        %add3A_1927 = arith.addf %get3A_1901, %get3A_1913 : vector<16xf32>
        %add3A_1928 = arith.addf %add3A_1927, %get3A_1921 : vector<16xf32>
        %sub3A_1929 = arith.subf %add3A_1928, %get3A_1907 : vector<16xf32>
        %abs3A_1930 = math.absf %sub3A_1929 : vector<16xf32>
        %sub3A_1931 = arith.constant 0.000000e+00 : f32
        %sub3A_1932 = vector.broadcast %sub3A_1931 : f32 to vector<16xf32>
        %sub3A_1933 = arith.subf %sub3A_1932, %abs3A_1930 : vector<16xf32>
        %add3A_1934 = arith.addf %get3A_1904, %get3A_1918 : vector<16xf32>
        %add3A_1935 = arith.addf %add3A_1934, %get3A_1926 : vector<16xf32>
        %sub3A_1936 = arith.subf %add3A_1935, %get3A_1910 : vector<16xf32>
        %abs3A_1937 = math.absf %sub3A_1936 : vector<16xf32>
        %sub3A_1938 = arith.subf %sub3A_1933, %abs3A_1937 : vector<16xf32>
        %broadcast_in_dim3A_1939 = arith.constant true
        %broadcast_in_dim3A_1940 = vector.broadcast %broadcast_in_dim3A_1939 : i1 to vector<16xi1>
        %masked_cumsum3A_1941 = tpu.scan <sum>, %sub3A_1938 masked %broadcast_in_dim3A_1940 : vector<16xf32>, vector<16xi1> -> vector<16xf32>
        %add3A_1942 = arith.addi %mul3A_12, %add3A_1884 : i32
        %broadcast_in_dim3A_1943 = vector.broadcast %add3A_1942 : i32 to vector<16xi32>
        tpu.vector_store_idx %arg20[%broadcast_in_dim3A_1943], %masked_cumsum3A_1941 masked %eq3A_4 : memref<512xf32, #tpu.memory_space<vmem>>[vector<16xi32>], vector<16xf32>, vector<16xi1>
        %mul3A_1944 = arith.constant 16 : i32
        %mul3A_1945 = arith.muli %scan3A_1541, %mul3A_1944 : i32
        %add3A_1946 = arith.constant 6 : i32
        %add3A_1947 = arith.addi %mul3A_1945, %add3A_1946 : i32
        %mul3A_1948 = arith.constant 8 : i32
        %mul3A_1949 = arith.muli %add3A_1947, %mul3A_1948 : i32
        %slice3A_1950 = vector.extract_strided_slice %and3A_1548 {offsets = [6], sizes = [1], strides = [1]} : vector<16xi32> to vector<1xi32>
        %squeeze3A_1951 = vector.extract %slice3A_1950[0] : i32 from vector<1xi32>
        %add3A_1952 = arith.addi %mul3A_1949, %squeeze3A_1951 : i32
        %mul3A_1953 = arith.constant 8 : i32
        %mul3A_1954 = arith.muli %add3A_1947, %mul3A_1953 : i32
        %slice3A_1955 = vector.extract_strided_slice %and3A_1553 {offsets = [6], sizes = [1], strides = [1]} : vector<16xi32> to vector<1xi32>
        %squeeze3A_1956 = vector.extract %slice3A_1955[0] : i32 from vector<1xi32>
        %add3A_1957 = arith.addi %mul3A_1954, %squeeze3A_1956 : i32
        %slice3A_1958 = vector.extract_strided_slice %shift_left3A_1561 {offsets = [6], sizes = [1], strides = [1]} : vector<16xi32> to vector<1xi32>
        %squeeze3A_1959 = vector.extract %slice3A_1958[0] : i32 from vector<1xi32>
        %slice3A_1960 = vector.extract_strided_slice %shift_left3A_1569 {offsets = [6], sizes = [1], strides = [1]} : vector<16xi32> to vector<1xi32>
        %squeeze3A_1961 = vector.extract %slice3A_1960[0] : i32 from vector<1xi32>
        %get3A_1962 = arith.index_cast %add3A_1952 : i32 to index
        %get3A_1963 = arith.constant 0 : index
        %get3A_1964 = tpu.vector_load %arg16[%get3A_1962, %get3A_1963] {strides = array<i32>} : memref<256x32xf32, #tpu.memory_space<vmem>>, vector<16xf32>,
        %get3A_1965 = arith.index_cast %add3A_1952 : i32 to index
        %get3A_1966 = arith.constant 16 : index
        %get3A_1967 = tpu.vector_load %arg16[%get3A_1965, %get3A_1966] {strides = array<i32>} : memref<256x32xf32, #tpu.memory_space<vmem>>, vector<16xf32>,
        %get3A_1968 = arith.index_cast %add3A_1957 : i32 to index
        %get3A_1969 = arith.constant 0 : index
        %get3A_1970 = tpu.vector_load %arg17[%get3A_1968, %get3A_1969] {strides = array<i32>} : memref<256x32xf32, #tpu.memory_space<vmem>>, vector<16xf32>,
        %get3A_1971 = arith.index_cast %add3A_1957 : i32 to index
        %get3A_1972 = arith.constant 16 : index
        %get3A_1973 = tpu.vector_load %arg17[%get3A_1971, %get3A_1972] {strides = array<i32>} : memref<256x32xf32, #tpu.memory_space<vmem>>, vector<16xf32>,
        %get3A_1974 = arith.index_cast %add3A_1947 : i32 to index
        %get3A_1975 = arith.index_cast %squeeze3A_1959 : i32 to index
        %get3A_1976 = tpu.vector_load %arg18[%get3A_1974, %get3A_1975] {strides = array<i32>} : memref<32x128xf32, #tpu.memory_space<vmem>>, vector<16xf32>,
        %add3A_1977 = arith.constant 16 : i32
        %add3A_1978 = arith.addi %squeeze3A_1959, %add3A_1977 : i32
        %get3A_1979 = arith.index_cast %add3A_1947 : i32 to index
        %get3A_1980 = arith.index_cast %add3A_1978 : i32 to index
        %get3A_1981 = tpu.vector_load %arg18[%get3A_1979, %get3A_1980] {strides = array<i32>} : memref<32x128xf32, #tpu.memory_space<vmem>>, vector<16xf32>,
        %get3A_1982 = arith.index_cast %add3A_1947 : i32 to index
        %get3A_1983 = arith.index_cast %squeeze3A_1961 : i32 to index
        %get3A_1984 = tpu.vector_load %arg19[%get3A_1982, %get3A_1983] {strides = array<i32>} : memref<32x128xf32, #tpu.memory_space<vmem>>, vector<16xf32>,
        %add3A_1985 = arith.constant 16 : i32
        %add3A_1986 = arith.addi %squeeze3A_1961, %add3A_1985 : i32
        %get3A_1987 = arith.index_cast %add3A_1947 : i32 to index
        %get3A_1988 = arith.index_cast %add3A_1986 : i32 to index
        %get3A_1989 = tpu.vector_load %arg19[%get3A_1987, %get3A_1988] {strides = array<i32>} : memref<32x128xf32, #tpu.memory_space<vmem>>, vector<16xf32>,
        %add3A_1990 = arith.addf %get3A_1964, %get3A_1976 : vector<16xf32>
        %add3A_1991 = arith.addf %add3A_1990, %get3A_1984 : vector<16xf32>
        %sub3A_1992 = arith.subf %add3A_1991, %get3A_1970 : vector<16xf32>
        %abs3A_1993 = math.absf %sub3A_1992 : vector<16xf32>
        %sub3A_1994 = arith.constant 0.000000e+00 : f32
        %sub3A_1995 = vector.broadcast %sub3A_1994 : f32 to vector<16xf32>
        %sub3A_1996 = arith.subf %sub3A_1995, %abs3A_1993 : vector<16xf32>
        %add3A_1997 = arith.addf %get3A_1967, %get3A_1981 : vector<16xf32>
        %add3A_1998 = arith.addf %add3A_1997, %get3A_1989 : vector<16xf32>
        %sub3A_1999 = arith.subf %add3A_1998, %get3A_1973 : vector<16xf32>
        %abs3A_2000 = math.absf %sub3A_1999 : vector<16xf32>
        %sub3A_2001 = arith.subf %sub3A_1996, %abs3A_2000 : vector<16xf32>
        %broadcast_in_dim3A_2002 = arith.constant true
        %broadcast_in_dim3A_2003 = vector.broadcast %broadcast_in_dim3A_2002 : i1 to vector<16xi1>
        %masked_cumsum3A_2004 = tpu.scan <sum>, %sub3A_2001 masked %broadcast_in_dim3A_2003 : vector<16xf32>, vector<16xi1> -> vector<16xf32>
        %add3A_2005 = arith.addi %mul3A_12, %add3A_1947 : i32
        %broadcast_in_dim3A_2006 = vector.broadcast %add3A_2005 : i32 to vector<16xi32>
        tpu.vector_store_idx %arg20[%broadcast_in_dim3A_2006], %masked_cumsum3A_2004 masked %eq3A_4 : memref<512xf32, #tpu.memory_space<vmem>>[vector<16xi32>], vector<16xf32>, vector<16xi1>
        %mul3A_2007 = arith.constant 16 : i32
        %mul3A_2008 = arith.muli %scan3A_1541, %mul3A_2007 : i32
        %add3A_2009 = arith.constant 7 : i32
        %add3A_2010 = arith.addi %mul3A_2008, %add3A_2009 : i32
        %mul3A_2011 = arith.constant 8 : i32
        %mul3A_2012 = arith.muli %add3A_2010, %mul3A_2011 : i32
        %slice3A_2013 = vector.extract_strided_slice %and3A_1548 {offsets = [7], sizes = [1], strides = [1]} : vector<16xi32> to vector<1xi32>
        %squeeze3A_2014 = vector.extract %slice3A_2013[0] : i32 from vector<1xi32>
        %add3A_2015 = arith.addi %mul3A_2012, %squeeze3A_2014 : i32
        %mul3A_2016 = arith.constant 8 : i32
        %mul3A_2017 = arith.muli %add3A_2010, %mul3A_2016 : i32
        %slice3A_2018 = vector.extract_strided_slice %and3A_1553 {offsets = [7], sizes = [1], strides = [1]} : vector<16xi32> to vector<1xi32>
        %squeeze3A_2019 = vector.extract %slice3A_2018[0] : i32 from vector<1xi32>
        %add3A_2020 = arith.addi %mul3A_2017, %squeeze3A_2019 : i32
        %slice3A_2021 = vector.extract_strided_slice %shift_left3A_1561 {offsets = [7], sizes = [1], strides = [1]} : vector<16xi32> to vector<1xi32>
        %squeeze3A_2022 = vector.extract %slice3A_2021[0] : i32 from vector<1xi32>
        %slice3A_2023 = vector.extract_strided_slice %shift_left3A_1569 {offsets = [7], sizes = [1], strides = [1]} : vector<16xi32> to vector<1xi32>
        %squeeze3A_2024 = vector.extract %slice3A_2023[0] : i32 from vector<1xi32>
        %get3A_2025 = arith.index_cast %add3A_2015 : i32 to index
        %get3A_2026 = arith.constant 0 : index
        %get3A_2027 = tpu.vector_load %arg16[%get3A_2025, %get3A_2026] {strides = array<i32>} : memref<256x32xf32, #tpu.memory_space<vmem>>, vector<16xf32>,
        %get3A_2028 = arith.index_cast %add3A_2015 : i32 to index
        %get3A_2029 = arith.constant 16 : index
        %get3A_2030 = tpu.vector_load %arg16[%get3A_2028, %get3A_2029] {strides = array<i32>} : memref<256x32xf32, #tpu.memory_space<vmem>>, vector<16xf32>,
        %get3A_2031 = arith.index_cast %add3A_2020 : i32 to index
        %get3A_2032 = arith.constant 0 : index
        %get3A_2033 = tpu.vector_load %arg17[%get3A_2031, %get3A_2032] {strides = array<i32>} : memref<256x32xf32, #tpu.memory_space<vmem>>, vector<16xf32>,
        %get3A_2034 = arith.index_cast %add3A_2020 : i32 to index
        %get3A_2035 = arith.constant 16 : index
        %get3A_2036 = tpu.vector_load %arg17[%get3A_2034, %get3A_2035] {strides = array<i32>} : memref<256x32xf32, #tpu.memory_space<vmem>>, vector<16xf32>,
        %get3A_2037 = arith.index_cast %add3A_2010 : i32 to index
        %get3A_2038 = arith.index_cast %squeeze3A_2022 : i32 to index
        %get3A_2039 = tpu.vector_load %arg18[%get3A_2037, %get3A_2038] {strides = array<i32>} : memref<32x128xf32, #tpu.memory_space<vmem>>, vector<16xf32>,
        %add3A_2040 = arith.constant 16 : i32
        %add3A_2041 = arith.addi %squeeze3A_2022, %add3A_2040 : i32
        %get3A_2042 = arith.index_cast %add3A_2010 : i32 to index
        %get3A_2043 = arith.index_cast %add3A_2041 : i32 to index
        %get3A_2044 = tpu.vector_load %arg18[%get3A_2042, %get3A_2043] {strides = array<i32>} : memref<32x128xf32, #tpu.memory_space<vmem>>, vector<16xf32>,
        %get3A_2045 = arith.index_cast %add3A_2010 : i32 to index
        %get3A_2046 = arith.index_cast %squeeze3A_2024 : i32 to index
        %get3A_2047 = tpu.vector_load %arg19[%get3A_2045, %get3A_2046] {strides = array<i32>} : memref<32x128xf32, #tpu.memory_space<vmem>>, vector<16xf32>,
        %add3A_2048 = arith.constant 16 : i32
        %add3A_2049 = arith.addi %squeeze3A_2024, %add3A_2048 : i32
        %get3A_2050 = arith.index_cast %add3A_2010 : i32 to index
        %get3A_2051 = arith.index_cast %add3A_2049 : i32 to index
        %get3A_2052 = tpu.vector_load %arg19[%get3A_2050, %get3A_2051] {strides = array<i32>} : memref<32x128xf32, #tpu.memory_space<vmem>>, vector<16xf32>,
        %add3A_2053 = arith.addf %get3A_2027, %get3A_2039 : vector<16xf32>
        %add3A_2054 = arith.addf %add3A_2053, %get3A_2047 : vector<16xf32>
        %sub3A_2055 = arith.subf %add3A_2054, %get3A_2033 : vector<16xf32>
        %abs3A_2056 = math.absf %sub3A_2055 : vector<16xf32>
        %sub3A_2057 = arith.constant 0.000000e+00 : f32
        %sub3A_2058 = vector.broadcast %sub3A_2057 : f32 to vector<16xf32>
        %sub3A_2059 = arith.subf %sub3A_2058, %abs3A_2056 : vector<16xf32>
        %add3A_2060 = arith.addf %get3A_2030, %get3A_2044 : vector<16xf32>
        %add3A_2061 = arith.addf %add3A_2060, %get3A_2052 : vector<16xf32>
        %sub3A_2062 = arith.subf %add3A_2061, %get3A_2036 : vector<16xf32>
        %abs3A_2063 = math.absf %sub3A_2062 : vector<16xf32>
        %sub3A_2064 = arith.subf %sub3A_2059, %abs3A_2063 : vector<16xf32>
        %broadcast_in_dim3A_2065 = arith.constant true
        %broadcast_in_dim3A_2066 = vector.broadcast %broadcast_in_dim3A_2065 : i1 to vector<16xi1>
        %masked_cumsum3A_2067 = tpu.scan <sum>, %sub3A_2064 masked %broadcast_in_dim3A_2066 : vector<16xf32>, vector<16xi1> -> vector<16xf32>
        %add3A_2068 = arith.addi %mul3A_12, %add3A_2010 : i32
        %broadcast_in_dim3A_2069 = vector.broadcast %add3A_2068 : i32 to vector<16xi32>
        tpu.vector_store_idx %arg20[%broadcast_in_dim3A_2069], %masked_cumsum3A_2067 masked %eq3A_4 : memref<512xf32, #tpu.memory_space<vmem>>[vector<16xi32>], vector<16xf32>, vector<16xi1>
        %mul3A_2070 = arith.constant 16 : i32
        %mul3A_2071 = arith.muli %scan3A_1541, %mul3A_2070 : i32
        %add3A_2072 = arith.constant 8 : i32
        %add3A_2073 = arith.addi %mul3A_2071, %add3A_2072 : i32
        %mul3A_2074 = arith.constant 8 : i32
        %mul3A_2075 = arith.muli %add3A_2073, %mul3A_2074 : i32
        %slice3A_2076 = vector.extract_strided_slice %and3A_1548 {offsets = [8], sizes = [1], strides = [1]} : vector<16xi32> to vector<1xi32>
        %squeeze3A_2077 = vector.extract %slice3A_2076[0] : i32 from vector<1xi32>
        %add3A_2078 = arith.addi %mul3A_2075, %squeeze3A_2077 : i32
        %mul3A_2079 = arith.constant 8 : i32
        %mul3A_2080 = arith.muli %add3A_2073, %mul3A_2079 : i32
        %slice3A_2081 = vector.extract_strided_slice %and3A_1553 {offsets = [8], sizes = [1], strides = [1]} : vector<16xi32> to vector<1xi32>
        %squeeze3A_2082 = vector.extract %slice3A_2081[0] : i32 from vector<1xi32>
        %add3A_2083 = arith.addi %mul3A_2080, %squeeze3A_2082 : i32
        %slice3A_2084 = vector.extract_strided_slice %shift_left3A_1561 {offsets = [8], sizes = [1], strides = [1]} : vector<16xi32> to vector<1xi32>
        %squeeze3A_2085 = vector.extract %slice3A_2084[0] : i32 from vector<1xi32>
        %slice3A_2086 = vector.extract_strided_slice %shift_left3A_1569 {offsets = [8], sizes = [1], strides = [1]} : vector<16xi32> to vector<1xi32>
        %squeeze3A_2087 = vector.extract %slice3A_2086[0] : i32 from vector<1xi32>
        %get3A_2088 = arith.index_cast %add3A_2078 : i32 to index
        %get3A_2089 = arith.constant 0 : index
        %get3A_2090 = tpu.vector_load %arg16[%get3A_2088, %get3A_2089] {strides = array<i32>} : memref<256x32xf32, #tpu.memory_space<vmem>>, vector<16xf32>,
        %get3A_2091 = arith.index_cast %add3A_2078 : i32 to index
        %get3A_2092 = arith.constant 16 : index
        %get3A_2093 = tpu.vector_load %arg16[%get3A_2091, %get3A_2092] {strides = array<i32>} : memref<256x32xf32, #tpu.memory_space<vmem>>, vector<16xf32>,
        %get3A_2094 = arith.index_cast %add3A_2083 : i32 to index
        %get3A_2095 = arith.constant 0 : index
        %get3A_2096 = tpu.vector_load %arg17[%get3A_2094, %get3A_2095] {strides = array<i32>} : memref<256x32xf32, #tpu.memory_space<vmem>>, vector<16xf32>,
        %get3A_2097 = arith.index_cast %add3A_2083 : i32 to index
        %get3A_2098 = arith.constant 16 : index
        %get3A_2099 = tpu.vector_load %arg17[%get3A_2097, %get3A_2098] {strides = array<i32>} : memref<256x32xf32, #tpu.memory_space<vmem>>, vector<16xf32>,
        %get3A_2100 = arith.index_cast %add3A_2073 : i32 to index
        %get3A_2101 = arith.index_cast %squeeze3A_2085 : i32 to index
        %get3A_2102 = tpu.vector_load %arg18[%get3A_2100, %get3A_2101] {strides = array<i32>} : memref<32x128xf32, #tpu.memory_space<vmem>>, vector<16xf32>,
        %add3A_2103 = arith.constant 16 : i32
        %add3A_2104 = arith.addi %squeeze3A_2085, %add3A_2103 : i32
        %get3A_2105 = arith.index_cast %add3A_2073 : i32 to index
        %get3A_2106 = arith.index_cast %add3A_2104 : i32 to index
        %get3A_2107 = tpu.vector_load %arg18[%get3A_2105, %get3A_2106] {strides = array<i32>} : memref<32x128xf32, #tpu.memory_space<vmem>>, vector<16xf32>,
        %get3A_2108 = arith.index_cast %add3A_2073 : i32 to index
        %get3A_2109 = arith.index_cast %squeeze3A_2087 : i32 to index
        %get3A_2110 = tpu.vector_load %arg19[%get3A_2108, %get3A_2109] {strides = array<i32>} : memref<32x128xf32, #tpu.memory_space<vmem>>, vector<16xf32>,
        %add3A_2111 = arith.constant 16 : i32
        %add3A_2112 = arith.addi %squeeze3A_2087, %add3A_2111 : i32
        %get3A_2113 = arith.index_cast %add3A_2073 : i32 to index
        %get3A_2114 = arith.index_cast %add3A_2112 : i32 to index
        %get3A_2115 = tpu.vector_load %arg19[%get3A_2113, %get3A_2114] {strides = array<i32>} : memref<32x128xf32, #tpu.memory_space<vmem>>, vector<16xf32>,
        %add3A_2116 = arith.addf %get3A_2090, %get3A_2102 : vector<16xf32>
        %add3A_2117 = arith.addf %add3A_2116, %get3A_2110 : vector<16xf32>
        %sub3A_2118 = arith.subf %add3A_2117, %get3A_2096 : vector<16xf32>
        %abs3A_2119 = math.absf %sub3A_2118 : vector<16xf32>
        %sub3A_2120 = arith.constant 0.000000e+00 : f32
        %sub3A_2121 = vector.broadcast %sub3A_2120 : f32 to vector<16xf32>
        %sub3A_2122 = arith.subf %sub3A_2121, %abs3A_2119 : vector<16xf32>
        %add3A_2123 = arith.addf %get3A_2093, %get3A_2107 : vector<16xf32>
        %add3A_2124 = arith.addf %add3A_2123, %get3A_2115 : vector<16xf32>
        %sub3A_2125 = arith.subf %add3A_2124, %get3A_2099 : vector<16xf32>
        %abs3A_2126 = math.absf %sub3A_2125 : vector<16xf32>
        %sub3A_2127 = arith.subf %sub3A_2122, %abs3A_2126 : vector<16xf32>
        %broadcast_in_dim3A_2128 = arith.constant true
        %broadcast_in_dim3A_2129 = vector.broadcast %broadcast_in_dim3A_2128 : i1 to vector<16xi1>
        %masked_cumsum3A_2130 = tpu.scan <sum>, %sub3A_2127 masked %broadcast_in_dim3A_2129 : vector<16xf32>, vector<16xi1> -> vector<16xf32>
        %add3A_2131 = arith.addi %mul3A_12, %add3A_2073 : i32
        %broadcast_in_dim3A_2132 = vector.broadcast %add3A_2131 : i32 to vector<16xi32>
        tpu.vector_store_idx %arg20[%broadcast_in_dim3A_2132], %masked_cumsum3A_2130 masked %eq3A_4 : memref<512xf32, #tpu.memory_space<vmem>>[vector<16xi32>], vector<16xf32>, vector<16xi1>
        %mul3A_2133 = arith.constant 16 : i32
        %mul3A_2134 = arith.muli %scan3A_1541, %mul3A_2133 : i32
        %add3A_2135 = arith.constant 9 : i32
        %add3A_2136 = arith.addi %mul3A_2134, %add3A_2135 : i32
        %mul3A_2137 = arith.constant 8 : i32
        %mul3A_2138 = arith.muli %add3A_2136, %mul3A_2137 : i32
        %slice3A_2139 = vector.extract_strided_slice %and3A_1548 {offsets = [9], sizes = [1], strides = [1]} : vector<16xi32> to vector<1xi32>
        %squeeze3A_2140 = vector.extract %slice3A_2139[0] : i32 from vector<1xi32>
        %add3A_2141 = arith.addi %mul3A_2138, %squeeze3A_2140 : i32
        %mul3A_2142 = arith.constant 8 : i32
        %mul3A_2143 = arith.muli %add3A_2136, %mul3A_2142 : i32
        %slice3A_2144 = vector.extract_strided_slice %and3A_1553 {offsets = [9], sizes = [1], strides = [1]} : vector<16xi32> to vector<1xi32>
        %squeeze3A_2145 = vector.extract %slice3A_2144[0] : i32 from vector<1xi32>
        %add3A_2146 = arith.addi %mul3A_2143, %squeeze3A_2145 : i32
        %slice3A_2147 = vector.extract_strided_slice %shift_left3A_1561 {offsets = [9], sizes = [1], strides = [1]} : vector<16xi32> to vector<1xi32>
        %squeeze3A_2148 = vector.extract %slice3A_2147[0] : i32 from vector<1xi32>
        %slice3A_2149 = vector.extract_strided_slice %shift_left3A_1569 {offsets = [9], sizes = [1], strides = [1]} : vector<16xi32> to vector<1xi32>
        %squeeze3A_2150 = vector.extract %slice3A_2149[0] : i32 from vector<1xi32>
        %get3A_2151 = arith.index_cast %add3A_2141 : i32 to index
        %get3A_2152 = arith.constant 0 : index
        %get3A_2153 = tpu.vector_load %arg16[%get3A_2151, %get3A_2152] {strides = array<i32>} : memref<256x32xf32, #tpu.memory_space<vmem>>, vector<16xf32>,
        %get3A_2154 = arith.index_cast %add3A_2141 : i32 to index
        %get3A_2155 = arith.constant 16 : index
        %get3A_2156 = tpu.vector_load %arg16[%get3A_2154, %get3A_2155] {strides = array<i32>} : memref<256x32xf32, #tpu.memory_space<vmem>>, vector<16xf32>,
        %get3A_2157 = arith.index_cast %add3A_2146 : i32 to index
        %get3A_2158 = arith.constant 0 : index
        %get3A_2159 = tpu.vector_load %arg17[%get3A_2157, %get3A_2158] {strides = array<i32>} : memref<256x32xf32, #tpu.memory_space<vmem>>, vector<16xf32>,
        %get3A_2160 = arith.index_cast %add3A_2146 : i32 to index
        %get3A_2161 = arith.constant 16 : index
        %get3A_2162 = tpu.vector_load %arg17[%get3A_2160, %get3A_2161] {strides = array<i32>} : memref<256x32xf32, #tpu.memory_space<vmem>>, vector<16xf32>,
        %get3A_2163 = arith.index_cast %add3A_2136 : i32 to index
        %get3A_2164 = arith.index_cast %squeeze3A_2148 : i32 to index
        %get3A_2165 = tpu.vector_load %arg18[%get3A_2163, %get3A_2164] {strides = array<i32>} : memref<32x128xf32, #tpu.memory_space<vmem>>, vector<16xf32>,
        %add3A_2166 = arith.constant 16 : i32
        %add3A_2167 = arith.addi %squeeze3A_2148, %add3A_2166 : i32
        %get3A_2168 = arith.index_cast %add3A_2136 : i32 to index
        %get3A_2169 = arith.index_cast %add3A_2167 : i32 to index
        %get3A_2170 = tpu.vector_load %arg18[%get3A_2168, %get3A_2169] {strides = array<i32>} : memref<32x128xf32, #tpu.memory_space<vmem>>, vector<16xf32>,
        %get3A_2171 = arith.index_cast %add3A_2136 : i32 to index
        %get3A_2172 = arith.index_cast %squeeze3A_2150 : i32 to index
        %get3A_2173 = tpu.vector_load %arg19[%get3A_2171, %get3A_2172] {strides = array<i32>} : memref<32x128xf32, #tpu.memory_space<vmem>>, vector<16xf32>,
        %add3A_2174 = arith.constant 16 : i32
        %add3A_2175 = arith.addi %squeeze3A_2150, %add3A_2174 : i32
        %get3A_2176 = arith.index_cast %add3A_2136 : i32 to index
        %get3A_2177 = arith.index_cast %add3A_2175 : i32 to index
        %get3A_2178 = tpu.vector_load %arg19[%get3A_2176, %get3A_2177] {strides = array<i32>} : memref<32x128xf32, #tpu.memory_space<vmem>>, vector<16xf32>,
        %add3A_2179 = arith.addf %get3A_2153, %get3A_2165 : vector<16xf32>
        %add3A_2180 = arith.addf %add3A_2179, %get3A_2173 : vector<16xf32>
        %sub3A_2181 = arith.subf %add3A_2180, %get3A_2159 : vector<16xf32>
        %abs3A_2182 = math.absf %sub3A_2181 : vector<16xf32>
        %sub3A_2183 = arith.constant 0.000000e+00 : f32
        %sub3A_2184 = vector.broadcast %sub3A_2183 : f32 to vector<16xf32>
        %sub3A_2185 = arith.subf %sub3A_2184, %abs3A_2182 : vector<16xf32>
        %add3A_2186 = arith.addf %get3A_2156, %get3A_2170 : vector<16xf32>
        %add3A_2187 = arith.addf %add3A_2186, %get3A_2178 : vector<16xf32>
        %sub3A_2188 = arith.subf %add3A_2187, %get3A_2162 : vector<16xf32>
        %abs3A_2189 = math.absf %sub3A_2188 : vector<16xf32>
        %sub3A_2190 = arith.subf %sub3A_2185, %abs3A_2189 : vector<16xf32>
        %broadcast_in_dim3A_2191 = arith.constant true
        %broadcast_in_dim3A_2192 = vector.broadcast %broadcast_in_dim3A_2191 : i1 to vector<16xi1>
        %masked_cumsum3A_2193 = tpu.scan <sum>, %sub3A_2190 masked %broadcast_in_dim3A_2192 : vector<16xf32>, vector<16xi1> -> vector<16xf32>
        %add3A_2194 = arith.addi %mul3A_12, %add3A_2136 : i32
        %broadcast_in_dim3A_2195 = vector.broadcast %add3A_2194 : i32 to vector<16xi32>
        tpu.vector_store_idx %arg20[%broadcast_in_dim3A_2195], %masked_cumsum3A_2193 masked %eq3A_4 : memref<512xf32, #tpu.memory_space<vmem>>[vector<16xi32>], vector<16xf32>, vector<16xi1>
        %mul3A_2196 = arith.constant 16 : i32
        %mul3A_2197 = arith.muli %scan3A_1541, %mul3A_2196 : i32
        %add3A_2198 = arith.constant 10 : i32
        %add3A_2199 = arith.addi %mul3A_2197, %add3A_2198 : i32
        %mul3A_2200 = arith.constant 8 : i32
        %mul3A_2201 = arith.muli %add3A_2199, %mul3A_2200 : i32
        %slice3A_2202 = vector.extract_strided_slice %and3A_1548 {offsets = [10], sizes = [1], strides = [1]} : vector<16xi32> to vector<1xi32>
        %squeeze3A_2203 = vector.extract %slice3A_2202[0] : i32 from vector<1xi32>
        %add3A_2204 = arith.addi %mul3A_2201, %squeeze3A_2203 : i32
        %mul3A_2205 = arith.constant 8 : i32
        %mul3A_2206 = arith.muli %add3A_2199, %mul3A_2205 : i32
        %slice3A_2207 = vector.extract_strided_slice %and3A_1553 {offsets = [10], sizes = [1], strides = [1]} : vector<16xi32> to vector<1xi32>
        %squeeze3A_2208 = vector.extract %slice3A_2207[0] : i32 from vector<1xi32>
        %add3A_2209 = arith.addi %mul3A_2206, %squeeze3A_2208 : i32
        %slice3A_2210 = vector.extract_strided_slice %shift_left3A_1561 {offsets = [10], sizes = [1], strides = [1]} : vector<16xi32> to vector<1xi32>
        %squeeze3A_2211 = vector.extract %slice3A_2210[0] : i32 from vector<1xi32>
        %slice3A_2212 = vector.extract_strided_slice %shift_left3A_1569 {offsets = [10], sizes = [1], strides = [1]} : vector<16xi32> to vector<1xi32>
        %squeeze3A_2213 = vector.extract %slice3A_2212[0] : i32 from vector<1xi32>
        %get3A_2214 = arith.index_cast %add3A_2204 : i32 to index
        %get3A_2215 = arith.constant 0 : index
        %get3A_2216 = tpu.vector_load %arg16[%get3A_2214, %get3A_2215] {strides = array<i32>} : memref<256x32xf32, #tpu.memory_space<vmem>>, vector<16xf32>,
        %get3A_2217 = arith.index_cast %add3A_2204 : i32 to index
        %get3A_2218 = arith.constant 16 : index
        %get3A_2219 = tpu.vector_load %arg16[%get3A_2217, %get3A_2218] {strides = array<i32>} : memref<256x32xf32, #tpu.memory_space<vmem>>, vector<16xf32>,
        %get3A_2220 = arith.index_cast %add3A_2209 : i32 to index
        %get3A_2221 = arith.constant 0 : index
        %get3A_2222 = tpu.vector_load %arg17[%get3A_2220, %get3A_2221] {strides = array<i32>} : memref<256x32xf32, #tpu.memory_space<vmem>>, vector<16xf32>,
        %get3A_2223 = arith.index_cast %add3A_2209 : i32 to index
        %get3A_2224 = arith.constant 16 : index
        %get3A_2225 = tpu.vector_load %arg17[%get3A_2223, %get3A_2224] {strides = array<i32>} : memref<256x32xf32, #tpu.memory_space<vmem>>, vector<16xf32>,
        %get3A_2226 = arith.index_cast %add3A_2199 : i32 to index
        %get3A_2227 = arith.index_cast %squeeze3A_2211 : i32 to index
        %get3A_2228 = tpu.vector_load %arg18[%get3A_2226, %get3A_2227] {strides = array<i32>} : memref<32x128xf32, #tpu.memory_space<vmem>>, vector<16xf32>,
        %add3A_2229 = arith.constant 16 : i32
        %add3A_2230 = arith.addi %squeeze3A_2211, %add3A_2229 : i32
        %get3A_2231 = arith.index_cast %add3A_2199 : i32 to index
        %get3A_2232 = arith.index_cast %add3A_2230 : i32 to index
        %get3A_2233 = tpu.vector_load %arg18[%get3A_2231, %get3A_2232] {strides = array<i32>} : memref<32x128xf32, #tpu.memory_space<vmem>>, vector<16xf32>,
        %get3A_2234 = arith.index_cast %add3A_2199 : i32 to index
        %get3A_2235 = arith.index_cast %squeeze3A_2213 : i32 to index
        %get3A_2236 = tpu.vector_load %arg19[%get3A_2234, %get3A_2235] {strides = array<i32>} : memref<32x128xf32, #tpu.memory_space<vmem>>, vector<16xf32>,
        %add3A_2237 = arith.constant 16 : i32
        %add3A_2238 = arith.addi %squeeze3A_2213, %add3A_2237 : i32
        %get3A_2239 = arith.index_cast %add3A_2199 : i32 to index
        %get3A_2240 = arith.index_cast %add3A_2238 : i32 to index
        %get3A_2241 = tpu.vector_load %arg19[%get3A_2239, %get3A_2240] {strides = array<i32>} : memref<32x128xf32, #tpu.memory_space<vmem>>, vector<16xf32>,
        %add3A_2242 = arith.addf %get3A_2216, %get3A_2228 : vector<16xf32>
        %add3A_2243 = arith.addf %add3A_2242, %get3A_2236 : vector<16xf32>
        %sub3A_2244 = arith.subf %add3A_2243, %get3A_2222 : vector<16xf32>
        %abs3A_2245 = math.absf %sub3A_2244 : vector<16xf32>
        %sub3A_2246 = arith.constant 0.000000e+00 : f32
        %sub3A_2247 = vector.broadcast %sub3A_2246 : f32 to vector<16xf32>
        %sub3A_2248 = arith.subf %sub3A_2247, %abs3A_2245 : vector<16xf32>
        %add3A_2249 = arith.addf %get3A_2219, %get3A_2233 : vector<16xf32>
        %add3A_2250 = arith.addf %add3A_2249, %get3A_2241 : vector<16xf32>
        %sub3A_2251 = arith.subf %add3A_2250, %get3A_2225 : vector<16xf32>
        %abs3A_2252 = math.absf %sub3A_2251 : vector<16xf32>
        %sub3A_2253 = arith.subf %sub3A_2248, %abs3A_2252 : vector<16xf32>
        %broadcast_in_dim3A_2254 = arith.constant true
        %broadcast_in_dim3A_2255 = vector.broadcast %broadcast_in_dim3A_2254 : i1 to vector<16xi1>
        %masked_cumsum3A_2256 = tpu.scan <sum>, %sub3A_2253 masked %broadcast_in_dim3A_2255 : vector<16xf32>, vector<16xi1> -> vector<16xf32>
        %add3A_2257 = arith.addi %mul3A_12, %add3A_2199 : i32
        %broadcast_in_dim3A_2258 = vector.broadcast %add3A_2257 : i32 to vector<16xi32>
        tpu.vector_store_idx %arg20[%broadcast_in_dim3A_2258], %masked_cumsum3A_2256 masked %eq3A_4 : memref<512xf32, #tpu.memory_space<vmem>>[vector<16xi32>], vector<16xf32>, vector<16xi1>
        %mul3A_2259 = arith.constant 16 : i32
        %mul3A_2260 = arith.muli %scan3A_1541, %mul3A_2259 : i32
        %add3A_2261 = arith.constant 11 : i32
        %add3A_2262 = arith.addi %mul3A_2260, %add3A_2261 : i32
        %mul3A_2263 = arith.constant 8 : i32
        %mul3A_2264 = arith.muli %add3A_2262, %mul3A_2263 : i32
        %slice3A_2265 = vector.extract_strided_slice %and3A_1548 {offsets = [11], sizes = [1], strides = [1]} : vector<16xi32> to vector<1xi32>
        %squeeze3A_2266 = vector.extract %slice3A_2265[0] : i32 from vector<1xi32>
        %add3A_2267 = arith.addi %mul3A_2264, %squeeze3A_2266 : i32
        %mul3A_2268 = arith.constant 8 : i32
        %mul3A_2269 = arith.muli %add3A_2262, %mul3A_2268 : i32
        %slice3A_2270 = vector.extract_strided_slice %and3A_1553 {offsets = [11], sizes = [1], strides = [1]} : vector<16xi32> to vector<1xi32>
        %squeeze3A_2271 = vector.extract %slice3A_2270[0] : i32 from vector<1xi32>
        %add3A_2272 = arith.addi %mul3A_2269, %squeeze3A_2271 : i32
        %slice3A_2273 = vector.extract_strided_slice %shift_left3A_1561 {offsets = [11], sizes = [1], strides = [1]} : vector<16xi32> to vector<1xi32>
        %squeeze3A_2274 = vector.extract %slice3A_2273[0] : i32 from vector<1xi32>
        %slice3A_2275 = vector.extract_strided_slice %shift_left3A_1569 {offsets = [11], sizes = [1], strides = [1]} : vector<16xi32> to vector<1xi32>
        %squeeze3A_2276 = vector.extract %slice3A_2275[0] : i32 from vector<1xi32>
        %get3A_2277 = arith.index_cast %add3A_2267 : i32 to index
        %get3A_2278 = arith.constant 0 : index
        %get3A_2279 = tpu.vector_load %arg16[%get3A_2277, %get3A_2278] {strides = array<i32>} : memref<256x32xf32, #tpu.memory_space<vmem>>, vector<16xf32>,
        %get3A_2280 = arith.index_cast %add3A_2267 : i32 to index
        %get3A_2281 = arith.constant 16 : index
        %get3A_2282 = tpu.vector_load %arg16[%get3A_2280, %get3A_2281] {strides = array<i32>} : memref<256x32xf32, #tpu.memory_space<vmem>>, vector<16xf32>,
        %get3A_2283 = arith.index_cast %add3A_2272 : i32 to index
        %get3A_2284 = arith.constant 0 : index
        %get3A_2285 = tpu.vector_load %arg17[%get3A_2283, %get3A_2284] {strides = array<i32>} : memref<256x32xf32, #tpu.memory_space<vmem>>, vector<16xf32>,
        %get3A_2286 = arith.index_cast %add3A_2272 : i32 to index
        %get3A_2287 = arith.constant 16 : index
        %get3A_2288 = tpu.vector_load %arg17[%get3A_2286, %get3A_2287] {strides = array<i32>} : memref<256x32xf32, #tpu.memory_space<vmem>>, vector<16xf32>,
        %get3A_2289 = arith.index_cast %add3A_2262 : i32 to index
        %get3A_2290 = arith.index_cast %squeeze3A_2274 : i32 to index
        %get3A_2291 = tpu.vector_load %arg18[%get3A_2289, %get3A_2290] {strides = array<i32>} : memref<32x128xf32, #tpu.memory_space<vmem>>, vector<16xf32>,
        %add3A_2292 = arith.constant 16 : i32
        %add3A_2293 = arith.addi %squeeze3A_2274, %add3A_2292 : i32
        %get3A_2294 = arith.index_cast %add3A_2262 : i32 to index
        %get3A_2295 = arith.index_cast %add3A_2293 : i32 to index
        %get3A_2296 = tpu.vector_load %arg18[%get3A_2294, %get3A_2295] {strides = array<i32>} : memref<32x128xf32, #tpu.memory_space<vmem>>, vector<16xf32>,
        %get3A_2297 = arith.index_cast %add3A_2262 : i32 to index
        %get3A_2298 = arith.index_cast %squeeze3A_2276 : i32 to index
        %get3A_2299 = tpu.vector_load %arg19[%get3A_2297, %get3A_2298] {strides = array<i32>} : memref<32x128xf32, #tpu.memory_space<vmem>>, vector<16xf32>,
        %add3A_2300 = arith.constant 16 : i32
        %add3A_2301 = arith.addi %squeeze3A_2276, %add3A_2300 : i32
        %get3A_2302 = arith.index_cast %add3A_2262 : i32 to index
        %get3A_2303 = arith.index_cast %add3A_2301 : i32 to index
        %get3A_2304 = tpu.vector_load %arg19[%get3A_2302, %get3A_2303] {strides = array<i32>} : memref<32x128xf32, #tpu.memory_space<vmem>>, vector<16xf32>,
        %add3A_2305 = arith.addf %get3A_2279, %get3A_2291 : vector<16xf32>
        %add3A_2306 = arith.addf %add3A_2305, %get3A_2299 : vector<16xf32>
        %sub3A_2307 = arith.subf %add3A_2306, %get3A_2285 : vector<16xf32>
        %abs3A_2308 = math.absf %sub3A_2307 : vector<16xf32>
        %sub3A_2309 = arith.constant 0.000000e+00 : f32
        %sub3A_2310 = vector.broadcast %sub3A_2309 : f32 to vector<16xf32>
        %sub3A_2311 = arith.subf %sub3A_2310, %abs3A_2308 : vector<16xf32>
        %add3A_2312 = arith.addf %get3A_2282, %get3A_2296 : vector<16xf32>
        %add3A_2313 = arith.addf %add3A_2312, %get3A_2304 : vector<16xf32>
        %sub3A_2314 = arith.subf %add3A_2313, %get3A_2288 : vector<16xf32>
        %abs3A_2315 = math.absf %sub3A_2314 : vector<16xf32>
        %sub3A_2316 = arith.subf %sub3A_2311, %abs3A_2315 : vector<16xf32>
        %broadcast_in_dim3A_2317 = arith.constant true
        %broadcast_in_dim3A_2318 = vector.broadcast %broadcast_in_dim3A_2317 : i1 to vector<16xi1>
        %masked_cumsum3A_2319 = tpu.scan <sum>, %sub3A_2316 masked %broadcast_in_dim3A_2318 : vector<16xf32>, vector<16xi1> -> vector<16xf32>
        %add3A_2320 = arith.addi %mul3A_12, %add3A_2262 : i32
        %broadcast_in_dim3A_2321 = vector.broadcast %add3A_2320 : i32 to vector<16xi32>
        tpu.vector_store_idx %arg20[%broadcast_in_dim3A_2321], %masked_cumsum3A_2319 masked %eq3A_4 : memref<512xf32, #tpu.memory_space<vmem>>[vector<16xi32>], vector<16xf32>, vector<16xi1>
        %mul3A_2322 = arith.constant 16 : i32
        %mul3A_2323 = arith.muli %scan3A_1541, %mul3A_2322 : i32
        %add3A_2324 = arith.constant 12 : i32
        %add3A_2325 = arith.addi %mul3A_2323, %add3A_2324 : i32
        %mul3A_2326 = arith.constant 8 : i32
        %mul3A_2327 = arith.muli %add3A_2325, %mul3A_2326 : i32
        %slice3A_2328 = vector.extract_strided_slice %and3A_1548 {offsets = [12], sizes = [1], strides = [1]} : vector<16xi32> to vector<1xi32>
        %squeeze3A_2329 = vector.extract %slice3A_2328[0] : i32 from vector<1xi32>
        %add3A_2330 = arith.addi %mul3A_2327, %squeeze3A_2329 : i32
        %mul3A_2331 = arith.constant 8 : i32
        %mul3A_2332 = arith.muli %add3A_2325, %mul3A_2331 : i32
        %slice3A_2333 = vector.extract_strided_slice %and3A_1553 {offsets = [12], sizes = [1], strides = [1]} : vector<16xi32> to vector<1xi32>
        %squeeze3A_2334 = vector.extract %slice3A_2333[0] : i32 from vector<1xi32>
        %add3A_2335 = arith.addi %mul3A_2332, %squeeze3A_2334 : i32
        %slice3A_2336 = vector.extract_strided_slice %shift_left3A_1561 {offsets = [12], sizes = [1], strides = [1]} : vector<16xi32> to vector<1xi32>
        %squeeze3A_2337 = vector.extract %slice3A_2336[0] : i32 from vector<1xi32>
        %slice3A_2338 = vector.extract_strided_slice %shift_left3A_1569 {offsets = [12], sizes = [1], strides = [1]} : vector<16xi32> to vector<1xi32>
        %squeeze3A_2339 = vector.extract %slice3A_2338[0] : i32 from vector<1xi32>
        %get3A_2340 = arith.index_cast %add3A_2330 : i32 to index
        %get3A_2341 = arith.constant 0 : index
        %get3A_2342 = tpu.vector_load %arg16[%get3A_2340, %get3A_2341] {strides = array<i32>} : memref<256x32xf32, #tpu.memory_space<vmem>>, vector<16xf32>,
        %get3A_2343 = arith.index_cast %add3A_2330 : i32 to index
        %get3A_2344 = arith.constant 16 : index
        %get3A_2345 = tpu.vector_load %arg16[%get3A_2343, %get3A_2344] {strides = array<i32>} : memref<256x32xf32, #tpu.memory_space<vmem>>, vector<16xf32>,
        %get3A_2346 = arith.index_cast %add3A_2335 : i32 to index
        %get3A_2347 = arith.constant 0 : index
        %get3A_2348 = tpu.vector_load %arg17[%get3A_2346, %get3A_2347] {strides = array<i32>} : memref<256x32xf32, #tpu.memory_space<vmem>>, vector<16xf32>,
        %get3A_2349 = arith.index_cast %add3A_2335 : i32 to index
        %get3A_2350 = arith.constant 16 : index
        %get3A_2351 = tpu.vector_load %arg17[%get3A_2349, %get3A_2350] {strides = array<i32>} : memref<256x32xf32, #tpu.memory_space<vmem>>, vector<16xf32>,
        %get3A_2352 = arith.index_cast %add3A_2325 : i32 to index
        %get3A_2353 = arith.index_cast %squeeze3A_2337 : i32 to index
        %get3A_2354 = tpu.vector_load %arg18[%get3A_2352, %get3A_2353] {strides = array<i32>} : memref<32x128xf32, #tpu.memory_space<vmem>>, vector<16xf32>,
        %add3A_2355 = arith.constant 16 : i32
        %add3A_2356 = arith.addi %squeeze3A_2337, %add3A_2355 : i32
        %get3A_2357 = arith.index_cast %add3A_2325 : i32 to index
        %get3A_2358 = arith.index_cast %add3A_2356 : i32 to index
        %get3A_2359 = tpu.vector_load %arg18[%get3A_2357, %get3A_2358] {strides = array<i32>} : memref<32x128xf32, #tpu.memory_space<vmem>>, vector<16xf32>,
        %get3A_2360 = arith.index_cast %add3A_2325 : i32 to index
        %get3A_2361 = arith.index_cast %squeeze3A_2339 : i32 to index
        %get3A_2362 = tpu.vector_load %arg19[%get3A_2360, %get3A_2361] {strides = array<i32>} : memref<32x128xf32, #tpu.memory_space<vmem>>, vector<16xf32>,
        %add3A_2363 = arith.constant 16 : i32
        %add3A_2364 = arith.addi %squeeze3A_2339, %add3A_2363 : i32
        %get3A_2365 = arith.index_cast %add3A_2325 : i32 to index
        %get3A_2366 = arith.index_cast %add3A_2364 : i32 to index
        %get3A_2367 = tpu.vector_load %arg19[%get3A_2365, %get3A_2366] {strides = array<i32>} : memref<32x128xf32, #tpu.memory_space<vmem>>, vector<16xf32>,
        %add3A_2368 = arith.addf %get3A_2342, %get3A_2354 : vector<16xf32>
        %add3A_2369 = arith.addf %add3A_2368, %get3A_2362 : vector<16xf32>
        %sub3A_2370 = arith.subf %add3A_2369, %get3A_2348 : vector<16xf32>
        %abs3A_2371 = math.absf %sub3A_2370 : vector<16xf32>
        %sub3A_2372 = arith.constant 0.000000e+00 : f32
        %sub3A_2373 = vector.broadcast %sub3A_2372 : f32 to vector<16xf32>
        %sub3A_2374 = arith.subf %sub3A_2373, %abs3A_2371 : vector<16xf32>
        %add3A_2375 = arith.addf %get3A_2345, %get3A_2359 : vector<16xf32>
        %add3A_2376 = arith.addf %add3A_2375, %get3A_2367 : vector<16xf32>
        %sub3A_2377 = arith.subf %add3A_2376, %get3A_2351 : vector<16xf32>
        %abs3A_2378 = math.absf %sub3A_2377 : vector<16xf32>
        %sub3A_2379 = arith.subf %sub3A_2374, %abs3A_2378 : vector<16xf32>
        %broadcast_in_dim3A_2380 = arith.constant true
        %broadcast_in_dim3A_2381 = vector.broadcast %broadcast_in_dim3A_2380 : i1 to vector<16xi1>
        %masked_cumsum3A_2382 = tpu.scan <sum>, %sub3A_2379 masked %broadcast_in_dim3A_2381 : vector<16xf32>, vector<16xi1> -> vector<16xf32>
        %add3A_2383 = arith.addi %mul3A_12, %add3A_2325 : i32
        %broadcast_in_dim3A_2384 = vector.broadcast %add3A_2383 : i32 to vector<16xi32>
        tpu.vector_store_idx %arg20[%broadcast_in_dim3A_2384], %masked_cumsum3A_2382 masked %eq3A_4 : memref<512xf32, #tpu.memory_space<vmem>>[vector<16xi32>], vector<16xf32>, vector<16xi1>
        %mul3A_2385 = arith.constant 16 : i32
        %mul3A_2386 = arith.muli %scan3A_1541, %mul3A_2385 : i32
        %add3A_2387 = arith.constant 13 : i32
        %add3A_2388 = arith.addi %mul3A_2386, %add3A_2387 : i32
        %mul3A_2389 = arith.constant 8 : i32
        %mul3A_2390 = arith.muli %add3A_2388, %mul3A_2389 : i32
        %slice3A_2391 = vector.extract_strided_slice %and3A_1548 {offsets = [13], sizes = [1], strides = [1]} : vector<16xi32> to vector<1xi32>
        %squeeze3A_2392 = vector.extract %slice3A_2391[0] : i32 from vector<1xi32>
        %add3A_2393 = arith.addi %mul3A_2390, %squeeze3A_2392 : i32
        %mul3A_2394 = arith.constant 8 : i32
        %mul3A_2395 = arith.muli %add3A_2388, %mul3A_2394 : i32
        %slice3A_2396 = vector.extract_strided_slice %and3A_1553 {offsets = [13], sizes = [1], strides = [1]} : vector<16xi32> to vector<1xi32>
        %squeeze3A_2397 = vector.extract %slice3A_2396[0] : i32 from vector<1xi32>
        %add3A_2398 = arith.addi %mul3A_2395, %squeeze3A_2397 : i32
        %slice3A_2399 = vector.extract_strided_slice %shift_left3A_1561 {offsets = [13], sizes = [1], strides = [1]} : vector<16xi32> to vector<1xi32>
        %squeeze3A_2400 = vector.extract %slice3A_2399[0] : i32 from vector<1xi32>
        %slice3A_2401 = vector.extract_strided_slice %shift_left3A_1569 {offsets = [13], sizes = [1], strides = [1]} : vector<16xi32> to vector<1xi32>
        %squeeze3A_2402 = vector.extract %slice3A_2401[0] : i32 from vector<1xi32>
        %get3A_2403 = arith.index_cast %add3A_2393 : i32 to index
        %get3A_2404 = arith.constant 0 : index
        %get3A_2405 = tpu.vector_load %arg16[%get3A_2403, %get3A_2404] {strides = array<i32>} : memref<256x32xf32, #tpu.memory_space<vmem>>, vector<16xf32>,
        %get3A_2406 = arith.index_cast %add3A_2393 : i32 to index
        %get3A_2407 = arith.constant 16 : index
        %get3A_2408 = tpu.vector_load %arg16[%get3A_2406, %get3A_2407] {strides = array<i32>} : memref<256x32xf32, #tpu.memory_space<vmem>>, vector<16xf32>,
        %get3A_2409 = arith.index_cast %add3A_2398 : i32 to index
        %get3A_2410 = arith.constant 0 : index
        %get3A_2411 = tpu.vector_load %arg17[%get3A_2409, %get3A_2410] {strides = array<i32>} : memref<256x32xf32, #tpu.memory_space<vmem>>, vector<16xf32>,
        %get3A_2412 = arith.index_cast %add3A_2398 : i32 to index
        %get3A_2413 = arith.constant 16 : index
        %get3A_2414 = tpu.vector_load %arg17[%get3A_2412, %get3A_2413] {strides = array<i32>} : memref<256x32xf32, #tpu.memory_space<vmem>>, vector<16xf32>,
        %get3A_2415 = arith.index_cast %add3A_2388 : i32 to index
        %get3A_2416 = arith.index_cast %squeeze3A_2400 : i32 to index
        %get3A_2417 = tpu.vector_load %arg18[%get3A_2415, %get3A_2416] {strides = array<i32>} : memref<32x128xf32, #tpu.memory_space<vmem>>, vector<16xf32>,
        %add3A_2418 = arith.constant 16 : i32
        %add3A_2419 = arith.addi %squeeze3A_2400, %add3A_2418 : i32
        %get3A_2420 = arith.index_cast %add3A_2388 : i32 to index
        %get3A_2421 = arith.index_cast %add3A_2419 : i32 to index
        %get3A_2422 = tpu.vector_load %arg18[%get3A_2420, %get3A_2421] {strides = array<i32>} : memref<32x128xf32, #tpu.memory_space<vmem>>, vector<16xf32>,
        %get3A_2423 = arith.index_cast %add3A_2388 : i32 to index
        %get3A_2424 = arith.index_cast %squeeze3A_2402 : i32 to index
        %get3A_2425 = tpu.vector_load %arg19[%get3A_2423, %get3A_2424] {strides = array<i32>} : memref<32x128xf32, #tpu.memory_space<vmem>>, vector<16xf32>,
        %add3A_2426 = arith.constant 16 : i32
        %add3A_2427 = arith.addi %squeeze3A_2402, %add3A_2426 : i32
        %get3A_2428 = arith.index_cast %add3A_2388 : i32 to index
        %get3A_2429 = arith.index_cast %add3A_2427 : i32 to index
        %get3A_2430 = tpu.vector_load %arg19[%get3A_2428, %get3A_2429] {strides = array<i32>} : memref<32x128xf32, #tpu.memory_space<vmem>>, vector<16xf32>,
        %add3A_2431 = arith.addf %get3A_2405, %get3A_2417 : vector<16xf32>
        %add3A_2432 = arith.addf %add3A_2431, %get3A_2425 : vector<16xf32>
        %sub3A_2433 = arith.subf %add3A_2432, %get3A_2411 : vector<16xf32>
        %abs3A_2434 = math.absf %sub3A_2433 : vector<16xf32>
        %sub3A_2435 = arith.constant 0.000000e+00 : f32
        %sub3A_2436 = vector.broadcast %sub3A_2435 : f32 to vector<16xf32>
        %sub3A_2437 = arith.subf %sub3A_2436, %abs3A_2434 : vector<16xf32>
        %add3A_2438 = arith.addf %get3A_2408, %get3A_2422 : vector<16xf32>
        %add3A_2439 = arith.addf %add3A_2438, %get3A_2430 : vector<16xf32>
        %sub3A_2440 = arith.subf %add3A_2439, %get3A_2414 : vector<16xf32>
        %abs3A_2441 = math.absf %sub3A_2440 : vector<16xf32>
        %sub3A_2442 = arith.subf %sub3A_2437, %abs3A_2441 : vector<16xf32>
        %broadcast_in_dim3A_2443 = arith.constant true
        %broadcast_in_dim3A_2444 = vector.broadcast %broadcast_in_dim3A_2443 : i1 to vector<16xi1>
        %masked_cumsum3A_2445 = tpu.scan <sum>, %sub3A_2442 masked %broadcast_in_dim3A_2444 : vector<16xf32>, vector<16xi1> -> vector<16xf32>
        %add3A_2446 = arith.addi %mul3A_12, %add3A_2388 : i32
        %broadcast_in_dim3A_2447 = vector.broadcast %add3A_2446 : i32 to vector<16xi32>
        tpu.vector_store_idx %arg20[%broadcast_in_dim3A_2447], %masked_cumsum3A_2445 masked %eq3A_4 : memref<512xf32, #tpu.memory_space<vmem>>[vector<16xi32>], vector<16xf32>, vector<16xi1>
        %mul3A_2448 = arith.constant 16 : i32
        %mul3A_2449 = arith.muli %scan3A_1541, %mul3A_2448 : i32
        %add3A_2450 = arith.constant 14 : i32
        %add3A_2451 = arith.addi %mul3A_2449, %add3A_2450 : i32
        %mul3A_2452 = arith.constant 8 : i32
        %mul3A_2453 = arith.muli %add3A_2451, %mul3A_2452 : i32
        %slice3A_2454 = vector.extract_strided_slice %and3A_1548 {offsets = [14], sizes = [1], strides = [1]} : vector<16xi32> to vector<1xi32>
        %squeeze3A_2455 = vector.extract %slice3A_2454[0] : i32 from vector<1xi32>
        %add3A_2456 = arith.addi %mul3A_2453, %squeeze3A_2455 : i32
        %mul3A_2457 = arith.constant 8 : i32
        %mul3A_2458 = arith.muli %add3A_2451, %mul3A_2457 : i32
        %slice3A_2459 = vector.extract_strided_slice %and3A_1553 {offsets = [14], sizes = [1], strides = [1]} : vector<16xi32> to vector<1xi32>
        %squeeze3A_2460 = vector.extract %slice3A_2459[0] : i32 from vector<1xi32>
        %add3A_2461 = arith.addi %mul3A_2458, %squeeze3A_2460 : i32
        %slice3A_2462 = vector.extract_strided_slice %shift_left3A_1561 {offsets = [14], sizes = [1], strides = [1]} : vector<16xi32> to vector<1xi32>
        %squeeze3A_2463 = vector.extract %slice3A_2462[0] : i32 from vector<1xi32>
        %slice3A_2464 = vector.extract_strided_slice %shift_left3A_1569 {offsets = [14], sizes = [1], strides = [1]} : vector<16xi32> to vector<1xi32>
        %squeeze3A_2465 = vector.extract %slice3A_2464[0] : i32 from vector<1xi32>
        %get3A_2466 = arith.index_cast %add3A_2456 : i32 to index
        %get3A_2467 = arith.constant 0 : index
        %get3A_2468 = tpu.vector_load %arg16[%get3A_2466, %get3A_2467] {strides = array<i32>} : memref<256x32xf32, #tpu.memory_space<vmem>>, vector<16xf32>,
        %get3A_2469 = arith.index_cast %add3A_2456 : i32 to index
        %get3A_2470 = arith.constant 16 : index
        %get3A_2471 = tpu.vector_load %arg16[%get3A_2469, %get3A_2470] {strides = array<i32>} : memref<256x32xf32, #tpu.memory_space<vmem>>, vector<16xf32>,
        %get3A_2472 = arith.index_cast %add3A_2461 : i32 to index
        %get3A_2473 = arith.constant 0 : index
        %get3A_2474 = tpu.vector_load %arg17[%get3A_2472, %get3A_2473] {strides = array<i32>} : memref<256x32xf32, #tpu.memory_space<vmem>>, vector<16xf32>,
        %get3A_2475 = arith.index_cast %add3A_2461 : i32 to index
        %get3A_2476 = arith.constant 16 : index
        %get3A_2477 = tpu.vector_load %arg17[%get3A_2475, %get3A_2476] {strides = array<i32>} : memref<256x32xf32, #tpu.memory_space<vmem>>, vector<16xf32>,
        %get3A_2478 = arith.index_cast %add3A_2451 : i32 to index
        %get3A_2479 = arith.index_cast %squeeze3A_2463 : i32 to index
        %get3A_2480 = tpu.vector_load %arg18[%get3A_2478, %get3A_2479] {strides = array<i32>} : memref<32x128xf32, #tpu.memory_space<vmem>>, vector<16xf32>,
        %add3A_2481 = arith.constant 16 : i32
        %add3A_2482 = arith.addi %squeeze3A_2463, %add3A_2481 : i32
        %get3A_2483 = arith.index_cast %add3A_2451 : i32 to index
        %get3A_2484 = arith.index_cast %add3A_2482 : i32 to index
        %get3A_2485 = tpu.vector_load %arg18[%get3A_2483, %get3A_2484] {strides = array<i32>} : memref<32x128xf32, #tpu.memory_space<vmem>>, vector<16xf32>,
        %get3A_2486 = arith.index_cast %add3A_2451 : i32 to index
        %get3A_2487 = arith.index_cast %squeeze3A_2465 : i32 to index
        %get3A_2488 = tpu.vector_load %arg19[%get3A_2486, %get3A_2487] {strides = array<i32>} : memref<32x128xf32, #tpu.memory_space<vmem>>, vector<16xf32>,
        %add3A_2489 = arith.constant 16 : i32
        %add3A_2490 = arith.addi %squeeze3A_2465, %add3A_2489 : i32
        %get3A_2491 = arith.index_cast %add3A_2451 : i32 to index
        %get3A_2492 = arith.index_cast %add3A_2490 : i32 to index
        %get3A_2493 = tpu.vector_load %arg19[%get3A_2491, %get3A_2492] {strides = array<i32>} : memref<32x128xf32, #tpu.memory_space<vmem>>, vector<16xf32>,
        %add3A_2494 = arith.addf %get3A_2468, %get3A_2480 : vector<16xf32>
        %add3A_2495 = arith.addf %add3A_2494, %get3A_2488 : vector<16xf32>
        %sub3A_2496 = arith.subf %add3A_2495, %get3A_2474 : vector<16xf32>
        %abs3A_2497 = math.absf %sub3A_2496 : vector<16xf32>
        %sub3A_2498 = arith.constant 0.000000e+00 : f32
        %sub3A_2499 = vector.broadcast %sub3A_2498 : f32 to vector<16xf32>
        %sub3A_2500 = arith.subf %sub3A_2499, %abs3A_2497 : vector<16xf32>
        %add3A_2501 = arith.addf %get3A_2471, %get3A_2485 : vector<16xf32>
        %add3A_2502 = arith.addf %add3A_2501, %get3A_2493 : vector<16xf32>
        %sub3A_2503 = arith.subf %add3A_2502, %get3A_2477 : vector<16xf32>
        %abs3A_2504 = math.absf %sub3A_2503 : vector<16xf32>
        %sub3A_2505 = arith.subf %sub3A_2500, %abs3A_2504 : vector<16xf32>
        %broadcast_in_dim3A_2506 = arith.constant true
        %broadcast_in_dim3A_2507 = vector.broadcast %broadcast_in_dim3A_2506 : i1 to vector<16xi1>
        %masked_cumsum3A_2508 = tpu.scan <sum>, %sub3A_2505 masked %broadcast_in_dim3A_2507 : vector<16xf32>, vector<16xi1> -> vector<16xf32>
        %add3A_2509 = arith.addi %mul3A_12, %add3A_2451 : i32
        %broadcast_in_dim3A_2510 = vector.broadcast %add3A_2509 : i32 to vector<16xi32>
        tpu.vector_store_idx %arg20[%broadcast_in_dim3A_2510], %masked_cumsum3A_2508 masked %eq3A_4 : memref<512xf32, #tpu.memory_space<vmem>>[vector<16xi32>], vector<16xf32>, vector<16xi1>
        %mul3A_2511 = arith.constant 16 : i32
        %mul3A_2512 = arith.muli %scan3A_1541, %mul3A_2511 : i32
        %add3A_2513 = arith.constant 15 : i32
        %add3A_2514 = arith.addi %mul3A_2512, %add3A_2513 : i32
        %mul3A_2515 = arith.constant 8 : i32
        %mul3A_2516 = arith.muli %add3A_2514, %mul3A_2515 : i32
        %slice3A_2517 = vector.extract_strided_slice %and3A_1548 {offsets = [15], sizes = [1], strides = [1]} : vector<16xi32> to vector<1xi32>
        %squeeze3A_2518 = vector.extract %slice3A_2517[0] : i32 from vector<1xi32>
        %add3A_2519 = arith.addi %mul3A_2516, %squeeze3A_2518 : i32
        %mul3A_2520 = arith.constant 8 : i32
        %mul3A_2521 = arith.muli %add3A_2514, %mul3A_2520 : i32
        %slice3A_2522 = vector.extract_strided_slice %and3A_1553 {offsets = [15], sizes = [1], strides = [1]} : vector<16xi32> to vector<1xi32>
        %squeeze3A_2523 = vector.extract %slice3A_2522[0] : i32 from vector<1xi32>
        %add3A_2524 = arith.addi %mul3A_2521, %squeeze3A_2523 : i32
        %slice3A_2525 = vector.extract_strided_slice %shift_left3A_1561 {offsets = [15], sizes = [1], strides = [1]} : vector<16xi32> to vector<1xi32>
        %squeeze3A_2526 = vector.extract %slice3A_2525[0] : i32 from vector<1xi32>
        %slice3A_2527 = vector.extract_strided_slice %shift_left3A_1569 {offsets = [15], sizes = [1], strides = [1]} : vector<16xi32> to vector<1xi32>
        %squeeze3A_2528 = vector.extract %slice3A_2527[0] : i32 from vector<1xi32>
        %get3A_2529 = arith.index_cast %add3A_2519 : i32 to index
        %get3A_2530 = arith.constant 0 : index
        %get3A_2531 = tpu.vector_load %arg16[%get3A_2529, %get3A_2530] {strides = array<i32>} : memref<256x32xf32, #tpu.memory_space<vmem>>, vector<16xf32>,
        %get3A_2532 = arith.index_cast %add3A_2519 : i32 to index
        %get3A_2533 = arith.constant 16 : index
        %get3A_2534 = tpu.vector_load %arg16[%get3A_2532, %get3A_2533] {strides = array<i32>} : memref<256x32xf32, #tpu.memory_space<vmem>>, vector<16xf32>,
        %get3A_2535 = arith.index_cast %add3A_2524 : i32 to index
        %get3A_2536 = arith.constant 0 : index
        %get3A_2537 = tpu.vector_load %arg17[%get3A_2535, %get3A_2536] {strides = array<i32>} : memref<256x32xf32, #tpu.memory_space<vmem>>, vector<16xf32>,
        %get3A_2538 = arith.index_cast %add3A_2524 : i32 to index
        %get3A_2539 = arith.constant 16 : index
        %get3A_2540 = tpu.vector_load %arg17[%get3A_2538, %get3A_2539] {strides = array<i32>} : memref<256x32xf32, #tpu.memory_space<vmem>>, vector<16xf32>,
        %get3A_2541 = arith.index_cast %add3A_2514 : i32 to index
        %get3A_2542 = arith.index_cast %squeeze3A_2526 : i32 to index
        %get3A_2543 = tpu.vector_load %arg18[%get3A_2541, %get3A_2542] {strides = array<i32>} : memref<32x128xf32, #tpu.memory_space<vmem>>, vector<16xf32>,
        %add3A_2544 = arith.constant 16 : i32
        %add3A_2545 = arith.addi %squeeze3A_2526, %add3A_2544 : i32
        %get3A_2546 = arith.index_cast %add3A_2514 : i32 to index
        %get3A_2547 = arith.index_cast %add3A_2545 : i32 to index
        %get3A_2548 = tpu.vector_load %arg18[%get3A_2546, %get3A_2547] {strides = array<i32>} : memref<32x128xf32, #tpu.memory_space<vmem>>, vector<16xf32>,
        %get3A_2549 = arith.index_cast %add3A_2514 : i32 to index
        %get3A_2550 = arith.index_cast %squeeze3A_2528 : i32 to index
        %get3A_2551 = tpu.vector_load %arg19[%get3A_2549, %get3A_2550] {strides = array<i32>} : memref<32x128xf32, #tpu.memory_space<vmem>>, vector<16xf32>,
        %add3A_2552 = arith.constant 16 : i32
        %add3A_2553 = arith.addi %squeeze3A_2528, %add3A_2552 : i32
        %get3A_2554 = arith.index_cast %add3A_2514 : i32 to index
        %get3A_2555 = arith.index_cast %add3A_2553 : i32 to index
        %get3A_2556 = tpu.vector_load %arg19[%get3A_2554, %get3A_2555] {strides = array<i32>} : memref<32x128xf32, #tpu.memory_space<vmem>>, vector<16xf32>,
        %add3A_2557 = arith.addf %get3A_2531, %get3A_2543 : vector<16xf32>
        %add3A_2558 = arith.addf %add3A_2557, %get3A_2551 : vector<16xf32>
        %sub3A_2559 = arith.subf %add3A_2558, %get3A_2537 : vector<16xf32>
        %abs3A_2560 = math.absf %sub3A_2559 : vector<16xf32>
        %sub3A_2561 = arith.constant 0.000000e+00 : f32
        %sub3A_2562 = vector.broadcast %sub3A_2561 : f32 to vector<16xf32>
        %sub3A_2563 = arith.subf %sub3A_2562, %abs3A_2560 : vector<16xf32>
        %add3A_2564 = arith.addf %get3A_2534, %get3A_2548 : vector<16xf32>
        %add3A_2565 = arith.addf %add3A_2564, %get3A_2556 : vector<16xf32>
        %sub3A_2566 = arith.subf %add3A_2565, %get3A_2540 : vector<16xf32>
        %abs3A_2567 = math.absf %sub3A_2566 : vector<16xf32>
        %sub3A_2568 = arith.subf %sub3A_2563, %abs3A_2567 : vector<16xf32>
        %broadcast_in_dim3A_2569 = arith.constant true
        %broadcast_in_dim3A_2570 = vector.broadcast %broadcast_in_dim3A_2569 : i1 to vector<16xi1>
        %masked_cumsum3A_2571 = tpu.scan <sum>, %sub3A_2568 masked %broadcast_in_dim3A_2570 : vector<16xf32>, vector<16xi1> -> vector<16xf32>
        %add3A_2572 = arith.addi %mul3A_12, %add3A_2514 : i32
        %broadcast_in_dim3A_2573 = vector.broadcast %add3A_2572 : i32 to vector<16xi32>
        tpu.vector_store_idx %arg20[%broadcast_in_dim3A_2573], %masked_cumsum3A_2571 masked %eq3A_4 : memref<512xf32, #tpu.memory_space<vmem>>[vector<16xi32>], vector<16xf32>, vector<16xi1>
      }
      %scan3A_1540 = arith.constant 2 : i32
    }
    %scan3A_9 = arith.constant 16 : i32
    "tpu.region"() ({
      %run_scoped3A = tpu.sem_alloc : memref<!tpu.dma_semaphore, #tpu.memory_space<semaphore_mem>>
      %dma_start3A = tpu.memref_slice %arg9[%mul3A_2] : memref<16384xf32, #tpu.memory_space<hbm>> -> memref<512xf32, #tpu.memory_space<hbm>>
      %dma_start3A_10 = tpu.memref_slice %arg9[%mul3A_2] : memref<16384xf32, #tpu.memory_space<hbm>> -> memref<512xf32, #tpu.memory_space<hbm>>
      tpu.enqueue_dma source(%arg20 : memref<512xf32, #tpu.memory_space<vmem>>) target(%dma_start3A_10 : memref<512xf32, #tpu.memory_space<hbm>>) target_semaphore(%run_scoped3A : memref<!tpu.dma_semaphore, #tpu.memory_space<semaphore_mem>>)
      %dma_wait3A = tpu.memref_slice %arg9[%mul3A_2] : memref<16384xf32, #tpu.memory_space<hbm>> -> memref<512xf32, #tpu.memory_space<hbm>>
      %dma_wait3A_11 = tpu.memref_slice %arg9[%mul3A_2] : memref<16384xf32, #tpu.memory_space<hbm>> -> memref<512xf32, #tpu.memory_space<hbm>>
      tpu.wait_dma2 semaphore(%run_scoped3A : memref<!tpu.dma_semaphore, #tpu.memory_space<semaphore_mem>>) src(%arg20 : memref<512xf32, #tpu.memory_space<vmem>>) dst(%dma_wait3A_11 : memref<512xf32, #tpu.memory_space<hbm>>)
      tpu.yield
    }) : () -> ()
    return
  }
}

</mosaic_0001>

<sc_bundles>
// kernel: kernel.3.cloned.1.call-start
scs
__scs_entry_jumppad:
0x0: {  	(pc) =	sbr.rel $0x88, $3  }
0x1: {  	(tag) =	ssettag $0x0;
	lr =	simm.s32 $0x1  }
0x2: {  	[smem:$0x3F9A] =	sst lr;
	_ =	strace $0xD0000000  }
0x3: {  	_ = 	snop  }
0x4: {  	_ = 	snop  }
0x5: {  	_ = 	snop  }
0x6: {  	_ = 	snop  }
0x7: {  	_ = 	snop  }
__scs_overlays_trampoline_lowered:
0x8: {  	[smem:$0x3FA9] =	sst s0  }
0x9: {  	[smem:$0x3FAA] =	sst s1  }
0xa: {  	[smem:$0x3FAB] =	sst s2  }
0xb: {  	[smem:$0x3FAC] =	sst s3  }
0xc: {  	[smem:$0x3FAD] =	sst s4  }
0xd: {  	[smem:$0x3FAE] =	sst s5  }
0xe: {  	[smem:$0x3FAF] =	sst s6  }
0xf: {  	[smem:$0x3FB0] =	sst s7  }
0x10: {  	[smem:$0x3FB1] =	sst s8  }
0x11: {  	[smem:$0x3FB2] =	sst s9;
	s0 =	simm.s32 @!p0 $0x0  }
0x12: {  	s1 =	sld [smem:$0x3F98];
	s0 =	simm.s32 @p0 $0x1  }
0x13: {  	[smem:$0x3FB3] =	sst s0;
	s0 =	simm.s32 @!p1 $0x0  }
0x14: {  	s2 =	sld [smem:$0x3F97];
	s0 =	simm.s32 @p1 $0x1  }
0x15: {  	[smem:$0x3FB4] =	sst s0;
	s0 =	simm.s32 @!p2 $0x0  }
0x16: {  	s3 =	sld [smem:$0x3FDB];
	s0 =	simm.s32 @p2 $0x1  }
0x17: {  	s4 =	simm.s32 $0x1BF5;
	[smem:$0x3FB6] =	sst s0  }
0x18: {  	s0 =	sld [smem:$0x3F99];
	_ =	swait.ge [sflag:s4], $0x0  }
0x19: {  	s7 =	sld [smem:$0x3F9A]  }
0x1a: {  	s8 =	sadd.s32 $0xFFFFE003, lr  }
0x1b: {  	s9 =	sadd.s32 $0xFFFFFEF7, lr;
	s5 =	simm.s32 $0xFFFFFFFF;
	p2 =	slt.u32 s8, $0xFFFFF086  }
0x1c: {  	p1 =	slt.u32 s9, $0xF7A;
	s5 =	simm.s32 @!p2 $0x0  }
0x1d: {  	s5 =	simm.s32 @p1 $0x1;
	p0 =	seq.s32 s7, s2  }
0x1e: {  	s7 =	smul.u32 @!p0 $0xF7A, s2;
	p2 =	seq.s32 @!p0 s5, $0x0  }
0x1f: {  	s9 =	smul.u32 $0xF7A, s1;
	s8 =	simm.s32 @!p0 $0x1BF5;
	p2 =	por !p2, p0  }
0x20: {  	[sflag:s8] =	ssyncset.s32 @!p0 $0xFFFFF086;
	s6 =	sadd.s32 @!p0 s3, s7;
	s7 =	simm.s32 @!p0 $0x108  }
0x21: {  	s3 =	sadd.s32 s3, s9;
	s6 =	sadd.s32 @!p0 $0x88, s6;
	s7 =	simm.s32 @p2 $0x1082  }
0x22: {  	[simem:s7], [sflag:s8] =	dma.local @!p0 [hbm:s6], $0xF7A  }
0x23: {  	s9 =	sor.u32 $0xD0000000, s2;
	s6 =	simm.s32 $0x108;
	_ =	swait.ge @!p0 [sflag:s8], $0x0  }
0x24: {  	s3 =	sadd.s32 $0x88, s3;
	s6 =	simm.s32 @!p1 $0x1082;
	[sflag:s4] =	ssyncset.s32 $0xFFFFF086  }
0x25: {  	[simem:s6], [sflag:s4] =	dma.local [hbm:s3], $0xF7A  }
0x26: {  	[smem:$0x3F9A] =	sst s1;
	(tag) =	ssettag s2;
	_ =	strace s9  }
0x27: {  	s1 =	sld [smem:$0x3FAA]  }
0x28: {  	s2 =	sld [smem:$0x3FAB]  }
0x29: {  	s4 =	sld [smem:$0x3FAD]  }
0x2a: {  	p0 =	seq.s32 s5, $0x0;
	s5 =	sld [smem:$0x3FAE]  }
0x2b: {  	s6 =	sld [smem:$0x3FAF]  }
0x2c: {  	s7 =	sld [smem:$0x3FB0]  }
0x2d: {  	s3 =	simm.s32 $0x108;
	s8 =	sld [smem:$0x3FB1]  }
0x2e: {  	s3 =	simm.s32 @!p0 $0x1082;
	s9 =	sld [smem:$0x3FB2]  }
0x2f: {  	lr =	sadd.s32 s0, s3;
	s0 =	sld [smem:$0x3FA9]  }
0x30: {  	s3 =	sld [smem:$0x3FAC]  }
0x31: {  	[smem:$0x3FB5] =	sst s10  }
0x32: {  	s10 =	sld [smem:$0x3FB3];
	_ =	sdelay $0x3  }
0x33: {  	p0 =	seq.s32 s10, $0x1;
	s10 =	sld [smem:$0x3FB5];
	_ =	sdelay $0x3  }
0x34: {  	[smem:$0x3FB5] =	sst s10  }
0x35: {  	s10 =	sld [smem:$0x3FB4];
	_ =	sdelay $0x3  }
0x36: {  	p1 =	seq.s32 s10, $0x1;
	s10 =	sld [smem:$0x3FB5];
	_ =	sdelay $0x3  }
0x37: {  	[smem:$0x3FB5] =	sst s10  }
0x38: {  	s10 =	sld [smem:$0x3FB6]  }
0x39: {  	_ = 	snop;
	(pc) =	sbr.ind lr, $3  }
0x3a: {  	_ = 	snop  }
0x3b: {  	_ = 	snop  }
0x3c: {  	p2 =	seq.s32 s10, $0x1;
	s10 =	sld [smem:$0x3FB5]  }
0x3d: {  	_ =	shalt  }
0x3e: {  	_ =	shalt  }
0x3f: {  	_ =	shalt  }
0x40: {  	_ =	shalt  }
0x41: {  	_ =	shalt  }
0x42: {  	_ =	shalt  }
0x43: {  	_ =	shalt  }
0x44: {  	_ =	shalt  }
0x45: {  	_ =	shalt  }
0x46: {  	_ =	shalt  }
0x47: {  	_ =	shalt  }
0x48: {  	_ =	shalt  }
0x49: {  	_ =	shalt  }
0x4a: {  	_ =	shalt  }
0x4b: {  	_ =	shalt  }
0x4c: {  	_ =	shalt  }
0x4d: {  	_ =	shalt  }
0x4e: {  	_ =	shalt  }
0x4f: {  	_ =	shalt  }
0x50: {  	_ =	shalt  }
0x51: {  	_ =	shalt  }
0x52: {  	_ =	shalt  }
0x53: {  	_ =	shalt  }
0x54: {  	_ =	shalt  }
0x55: {  	_ =	shalt  }
0x56: {  	_ =	shalt  }
0x57: {  	_ =	shalt  }
0x58: {  	_ =	shalt  }
0x59: {  	_ =	shalt  }
0x5a: {  	_ =	shalt  }
0x5b: {  	_ =	shalt  }
0x5c: {  	_ =	shalt  }
0x5d: {  	_ =	shalt  }
0x5e: {  	_ =	shalt  }
0x5f: {  	_ =	shalt  }
0x60: {  	_ =	shalt  }
0x61: {  	_ =	shalt  }
0x62: {  	_ =	shalt  }
0x63: {  	_ =	shalt  }
0x64: {  	_ =	shalt  }
0x65: {  	_ =	shalt  }
0x66: {  	_ =	shalt  }
0x67: {  	_ =	shalt  }
0x68: {  	_ =	shalt  }
0x69: {  	_ =	shalt  }
0x6a: {  	_ =	shalt  }
0x6b: {  	_ =	shalt  }
0x6c: {  	_ =	shalt  }
0x6d: {  	_ =	shalt  }
0x6e: {  	_ =	shalt  }
0x6f: {  	_ =	shalt  }
0x70: {  	_ =	shalt  }
0x71: {  	_ =	shalt  }
0x72: {  	_ =	shalt  }
0x73: {  	_ =	shalt  }
0x74: {  	_ =	shalt  }
0x75: {  	_ =	shalt  }
0x76: {  	_ =	shalt  }
0x77: {  	_ =	shalt  }
0x78: {  	_ =	shalt  }
0x79: {  	_ =	shalt  }
0x7a: {  	_ =	shalt  }
0x7b: {  	_ =	shalt  }
0x7c: {  	_ =	shalt  }
0x7d: {  	_ =	shalt  }
0x7e: {  	_ =	shalt  }
0x7f: {  	_ =	shalt  }
0x80: {  	_ =	shalt  }
0x81: {  	_ =	shalt  }
0x82: {  	_ =	shalt  }
0x83: {  	_ =	shalt  }
0x84: {  	_ =	shalt  }
0x85: {  	_ =	shalt  }
0x86: {  	_ =	shalt  }
0x87: {  	_ =	shalt  }
.Lfunc_end0:
.L_simem_size_0:
called_computation_lowered:
.L_overlay_start_0:
0x88: {  	s2 =	sld [smem:$0x3FD9]  }
0x89: {  	s3 =	sld [smem:$0x3FFE];
	_ =	sdelay $0x1  }
0x8a: {  	s1 =	srdreg.scid  }
0x8b: {  	s0 =	sand.u32 $0x1, s1  }
0x8c: {  	s17 =	sshll.u32 s0, $0xA;
	s2 =	sadd.s32 s3, s2  }
0x8d: {  	s2 =	sadd.s32 s2, s17  }
0x8e: {  	[smem:$0x3FC1] =	sst s2  }
0x8f: {  	_ = 	snop  }
0x90: {  	s2 =	sld [smem:$0x3FC9]  }
0x91: {  	s18 =	sld [smem:$0x3FC8]  }
0x92: {  	s4 =	sld [smem:$0x3FC7]  }
0x93: {  	s5 =	sld [smem:$0x3FC6]  }
0x94: {  	s6 =	sld [smem:$0x3FD0];
	(tm) =	ssettm $0x1  }
0x95: {  	s7 =	sld [smem:$0x3FFB];
	_ =	sdelay $0x3  }
0x96: {  	_ =	strace s7  }
0x97: {  	s7 =	sld [smem:$0x3FFC];
	_ =	sdelay $0x3  }
0x98: {  	_ =	strace s7  }
0x99: {  	s7 =	sld [smem:$0x3FFD];
	_ =	sdelay $0x3  }
0x9a: {  	_ =	strace s7  }
0x9b: {  	_ =	strace $0x8FFFFFFF  }
0x9c: {  	s19 =	sld [smem:$0x3FDB];
	_ =	sdelay $0x1  }
0x9d: {  	s8 =	simm.s32 $_scs_section_size  }
0x9e: {  	s9 =	simm.s32 $_size__tile_overlayer_lowered;
	s10 =	simm.s32 $_tile_overlayer_lowered  }
0x9f: {  	s22 =	simm.s32 $0x1BFF;
	s21 =	sshll.u32 s10, $0x1;
	s7 =	sadd.s32 s8, s19  }
0xa0: {  	s11 =	simm.s32 $0x0;
	s20 =	sshll.u32 s9, $0x1;
	s9 =	sadd.s32 s21, s7  }
0xa1: {  	[timem:s11], [sflag:s22] =	dma.local [hbm:s9], s20  }
0xa2: {  	_ =	swait.ge [sflag:s22], s20  }
0xa3: {  	s8 =	ssub.s32 $0x0, s20;
	[sflag:s22] =	ssyncset.done $0x0  }
0xa4: {  	[sflag:s22] =	ssyncadd.s32 s8;
	_ =	sdelay $0x1  }
0xa5: {  	s23 =	simm.s32 $0x1B8B  }
0xa6: {  	_ =	swait.ge [sflag:s23], $0x1  }
0xa7: {  	[sflag:s23] =	ssyncset.done $0x0  }
0xa8: {  	s25 =	simm.s32 $0x1B8E;
	s24 =	sld [smem:$0x3FFE];
	[sflag:s23] =	ssyncadd.s32 $0xFFFFFFFF  }
0xa9: {  	s26 =	simm.s32 $execute0_lowered;
	[smem:$0x3FD2] =	sst s25  }
0xaa: {  	s9 =	sshll.u32 s26, $0x1;
	_ =	strace $0x80000046;
	[dreg:$0x1] =	wrdreg $0xFFFFFFFF  }
0xab: {  	s28 =	simm.s32 $_size_execute0_lowered;
	s7 =	sadd.s32 s7, s9;
	[dreg:$0x0] =	wrdreg $0x0  }
0xac: {  	s9 =	sshll.u32 s28, $0x1;
	[dreg:$0x2] =	wrdreg s7  }
0xad: {  	[dreg:$0x3] =	wrdreg s9  }
0xae: {  	[dreg:$0x4] =	wrdreg $0xC0  }
0xaf: {  	_ =	task [dreg:s11], $0x5FFFF  }
0xb0: {  	[dreg:$0x1] =	wrdreg $0xFFFFFFFF  }
0xb1: {  	[dreg:$0x0] =	wrdreg $0x60  }
0xb2: {  	[dreg:$0x2] =	wrdreg s2  }
0xb3: {  	[dreg:$0x3] =	wrdreg s18  }
0xb4: {  	[dreg:$0x4] =	wrdreg s4  }
0xb5: {  	[dreg:$0x5] =	wrdreg s5  }
0xb6: {  	[dreg:$0x6] =	wrdreg s24  }
0xb7: {  	[dreg:$0x7] =	wrdreg s6  }
0xb8: {  	[dreg:$0x8] =	wrdreg $0x9  }
0xb9: {  	_ =	task.clear_ibuf [dreg:s11], $0x9FFFF;
	_ =	strace $0x90000046  }
0xba: {  	s29 =	simm.s32 $0x9;
	_ =	strace $0x80000048  }
0xbb: {  	_ =	swait.ge [sflag:s29], $0x1  }
0xbc: {  	[sflag:s29] =	ssyncadd.s32 $0xFFFFFFFF  }
0xbd: {  	_ =	strace $0x90000048  }
0xbe: {  	_ =	sfence  }
0xbf: {  	s30 =	sld [smem:$0x0];
	_ =	sdelay $0x2  }
0xc0: {  	s31 =	sshll.u32 s1, $0xD;
	s1 =	sshrl.u32 s1, $0x2  }
0xc1: {  	s3 =	sand.u32 $0x4000, s31;
	s1 =	sadd.s32 s1, s30  }
0xc2: {  	s0 =	sor.u32 s3, s0;
	s1 =	sshll.u32 s1, $0x11  }
0xc3: {  	s0 =	sor.u32 s1, s0  }
0xc4: {  	s0 =	sadd.s32 $0x8F2B, s0  }
0xc5: {  	[sflag:s0] =	ssyncadd.remote.s32 $0x1  }
0xc6: {  	_ =	sfence.sel $0xFFFF  }
0xc7: {  	[dreg:$0x0] =	wrdreg $0xFFFFFFFF;
	(pc) =	sbr.abs _section_cstart, $3  }
0xc8: {  	[dreg:$0x1] =	wrdreg $0xFFFFFFFF  }
0xc9: {  	_ =	task.clear_ibuf [dreg:s11], $0x2FFFF;
	_ =	strace $0x9FFFFFFF  }
0xca: {  	(tm) =	ssettm $0x7FFFFFFF  }
0xcb: {  	_ =	shalt  }
tec
execute0_lowered:
.L_overlay_start_1:
0x0: {  	(tag) =	ssettag $0x1  }
0x1: {  	s0 =	rddreg [dreg:$0x0]  }
0x2: {  	s1 =	rddreg [dreg:$0x1]  }
0x3: {  	s2 =	rddreg [dreg:$0x2]  }
0x4: {  	s6 =	rddreg [dreg:$0x3]  }
0x5: {  	s5 =	rddreg [dreg:$0x4]  }
0x6: {  	s7 =	rddreg [dreg:$0x5];
	s12 =	simm.s32 $0x0  }
0x7: {  	s4 =	srdreg.scid;
	s9 =	stileid.u32;
	s16 =	simm.s32 $0x20  }
0x8: {  	s17 =	simm.s32 $0x6D00;
	s18 =	simm.s32 $0xED00;
	s19 =	simm.s32 $0x7100  }
0x9: {  	s20 =	simm.s32 $0xF100;
	s21 =	simm.s32 $0x7500;
	s28 =	simm.s32 $0x8100  }
0xa: {  	s29 =	simm.s32 $0x10100;
	s30 =	simm.s32 $0x8500;
	s31 =	simm.s32 $0x10500  }
0xb: {  	[smem:$0x7FF] =	sst s12;
	s3 =	sadd.s32 $0x1A00, s5;
	s4 =	sand.u32 $0x1, s4  }
0xc: {  	s9 =	sshll.u32 s9, $0x7;
	_ =	strace $0x80000047;
	s10 =	sshll.u32 s4, $0x6  }
0xd: {  	s8 =	ssub.s32 $0x2, s4;
	s4 =	sadd.s32 $0xA00, s5;
	s9 =	sor.u32 s10, s9  }
0xe: {  	s5 =	sadd.s32 $0x400, s5;
	s11 =	sshrl.u32 s8, $0x1;
	s0 =	sadd.s32 s0, s9  }
0xf: {  	s8 =	ssub.s32 s8, s11;
	s22 =	sadd.s32 s1, s9;
	[dreg:$0x7] =	wrdreg s0  }
0x10: {  	s23 =	sadd.s32 s2, s9;
	s24 =	sadd.s32 s6, s9;
	[dreg:$0x8] =	wrdreg s22  }
0x11: {  	s25 =	sadd.s32 s7, s9;
	s6 =	simm.s32 $0x2;
	[dreg:$0x9] =	wrdreg s23  }
0x12: {  	s2 =	simm.s32 $0x12900;
	s7 =	simm.s32 $0x0;
	[dreg:$0xa] =	wrdreg s24  }
0x13: {  	[dreg:$0xb] =	wrdreg s25;
	s26 =	smax.u32 s8, $0x1;
	s22 =	simm.s32 $0xF500  }
0x14: {  	s23 =	simm.s32 $0x7900;
	s24 =	simm.s32 $0xF900;
	s25 =	simm.s32 $0x7D00  }
0x15: {  	vm0 =	vcmask $0x3F3C;
	s0 =	simm.s32 $0x1;
	[dreg:$0xc] =	wrdreg s26;
	s26 =	simm.s32 $0xFD00  }
.LBB2_1:
0x16: {  	[dreg:$0xd] =	wrdreg s7  }
0x17: {  	s1 =	rddreg [dreg:$0x7]  }
0x18: {  	[tilespmem:s12], [sflag:$0x2] =	stream.linear.gather [hbm4b:s1+s12], $0x200, $0x38;
	[tilespmem:$0x12B00] =	vst v63  }
0x19: {  	_ =	swait.ge [sflag:s6], $0x200  }
0x1a: {  	[sflag:s6] =	ssyncset.done $0x0  }
0x1b: {  	s10 =	simm.s32 $0x200;
	s9 =	rddreg [dreg:$0x8];
	[sflag:s6] =	ssyncadd.s32 $0xFFFFFE00  }
0x1c: {  	[tilespmem:s10], [sflag:$0x2] =	stream.linear.gather [hbm4b:s9+s12], $0x200, $0x38;
	[tilespmem:$0x12B00] =	vst v63  }
0x1d: {  	_ =	swait.ge [sflag:s6], $0x200  }
0x1e: {  	[sflag:s6] =	ssyncset.done $0x0  }
0x1f: {  	s13 =	simm.s32 $0x400;
	s11 =	rddreg [dreg:$0x9];
	[sflag:s6] =	ssyncadd.s32 $0xFFFFFE00  }
0x20: {  	[tilespmem:s13], [sflag:$0x2] =	stream.linear.gather [hbm4b:s11+s12], $0x200, $0x38;
	[tilespmem:$0x12B00] =	vst v63  }
0x21: {  	_ =	swait.ge [sflag:s6], $0x200  }
0x22: {  	[sflag:s6] =	ssyncset.done $0x0  }
0x23: {  	s15 =	simm.s32 $0x600;
	s14 =	rddreg [dreg:$0xa];
	[sflag:s6] =	ssyncadd.s32 $0xFFFFFE00  }
0x24: {  	[tilespmem:s15], [sflag:$0x2] =	stream.linear.gather [hbm4b:s14+s12], $0x200, $0x38;
	[tilespmem:$0x12B00] =	vst v63  }
0x25: {  	_ =	swait.ge [sflag:s6], $0x200  }
0x26: {  	[sflag:s6] =	ssyncset.done $0x0  }
0x27: {  	s13 =	simm.s32 $0x0;
	[sflag:s6] =	ssyncadd.s32 $0xFFFFFE00  }
.LBB2_2:
0x28: {  	s14 =	sshll.u32 s13, $0x5  }
0x29: {  	v0 =	vld [tilespmem:s14+$0x200];
	_ =	sdelay $0x4  }
0x2a: {  	v0 =	vshrl.u32 v0, $0x2  }
0x2b: {  	[tilespmem:$0x800] =	vst v0  }
0x2c: {  	v0 =	vld [tilespmem:s14+$0x600];
	_ =	sdelay $0x4  }
0x2d: {  	v0 =	vshrl.u32 v0, $0x2  }
0x2e: {  	[tilespmem:$0x880] =	vst v0  }
0x2f: {  	v0 =	vld [tilespmem:s14+$0x210];
	_ =	sdelay $0x4  }
0x30: {  	v0 =	vshrl.u32 v0, $0x2  }
0x31: {  	[tilespmem:$0x810] =	vst v0  }
0x32: {  	v0 =	vld [tilespmem:s14+$0x610];
	_ =	sdelay $0x4  }
0x33: {  	v0 =	vshrl.u32 v0, $0x2  }
0x34: {  	s1 =	simm.s32 $0x800;
	s6 =	simm.s32 $0x10900;
	[tilespmem:$0x890] =	vst v0  }
0x35: {  	[tilespmem:s6], [sflag:$0x1] =	stream.indirect.gather [hbm4b:s4+s16], $0x80, s1, s16, $0xb8;
	[tilespmem:$0x12B00] =	vst v63  }
0x36: {  	s7 =	simm.s32 $0x880;
	s8 =	simm.s32 $0x11900  }
0x37: {  	[tilespmem:s8], [sflag:$0x1] =	stream.indirect.gather [hbm4b:s5+s16], $0x80, s7, s16, $0xb8;
	[tilespmem:$0x12B00] =	vst v63  }
0x38: {  	v0 =	vld [tilespmem:s14+$0x0];
	_ =	sdelay $0x1  }
0x39: {  	v1 =	vld [tilespmem:s14+$0x400];
	_ =	sdelay $0x2  }
0x3a: {  	v0 =	vand.u32 $0xFFFFFFF8, v0  }
0x3b: {  	v0 =	vshll.u32 v0, $0x4  }
0x3c: {  	v1 =	vand.u32 $0xFFFFFFF8, v1;
	v0 =	vadd.s32 s3, v0  }
0x3d: {  	v1 =	vshll.u32 v1, $0x4;
	(v2sf) =	vpush v0, $0x0  }
0x3e: {  	v1 =	vadd.s32 s3, v1  }
0x3f: {  	(v2sf) =	vpush v1, $0x0;
	_ =	sdelay $0x1  }
0x40: {  	(v2sf) =	vpush v0, $0x1;
	_ =	sdelay $0x1  }
0x41: {  	(v2sf) =	vpush v1, $0x1;
	_ =	sdelay $0x1  }
0x42: {  	(v2sf) =	vpush v0, $0x2;
	_ =	sdelay $0x1  }
0x43: {  	(v2sf) =	vpush v1, $0x2;
	_ =	sdelay $0x1  }
0x44: {  	(v2sf) =	vpush v0, $0x3;
	_ =	sdelay $0x1  }
0x45: {  	(v2sf) =	vpush v1, $0x3  }
0x46: {  	s15 =	simm.s32 $0x0;
	s10 =	simm.s32 $0x900;
	s9 =	spop (v2sf)  }
0x47: {  	(v2sf) =	vpush v0, $0x4;
	[tilespmem:s10], [sflag:$0x1] =	stream.linear.gather [hbm4b:s9+s15], $0x400, $0x38;
	[tilespmem:$0x12B00] =	vst v63  }
0x48: {  	s12 =	simm.s32 $0x8900;
	s11 =	spop (v2sf)  }
0x49: {  	(v2sf) =	vpush v1, $0x4;
	[tilespmem:s12], [sflag:$0x1] =	stream.linear.gather [hbm4b:s11+s15], $0x400, $0x38;
	[tilespmem:$0x12B00] =	vst v63  }
0x4a: {  	s8 =	simm.s32 $0xD00;
	s7 =	spop (v2sf)  }
0x4b: {  	(v2sf) =	vpush v0, $0x5;
	[tilespmem:s8], [sflag:$0x1] =	stream.linear.gather [hbm4b:s7+s15], $0x400, $0x38;
	[tilespmem:$0x12B00] =	vst v63  }
0x4c: {  	s10 =	simm.s32 $0x8D00;
	s9 =	spop (v2sf)  }
0x4d: {  	(v2sf) =	vpush v1, $0x5;
	[tilespmem:s10], [sflag:$0x1] =	stream.linear.gather [hbm4b:s9+s15], $0x400, $0x38;
	[tilespmem:$0x12B00] =	vst v63  }
0x4e: {  	s12 =	simm.s32 $0x1100;
	s11 =	spop (v2sf)  }
0x4f: {  	(v2sf) =	vpush v0, $0x6;
	[tilespmem:s12], [sflag:$0x1] =	stream.linear.gather [hbm4b:s11+s15], $0x400, $0x38;
	[tilespmem:$0x12B00] =	vst v63  }
0x50: {  	s7 =	spop (v2sf);
	s8 =	simm.s32 $0x9100  }
0x51: {  	(v2sf) =	vpush v1, $0x6;
	[tilespmem:s8], [sflag:$0x1] =	stream.linear.gather [hbm4b:s7+s15], $0x400, $0x38;
	[tilespmem:$0x12B00] =	vst v63  }
0x52: {  	s9 =	spop (v2sf);
	s10 =	simm.s32 $0x1500  }
0x53: {  	(v2sf) =	vpush v0, $0x7;
	[tilespmem:s10], [sflag:$0x1] =	stream.linear.gather [hbm4b:s9+s15], $0x400, $0x38;
	[tilespmem:$0x12B00] =	vst v63  }
0x54: {  	s11 =	spop (v2sf);
	s12 =	simm.s32 $0x9500  }
0x55: {  	(v2sf) =	vpush v1, $0x7;
	[tilespmem:s12], [sflag:$0x1] =	stream.linear.gather [hbm4b:s11+s15], $0x400, $0x38;
	[tilespmem:$0x12B00] =	vst v63  }
0x56: {  	s8 =	simm.s32 $0x1900;
	s7 =	spop (v2sf)  }
0x57: {  	(v2sf) =	vpush v0, $0x8;
	[tilespmem:s8], [sflag:$0x1] =	stream.linear.gather [hbm4b:s7+s15], $0x400, $0x38;
	[tilespmem:$0x12B00] =	vst v63  }
0x58: {  	s10 =	simm.s32 $0x9900;
	s9 =	spop (v2sf)  }
0x59: {  	(v2sf) =	vpush v1, $0x8;
	[tilespmem:s10], [sflag:$0x1] =	stream.linear.gather [hbm4b:s9+s15], $0x400, $0x38;
	[tilespmem:$0x12B00] =	vst v63  }
0x5a: {  	s12 =	simm.s32 $0x1D00;
	s11 =	spop (v2sf)  }
0x5b: {  	(v2sf) =	vpush v0, $0x9;
	[tilespmem:s12], [sflag:$0x1] =	stream.linear.gather [hbm4b:s11+s15], $0x400, $0x38;
	[tilespmem:$0x12B00] =	vst v63  }
0x5c: {  	s8 =	simm.s32 $0x9D00;
	s7 =	spop (v2sf)  }
0x5d: {  	(v2sf) =	vpush v1, $0x9;
	[tilespmem:s8], [sflag:$0x1] =	stream.linear.gather [hbm4b:s7+s15], $0x400, $0x38;
	[tilespmem:$0x12B00] =	vst v63  }
0x5e: {  	s9 =	spop (v2sf);
	s10 =	simm.s32 $0x2100  }
0x5f: {  	(v2sf) =	vpush v0, $0xA;
	[tilespmem:s10], [sflag:$0x1] =	stream.linear.gather [hbm4b:s9+s15], $0x400, $0x38;
	[tilespmem:$0x12B00] =	vst v63  }
0x60: {  	s11 =	spop (v2sf);
	s12 =	simm.s32 $0xA100  }
0x61: {  	(v2sf) =	vpush v1, $0xA;
	[tilespmem:s12], [sflag:$0x1] =	stream.linear.gather [hbm4b:s11+s15], $0x400, $0x38;
	[tilespmem:$0x12B00] =	vst v63  }
0x62: {  	s7 =	spop (v2sf);
	s8 =	simm.s32 $0x2500  }
0x63: {  	(v2sf) =	vpush v0, $0xB;
	[tilespmem:s8], [sflag:$0x1] =	stream.linear.gather [hbm4b:s7+s15], $0x400, $0x38;
	[tilespmem:$0x12B00] =	vst v63  }
0x64: {  	s9 =	spop (v2sf);
	s10 =	simm.s32 $0xA500  }
0x65: {  	(v2sf) =	vpush v1, $0xB;
	[tilespmem:s10], [sflag:$0x1] =	stream.linear.gather [hbm4b:s9+s15], $0x400, $0x38;
	[tilespmem:$0x12B00] =	vst v63  }
0x66: {  	s12 =	simm.s32 $0x2900;
	s11 =	spop (v2sf)  }
0x67: {  	(v2sf) =	vpush v0, $0xC;
	[tilespmem:s12], [sflag:$0x1] =	stream.linear.gather [hbm4b:s11+s15], $0x400, $0x38;
	[tilespmem:$0x12B00] =	vst v63  }
0x68: {  	s8 =	simm.s32 $0xA900;
	s7 =	spop (v2sf)  }
0x69: {  	(v2sf) =	vpush v1, $0xC;
	[tilespmem:s8], [sflag:$0x1] =	stream.linear.gather [hbm4b:s7+s15], $0x400, $0x38;
	[tilespmem:$0x12B00] =	vst v63  }
0x6a: {  	s10 =	simm.s32 $0x2D00;
	s9 =	spop (v2sf)  }
0x6b: {  	(v2sf) =	vpush v0, $0xD;
	[tilespmem:s10], [sflag:$0x1] =	stream.linear.gather [hbm4b:s9+s15], $0x400, $0x38;
	[tilespmem:$0x12B00] =	vst v63  }
0x6c: {  	s11 =	spop (v2sf);
	s12 =	simm.s32 $0xAD00  }
0x6d: {  	(v2sf) =	vpush v1, $0xD;
	[tilespmem:s12], [sflag:$0x1] =	stream.linear.gather [hbm4b:s11+s15], $0x400, $0x38;
	[tilespmem:$0x12B00] =	vst v63  }
0x6e: {  	s7 =	spop (v2sf);
	s8 =	simm.s32 $0x3100  }
0x6f: {  	(v2sf) =	vpush v0, $0xE;
	[tilespmem:s8], [sflag:$0x1] =	stream.linear.gather [hbm4b:s7+s15], $0x400, $0x38;
	[tilespmem:$0x12B00] =	vst v63  }
0x70: {  	s9 =	spop (v2sf);
	s10 =	simm.s32 $0xB100  }
0x71: {  	(v2sf) =	vpush v1, $0xE;
	[tilespmem:s10], [sflag:$0x1] =	stream.linear.gather [hbm4b:s9+s15], $0x400, $0x38;
	[tilespmem:$0x12B00] =	vst v63  }
0x72: {  	s11 =	spop (v2sf);
	s12 =	simm.s32 $0x3500  }
0x73: {  	(v2sf) =	vpush v0, $0xF;
	[tilespmem:s12], [sflag:$0x1] =	stream.linear.gather [hbm4b:s11+s15], $0x400, $0x38;
	[tilespmem:$0x12B00] =	vst v63  }
0x74: {  	s7 =	spop (v2sf);
	s8 =	simm.s32 $0xB500  }
0x75: {  	(v2sf) =	vpush v1, $0xF;
	[tilespmem:s8], [sflag:$0x1] =	stream.linear.gather [hbm4b:s7+s15], $0x400, $0x38;
	[tilespmem:$0x12B00] =	vst v63  }
0x76: {  	s10 =	simm.s32 $0x3900;
	s9 =	spop (v2sf)  }
0x77: {  	[tilespmem:s10], [sflag:$0x1] =	stream.linear.gather [hbm4b:s9+s15], $0x400, $0x38;
	[tilespmem:$0x12B00] =	vst v63  }
0x78: {  	s12 =	simm.s32 $0xB900;
	s11 =	spop (v2sf)  }
0x79: {  	[tilespmem:s12], [sflag:$0x1] =	stream.linear.gather [hbm4b:s11+s15], $0x400, $0x38;
	[tilespmem:$0x12B00] =	vst v63  }
0x7a: {  	s7 =	spop (v2sf);
	s8 =	simm.s32 $0x3D00  }
0x7b: {  	[tilespmem:s8], [sflag:$0x1] =	stream.linear.gather [hbm4b:s7+s15], $0x400, $0x38;
	[tilespmem:$0x12B00] =	vst v63  }
0x7c: {  	s9 =	spop (v2sf);
	s10 =	simm.s32 $0xBD00  }
0x7d: {  	[tilespmem:s10], [sflag:$0x1] =	stream.linear.gather [hbm4b:s9+s15], $0x400, $0x38;
	[tilespmem:$0x12B00] =	vst v63  }
0x7e: {  	s11 =	spop (v2sf);
	s12 =	simm.s32 $0x4100  }
0x7f: {  	[tilespmem:s12], [sflag:$0x1] =	stream.linear.gather [hbm4b:s11+s15], $0x400, $0x38;
	[tilespmem:$0x12B00] =	vst v63  }
0x80: {  	s7 =	spop (v2sf);
	s8 =	simm.s32 $0xC100  }
0x81: {  	[tilespmem:s8], [sflag:$0x1] =	stream.linear.gather [hbm4b:s7+s15], $0x400, $0x38;
	[tilespmem:$0x12B00] =	vst v63  }
0x82: {  	s9 =	spop (v2sf);
	s10 =	simm.s32 $0x4500  }
0x83: {  	[tilespmem:s10], [sflag:$0x1] =	stream.linear.gather [hbm4b:s9+s15], $0x400, $0x38;
	[tilespmem:$0x12B00] =	vst v63  }
0x84: {  	s11 =	spop (v2sf);
	s12 =	simm.s32 $0xC500  }
0x85: {  	[tilespmem:s12], [sflag:$0x1] =	stream.linear.gather [hbm4b:s11+s15], $0x400, $0x38;
	[tilespmem:$0x12B00] =	vst v63  }
0x86: {  	v62 =	vld [tilespmem:s14+$0x10];
	_ =	sdelay $0x1  }
0x87: {  	v63 =	vld [tilespmem:s14+$0x410];
	_ =	sdelay $0x2  }
0x88: {  	v0 =	vand.u32 $0xFFFFFFF8, v62  }
0x89: {  	v0 =	vshll.u32 v0, $0x4  }
0x8a: {  	v1 =	vand.u32 $0xFFFFFFF8, v63;
	v0 =	vadd.s32 s3, v0  }
0x8b: {  	v1 =	vshll.u32 v1, $0x4;
	(v2sf) =	vpush v0, $0x0  }
0x8c: {  	v1 =	vadd.s32 s3, v1  }
0x8d: {  	(v2sf) =	vpush v1, $0x0;
	_ =	sdelay $0x1  }
0x8e: {  	(v2sf) =	vpush v0, $0x1;
	_ =	sdelay $0x1  }
0x8f: {  	(v2sf) =	vpush v1, $0x1;
	_ =	sdelay $0x1  }
0x90: {  	(v2sf) =	vpush v0, $0x2;
	_ =	sdelay $0x1  }
0x91: {  	(v2sf) =	vpush v1, $0x2;
	_ =	sdelay $0x1  }
0x92: {  	(v2sf) =	vpush v0, $0x3;
	_ =	sdelay $0x1  }
0x93: {  	(v2sf) =	vpush v1, $0x3  }
0x94: {  	s8 =	simm.s32 $0x4900;
	s7 =	spop (v2sf)  }
0x95: {  	(v2sf) =	vpush v0, $0x4;
	[tilespmem:s8], [sflag:$0x1] =	stream.linear.gather [hbm4b:s7+s15], $0x400, $0x38;
	[tilespmem:$0x12B00] =	vst v63  }
0x96: {  	s10 =	simm.s32 $0xC900;
	s9 =	spop (v2sf)  }
0x97: {  	(v2sf) =	vpush v1, $0x4;
	[tilespmem:s10], [sflag:$0x1] =	stream.linear.gather [hbm4b:s9+s15], $0x400, $0x38;
	[tilespmem:$0x12B00] =	vst v63  }
0x98: {  	s12 =	simm.s32 $0x4D00;
	s11 =	spop (v2sf)  }
0x99: {  	(v2sf) =	vpush v0, $0x5;
	[tilespmem:s12], [sflag:$0x1] =	stream.linear.gather [hbm4b:s11+s15], $0x400, $0x38;
	[tilespmem:$0x12B00] =	vst v63  }
0x9a: {  	s8 =	simm.s32 $0xCD00;
	s7 =	spop (v2sf)  }
0x9b: {  	(v2sf) =	vpush v1, $0x5;
	[tilespmem:s8], [sflag:$0x1] =	stream.linear.gather [hbm4b:s7+s15], $0x400, $0x38;
	[tilespmem:$0x12B00] =	vst v63  }
0x9c: {  	s10 =	simm.s32 $0x5100;
	s9 =	spop (v2sf)  }
0x9d: {  	(v2sf) =	vpush v0, $0x6;
	[tilespmem:s10], [sflag:$0x1] =	stream.linear.gather [hbm4b:s9+s15], $0x400, $0x38;
	[tilespmem:$0x12B00] =	vst v63  }
0x9e: {  	s11 =	spop (v2sf);
	s12 =	simm.s32 $0xD100  }
0x9f: {  	(v2sf) =	vpush v1, $0x6;
	[tilespmem:s12], [sflag:$0x1] =	stream.linear.gather [hbm4b:s11+s15], $0x400, $0x38;
	[tilespmem:$0x12B00] =	vst v63  }
0xa0: {  	s7 =	spop (v2sf);
	s8 =	simm.s32 $0x5500  }
0xa1: {  	(v2sf) =	vpush v0, $0x7;
	[tilespmem:s8], [sflag:$0x1] =	stream.linear.gather [hbm4b:s7+s15], $0x400, $0x38;
	[tilespmem:$0x12B00] =	vst v63  }
0xa2: {  	s9 =	spop (v2sf);
	s10 =	simm.s32 $0xD500  }
0xa3: {  	(v2sf) =	vpush v1, $0x7;
	[tilespmem:s10], [sflag:$0x1] =	stream.linear.gather [hbm4b:s9+s15], $0x400, $0x38;
	[tilespmem:$0x12B00] =	vst v63  }
0xa4: {  	s12 =	simm.s32 $0x5900;
	s11 =	spop (v2sf)  }
0xa5: {  	(v2sf) =	vpush v0, $0x8;
	[tilespmem:s12], [sflag:$0x1] =	stream.linear.gather [hbm4b:s11+s15], $0x400, $0x38;
	[tilespmem:$0x12B00] =	vst v63  }
0xa6: {  	s8 =	simm.s32 $0xD900;
	s7 =	spop (v2sf)  }
0xa7: {  	(v2sf) =	vpush v1, $0x8;
	[tilespmem:s8], [sflag:$0x1] =	stream.linear.gather [hbm4b:s7+s15], $0x400, $0x38;
	[tilespmem:$0x12B00] =	vst v63  }
0xa8: {  	s10 =	simm.s32 $0x5D00;
	s9 =	spop (v2sf)  }
0xa9: {  	(v2sf) =	vpush v0, $0x9;
	[tilespmem:s10], [sflag:$0x1] =	stream.linear.gather [hbm4b:s9+s15], $0x400, $0x38;
	[tilespmem:$0x12B00] =	vst v63  }
0xaa: {  	s12 =	simm.s32 $0xDD00;
	s11 =	spop (v2sf)  }
0xab: {  	(v2sf) =	vpush v1, $0x9;
	[tilespmem:s12], [sflag:$0x1] =	stream.linear.gather [hbm4b:s11+s15], $0x400, $0x38;
	[tilespmem:$0x12B00] =	vst v63  }
0xac: {  	s7 =	spop (v2sf);
	s8 =	simm.s32 $0x6100  }
0xad: {  	(v2sf) =	vpush v0, $0xA;
	[tilespmem:s8], [sflag:$0x1] =	stream.linear.gather [hbm4b:s7+s15], $0x400, $0x38;
	[tilespmem:$0x12B00] =	vst v63  }
0xae: {  	s9 =	spop (v2sf);
	s10 =	simm.s32 $0xE100  }
0xaf: {  	(v2sf) =	vpush v1, $0xA;
	[tilespmem:s10], [sflag:$0x1] =	stream.linear.gather [hbm4b:s9+s15], $0x400, $0x38;
	[tilespmem:$0x12B00] =	vst v63  }
0xb0: {  	s11 =	spop (v2sf);
	s12 =	simm.s32 $0x6500  }
0xb1: {  	(v2sf) =	vpush v0, $0xB;
	[tilespmem:s12], [sflag:$0x1] =	stream.linear.gather [hbm4b:s11+s15], $0x400, $0x38;
	[tilespmem:$0x12B00] =	vst v63  }
0xb2: {  	s7 =	spop (v2sf);
	s8 =	simm.s32 $0xE500  }
0xb3: {  	(v2sf) =	vpush v1, $0xB;
	[tilespmem:s8], [sflag:$0x1] =	stream.linear.gather [hbm4b:s7+s15], $0x400, $0x38;
	[tilespmem:$0x12B00] =	vst v63  }
0xb4: {  	s10 =	simm.s32 $0x6900;
	s9 =	spop (v2sf)  }
0xb5: {  	(v2sf) =	vpush v0, $0xC;
	[tilespmem:s10], [sflag:$0x1] =	stream.linear.gather [hbm4b:s9+s15], $0x400, $0x38;
	[tilespmem:$0x12B00] =	vst v63  }
0xb6: {  	s12 =	simm.s32 $0xE900;
	s11 =	spop (v2sf)  }
0xb7: {  	(v2sf) =	vpush v1, $0xC;
	[tilespmem:s12], [sflag:$0x1] =	stream.linear.gather [hbm4b:s11+s15], $0x400, $0x38;
	[tilespmem:$0x12B00] =	vst v63  }
0xb8: {  	s1 =	spop (v2sf)  }
0xb9: {  	(v2sf) =	vpush v0, $0xD;
	[tilespmem:s17], [sflag:$0x1] =	stream.linear.gather [hbm4b:s1+s15], $0x400, $0x38;
	[tilespmem:$0x12B00] =	vst v63  }
0xba: {  	s7 =	spop (v2sf)  }
0xbb: {  	(v2sf) =	vpush v1, $0xD;
	[tilespmem:s18], [sflag:$0x1] =	stream.linear.gather [hbm4b:s7+s15], $0x400, $0x38;
	[tilespmem:$0x12B00] =	vst v63  }
0xbc: {  	s8 =	spop (v2sf)  }
0xbd: {  	(v2sf) =	vpush v0, $0xE;
	[tilespmem:s19], [sflag:$0x1] =	stream.linear.gather [hbm4b:s8+s15], $0x400, $0x38;
	[tilespmem:$0x12B00] =	vst v63  }
0xbe: {  	s9 =	spop (v2sf)  }
0xbf: {  	(v2sf) =	vpush v1, $0xE;
	[tilespmem:s20], [sflag:$0x1] =	stream.linear.gather [hbm4b:s9+s15], $0x400, $0x38;
	[tilespmem:$0x12B00] =	vst v63  }
0xc0: {  	s10 =	spop (v2sf)  }
0xc1: {  	(v2sf) =	vpush v0, $0xF;
	[tilespmem:s21], [sflag:$0x1] =	stream.linear.gather [hbm4b:s10+s15], $0x400, $0x38;
	[tilespmem:$0x12B00] =	vst v63  }
0xc2: {  	s11 =	spop (v2sf)  }
0xc3: {  	(v2sf) =	vpush v1, $0xF;
	[tilespmem:s22], [sflag:$0x1] =	stream.linear.gather [hbm4b:s11+s15], $0x400, $0x38;
	[tilespmem:$0x12B00] =	vst v63  }
0xc4: {  	s12 =	spop (v2sf)  }
0xc5: {  	[tilespmem:s23], [sflag:$0x1] =	stream.linear.gather [hbm4b:s12+s15], $0x400, $0x38;
	[tilespmem:$0x12B00] =	vst v63  }
0xc6: {  	s1 =	spop (v2sf)  }
0xc7: {  	[tilespmem:s24], [sflag:$0x1] =	stream.linear.gather [hbm4b:s1+s15], $0x400, $0x38;
	[tilespmem:$0x12B00] =	vst v63  }
0xc8: {  	s7 =	spop (v2sf)  }
0xc9: {  	[tilespmem:s25], [sflag:$0x1] =	stream.linear.gather [hbm4b:s7+s15], $0x400, $0x38;
	[tilespmem:$0x12B00] =	vst v63  }
0xca: {  	s8 =	spop (v2sf)  }
0xcb: {  	[tilespmem:s26], [sflag:$0x1] =	stream.linear.gather [hbm4b:s8+s15], $0x400, $0x38;
	[tilespmem:$0x12B00] =	vst v63  }
0xcc: {  	s9 =	spop (v2sf)  }
0xcd: {  	[tilespmem:s28], [sflag:$0x1] =	stream.linear.gather [hbm4b:s9+s15], $0x400, $0x38;
	[tilespmem:$0x12B00] =	vst v63  }
0xce: {  	s10 =	spop (v2sf)  }
0xcf: {  	[tilespmem:s29], [sflag:$0x1] =	stream.linear.gather [hbm4b:s10+s15], $0x400, $0x38;
	[tilespmem:$0x12B00] =	vst v63  }
0xd0: {  	s11 =	spop (v2sf)  }
0xd1: {  	[tilespmem:s30], [sflag:$0x1] =	stream.linear.gather [hbm4b:s11+s15], $0x400, $0x38;
	[tilespmem:$0x12B00] =	vst v63  }
0xd2: {  	s12 =	spop (v2sf)  }
0xd3: {  	[tilespmem:s31], [sflag:$0x1] =	stream.linear.gather [hbm4b:s12+s15], $0x400, $0x38;
	[tilespmem:$0x12B00] =	vst v63  }
0xd4: {  	_ =	swait.ge [sflag:s0], $0x400  }
0xd5: {  	[sflag:s0] =	ssyncset.done $0x0  }
0xd6: {  	[sflag:s0] =	ssyncadd.s32 $0xFFFFFC00  }
0xd7: {  	_ =	swait.ge [sflag:s0], $0x400  }
0xd8: {  	[sflag:s0] =	ssyncset.done $0x0  }
0xd9: {  	[sflag:s0] =	ssyncadd.s32 $0xFFFFFC00  }
0xda: {  	_ =	swait.ge [sflag:s0], $0x400  }
0xdb: {  	[sflag:s0] =	ssyncset.done $0x0  }
0xdc: {  	[sflag:s0] =	ssyncadd.s32 $0xFFFFFC00  }
0xdd: {  	_ =	swait.ge [sflag:s0], $0x400  }
0xde: {  	[sflag:s0] =	ssyncset.done $0x0  }
0xdf: {  	[sflag:s0] =	ssyncadd.s32 $0xFFFFFC00  }
0xe0: {  	_ =	swait.ge [sflag:s0], $0x400  }
0xe1: {  	[sflag:s0] =	ssyncset.done $0x0  }
0xe2: {  	[sflag:s0] =	ssyncadd.s32 $0xFFFFFC00  }
0xe3: {  	_ =	swait.ge [sflag:s0], $0x400  }
0xe4: {  	[sflag:s0] =	ssyncset.done $0x0  }
0xe5: {  	[sflag:s0] =	ssyncadd.s32 $0xFFFFFC00  }
0xe6: {  	_ =	swait.ge [sflag:s0], $0x400  }
0xe7: {  	[sflag:s0] =	ssyncset.done $0x0  }
0xe8: {  	[sflag:s0] =	ssyncadd.s32 $0xFFFFFC00  }
0xe9: {  	_ =	swait.ge [sflag:s0], $0x400  }
0xea: {  	[sflag:s0] =	ssyncset.done $0x0  }
0xeb: {  	[sflag:s0] =	ssyncadd.s32 $0xFFFFFC00  }
0xec: {  	_ =	swait.ge [sflag:s0], $0x400  }
0xed: {  	[sflag:s0] =	ssyncset.done $0x0  }
0xee: {  	[sflag:s0] =	ssyncadd.s32 $0xFFFFFC00  }
0xef: {  	_ =	swait.ge [sflag:s0], $0x400  }
0xf0: {  	[sflag:s0] =	ssyncset.done $0x0  }
0xf1: {  	[sflag:s0] =	ssyncadd.s32 $0xFFFFFC00  }
0xf2: {  	_ =	swait.ge [sflag:s0], $0x400  }
0xf3: {  	[sflag:s0] =	ssyncset.done $0x0  }
0xf4: {  	[sflag:s0] =	ssyncadd.s32 $0xFFFFFC00  }
0xf5: {  	_ =	swait.ge [sflag:s0], $0x400  }
0xf6: {  	[sflag:s0] =	ssyncset.done $0x0  }
0xf7: {  	[sflag:s0] =	ssyncadd.s32 $0xFFFFFC00  }
0xf8: {  	_ =	swait.ge [sflag:s0], $0x400  }
0xf9: {  	[sflag:s0] =	ssyncset.done $0x0  }
0xfa: {  	[sflag:s0] =	ssyncadd.s32 $0xFFFFFC00  }
0xfb: {  	_ =	swait.ge [sflag:s0], $0x400  }
0xfc: {  	[sflag:s0] =	ssyncset.done $0x0  }
0xfd: {  	[sflag:s0] =	ssyncadd.s32 $0xFFFFFC00  }
0xfe: {  	_ =	swait.ge [sflag:s0], $0x400  }
0xff: {  	[sflag:s0] =	ssyncset.done $0x0  }
0x100: {  	[sflag:s0] =	ssyncadd.s32 $0xFFFFFC00  }
0x101: {  	_ =	swait.ge [sflag:s0], $0x400  }
0x102: {  	[sflag:s0] =	ssyncset.done $0x0  }
0x103: {  	[sflag:s0] =	ssyncadd.s32 $0xFFFFFC00  }
0x104: {  	_ =	swait.ge [sflag:s0], $0x400  }
0x105: {  	[sflag:s0] =	ssyncset.done $0x0  }
0x106: {  	[sflag:s0] =	ssyncadd.s32 $0xFFFFFC00  }
0x107: {  	_ =	swait.ge [sflag:s0], $0x400  }
0x108: {  	[sflag:s0] =	ssyncset.done $0x0  }
0x109: {  	[sflag:s0] =	ssyncadd.s32 $0xFFFFFC00  }
0x10a: {  	_ =	swait.ge [sflag:s0], $0x400  }
0x10b: {  	[sflag:s0] =	ssyncset.done $0x0  }
0x10c: {  	[sflag:s0] =	ssyncadd.s32 $0xFFFFFC00  }
0x10d: {  	_ =	swait.ge [sflag:s0], $0x400  }
0x10e: {  	[sflag:s0] =	ssyncset.done $0x0  }
0x10f: {  	[sflag:s0] =	ssyncadd.s32 $0xFFFFFC00  }
0x110: {  	_ =	swait.ge [sflag:s0], $0x400  }
0x111: {  	[sflag:s0] =	ssyncset.done $0x0  }
0x112: {  	[sflag:s0] =	ssyncadd.s32 $0xFFFFFC00  }
0x113: {  	_ =	swait.ge [sflag:s0], $0x400  }
0x114: {  	[sflag:s0] =	ssyncset.done $0x0  }
0x115: {  	[sflag:s0] =	ssyncadd.s32 $0xFFFFFC00  }
0x116: {  	_ =	swait.ge [sflag:s0], $0x400  }
0x117: {  	[sflag:s0] =	ssyncset.done $0x0  }
0x118: {  	[sflag:s0] =	ssyncadd.s32 $0xFFFFFC00  }
0x119: {  	_ =	swait.ge [sflag:s0], $0x400  }
0x11a: {  	[sflag:s0] =	ssyncset.done $0x0  }
0x11b: {  	[sflag:s0] =	ssyncadd.s32 $0xFFFFFC00  }
0x11c: {  	_ =	swait.ge [sflag:s0], $0x400  }
0x11d: {  	[sflag:s0] =	ssyncset.done $0x0  }
0x11e: {  	[sflag:s0] =	ssyncadd.s32 $0xFFFFFC00  }
0x11f: {  	_ =	swait.ge [sflag:s0], $0x400  }
0x120: {  	[sflag:s0] =	ssyncset.done $0x0  }
0x121: {  	[sflag:s0] =	ssyncadd.s32 $0xFFFFFC00  }
0x122: {  	_ =	swait.ge [sflag:s0], $0x400  }
0x123: {  	[sflag:s0] =	ssyncset.done $0x0  }
0x124: {  	[sflag:s0] =	ssyncadd.s32 $0xFFFFFC00  }
0x125: {  	_ =	swait.ge [sflag:s0], $0x400  }
0x126: {  	[sflag:s0] =	ssyncset.done $0x0  }
0x127: {  	[sflag:s0] =	ssyncadd.s32 $0xFFFFFC00  }
0x128: {  	_ =	swait.ge [sflag:s0], $0x400  }
0x129: {  	[sflag:s0] =	ssyncset.done $0x0  }
0x12a: {  	[sflag:s0] =	ssyncadd.s32 $0xFFFFFC00  }
0x12b: {  	_ =	swait.ge [sflag:s0], $0x400  }
0x12c: {  	[sflag:s0] =	ssyncset.done $0x0  }
0x12d: {  	[sflag:s0] =	ssyncadd.s32 $0xFFFFFC00  }
0x12e: {  	_ =	swait.ge [sflag:s0], $0x400  }
0x12f: {  	[sflag:s0] =	ssyncset.done $0x0  }
0x130: {  	[sflag:s0] =	ssyncadd.s32 $0xFFFFFC00  }
0x131: {  	_ =	swait.ge [sflag:s0], $0x400  }
0x132: {  	[sflag:s0] =	ssyncset.done $0x0  }
0x133: {  	[sflag:s0] =	ssyncadd.s32 $0xFFFFFC00  }
0x134: {  	_ =	swait.ge [sflag:s0], $0x400  }
0x135: {  	[sflag:s0] =	ssyncset.done $0x0  }
0x136: {  	[sflag:s0] =	ssyncadd.s32 $0xFFFFFC00  }
0x137: {  	_ =	swait.ge [sflag:s0], $0x400  }
0x138: {  	[sflag:s0] =	ssyncset.done $0x0  }
0x139: {  	[sflag:s0] =	ssyncadd.s32 $0xFFFFFC00  }
0x13a: {  	_ =	swait.ge [sflag:s0], $0x400  }
0x13b: {  	[sflag:s0] =	ssyncset.done $0x0  }
0x13c: {  	[sflag:s0] =	ssyncadd.s32 $0xFFFFFC00  }
0x13d: {  	_ =	swait.ge [sflag:s0], $0x400  }
0x13e: {  	[sflag:s0] =	ssyncset.done $0x0  }
0x13f: {  	[sflag:s0] =	ssyncadd.s32 $0xFFFFFC00  }
0x140: {  	_ =	swait.ge [sflag:s0], $0x400  }
0x141: {  	[sflag:s0] =	ssyncset.done $0x0  }
0x142: {  	[sflag:s0] =	ssyncadd.s32 $0xFFFFFC00  }
0x143: {  	_ =	swait.ge [sflag:s0], $0x400  }
0x144: {  	[sflag:s0] =	ssyncset.done $0x0  }
0x145: {  	[sflag:s0] =	ssyncadd.s32 $0xFFFFFC00  }
0x146: {  	_ =	swait.ge [sflag:s0], $0x400  }
0x147: {  	[sflag:s0] =	ssyncset.done $0x0  }
0x148: {  	[sflag:s0] =	ssyncadd.s32 $0xFFFFFC00  }
0x149: {  	_ =	swait.ge [sflag:s0], $0x400  }
0x14a: {  	[sflag:s0] =	ssyncset.done $0x0  }
0x14b: {  	[sflag:s0] =	ssyncadd.s32 $0xFFFFFC00  }
0x14c: {  	_ =	swait.ge [sflag:s0], $0x400  }
0x14d: {  	[sflag:s0] =	ssyncset.done $0x0  }
0x14e: {  	[sflag:s0] =	ssyncadd.s32 $0xFFFFFC00  }
0x14f: {  	_ =	swait.ge [sflag:s0], $0x400  }
0x150: {  	[sflag:s0] =	ssyncset.done $0x0  }
0x151: {  	[sflag:s0] =	ssyncadd.s32 $0xFFFFFC00  }
0x152: {  	_ =	swait.ge [sflag:s0], $0x400  }
0x153: {  	[sflag:s0] =	ssyncset.done $0x0  }
0x154: {  	[sflag:s0] =	ssyncadd.s32 $0xFFFFFC00  }
0x155: {  	_ =	swait.ge [sflag:s0], $0x400  }
0x156: {  	[sflag:s0] =	ssyncset.done $0x0  }
0x157: {  	[sflag:s0] =	ssyncadd.s32 $0xFFFFFC00  }
0x158: {  	_ =	swait.ge [sflag:s0], $0x400  }
0x159: {  	[sflag:s0] =	ssyncset.done $0x0  }
0x15a: {  	[sflag:s0] =	ssyncadd.s32 $0xFFFFFC00  }
0x15b: {  	_ =	swait.ge [sflag:s0], $0x400  }
0x15c: {  	[sflag:s0] =	ssyncset.done $0x0  }
0x15d: {  	[sflag:s0] =	ssyncadd.s32 $0xFFFFFC00  }
0x15e: {  	_ =	swait.ge [sflag:s0], $0x400  }
0x15f: {  	[sflag:s0] =	ssyncset.done $0x0  }
0x160: {  	[sflag:s0] =	ssyncadd.s32 $0xFFFFFC00  }
0x161: {  	_ =	swait.ge [sflag:s0], $0x400  }
0x162: {  	[sflag:s0] =	ssyncset.done $0x0  }
0x163: {  	[sflag:s0] =	ssyncadd.s32 $0xFFFFFC00  }
0x164: {  	_ =	swait.ge [sflag:s0], $0x400  }
0x165: {  	[sflag:s0] =	ssyncset.done $0x0  }
0x166: {  	[sflag:s0] =	ssyncadd.s32 $0xFFFFFC00  }
0x167: {  	_ =	swait.ge [sflag:s0], $0x400  }
0x168: {  	[sflag:s0] =	ssyncset.done $0x0  }
0x169: {  	[sflag:s0] =	ssyncadd.s32 $0xFFFFFC00  }
0x16a: {  	_ =	swait.ge [sflag:s0], $0x400  }
0x16b: {  	[sflag:s0] =	ssyncset.done $0x0  }
0x16c: {  	[sflag:s0] =	ssyncadd.s32 $0xFFFFFC00  }
0x16d: {  	_ =	swait.ge [sflag:s0], $0x400  }
0x16e: {  	[sflag:s0] =	ssyncset.done $0x0  }
0x16f: {  	[sflag:s0] =	ssyncadd.s32 $0xFFFFFC00  }
0x170: {  	_ =	swait.ge [sflag:s0], $0x400  }
0x171: {  	[sflag:s0] =	ssyncset.done $0x0  }
0x172: {  	[sflag:s0] =	ssyncadd.s32 $0xFFFFFC00  }
0x173: {  	_ =	swait.ge [sflag:s0], $0x400  }
0x174: {  	[sflag:s0] =	ssyncset.done $0x0  }
0x175: {  	[sflag:s0] =	ssyncadd.s32 $0xFFFFFC00  }
0x176: {  	_ =	swait.ge [sflag:s0], $0x400  }
0x177: {  	[sflag:s0] =	ssyncset.done $0x0  }
0x178: {  	[sflag:s0] =	ssyncadd.s32 $0xFFFFFC00  }
0x179: {  	_ =	swait.ge [sflag:s0], $0x400  }
0x17a: {  	[sflag:s0] =	ssyncset.done $0x0  }
0x17b: {  	[sflag:s0] =	ssyncadd.s32 $0xFFFFFC00  }
0x17c: {  	_ =	swait.ge [sflag:s0], $0x400  }
0x17d: {  	[sflag:s0] =	ssyncset.done $0x0  }
0x17e: {  	[sflag:s0] =	ssyncadd.s32 $0xFFFFFC00  }
0x17f: {  	_ =	swait.ge [sflag:s0], $0x400  }
0x180: {  	[sflag:s0] =	ssyncset.done $0x0  }
0x181: {  	[sflag:s0] =	ssyncadd.s32 $0xFFFFFC00  }
0x182: {  	_ =	swait.ge [sflag:s0], $0x400  }
0x183: {  	[sflag:s0] =	ssyncset.done $0x0  }
0x184: {  	[sflag:s0] =	ssyncadd.s32 $0xFFFFFC00  }
0x185: {  	_ =	swait.ge [sflag:s0], $0x400  }
0x186: {  	[sflag:s0] =	ssyncset.done $0x0  }
0x187: {  	[sflag:s0] =	ssyncadd.s32 $0xFFFFFC00  }
0x188: {  	_ =	swait.ge [sflag:s0], $0x400  }
0x189: {  	[sflag:s0] =	ssyncset.done $0x0  }
0x18a: {  	[sflag:s0] =	ssyncadd.s32 $0xFFFFFC00  }
0x18b: {  	_ =	swait.ge [sflag:s0], $0x400  }
0x18c: {  	[sflag:s0] =	ssyncset.done $0x0  }
0x18d: {  	[sflag:s0] =	ssyncadd.s32 $0xFFFFFC00  }
0x18e: {  	_ =	swait.ge [sflag:s0], $0x400  }
0x18f: {  	[sflag:s0] =	ssyncset.done $0x0  }
0x190: {  	[sflag:s0] =	ssyncadd.s32 $0xFFFFFC00  }
0x191: {  	_ =	swait.ge [sflag:s0], $0x400  }
0x192: {  	[sflag:s0] =	ssyncset.done $0x0  }
0x193: {  	[sflag:s0] =	ssyncadd.s32 $0xFFFFFC00  }
0x194: {  	_ =	swait.ge [sflag:s0], $0x1000  }
0x195: {  	[sflag:s0] =	ssyncset.done $0x0  }
0x196: {  	[sflag:s0] =	ssyncadd.s32 $0xFFFFF000  }
0x197: {  	_ =	swait.ge [sflag:s0], $0x1000  }
0x198: {  	[sflag:s0] =	ssyncset.done $0x0  }
0x199: {  	p0 =	por $0x1, $0x1;
	[sflag:s0] =	ssyncadd.s32 $0xFFFFF000  }
.LBB2_3:
0x19a: {  	s6 =	sshll.u32 s15, $0x4  }
0x19b: {  	s7 =	sor.u32 s14, s6  }
0x19c: {  	v0 =	vld [tilespmem:s7+$0x0]  }
0x19d: {  	v1 =	vld [tilespmem:s7+$0x400]  }
0x19e: {  	v3 =	vld [tilespmem:s7+$0x200];
	_ =	sdelay $0x1  }
0x19f: {  	v4 =	vld [tilespmem:s7+$0x600]  }
0x1a0: {  	v2 =	vand.u32 $0x7, v0  }
0x1a1: {  	(v2sf) =	vpush v2, $0x0  }
0x1a2: {  	v0 =	vand.u32 $0x7, v1;
	v40 =	vshll.u32 v3, $0x5  }
0x1a3: {  	v1 =	vand.u32 $0x60, v40;
	(v2sf) =	vpush v0, $0x0  }
0x1a4: {  	v41 =	vshll.u32 v4, $0x5;
	(v2sf) =	vpush v1, $0x0  }
0x1a5: {  	v3 =	vand.u32 $0x60, v41  }
0x1a6: {  	(v2sf) =	vpush v3, $0x0;
	_ =	sdelay $0x9  }
0x1a7: {  	s8 =	sshll.u32 s15, $0x7;
	s9 =	spop (v2sf)  }
0x1a8: {  	s9 =	sor.u32 s8, s9  }
0x1a9: {  	s10 =	spop (v2sf);
	s9 =	sshll.u32 s9, $0x7  }
0x1aa: {  	s1 =	sshll.u32 s15, $0xB;
	s11 =	spop (v2sf);
	s9 =	sand.u32 $0x3FFFC380, s9  }
0x1ab: {  	s11 =	sor.u32 s11, s1;
	v42 =	vld [tilespmem:s9+$0x900]  }
0x1ac: {  	s12 =	spop (v2sf);
	v5 =	vld [tilespmem:s11+$0x10900]  }
0x1ad: {  	s8 =	sor.u32 s8, s10;
	v6 =	vld [tilespmem:s9+$0x910];
	s1 =	sor.u32 s12, s1  }
0x1ae: {  	s8 =	sshll.u32 s8, $0x7;
	s10 =	sadd.s32 $0x10900, s11;
	v7 =	vld [tilespmem:s1+$0x11900]  }
0x1af: {  	s8 =	sand.u32 $0x3FFFC380, s8;
	v8 =	vld [tilespmem:s10+$0x10]  }
0x1b0: {  	v9 =	vld [tilespmem:s8+$0x8900];
	s1 =	sadd.s32 $0x11900, s1  }
0x1b1: {  	v10 =	vld [tilespmem:s1+$0x10]  }
0x1b2: {  	v4 =	vadd.f32 v5, v42  }
0x1b3: {  	v43 =	vld [tilespmem:s8+$0x8910]  }
0x1b4: {  	v6 =	vadd.f32 v8, v6;
	v4 =	vadd.f32 v7, v4  }
0x1b5: {  	(v2sf) =	vpush v2, $0x1  }
0x1b6: {  	v6 =	vadd.f32 v10, v6;
	v4 =	vsub.f32 v4, v9;
	_ =	sdelay $0x1  }
0x1b7: {  	(v2sf) =	vpush v0, $0x1;
	v5 =	vsub.f32 v6, v43;
	v4 =	vand.u32 $0x7FFFFFFF, v4  }
0x1b8: {  	(v2sf) =	vpush v1, $0x1;
	v4 =	vsub.f32 $0.0e+00, v4  }
0x1b9: {  	v5 =	vand.u32 $0x7FFFFFFF, v5  }
0x1ba: {  	(v2sf) =	vpush v3, $0x1;
	v4 =	vsub.f32 v4, v5;
	_ =	sdelay $0x1  }
0x1bb: {  	(xrf2) =	vadd.scan.msk.f32 $0xffff, v4;
	_ =	sdelay $0x2  }
0x1bc: {  	v44 =	vmov s7  }
0x1bd: {  	v4 =	vand.u32 $0xFFFFFFF0, v44  }
0x1be: {  	v4 =	vbroadcast v4, $0x0;
	_ =	sdelay $0x1  }
0x1bf: {  	s1 =	sor.u32 $0x1, s6  }
0x1c0: {  	s7 =	sshll.u32 s1, $0x3;
	s11 =	spop (v2sf)  }
0x1c1: {  	s8 =	sor.u32 s7, s11  }
0x1c2: {  	s9 =	spop (v2sf);
	s8 =	sshll.u32 s8, $0x7;
	v45, _, _ =	vpop (xrf2)  }
0x1c3: {  	s11 =	sshll.u32 s1, $0x7;
	s12 =	spop (v2sf);
	s8 =	sand.u32 $0x3FFFC780, s8;
	[tilespmem:v4+s2+$0x0] =	vst.idx.msk vm0, v45  }
0x1c4: {  	s10 =	sor.u32 s12, s11;
	v4 =	vld [tilespmem:s8+$0x900]  }
0x1c5: {  	s12 =	spop (v2sf);
	v5 =	vld [tilespmem:s10+$0x10900]  }
0x1c6: {  	s7 =	sor.u32 s7, s9;
	s12 =	sor.u32 s12, s11;
	v46 =	vld [tilespmem:s8+$0x910]  }
0x1c7: {  	s7 =	sshll.u32 s7, $0x7;
	s10 =	sadd.s32 $0x10900, s10;
	v47 =	vld [tilespmem:s12+$0x11900]  }
0x1c8: {  	s7 =	sand.u32 $0x3FFFC780, s7;
	v48 =	vld [tilespmem:s10+$0x10]  }
0x1c9: {  	v49 =	vld [tilespmem:s7+$0x8900];
	s8 =	sadd.s32 $0x11900, s12  }
0x1ca: {  	v50 =	vld [tilespmem:s8+$0x10]  }
0x1cb: {  	v4 =	vadd.f32 v5, v4  }
0x1cc: {  	v51 =	vld [tilespmem:s7+$0x8910]  }
0x1cd: {  	v6 =	vadd.f32 v48, v46;
	v4 =	vadd.f32 v47, v4  }
0x1ce: {  	(v2sf) =	vpush v2, $0x2  }
0x1cf: {  	v6 =	vadd.f32 v50, v6;
	v4 =	vsub.f32 v4, v49;
	_ =	sdelay $0x1  }
0x1d0: {  	(v2sf) =	vpush v0, $0x2;
	v5 =	vsub.f32 v6, v51;
	v4 =	vand.u32 $0x7FFFFFFF, v4  }
0x1d1: {  	(v2sf) =	vpush v1, $0x2;
	v4 =	vsub.f32 $0.0e+00, v4  }
0x1d2: {  	v5 =	vand.u32 $0x7FFFFFFF, v5  }
0x1d3: {  	(v2sf) =	vpush v3, $0x2;
	v4 =	vsub.f32 v4, v5;
	_ =	sdelay $0x1  }
0x1d4: {  	(xrf2) =	vadd.scan.msk.f32 $0xffff, v4;
	_ =	sdelay $0x1  }
0x1d5: {  	s1 =	sor.u32 s14, s1  }
0x1d6: {  	v52 =	vmov s1  }
0x1d7: {  	v4 =	vand.u32 $0xFFFFFFF1, v52  }
0x1d8: {  	v4 =	vbroadcast v4, $0x0;
	_ =	sdelay $0x1  }
0x1d9: {  	s1 =	sor.u32 $0x2, s6  }
0x1da: {  	s11 =	spop (v2sf);
	s7 =	sshll.u32 s1, $0x3  }
0x1db: {  	s8 =	sor.u32 s7, s11  }
0x1dc: {  	s9 =	spop (v2sf);
	s8 =	sshll.u32 s8, $0x7;
	v53, _, _ =	vpop (xrf2)  }
0x1dd: {  	s12 =	spop (v2sf);
	s11 =	sshll.u32 s1, $0x7;
	s8 =	sand.u32 $0x3FFFCB80, s8;
	[tilespmem:v4+s2+$0x0] =	vst.idx.msk vm0, v53  }
0x1de: {  	s10 =	sor.u32 s12, s11;
	v4 =	vld [tilespmem:s8+$0x900]  }
0x1df: {  	s12 =	spop (v2sf);
	v5 =	vld [tilespmem:s10+$0x10900]  }
0x1e0: {  	s7 =	sor.u32 s7, s9;
	s12 =	sor.u32 s12, s11;
	v54 =	vld [tilespmem:s8+$0x910]  }
0x1e1: {  	s7 =	sshll.u32 s7, $0x7;
	s10 =	sadd.s32 $0x10900, s10;
	v55 =	vld [tilespmem:s12+$0x11900]  }
0x1e2: {  	s7 =	sand.u32 $0x3FFFCB80, s7;
	v56 =	vld [tilespmem:s10+$0x10]  }
0x1e3: {  	v57 =	vld [tilespmem:s7+$0x8900];
	s8 =	sadd.s32 $0x11900, s12  }
0x1e4: {  	v58 =	vld [tilespmem:s8+$0x10]  }
0x1e5: {  	v4 =	vadd.f32 v5, v4  }
0x1e6: {  	v59 =	vld [tilespmem:s7+$0x8910]  }
0x1e7: {  	v6 =	vadd.f32 v56, v54;
	v4 =	vadd.f32 v55, v4  }
0x1e8: {  	(v2sf) =	vpush v2, $0x3  }
0x1e9: {  	v6 =	vadd.f32 v58, v6;
	v4 =	vsub.f32 v4, v57;
	_ =	sdelay $0x1  }
0x1ea: {  	(v2sf) =	vpush v0, $0x3;
	v5 =	vsub.f32 v6, v59;
	v4 =	vand.u32 $0x7FFFFFFF, v4  }
0x1eb: {  	(v2sf) =	vpush v1, $0x3;
	v4 =	vsub.f32 $0.0e+00, v4  }
0x1ec: {  	v5 =	vand.u32 $0x7FFFFFFF, v5  }
0x1ed: {  	(v2sf) =	vpush v3, $0x3;
	v4 =	vsub.f32 v4, v5;
	_ =	sdelay $0x1  }
0x1ee: {  	(xrf2) =	vadd.scan.msk.f32 $0xffff, v4;
	_ =	sdelay $0x1  }
0x1ef: {  	s1 =	sor.u32 s14, s1  }
0x1f0: {  	v60 =	vmov s1  }
0x1f1: {  	v4 =	vand.u32 $0xFFFFFFF2, v60  }
0x1f2: {  	v4 =	vbroadcast v4, $0x0;
	_ =	sdelay $0x1  }
0x1f3: {  	s1 =	sor.u32 $0x3, s6  }
0x1f4: {  	s11 =	spop (v2sf);
	s7 =	sshll.u32 s1, $0x3  }
0x1f5: {  	s8 =	sor.u32 s7, s11  }
0x1f6: {  	s9 =	spop (v2sf);
	s8 =	sshll.u32 s8, $0x7;
	v61, _, _ =	vpop (xrf2)  }
0x1f7: {  	s12 =	spop (v2sf);
	s11 =	sshll.u32 s1, $0x7;
	s8 =	sand.u32 $0x3FFFCF80, s8;
	[tilespmem:v4+s2+$0x0] =	vst.idx.msk vm0, v61  }
0x1f8: {  	s10 =	sor.u32 s12, s11;
	v4 =	vld [tilespmem:s8+$0x900]  }
0x1f9: {  	s12 =	spop (v2sf);
	v5 =	vld [tilespmem:s10+$0x10900]  }
0x1fa: {  	s7 =	sor.u32 s7, s9;
	s12 =	sor.u32 s12, s11;
	v62 =	vld [tilespmem:s8+$0x910]  }
0x1fb: {  	s7 =	sshll.u32 s7, $0x7;
	s10 =	sadd.s32 $0x10900, s10;
	v63 =	vld [tilespmem:s12+$0x11900]  }
0x1fc: {  	s7 =	sand.u32 $0x3FFFCF80, s7;
	v12 =	vld [tilespmem:s10+$0x10]  }
0x1fd: {  	v13 =	vld [tilespmem:s7+$0x8900];
	s8 =	sadd.s32 $0x11900, s12  }
0x1fe: {  	v14 =	vld [tilespmem:s8+$0x10]  }
0x1ff: {  	v4 =	vadd.f32 v5, v4  }
0x200: {  	v15 =	vld [tilespmem:s7+$0x8910]  }
0x201: {  	v6 =	vadd.f32 v12, v62;
	v4 =	vadd.f32 v63, v4  }
0x202: {  	(v2sf) =	vpush v2, $0x4  }
0x203: {  	v6 =	vadd.f32 v14, v6;
	v4 =	vsub.f32 v4, v13;
	_ =	sdelay $0x1  }
0x204: {  	(v2sf) =	vpush v0, $0x4;
	v5 =	vsub.f32 v6, v15;
	v4 =	vand.u32 $0x7FFFFFFF, v4  }
0x205: {  	(v2sf) =	vpush v1, $0x4;
	v4 =	vsub.f32 $0.0e+00, v4  }
0x206: {  	v5 =	vand.u32 $0x7FFFFFFF, v5  }
0x207: {  	(v2sf) =	vpush v3, $0x4;
	v4 =	vsub.f32 v4, v5;
	_ =	sdelay $0x1  }
0x208: {  	(xrf2) =	vadd.scan.msk.f32 $0xffff, v4;
	_ =	sdelay $0x1  }
0x209: {  	s1 =	sor.u32 s14, s1  }
0x20a: {  	v16 =	vmov s1  }
0x20b: {  	v4 =	vand.u32 $0xFFFFFFF3, v16  }
0x20c: {  	v4 =	vbroadcast v4, $0x0;
	_ =	sdelay $0x1  }
0x20d: {  	s1 =	sor.u32 $0x4, s6  }
0x20e: {  	s11 =	spop (v2sf);
	s7 =	sshll.u32 s1, $0x3  }
0x20f: {  	s8 =	sor.u32 s7, s11  }
0x210: {  	s9 =	spop (v2sf);
	s8 =	sshll.u32 s8, $0x7;
	v17, _, _ =	vpop (xrf2)  }
0x211: {  	s12 =	spop (v2sf);
	s11 =	sshll.u32 s1, $0x7;
	s8 =	sand.u32 $0x3FFFD380, s8;
	[tilespmem:v4+s2+$0x0] =	vst.idx.msk vm0, v17  }
0x212: {  	s10 =	sor.u32 s12, s11;
	v4 =	vld [tilespmem:s8+$0x900]  }
0x213: {  	s12 =	spop (v2sf);
	v5 =	vld [tilespmem:s10+$0x10900]  }
0x214: {  	s7 =	sor.u32 s7, s9;
	s12 =	sor.u32 s12, s11;
	v18 =	vld [tilespmem:s8+$0x910]  }
0x215: {  	s7 =	sshll.u32 s7, $0x7;
	s10 =	sadd.s32 $0x10900, s10;
	v19 =	vld [tilespmem:s12+$0x11900]  }
0x216: {  	s7 =	sand.u32 $0x3FFFD380, s7;
	v20 =	vld [tilespmem:s10+$0x10]  }
0x217: {  	v21 =	vld [tilespmem:s7+$0x8900];
	s8 =	sadd.s32 $0x11900, s12  }
0x218: {  	v22 =	vld [tilespmem:s8+$0x10]  }
0x219: {  	v4 =	vadd.f32 v5, v4  }
0x21a: {  	v23 =	vld [tilespmem:s7+$0x8910]  }
0x21b: {  	v6 =	vadd.f32 v20, v18;
	v4 =	vadd.f32 v19, v4  }
0x21c: {  	(v2sf) =	vpush v2, $0x5  }
0x21d: {  	v6 =	vadd.f32 v22, v6;
	v4 =	vsub.f32 v4, v21;
	_ =	sdelay $0x1  }
0x21e: {  	(v2sf) =	vpush v0, $0x5;
	v5 =	vsub.f32 v6, v23;
	v4 =	vand.u32 $0x7FFFFFFF, v4  }
0x21f: {  	(v2sf) =	vpush v1, $0x5;
	v4 =	vsub.f32 $0.0e+00, v4  }
0x220: {  	v5 =	vand.u32 $0x7FFFFFFF, v5  }
0x221: {  	(v2sf) =	vpush v3, $0x5;
	v4 =	vsub.f32 v4, v5;
	_ =	sdelay $0x1  }
0x222: {  	(xrf2) =	vadd.scan.msk.f32 $0xffff, v4;
	_ =	sdelay $0x1  }
0x223: {  	s1 =	sor.u32 s14, s1  }
0x224: {  	v24 =	vmov s1  }
0x225: {  	v4 =	vand.u32 $0xFFFFFFF4, v24  }
0x226: {  	v4 =	vbroadcast v4, $0x0;
	_ =	sdelay $0x1  }
0x227: {  	s1 =	sor.u32 $0x5, s6  }
0x228: {  	s11 =	spop (v2sf);
	s7 =	sshll.u32 s1, $0x3  }
0x229: {  	s8 =	sor.u32 s7, s11  }
0x22a: {  	s9 =	spop (v2sf);
	s8 =	sshll.u32 s8, $0x7;
	v25, _, _ =	vpop (xrf2)  }
0x22b: {  	s12 =	spop (v2sf);
	s11 =	sshll.u32 s1, $0x7;
	s8 =	sand.u32 $0x3FFFD780, s8;
	[tilespmem:v4+s2+$0x0] =	vst.idx.msk vm0, v25  }
0x22c: {  	s10 =	sor.u32 s12, s11;
	v4 =	vld [tilespmem:s8+$0x900]  }
0x22d: {  	s12 =	spop (v2sf);
	v5 =	vld [tilespmem:s10+$0x10900]  }
0x22e: {  	s7 =	sor.u32 s7, s9;
	s12 =	sor.u32 s12, s11;
	v26 =	vld [tilespmem:s8+$0x910]  }
0x22f: {  	s7 =	sshll.u32 s7, $0x7;
	s10 =	sadd.s32 $0x10900, s10;
	v27 =	vld [tilespmem:s12+$0x11900]  }
0x230: {  	s7 =	sand.u32 $0x3FFFD780, s7;
	v28 =	vld [tilespmem:s10+$0x10]  }
0x231: {  	v29 =	vld [tilespmem:s7+$0x8900];
	s8 =	sadd.s32 $0x11900, s12  }
0x232: {  	v30 =	vld [tilespmem:s8+$0x10]  }
0x233: {  	v4 =	vadd.f32 v5, v4  }
0x234: {  	v31 =	vld [tilespmem:s7+$0x8910]  }
0x235: {  	v6 =	vadd.f32 v28, v26;
	v4 =	vadd.f32 v27, v4  }
0x236: {  	(v2sf) =	vpush v2, $0x6  }
0x237: {  	v6 =	vadd.f32 v30, v6;
	v4 =	vsub.f32 v4, v29;
	_ =	sdelay $0x1  }
0x238: {  	(v2sf) =	vpush v0, $0x6;
	v5 =	vsub.f32 v6, v31;
	v4 =	vand.u32 $0x7FFFFFFF, v4  }
0x239: {  	(v2sf) =	vpush v1, $0x6;
	v4 =	vsub.f32 $0.0e+00, v4  }
0x23a: {  	v5 =	vand.u32 $0x7FFFFFFF, v5  }
0x23b: {  	(v2sf) =	vpush v3, $0x6;
	v4 =	vsub.f32 v4, v5;
	_ =	sdelay $0x1  }
0x23c: {  	(xrf2) =	vadd.scan.msk.f32 $0xffff, v4;
	_ =	sdelay $0x1  }
0x23d: {  	s1 =	sor.u32 s14, s1  }
0x23e: {  	v32 =	vmov s1  }
0x23f: {  	v4 =	vand.u32 $0xFFFFFFF5, v32  }
0x240: {  	v4 =	vbroadcast v4, $0x0;
	_ =	sdelay $0x1  }
0x241: {  	s1 =	sor.u32 $0x6, s6  }
0x242: {  	s11 =	spop (v2sf);
	s7 =	sshll.u32 s1, $0x3  }
0x243: {  	s8 =	sor.u32 s7, s11  }
0x244: {  	s9 =	spop (v2sf);
	s8 =	sshll.u32 s8, $0x7;
	v33, _, _ =	vpop (xrf2)  }
0x245: {  	s12 =	spop (v2sf);
	s11 =	sshll.u32 s1, $0x7;
	s8 =	sand.u32 $0x3FFFDB80, s8;
	[tilespmem:v4+s2+$0x0] =	vst.idx.msk vm0, v33  }
0x246: {  	s10 =	sor.u32 s12, s11;
	v4 =	vld [tilespmem:s8+$0x900]  }
0x247: {  	s12 =	spop (v2sf);
	v5 =	vld [tilespmem:s10+$0x10900]  }
0x248: {  	s7 =	sor.u32 s7, s9;
	s12 =	sor.u32 s12, s11;
	v34 =	vld [tilespmem:s8+$0x910]  }
0x249: {  	s7 =	sshll.u32 s7, $0x7;
	s10 =	sadd.s32 $0x10900, s10;
	v35 =	vld [tilespmem:s12+$0x11900]  }
0x24a: {  	s7 =	sand.u32 $0x3FFFDB80, s7;
	v36 =	vld [tilespmem:s10+$0x10]  }
0x24b: {  	v37 =	vld [tilespmem:s7+$0x8900];
	s8 =	sadd.s32 $0x11900, s12  }
0x24c: {  	v38 =	vld [tilespmem:s8+$0x10]  }
0x24d: {  	v4 =	vadd.f32 v5, v4  }
0x24e: {  	v39 =	vld [tilespmem:s7+$0x8910]  }
0x24f: {  	v6 =	vadd.f32 v36, v34;
	v4 =	vadd.f32 v35, v4  }
0x250: {  	(v2sf) =	vpush v2, $0x7  }
0x251: {  	v6 =	vadd.f32 v38, v6;
	v4 =	vsub.f32 v4, v37;
	_ =	sdelay $0x1  }
0x252: {  	(v2sf) =	vpush v0, $0x7;
	v5 =	vsub.f32 v6, v39;
	v4 =	vand.u32 $0x7FFFFFFF, v4  }
0x253: {  	(v2sf) =	vpush v1, $0x7;
	v4 =	vsub.f32 $0.0e+00, v4  }
0x254: {  	v5 =	vand.u32 $0x7FFFFFFF, v5  }
0x255: {  	(v2sf) =	vpush v3, $0x7;
	v4 =	vsub.f32 v4, v5;
	_ =	sdelay $0x1  }
0x256: {  	(xrf2) =	vadd.scan.msk.f32 $0xffff, v4;
	_ =	sdelay $0x1  }
0x257: {  	s1 =	sor.u32 s14, s1  }
0x258: {  	v40 =	vmov s1  }
0x259: {  	v4 =	vand.u32 $0xFFFFFFF6, v40  }
0x25a: {  	v4 =	vbroadcast v4, $0x0;
	_ =	sdelay $0x1  }
0x25b: {  	s1 =	sor.u32 $0x7, s6  }
0x25c: {  	s11 =	spop (v2sf);
	s7 =	sshll.u32 s1, $0x3  }
0x25d: {  	s8 =	sor.u32 s7, s11  }
0x25e: {  	s9 =	spop (v2sf);
	s8 =	sshll.u32 s8, $0x7;
	v41, _, _ =	vpop (xrf2)  }
0x25f: {  	s12 =	spop (v2sf);
	s11 =	sshll.u32 s1, $0x7;
	s8 =	sand.u32 $0x3FFFDF80, s8;
	[tilespmem:v4+s2+$0x0] =	vst.idx.msk vm0, v41  }
0x260: {  	s10 =	sor.u32 s12, s11;
	v4 =	vld [tilespmem:s8+$0x900]  }
0x261: {  	s12 =	spop (v2sf);
	v5 =	vld [tilespmem:s10+$0x10900]  }
0x262: {  	s7 =	sor.u32 s7, s9;
	s12 =	sor.u32 s12, s11;
	v42 =	vld [tilespmem:s8+$0x910]  }
0x263: {  	s7 =	sshll.u32 s7, $0x7;
	s10 =	sadd.s32 $0x10900, s10;
	v43 =	vld [tilespmem:s12+$0x11900]  }
0x264: {  	s7 =	sand.u32 $0x3FFFDF80, s7;
	v44 =	vld [tilespmem:s10+$0x10]  }
0x265: {  	v45 =	vld [tilespmem:s7+$0x8900];
	s8 =	sadd.s32 $0x11900, s12  }
0x266: {  	v46 =	vld [tilespmem:s8+$0x10]  }
0x267: {  	v4 =	vadd.f32 v5, v4  }
0x268: {  	v47 =	vld [tilespmem:s7+$0x8910]  }
0x269: {  	v6 =	vadd.f32 v44, v42;
	v4 =	vadd.f32 v43, v4  }
0x26a: {  	(v2sf) =	vpush v2, $0x8  }
0x26b: {  	v6 =	vadd.f32 v46, v6;
	v4 =	vsub.f32 v4, v45;
	_ =	sdelay $0x1  }
0x26c: {  	(v2sf) =	vpush v0, $0x8;
	v5 =	vsub.f32 v6, v47;
	v4 =	vand.u32 $0x7FFFFFFF, v4  }
0x26d: {  	(v2sf) =	vpush v1, $0x8;
	v4 =	vsub.f32 $0.0e+00, v4  }
0x26e: {  	v5 =	vand.u32 $0x7FFFFFFF, v5  }
0x26f: {  	(v2sf) =	vpush v3, $0x8;
	v4 =	vsub.f32 v4, v5;
	_ =	sdelay $0x1  }
0x270: {  	(xrf2) =	vadd.scan.msk.f32 $0xffff, v4;
	_ =	sdelay $0x1  }
0x271: {  	s1 =	sor.u32 s14, s1  }
0x272: {  	v48 =	vmov s1  }
0x273: {  	v4 =	vand.u32 $0xFFFFFFF7, v48  }
0x274: {  	v4 =	vbroadcast v4, $0x0;
	_ =	sdelay $0x1  }
0x275: {  	s1 =	sor.u32 $0x8, s6  }
0x276: {  	s11 =	spop (v2sf);
	s7 =	sshll.u32 s1, $0x3  }
0x277: {  	s8 =	sor.u32 s7, s11  }
0x278: {  	s9 =	spop (v2sf);
	s8 =	sshll.u32 s8, $0x7;
	v49, _, _ =	vpop (xrf2)  }
0x279: {  	s12 =	spop (v2sf);
	s11 =	sshll.u32 s1, $0x7;
	s8 =	sand.u32 $0x3FFFE380, s8;
	[tilespmem:v4+s2+$0x0] =	vst.idx.msk vm0, v49  }
0x27a: {  	s10 =	sor.u32 s12, s11;
	v4 =	vld [tilespmem:s8+$0x900]  }
0x27b: {  	s12 =	spop (v2sf);
	v5 =	vld [tilespmem:s10+$0x10900]  }
0x27c: {  	s7 =	sor.u32 s7, s9;
	s12 =	sor.u32 s12, s11;
	v50 =	vld [tilespmem:s8+$0x910]  }
0x27d: {  	s7 =	sshll.u32 s7, $0x7;
	s10 =	sadd.s32 $0x10900, s10;
	v51 =	vld [tilespmem:s12+$0x11900]  }
0x27e: {  	s7 =	sand.u32 $0x3FFFE380, s7;
	v52 =	vld [tilespmem:s10+$0x10]  }
0x27f: {  	v53 =	vld [tilespmem:s7+$0x8900];
	s8 =	sadd.s32 $0x11900, s12  }
0x280: {  	v54 =	vld [tilespmem:s8+$0x10]  }
0x281: {  	v4 =	vadd.f32 v5, v4  }
0x282: {  	v55 =	vld [tilespmem:s7+$0x8910]  }
0x283: {  	v6 =	vadd.f32 v52, v50;
	v4 =	vadd.f32 v51, v4  }
0x284: {  	(v2sf) =	vpush v2, $0x9  }
0x285: {  	v6 =	vadd.f32 v54, v6;
	v4 =	vsub.f32 v4, v53;
	_ =	sdelay $0x1  }
0x286: {  	(v2sf) =	vpush v0, $0x9;
	v5 =	vsub.f32 v6, v55;
	v4 =	vand.u32 $0x7FFFFFFF, v4  }
0x287: {  	(v2sf) =	vpush v1, $0x9;
	v4 =	vsub.f32 $0.0e+00, v4  }
0x288: {  	v5 =	vand.u32 $0x7FFFFFFF, v5  }
0x289: {  	(v2sf) =	vpush v3, $0x9;
	v4 =	vsub.f32 v4, v5;
	_ =	sdelay $0x1  }
0x28a: {  	(xrf2) =	vadd.scan.msk.f32 $0xffff, v4;
	_ =	sdelay $0x1  }
0x28b: {  	s1 =	sor.u32 s14, s1  }
0x28c: {  	v56 =	vmov s1  }
0x28d: {  	v4 =	vand.u32 $0xFFFFFFF8, v56  }
0x28e: {  	v4 =	vbroadcast v4, $0x0;
	_ =	sdelay $0x1  }
0x28f: {  	s1 =	sor.u32 $0x9, s6  }
0x290: {  	s11 =	spop (v2sf);
	s7 =	sshll.u32 s1, $0x3  }
0x291: {  	s8 =	sor.u32 s7, s11  }
0x292: {  	s9 =	spop (v2sf);
	s8 =	sshll.u32 s8, $0x7;
	v57, _, _ =	vpop (xrf2)  }
0x293: {  	s12 =	spop (v2sf);
	s11 =	sshll.u32 s1, $0x7;
	s8 =	sand.u32 $0x3FFFE780, s8;
	[tilespmem:v4+s2+$0x0] =	vst.idx.msk vm0, v57  }
0x294: {  	s10 =	sor.u32 s12, s11;
	v4 =	vld [tilespmem:s8+$0x900]  }
0x295: {  	s12 =	spop (v2sf);
	v5 =	vld [tilespmem:s10+$0x10900]  }
0x296: {  	s7 =	sor.u32 s7, s9;
	s12 =	sor.u32 s12, s11;
	v58 =	vld [tilespmem:s8+$0x910]  }
0x297: {  	s7 =	sshll.u32 s7, $0x7;
	s10 =	sadd.s32 $0x10900, s10;
	v59 =	vld [tilespmem:s12+$0x11900]  }
0x298: {  	s7 =	sand.u32 $0x3FFFE780, s7;
	v60 =	vld [tilespmem:s10+$0x10]  }
0x299: {  	v61 =	vld [tilespmem:s7+$0x8900];
	s8 =	sadd.s32 $0x11900, s12  }
0x29a: {  	v62 =	vld [tilespmem:s8+$0x10]  }
0x29b: {  	v4 =	vadd.f32 v5, v4  }
0x29c: {  	v63 =	vld [tilespmem:s7+$0x8910]  }
0x29d: {  	v6 =	vadd.f32 v60, v58;
	v4 =	vadd.f32 v59, v4  }
0x29e: {  	(v2sf) =	vpush v2, $0xA  }
0x29f: {  	v6 =	vadd.f32 v62, v6;
	v4 =	vsub.f32 v4, v61;
	_ =	sdelay $0x1  }
0x2a0: {  	(v2sf) =	vpush v0, $0xA;
	v5 =	vsub.f32 v6, v63;
	v4 =	vand.u32 $0x7FFFFFFF, v4  }
0x2a1: {  	(v2sf) =	vpush v1, $0xA;
	v4 =	vsub.f32 $0.0e+00, v4  }
0x2a2: {  	v5 =	vand.u32 $0x7FFFFFFF, v5  }
0x2a3: {  	(v2sf) =	vpush v3, $0xA;
	v4 =	vsub.f32 v4, v5;
	_ =	sdelay $0x1  }
0x2a4: {  	(xrf2) =	vadd.scan.msk.f32 $0xffff, v4;
	_ =	sdelay $0x1  }
0x2a5: {  	s1 =	sor.u32 s14, s1  }
0x2a6: {  	v11 =	vmov s1  }
0x2a7: {  	v4 =	vand.u32 $0xFFFFFFF9, v11  }
0x2a8: {  	v4 =	vbroadcast v4, $0x0;
	_ =	sdelay $0x1  }
0x2a9: {  	s1 =	sor.u32 $0xA, s6  }
0x2aa: {  	s11 =	spop (v2sf);
	s7 =	sshll.u32 s1, $0x3  }
0x2ab: {  	s8 =	sor.u32 s7, s11  }
0x2ac: {  	s9 =	spop (v2sf);
	s8 =	sshll.u32 s8, $0x7;
	v12, _, _ =	vpop (xrf2)  }
0x2ad: {  	s12 =	spop (v2sf);
	s11 =	sshll.u32 s1, $0x7;
	s8 =	sand.u32 $0x3FFFEB80, s8;
	[tilespmem:v4+s2+$0x0] =	vst.idx.msk vm0, v12  }
0x2ae: {  	s10 =	sor.u32 s12, s11;
	v4 =	vld [tilespmem:s8+$0x900]  }
0x2af: {  	s12 =	spop (v2sf);
	v5 =	vld [tilespmem:s10+$0x10900]  }
0x2b0: {  	s7 =	sor.u32 s7, s9;
	s12 =	sor.u32 s12, s11;
	v13 =	vld [tilespmem:s8+$0x910]  }
0x2b1: {  	s7 =	sshll.u32 s7, $0x7;
	s10 =	sadd.s32 $0x10900, s10;
	v14 =	vld [tilespmem:s12+$0x11900]  }
0x2b2: {  	s7 =	sand.u32 $0x3FFFEB80, s7;
	v15 =	vld [tilespmem:s10+$0x10]  }
0x2b3: {  	v16 =	vld [tilespmem:s7+$0x8900];
	s8 =	sadd.s32 $0x11900, s12  }
0x2b4: {  	v17 =	vld [tilespmem:s8+$0x10]  }
0x2b5: {  	v4 =	vadd.f32 v5, v4  }
0x2b6: {  	v18 =	vld [tilespmem:s7+$0x8910]  }
0x2b7: {  	v6 =	vadd.f32 v15, v13;
	v4 =	vadd.f32 v14, v4  }
0x2b8: {  	(v2sf) =	vpush v2, $0xB  }
0x2b9: {  	v6 =	vadd.f32 v17, v6;
	v4 =	vsub.f32 v4, v16;
	_ =	sdelay $0x1  }
0x2ba: {  	(v2sf) =	vpush v0, $0xB;
	v5 =	vsub.f32 v6, v18;
	v4 =	vand.u32 $0x7FFFFFFF, v4  }
0x2bb: {  	(v2sf) =	vpush v1, $0xB;
	v4 =	vsub.f32 $0.0e+00, v4  }
0x2bc: {  	v5 =	vand.u32 $0x7FFFFFFF, v5  }
0x2bd: {  	(v2sf) =	vpush v3, $0xB;
	v4 =	vsub.f32 v4, v5;
	_ =	sdelay $0x1  }
0x2be: {  	(xrf2) =	vadd.scan.msk.f32 $0xffff, v4;
	_ =	sdelay $0x1  }
0x2bf: {  	s1 =	sor.u32 s14, s1  }
0x2c0: {  	v19 =	vmov s1  }
0x2c1: {  	v4 =	vand.u32 $0xFFFFFFFA, v19  }
0x2c2: {  	v4 =	vbroadcast v4, $0x0;
	_ =	sdelay $0x1  }
0x2c3: {  	s1 =	sor.u32 $0xB, s6  }
0x2c4: {  	s11 =	spop (v2sf);
	s7 =	sshll.u32 s1, $0x3  }
0x2c5: {  	s8 =	sor.u32 s7, s11  }
0x2c6: {  	s9 =	spop (v2sf);
	s8 =	sshll.u32 s8, $0x7;
	v20, _, _ =	vpop (xrf2)  }
0x2c7: {  	s12 =	spop (v2sf);
	s11 =	sshll.u32 s1, $0x7;
	s8 =	sand.u32 $0x3FFFEF80, s8;
	[tilespmem:v4+s2+$0x0] =	vst.idx.msk vm0, v20  }
0x2c8: {  	s10 =	sor.u32 s12, s11;
	v4 =	vld [tilespmem:s8+$0x900]  }
0x2c9: {  	s12 =	spop (v2sf);
	v5 =	vld [tilespmem:s10+$0x10900]  }
0x2ca: {  	s7 =	sor.u32 s7, s9;
	s12 =	sor.u32 s12, s11;
	v21 =	vld [tilespmem:s8+$0x910]  }
0x2cb: {  	s7 =	sshll.u32 s7, $0x7;
	s10 =	sadd.s32 $0x10900, s10;
	v22 =	vld [tilespmem:s12+$0x11900]  }
0x2cc: {  	s7 =	sand.u32 $0x3FFFEF80, s7;
	v23 =	vld [tilespmem:s10+$0x10]  }
0x2cd: {  	v24 =	vld [tilespmem:s7+$0x8900];
	s8 =	sadd.s32 $0x11900, s12  }
0x2ce: {  	v25 =	vld [tilespmem:s8+$0x10]  }
0x2cf: {  	v4 =	vadd.f32 v5, v4  }
0x2d0: {  	v26 =	vld [tilespmem:s7+$0x8910]  }
0x2d1: {  	v6 =	vadd.f32 v23, v21;
	v4 =	vadd.f32 v22, v4  }
0x2d2: {  	(v2sf) =	vpush v2, $0xC  }
0x2d3: {  	v6 =	vadd.f32 v25, v6;
	v4 =	vsub.f32 v4, v24;
	_ =	sdelay $0x1  }
0x2d4: {  	(v2sf) =	vpush v0, $0xC;
	v5 =	vsub.f32 v6, v26;
	v4 =	vand.u32 $0x7FFFFFFF, v4  }
0x2d5: {  	(v2sf) =	vpush v1, $0xC;
	v4 =	vsub.f32 $0.0e+00, v4  }
0x2d6: {  	v5 =	vand.u32 $0x7FFFFFFF, v5  }
0x2d7: {  	(v2sf) =	vpush v3, $0xC;
	v4 =	vsub.f32 v4, v5;
	_ =	sdelay $0x1  }
0x2d8: {  	(xrf2) =	vadd.scan.msk.f32 $0xffff, v4;
	_ =	sdelay $0x1  }
0x2d9: {  	s1 =	sor.u32 s14, s1  }
0x2da: {  	v27 =	vmov s1  }
0x2db: {  	v4 =	vand.u32 $0xFFFFFFFB, v27  }
0x2dc: {  	v4 =	vbroadcast v4, $0x0;
	_ =	sdelay $0x1  }
0x2dd: {  	s1 =	sor.u32 $0xC, s6  }
0x2de: {  	s11 =	spop (v2sf);
	s7 =	sshll.u32 s1, $0x3  }
0x2df: {  	s8 =	sor.u32 s7, s11  }
0x2e0: {  	s9 =	spop (v2sf);
	s8 =	sshll.u32 s8, $0x7;
	v28, _, _ =	vpop (xrf2)  }
0x2e1: {  	s12 =	spop (v2sf);
	s11 =	sshll.u32 s1, $0x7;
	s8 =	sand.u32 $0x3FFFF380, s8;
	[tilespmem:v4+s2+$0x0] =	vst.idx.msk vm0, v28  }
0x2e2: {  	s10 =	sor.u32 s12, s11;
	v4 =	vld [tilespmem:s8+$0x900]  }
0x2e3: {  	s12 =	spop (v2sf);
	v5 =	vld [tilespmem:s10+$0x10900]  }
0x2e4: {  	s7 =	sor.u32 s7, s9;
	s12 =	sor.u32 s12, s11;
	v29 =	vld [tilespmem:s8+$0x910]  }
0x2e5: {  	s7 =	sshll.u32 s7, $0x7;
	s10 =	sadd.s32 $0x10900, s10;
	v30 =	vld [tilespmem:s12+$0x11900]  }
0x2e6: {  	s7 =	sand.u32 $0x3FFFF380, s7;
	v31 =	vld [tilespmem:s10+$0x10]  }
0x2e7: {  	v32 =	vld [tilespmem:s7+$0x8900];
	s8 =	sadd.s32 $0x11900, s12  }
0x2e8: {  	v33 =	vld [tilespmem:s8+$0x10]  }
0x2e9: {  	v4 =	vadd.f32 v5, v4  }
0x2ea: {  	v34 =	vld [tilespmem:s7+$0x8910]  }
0x2eb: {  	v6 =	vadd.f32 v31, v29;
	v4 =	vadd.f32 v30, v4  }
0x2ec: {  	(v2sf) =	vpush v2, $0xD  }
0x2ed: {  	v6 =	vadd.f32 v33, v6;
	v4 =	vsub.f32 v4, v32;
	_ =	sdelay $0x1  }
0x2ee: {  	(v2sf) =	vpush v0, $0xD;
	v5 =	vsub.f32 v6, v34;
	v4 =	vand.u32 $0x7FFFFFFF, v4  }
0x2ef: {  	(v2sf) =	vpush v1, $0xD;
	v4 =	vsub.f32 $0.0e+00, v4  }
0x2f0: {  	v5 =	vand.u32 $0x7FFFFFFF, v5  }
0x2f1: {  	(v2sf) =	vpush v3, $0xD;
	v4 =	vsub.f32 v4, v5;
	_ =	sdelay $0x1  }
0x2f2: {  	(xrf2) =	vadd.scan.msk.f32 $0xffff, v4;
	_ =	sdelay $0x1  }
0x2f3: {  	s1 =	sor.u32 s14, s1  }
0x2f4: {  	v35 =	vmov s1  }
0x2f5: {  	v4 =	vand.u32 $0xFFFFFFFC, v35  }
0x2f6: {  	v4 =	vbroadcast v4, $0x0;
	_ =	sdelay $0x1  }
0x2f7: {  	s1 =	sor.u32 $0xD, s6  }
0x2f8: {  	s11 =	spop (v2sf);
	s7 =	sshll.u32 s1, $0x3  }
0x2f9: {  	s8 =	sor.u32 s7, s11  }
0x2fa: {  	s9 =	spop (v2sf);
	s8 =	sshll.u32 s8, $0x7;
	v36, _, _ =	vpop (xrf2)  }
0x2fb: {  	s12 =	spop (v2sf);
	s11 =	sshll.u32 s1, $0x7;
	s8 =	sand.u32 $0x3FFFF780, s8;
	[tilespmem:v4+s2+$0x0] =	vst.idx.msk vm0, v36  }
0x2fc: {  	s10 =	sor.u32 s12, s11;
	v4 =	vld [tilespmem:s8+$0x900]  }
0x2fd: {  	s12 =	spop (v2sf);
	v5 =	vld [tilespmem:s10+$0x10900]  }
0x2fe: {  	s7 =	sor.u32 s7, s9;
	s11 =	sor.u32 s12, s11;
	v37 =	vld [tilespmem:s8+$0x910]  }
0x2ff: {  	s7 =	sshll.u32 s7, $0x7;
	s12 =	sadd.s32 $0x10900, s10;
	v38 =	vld [tilespmem:s11+$0x11900]  }
0x300: {  	s7 =	sand.u32 $0x3FFFF780, s7;
	v39 =	vld [tilespmem:s12+$0x10]  }
0x301: {  	v40 =	vld [tilespmem:s7+$0x8900];
	s8 =	sadd.s32 $0x11900, s11  }
0x302: {  	v41 =	vld [tilespmem:s8+$0x10]  }
0x303: {  	v4 =	vadd.f32 v5, v4  }
0x304: {  	v42 =	vld [tilespmem:s7+$0x8910]  }
0x305: {  	v6 =	vadd.f32 v39, v37;
	v4 =	vadd.f32 v38, v4  }
0x306: {  	(v2sf) =	vpush v2, $0xE  }
0x307: {  	v6 =	vadd.f32 v41, v6;
	v4 =	vsub.f32 v4, v40;
	_ =	sdelay $0x1  }
0x308: {  	(v2sf) =	vpush v0, $0xE;
	v5 =	vsub.f32 v6, v42;
	v4 =	vand.u32 $0x7FFFFFFF, v4  }
0x309: {  	(v2sf) =	vpush v1, $0xE;
	v4 =	vsub.f32 $0.0e+00, v4  }
0x30a: {  	v5 =	vand.u32 $0x7FFFFFFF, v5  }
0x30b: {  	(v2sf) =	vpush v3, $0xE;
	v4 =	vsub.f32 v4, v5;
	_ =	sdelay $0x1  }
0x30c: {  	(xrf2) =	vadd.scan.msk.f32 $0xffff, v4;
	_ =	sdelay $0x1  }
0x30d: {  	s1 =	sor.u32 s14, s1  }
0x30e: {  	v43 =	vmov s1  }
0x30f: {  	v4 =	vand.u32 $0xFFFFFFFD, v43  }
0x310: {  	v4 =	vbroadcast v4, $0x0;
	_ =	sdelay $0x1  }
0x311: {  	s1 =	sor.u32 $0xE, s6  }
0x312: {  	s6 =	sshll.u32 s1, $0x3;
	s9 =	spop (v2sf)  }
0x313: {  	s7 =	sor.u32 s6, s9  }
0x314: {  	s8 =	spop (v2sf);
	s7 =	sshll.u32 s7, $0x7;
	v44, _, _ =	vpop (xrf2)  }
0x315: {  	s11 =	sshll.u32 s1, $0x7;
	s10 =	spop (v2sf);
	s7 =	sand.u32 $0x3FFFFB80, s7;
	[tilespmem:v4+s2+$0x0] =	vst.idx.msk vm0, v44  }
0x316: {  	s9 =	sor.u32 s10, s11;
	v4 =	vld [tilespmem:s7+$0x900]  }
0x317: {  	s12 =	spop (v2sf);
	v5 =	vld [tilespmem:s9+$0x10900]  }
0x318: {  	s6 =	sor.u32 s6, s8;
	s11 =	sor.u32 s12, s11;
	v45 =	vld [tilespmem:s7+$0x910]  }
0x319: {  	s6 =	sshll.u32 s6, $0x7;
	s12 =	sadd.s32 $0x10900, s9;
	v46 =	vld [tilespmem:s11+$0x11900]  }
0x31a: {  	s6 =	sand.u32 $0x3FFFFB80, s6;
	v47 =	vld [tilespmem:s12+$0x10]  }
0x31b: {  	v48 =	vld [tilespmem:s6+$0x8900];
	s7 =	sadd.s32 $0x11900, s11  }
0x31c: {  	v49 =	vld [tilespmem:s7+$0x10]  }
0x31d: {  	v4 =	vadd.f32 v5, v4  }
0x31e: {  	v50 =	vld [tilespmem:s6+$0x8910]  }
0x31f: {  	v6 =	vadd.f32 v47, v45;
	v4 =	vadd.f32 v46, v4  }
0x320: {  	(v2sf) =	vpush v2, $0xF  }
0x321: {  	v6 =	vadd.f32 v49, v6;
	v4 =	vsub.f32 v4, v48;
	_ =	sdelay $0x1  }
0x322: {  	v52 =	vsub.f32 v6, v50;
	v51 =	vand.u32 $0x7FFFFFFF, v4  }
0x323: {  	(v2sf) =	vpush v0, $0xF;
	v2 =	vsub.f32 $0.0e+00, v51  }
0x324: {  	(v2sf) =	vpush v1, $0xF;
	v53 =	vand.u32 $0x7FFFFFFF, v52  }
0x325: {  	v0 =	vsub.f32 v2, v53  }
0x326: {  	(v2sf) =	vpush v3, $0xF  }
0x327: {  	(xrf2) =	vadd.scan.msk.f32 $0xffff, v0;
	_ =	sdelay $0x1  }
0x328: {  	s1 =	sor.u32 s14, s1  }
0x329: {  	v54 =	vmov s1  }
0x32a: {  	v0 =	vand.u32 $0xFFFFFFFE, v54  }
0x32b: {  	v0 =	vbroadcast v0, $0x0;
	_ =	sdelay $0x1  }
0x32c: {  	s1 =	sshllo.u32 s15, $0x4  }
0x32d: {  	s8 =	sshll.u32 s1, $0x3;
	s7 =	spop (v2sf)  }
0x32e: {  	s6 =	sor.u32 s8, s7  }
0x32f: {  	s6 =	sshll.u32 s6, $0x7;
	v55, _, _ =	vpop (xrf2)  }
0x330: {  	s11 =	spop (v2sf);
	s6 =	sand.u32 $0x3FFFFF80, s6;
	[tilespmem:v0+s2+$0x0] =	vst.idx.msk vm0, v55  }
0x331: {  	s10 =	sshll.u32 s1, $0x7;
	s12 =	spop (v2sf);
	v0 =	vld [tilespmem:s6+$0x900]  }
0x332: {  	s15 =	sor.u32 s12, s10;
	v1 =	vld [tilespmem:s6+$0x910]  }
0x333: {  	s7 =	sor.u32 s8, s11;
	s11 =	spop (v2sf);
	s9 =	sadd.s32 $0x10900, s15;
	v56 =	vld [tilespmem:s15+$0x10900]  }
0x334: {  	s12 =	sshll.u32 s7, $0x7;
	v57 =	vld [tilespmem:s9+$0x10];
	s15 =	sor.u32 s11, s10  }
0x335: {  	s6 =	sand.u32 $0x3FFFFF80, s12;
	v58 =	vld [tilespmem:s15+$0x11900]  }
0x336: {  	v59 =	vld [tilespmem:s6+$0x8900];
	s7 =	sadd.s32 $0x11900, s15  }
0x337: {  	v60 =	vld [tilespmem:s7+$0x10]  }
0x338: {  	v0 =	vadd.f32 v56, v0  }
0x339: {  	v61 =	vld [tilespmem:s6+$0x8910]  }
0x33a: {  	v1 =	vadd.f32 v57, v1;
	v0 =	vadd.f32 v58, v0;
	_ =	sdelay $0x1  }
0x33b: {  	v1 =	vadd.f32 v60, v1;
	v0 =	vsub.f32 v0, v59;
	_ =	sdelay $0x1  }
0x33c: {  	v1 =	vsub.f32 v1, v61;
	v0 =	vand.u32 $0x7FFFFFFF, v0  }
0x33d: {  	v0 =	vsub.f32 $0.0e+00, v0  }
0x33e: {  	v1 =	vand.u32 $0x7FFFFFFF, v1  }
0x33f: {  	v0 =	vsub.f32 v0, v1;
	_ =	sdelay $0x1  }
0x340: {  	(xrf2) =	vadd.scan.msk.f32 $0xffff, v0;
	_ =	sdelay $0x4  }
0x341: {  	s1 =	sor.u32 s14, s1  }
0x342: {  	p1 =	por p0, p0;
	v62 =	vmov s1  }
.Ltmp0:
0x343: {  	_ = 	snop;
	(pc) =	sbr.rel @p1 .LBB2_3-.Ltmp0, $3  }
0x344: {  	_ =	sdelay $0x1  }
0x345: {  	v63, _, _ =	vpop (xrf2)  }
0x346: {  	p0 =	por $0x0, $0x0;
	s15 =	simm.s32 $0x1;
	[tilespmem:v62+s2+$0x0] =	vst.idx.msk vm0, v63  }
0x347: {  	s13 =	sadd.s32 $0x1, s13  }
0x348: {  	p0 =	sne.s32 s13, $0x10  }
.Ltmp1:
0x349: {  	_ = 	snop;
	(pc) =	sbr.rel @p0 .LBB2_2-.Ltmp1, $1  }
0x34a: {  	_ =	sdelay $0x3  }
0x34b: {  	s12 =	simm.s32 $0x0;
	s1 =	rddreg [dreg:$0xb];
	s6 =	simm.s32 $0x2  }
0x34c: {  	[hbm4b:s1+s12] =	stream.linear.scatter [tilespmem:s2], [sflag:$0x2], $0x200, $0x38;
	[tilespmem:$0x12B00] =	vst v63  }
0x34d: {  	_ =	swait.ge [sflag:s6], $0x200  }
0x34e: {  	s7 =	rddreg [dreg:$0xd]  }
0x34f: {  	s15 =	rddreg [dreg:$0xc];
	s7 =	sadd.s32 $0x1, s7  }
0x350: {  	p0 =	sne.s32 s7, s15  }
.Ltmp2:
0x351: {  	_ = 	snop;
	(pc) =	sbr.rel @p0 .LBB2_1-.Ltmp2, $3  }
0x352: {  	_ =	sdelay $0x1  }
0x353: {  	[sflag:s6] =	ssyncset.done $0x0  }
0x354: {  	[sflag:s6] =	ssyncadd.s32 $0xFFFFFE00  }
0x355: {  	_ =	sfence.sel $0x180000  }
0x356: {  	[bflag:$0x0] =	sbarrier.arrive $0xFFFF  }
0x357: {  	_ =	strace $0x90000047  }
0x358: {  	s0 =	stileid.u32;
	[bflag:$0x2] =	sbarrier.arrive $0xFFFF  }
0x359: {  	p0 =	sne.s32 s0, $0x0;
	s0 =	rddreg [dreg:$0x6]  }
0x35a: {  	s0 =	sadd.s32 @!p0 $0x100000, s0  }
0x35b: {  	[sflag:s0] =	ssyncadd.tile.s32 @!p0 $0x1;
	_ =	shalt  }
.Lfunc_end2:
_tile_overlayer_lowered:
.L_overlay_start_2:
0x35c: {  	(tag) =	ssettag $0x2  }
0x35d: {  	s0 =	rddreg [dreg:$0x0];
	s2 =	stileid.u32  }
0x35e: {  	s1 =	rddreg [dreg:$0x1];
	p0 =	sne.s32 s2, $0x0  }
0x35f: {  	s3 =	rddreg [dreg:$0x2];
	[bflag:$0x3] =	sbarrier.arrive $0xFFFF;
	s2 =	simm.s32 @!p0 $0x1C02  }
0x360: {  	[timem:s3], [sflag:s2] =	dma.local @!p0 [hbm:s0], s1  }
0x361: {  	s0 =	simm.s32 @!p0 $0x2  }
0x362: {  	_ =	swait.ge @!p0 [sflag:s0], s1  }
0x363: {  	s1 =	ssub.s32 @!p0 $0x0, s1;
	[sflag:s0] =	ssyncset.done @!p0 $0x0  }
0x364: {  	[sflag:s0] =	ssyncadd.s32 @!p0 s1  }
0x365: {  	[bflag:$0x3] =	sbarrier.arrive $0xFFFF  }
0x366: {  	_ =	shalt  }

</sc_bundles>
